<compile_context>
chip_gen: v7x
topology: tpu7x:2x2x1
jax: 0.10.2.dev20260603
libtpu: 0.0.44.dev20260713+nightly
codegen_flags: <defaults>
</compile_context>

<pallas_src>
import functools

import jax
import jax.numpy as jnp
from jax import lax
from jax.experimental import pallas as pl
from jax.experimental.pallas import tpu as pltpu
from jax.experimental.pallas import tpu_sc as plsc

N = 10000
D = 128
H = 128
C = 64
E = 160000

NUM_CORES = 2
NUM_SUBCORES = 16
EDGES_PER_TILE = E // NUM_SUBCORES
K = 125
NBLK = EDGES_PER_TILE // K
RB = 80
N_RBLK = N // RB
RBLK_PER_TILE = 8


def _sc_aggregate(x, e0, e1):
    mesh = plsc.VectorSubcoreMesh(core_axis_name="c", subcore_axis_name="s")

    @functools.partial(
        pl.kernel,
        out_type=(
            jax.ShapeDtypeStruct((N, D), jnp.float32),
            jax.ShapeDtypeStruct((N,), jnp.float32),
            jax.ShapeDtypeStruct((N, D), jnp.float32),
            jax.ShapeDtypeStruct((N,), jnp.float32),
        ),
        mesh=mesh,
        scratch_types=[
            pltpu.VMEM((4, K), jnp.int32),
            pltpu.VMEM((4, K), jnp.int32),
            pltpu.VMEM((K, D), jnp.float32),
            pltpu.VMEM((K, D), jnp.float32),
            pltpu.VMEM((K,), jnp.float32),
            pltpu.VMEM((RB,), jnp.float32),
            pltpu.VMEM((RB,), jnp.float32),
            pltpu.VMEM_SHARED((N, D), jnp.float32),
            pltpu.VMEM_SHARED((N,), jnp.float32),
            [pltpu.SemaphoreType.DMA] * 4,
            [pltpu.SemaphoreType.DMA] * 2,
            [pltpu.SemaphoreType.DMA] * 2,
            [pltpu.SemaphoreType.DMA] * 2,
        ],
    )
    def sc_kernel(x_hbm, e0_hbm, e1_hbm,
                  acc0_hbm, deg0_hbm, acc1_hbm, deg1_hbm,
                  sidx, didx, rows0, rows1, ones, zdeg, zdeg2,
                  accs, degs, isems, gsems, ssems, dsems):
        cid = lax.axis_index("c")
        sid = lax.axis_index("s")

        zero16 = jnp.zeros((16,), jnp.float32)
        one16 = jnp.ones((16,), jnp.float32)

        def fill_ones(i, _):
            ones[pl.ds(jnp.minimum(i * 16, K - 16), 16)] = one16
            return 0
        lax.fori_loop(0, (K + 15) // 16, fill_ones, 0)

        rowslots = (rows0, rows1)

        def run_relation(e_hbm, acc_hbm, deg_hbm):
            def fill_zdeg(i, _):
                zdeg[pl.ds(i * 16, 16)] = zero16
                return 0
            lax.fori_loop(0, RB // 16, fill_zdeg, 0)

            def fill_zrows(i, _):
                r = i // (D // 16)
                c = (i % (D // 16)) * 16
                rows0[r, pl.ds(c, 16)] = zero16
                return 0
            lax.fori_loop(0, RB * (D // 16), fill_zrows, 0)

            def init_pair(j):
                off = pl.multiple_of((j * NUM_SUBCORES + sid) * RB, RB)
                return (rows0.at[pl.ds(0, RB)], accs.at[pl.ds(off, RB)],
                        zdeg, degs.at[pl.ds(off, RB)])

            for j in range(RBLK_PER_TILE):
                za, da, zd, dd = init_pair(j)
                if j < RBLK_PER_TILE - 1:
                    pltpu.async_copy(za, da, ssems[0])
                    pltpu.async_copy(zd, dd, dsems[0])
                else:
                    @pl.when(j * NUM_SUBCORES + sid < N_RBLK)
                    def _():
                        pltpu.async_copy(za, da, ssems[0])
                        pltpu.async_copy(zd, dd, dsems[0])

            for j in range(RBLK_PER_TILE):
                za, da, zd, dd = init_pair(j)
                if j < RBLK_PER_TILE - 1:
                    pltpu.make_async_copy(za, da, ssems[0]).wait()
                    pltpu.make_async_copy(zd, dd, dsems[0]).wait()
                else:
                    @pl.when(j * NUM_SUBCORES + sid < N_RBLK)
                    def _():
                        pltpu.make_async_copy(za, da, ssems[0]).wait()
                        pltpu.make_async_copy(zd, dd, dsems[0]).wait()

            plsc.subcore_barrier()

            def idx_load(blk, slot):
                pltpu.async_copy(e_hbm.at[0, sid, blk], sidx.at[slot], isems[slot])
                pltpu.async_copy(e_hbm.at[1, sid, blk], didx.at[slot], isems[slot])

            def wait_idx(blk, slot):
                pltpu.make_async_copy(e_hbm.at[0, sid, blk], sidx.at[slot], isems[slot]).wait()
                pltpu.make_async_copy(e_hbm.at[1, sid, blk], didx.at[slot], isems[slot]).wait()

            def gather(rows, slot, g):
                pltpu.async_copy(x_hbm.at[sidx.at[slot]], rows, gsems[g])

            def wait_gather(rows, slot, g):
                pltpu.make_async_copy(x_hbm.at[sidx.at[slot]], rows, gsems[g]).wait()

            for t in range(4):
                idx_load(t, t)
            wait_idx(0, 0)
            gather(rows0, 0, 0)
            wait_idx(1, 1)
            gather(rows1, 1, 1)

            def body(j, _):
                for t in range(4):
                    b = j * 4 + t
                    rows = rowslots[t % 2]
                    g = t % 2
                    wait_gather(rows, t, g)
                    pltpu.async_copy(rows, accs.at[didx.at[t]], ssems[g], add=True)
                    pltpu.async_copy(ones, degs.at[didx.at[t]], dsems[g], add=True)

                    t2 = (t + 2) % 4

                    @pl.when(b + 2 < NBLK)
                    def _():
                        wait_idx(b + 2, t2)

                    pltpu.make_async_copy(rows, accs.at[didx.at[t]], ssems[g]).wait()

                    @pl.when(b + 2 < NBLK)
                    def _():
                        gather(rows, t2, g)

                    pltpu.make_async_copy(ones, degs.at[didx.at[t]], dsems[g]).wait()

                    @pl.when(b + 4 < NBLK)
                    def _():
                        idx_load(b + 4, t)
                return 0
            lax.fori_loop(0, NBLK // 4, body, 0)

            plsc.subcore_barrier()

            wslots = (rows0, rows1)
            dslots = (zdeg, zdeg2)

            def wb_refs(j):
                off = pl.multiple_of((j * NUM_SUBCORES + sid) * RB, RB)
                s = j % 2
                return (accs.at[pl.ds(off, RB)], wslots[s].at[pl.ds(0, RB)],
                        acc_hbm.at[pl.ds(off, RB)],
                        degs.at[pl.ds(off, RB)], dslots[s],
                        deg_hbm.at[pl.ds(off, RB)], s)

            def wb_issue(j):
                asrc, abuf, adst, dsrc, dbuf, ddst, s = wb_refs(j)
                pltpu.sync_copy(asrc, abuf)
                pltpu.async_copy(abuf, adst, gsems[s])
                pltpu.sync_copy(dsrc, dbuf)
                pltpu.async_copy(dbuf, ddst, isems[s])

            def wb_wait(j):
                _, abuf, adst, _, dbuf, ddst, s = wb_refs(j)
                pltpu.make_async_copy(abuf, adst, gsems[s]).wait()
                pltpu.make_async_copy(dbuf, ddst, isems[s]).wait()

            for j in range(RBLK_PER_TILE):
                if j >= 2:
                    wb_wait(j - 2)
                if j < RBLK_PER_TILE - 1:
                    wb_issue(j)
                else:
                    @pl.when(j * NUM_SUBCORES + sid < N_RBLK)
                    def _():
                        wb_issue(j)
            wb_wait(RBLK_PER_TILE - 2)

            @pl.when((RBLK_PER_TILE - 1) * NUM_SUBCORES + sid < N_RBLK)
            def _():
                wb_wait(RBLK_PER_TILE - 1)

        @pl.when(cid == 0)
        def _():
            run_relation(e0_hbm, acc0_hbm, deg0_hbm)

        @pl.when(cid == 1)
        def _():
            run_relation(e1_hbm, acc1_hbm, deg1_hbm)

    return sc_kernel(x, e0, e1)


BLK = 2048
NPAD = 10240


def _tc_body(x_ref, a0_ref, d0_ref, a1_ref, d1_ref,
             ws_ref, w0_ref, w1_ref, b_ref, wo_ref, bo_ref, out_ref):
    xb = x_ref[...]
    i = pl.program_id(0)
    d0 = d0_ref[:, pl.ds(i * BLK, BLK)]
    d1 = d1_ref[:, pl.ds(i * BLK, BLK)]
    r0 = 1.0 / jnp.maximum(d0.T, 1.0)
    r1 = 1.0 / jnp.maximum(d1.T, 1.0)
    h = jnp.dot(xb, ws_ref[...], preferred_element_type=jnp.float32)
    h = h + jnp.dot(a0_ref[...] * r0, w0_ref[...], preferred_element_type=jnp.float32)
    h = h + jnp.dot(a1_ref[...] * r1, w1_ref[...], preferred_element_type=jnp.float32)
    h = jnp.maximum(h + b_ref[...], 0.0)
    logits = jnp.dot(h, wo_ref[...], preferred_element_type=jnp.float32) + bo_ref[...]
    m = jnp.max(logits, axis=1, keepdims=True)
    e = jnp.exp(logits - m)
    out_ref[...] = e / jnp.sum(e, axis=1, keepdims=True)


def _tc_head(x, acc0, deg0, acc1, deg1, W_self, W_r0, W_r1, b, W_out, b_out):
    grid = (pl.cdiv(N, BLK),)
    row = lambda i: (i, 0)
    full = lambda i: (0, 0)
    return pl.pallas_call(
        _tc_body,
        grid=grid,
        in_specs=[
            pl.BlockSpec((BLK, D), row),
            pl.BlockSpec((BLK, D), row),
            pl.BlockSpec((1, NPAD), full),
            pl.BlockSpec((BLK, D), row),
            pl.BlockSpec((1, NPAD), full),
            pl.BlockSpec((D, H), full),
            pl.BlockSpec((D, H), full),
            pl.BlockSpec((D, H), full),
            pl.BlockSpec((1, H), full),
            pl.BlockSpec((H, C), full),
            pl.BlockSpec((1, C), full),
        ],
        out_specs=pl.BlockSpec((BLK, C), row),
        out_shape=jax.ShapeDtypeStruct((N, C), jnp.float32),
    )(x, acc0, deg0, acc1, deg1, W_self, W_r0, W_r1, b, W_out, b_out)


def kernel(x, edge_index_0, edge_index_1, W_self, W_r0, W_r1, b, W_out, b_out):
    acc0, deg0, acc1, deg1 = _sc_aggregate(
        x,
        edge_index_0.reshape(2, NUM_SUBCORES, NBLK, K),
        edge_index_1.reshape(2, NUM_SUBCORES, NBLK, K),
    )
    return _tc_head(
        x,
        acc0, jnp.pad(deg0, (0, NPAD - N)).reshape(1, NPAD),
        acc1, jnp.pad(deg1, (0, NPAD - N)).reshape(1, NPAD),
        W_self, W_r0, W_r1, b.reshape(1, H), W_out, b_out.reshape(1, C))

# --- scband reference (transcript-rebuilt; emitter-appended) ---
"""Pipeline reference for scband-extended-rgcn-34445637714073 (READ-ONLY COPY).

The authoritative reference and input builder live on the scoring server;
editing this copy changes nothing except your own understanding.
"""

import jax, jax.numpy as jnp
import numpy as np

N = 10000
D = 128
H = 128
C = 64
E_REL = 160000


def setup_inputs(seed: int = 0):
    key = jax.random.key(seed)
    ks = jax.random.split(key, 10)
    x = jax.random.normal(ks[0], (N, D), dtype=jnp.float32)
    edge_index_0 = jax.random.randint(ks[1], (2, E_REL), 0, N, dtype=jnp.int32)
    edge_index_1 = jax.random.randint(ks[2], (2, E_REL), 0, N, dtype=jnp.int32)
    W_self = jax.random.normal(ks[3], (D, H), dtype=jnp.float32) * 0.05
    W_r0 = jax.random.normal(ks[4], (D, H), dtype=jnp.float32) * 0.05
    W_r1 = jax.random.normal(ks[5], (D, H), dtype=jnp.float32) * 0.05
    b = jnp.zeros((H,), dtype=jnp.float32)
    W_out = jax.random.normal(ks[6], (H, C), dtype=jnp.float32) * 0.05
    b_out = jnp.zeros((C,), dtype=jnp.float32)
    return {"x": x, "edge_index_0": edge_index_0, "edge_index_1": edge_index_1,
            "W_self": W_self, "W_r0": W_r0, "W_r1": W_r1, "b": b,
            "W_out": W_out, "b_out": b_out}


def reference(x, edge_index_0, edge_index_1, W_self, W_r0, W_r1, b, W_out, b_out):
    # base_model: 1-layer RGCN over the rewiring_graph_list (one edge_index per relation)
    h = x @ W_self + b
    for ei, W_r in ((edge_index_0, W_r0), (edge_index_1, W_r1)):
        src = ei[0]
        dst = ei[1]
        msg = jnp.take(x, src, axis=0) @ W_r  # gather then transform (memory-bound gather)
        agg = jax.ops.segment_sum(msg, dst, num_segments=N)  # scatter-add by dst
        deg = jax.ops.segment_sum(jnp.ones((ei.shape[1],), jnp.float32), dst, num_segments=N)
        h = h + agg / jnp.clip(deg, 1.0)[:, None]
    h = jax.nn.relu(h)  # base_model output, output_size = H
    # added_layer + output_activation_function (softmax over dim=1)
    logits = h @ W_out + b_out
    return jax.nn.softmax(logits, axis=1)

if __name__ == "__main__":
    import jax
    _d = setup_inputs()
    print(jax.jit(kernel)(*tuple(_d.values())))

</pallas_src>

<mosaic_0001>
#map = affine_map<(d0, d1) -> (0, 0)>
#map1 = affine_map<(d0, d1) -> (0, 0, 0, 0)>
#map2 = affine_map<(d0, d1) -> (0)>
module attributes {stable_mosaic.version = 14 : i64} {
  func.func @sc_kernel(%arg0: i32, %arg1: i32, %arg2: memref<10000x128xf32, #tpu.memory_space<hbm>>, %arg3: memref<2x16x80x125xi32, #tpu.memory_space<hbm>>, %arg4: memref<2x16x80x125xi32, #tpu.memory_space<hbm>>, %arg5: memref<10000x128xf32, #tpu.memory_space<hbm>>, %arg6: memref<10000xf32, #tpu.memory_space<hbm>>, %arg7: memref<10000x128xf32, #tpu.memory_space<hbm>>, %arg8: memref<10000xf32, #tpu.memory_space<hbm>>, %arg9: memref<4x125xi32, #tpu.memory_space<vmem>>, %arg10: memref<4x125xi32, #tpu.memory_space<vmem>>, %arg11: memref<125x128xf32, #tpu.memory_space<vmem>>, %arg12: memref<125x128xf32, #tpu.memory_space<vmem>>, %arg13: memref<125xf32, #tpu.memory_space<vmem>>, %arg14: memref<80xf32, #tpu.memory_space<vmem>>, %arg15: memref<80xf32, #tpu.memory_space<vmem>>, %arg16: memref<10000x128xf32, #tpu.memory_space<vmem_shared>>, %arg17: memref<10000xf32, #tpu.memory_space<vmem_shared>>, %arg18: memref<!tpu.dma_semaphore, #tpu.memory_space<semaphore_mem>>, %arg19: memref<!tpu.dma_semaphore, #tpu.memory_space<semaphore_mem>>, %arg20: memref<!tpu.dma_semaphore, #tpu.memory_space<semaphore_mem>>, %arg21: memref<!tpu.dma_semaphore, #tpu.memory_space<semaphore_mem>>, %arg22: memref<!tpu.dma_semaphore, #tpu.memory_space<semaphore_mem>>, %arg23: memref<!tpu.dma_semaphore, #tpu.memory_space<semaphore_mem>>, %arg24: memref<!tpu.dma_semaphore, #tpu.memory_space<semaphore_mem>>, %arg25: memref<!tpu.dma_semaphore, #tpu.memory_space<semaphore_mem>>, %arg26: memref<!tpu.dma_semaphore, #tpu.memory_space<semaphore_mem>>, %arg27: memref<!tpu.dma_semaphore, #tpu.memory_space<semaphore_mem>>) attributes {dimension_semantics = [#tpu.dimension_semantics<core_parallel>, #tpu.dimension_semantics<subcore_parallel>], iteration_bounds = array<i64: 2, 16>, scalar_prefetch = 0 : i64, scratch_operands = 19 : i64, tpu.core_type = #tpu.core_type<sc_vector_subcore>, window_params = [{transform_indices = #map}, {transform_indices = #map1}, {transform_indices = #map1}, {transform_indices = #map}, {transform_indices = #map2}, {transform_indices = #map}, {transform_indices = #map2}]} {
    %broadcast_in_dim3A = arith.constant 0.000000e+00 : f32
    %broadcast_in_dim3A_0 = vector.broadcast %broadcast_in_dim3A : f32 to vector<16xf32>
    %broadcast_in_dim3A_1 = arith.constant 1.000000e+00 : f32
    %broadcast_in_dim3A_2 = vector.broadcast %broadcast_in_dim3A_1 : f32 to vector<16xf32>
    %scan3A = arith.constant 0 : i32
    %scan3A_3 = arith.constant 0 : i32
    %scan3A_4 = arith.constant 8 : i32
    %scan3A_5 = arith.addi %scan3A_3, %scan3A_4 : i32
    %scan3A_6 = arith.constant 1 : i32
    %scan3A_7 = scf.for %scan3A_16 = %scan3A_3 to %scan3A_5 step %scan3A_6 iter_args(%scan3A_17 = %scan3A) -> (i32)  : i32 {
      %mul3A = arith.constant 16 : i32
      %mul3A_18 = arith.muli %scan3A_16, %mul3A : i32
      %min3A = arith.constant 109 : i32
      %min3A_19 = arith.minsi %mul3A_18, %min3A : i32
      %swap3A = arith.index_cast %min3A_19 : i32 to index
      %swap3A_20 = tpu.vector_load %arg13[%swap3A] {strides = array<i32>} : memref<125xf32, #tpu.memory_space<vmem>>, vector<16xf32>,
      %swap3A_21 = vector.shape_cast %swap3A_20 : vector<16xf32> to vector<16xf32>
      %swap3A_22 = vector.shape_cast %broadcast_in_dim3A_2 : vector<16xf32> to vector<16xf32>
      tpu.vector_store %arg13[%swap3A], %swap3A_22 {strides = array<i32>} : memref<125xf32, #tpu.memory_space<vmem>>, vector<16xf32>,
      %scan3A_23 = arith.constant 0 : i32
      scf.yield %scan3A_23 : i32
    }
    %scan3A_8 = arith.constant 8 : i32
    %eq3A = arith.constant 0 : i32
    %eq3A_9 = arith.cmpi eq, %arg0, %eq3A : i32
    %convert_element_type3A = arith.extui %eq3A_9 : i1 to i32
    %cond3A = arith.constant 0 : i32
    %cond3A_10 = arith.cmpi ne, %convert_element_type3A, %cond3A : i32
    scf.if %cond3A_10 {
      %scan3A_16 = arith.constant 0 : i32
      %scan3A_17 = arith.constant 0 : i32
      %scan3A_18 = arith.constant 5 : i32
      %scan3A_19 = arith.addi %scan3A_17, %scan3A_18 : i32
      %scan3A_20 = arith.constant 1 : i32
      %scan3A_21 = scf.for %scan3A_740 = %scan3A_17 to %scan3A_19 step %scan3A_20 iter_args(%scan3A_741 = %scan3A_16) -> (i32)  : i32 {
        %mul3A_742 = arith.constant 16 : i32
        %mul3A_743 = arith.muli %scan3A_740, %mul3A_742 : i32
        %swap3A = arith.index_cast %mul3A_743 : i32 to index
        %swap3A_744 = tpu.vector_load %arg14[%swap3A] {strides = array<i32>} : memref<80xf32, #tpu.memory_space<vmem>>, vector<16xf32>,
        %swap3A_745 = vector.shape_cast %swap3A_744 : vector<16xf32> to vector<16xf32>
        %swap3A_746 = vector.shape_cast %broadcast_in_dim3A_0 : vector<16xf32> to vector<16xf32>
        tpu.vector_store %arg14[%swap3A], %swap3A_746 {strides = array<i32>} : memref<80xf32, #tpu.memory_space<vmem>>, vector<16xf32>,
        %scan3A_747 = arith.constant 0 : i32
        scf.yield %scan3A_747 : i32
      }
      %scan3A_22 = arith.constant 5 : i32
      %scan3A_23 = arith.constant 0 : i32
      %scan3A_24 = arith.constant 0 : i32
      %scan3A_25 = arith.constant 640 : i32
      %scan3A_26 = arith.addi %scan3A_24, %scan3A_25 : i32
      %scan3A_27 = arith.constant 1 : i32
      %scan3A_28 = scf.for %scan3A_740 = %scan3A_24 to %scan3A_26 step %scan3A_27 iter_args(%scan3A_741 = %scan3A_23) -> (i32)  : i32 {
        %jit3A = arith.constant 8 : i32
        %div3A = arith.divsi %scan3A_740, %jit3A : i32
        %sign3A = arith.constant 0 : i32
        %sign3A_742 = arith.cmpi sgt, %scan3A_740, %sign3A : i32
        %sign3A_743 = arith.extui %sign3A_742 : i1 to i32
        %sign3A_744 = arith.constant 0 : i32
        %sign3A_745 = arith.cmpi slt, %scan3A_740, %sign3A_744 : i32
        %sign3A_746 = arith.extui %sign3A_745 : i1 to i32
        %sign3A_747 = arith.subi %sign3A_743, %sign3A_746 : i32
        %sign3A_748 = arith.constant 0 : i32
        %sign3A_749 = arith.cmpi sgt, %jit3A, %sign3A_748 : i32
        %sign3A_750 = arith.extui %sign3A_749 : i1 to i32
        %sign3A_751 = arith.constant 0 : i32
        %sign3A_752 = arith.cmpi slt, %jit3A, %sign3A_751 : i32
        %sign3A_753 = arith.extui %sign3A_752 : i1 to i32
        %sign3A_754 = arith.subi %sign3A_750, %sign3A_753 : i32
        %ne3A = arith.cmpi ne, %sign3A_747, %sign3A_754 : i32
        %rem3A = arith.remsi %scan3A_740, %jit3A : i32
        %ne3A_755 = arith.constant 0 : i32
        %ne3A_756 = arith.cmpi ne, %rem3A, %ne3A_755 : i32
        %and3A = arith.andi %ne3A, %ne3A_756 : i1
        %sub3A = arith.constant 1 : i32
        %sub3A_757 = arith.subi %div3A, %sub3A : i32
        %select_n3A = arith.select %and3A, %sub3A_757, %div3A : i32
        %jit3A_758 = arith.constant 8 : i32
        %eq3A_759 = arith.constant 0 : i32
        %eq3A_760 = arith.cmpi eq, %jit3A_758, %eq3A_759 : i32
        %jit3A_761 = arith.constant 1 : i32
        %select_n3A_762 = arith.select %eq3A_760, %jit3A_761, %jit3A_758 : i32
        %rem3A_763 = arith.remsi %scan3A_740, %select_n3A_762 : i32
        %ne3A_764 = arith.constant 0 : i32
        %ne3A_765 = arith.cmpi ne, %rem3A_763, %ne3A_764 : i32
        %lt3A_766 = arith.constant 0 : i32
        %lt3A_767 = arith.cmpi slt, %rem3A_763, %lt3A_766 : i32
        %lt3A_768 = arith.constant 0 : i32
        %lt3A_769 = arith.cmpi slt, %select_n3A_762, %lt3A_768 : i32
        %ne3A_770 = arith.xori %lt3A_767, %lt3A_769 : i1
        %and3A_771 = arith.andi %ne3A_770, %ne3A_765 : i1
        %add3A_772 = arith.addi %rem3A_763, %select_n3A_762 : i32
        %select_n3A_773 = arith.select %and3A_771, %add3A_772, %rem3A_763 : i32
        %mul3A_774 = arith.constant 16 : i32
        %mul3A_775 = arith.muli %select_n3A_773, %mul3A_774 : i32
        %swap3A = arith.index_cast %select_n3A : i32 to index
        %swap3A_776 = arith.index_cast %mul3A_775 : i32 to index
        %swap3A_777 = tpu.vector_load %arg11[%swap3A, %swap3A_776] {strides = array<i32>} : memref<125x128xf32, #tpu.memory_space<vmem>>, vector<1x16xf32>,
        %swap3A_778 = vector.shape_cast %swap3A_777 : vector<1x16xf32> to vector<16xf32>
        %swap3A_779 = vector.shape_cast %broadcast_in_dim3A_0 : vector<16xf32> to vector<1x16xf32>
        tpu.vector_store %arg11[%swap3A, %swap3A_776], %swap3A_779 {strides = array<i32>} : memref<125x128xf32, #tpu.memory_space<vmem>>, vector<1x16xf32>,
        %scan3A_780 = arith.constant 0 : i32
        scf.yield %scan3A_780 : i32
      }
      %scan3A_29 = arith.constant 640 : i32
      %add3A = arith.constant 0 : i32
      %add3A_30 = arith.addi %add3A, %arg1 : i32
      %mul3A = arith.constant 80 : i32
      %mul3A_31 = arith.muli %add3A_30, %mul3A : i32
      %multiple_of3A = tpu.assume_multiple %mul3A_31, 80 : i32
      %dma_start3A = arith.constant 0 : i32
      %dma_start3A_32 = arith.constant 0 : i32
      %dma_start3A_33 = tpu.memref_slice %arg11[%dma_start3A, %dma_start3A_32] : memref<125x128xf32, #tpu.memory_space<vmem>> -> memref<80x128xf32, #tpu.memory_space<vmem>>
      %dma_start3A_34 = arith.constant 0 : i32
      %dma_start3A_35 = tpu.memref_slice %arg16[%multiple_of3A, %dma_start3A_34] : memref<10000x128xf32, #tpu.memory_space<vmem_shared>> -> memref<80x128xf32, #tpu.memory_space<vmem_shared>>
      %dma_start3A_36 = arith.constant 0 : i32
      %dma_start3A_37 = tpu.memref_slice %arg16[%multiple_of3A, %dma_start3A_36] : memref<10000x128xf32, #tpu.memory_space<vmem_shared>> -> memref<80x128xf32, #tpu.memory_space<vmem_shared>>
      %dma_start3A_38 = arith.constant 0 : i32
      %dma_start3A_39 = arith.constant 0 : i32
      %dma_start3A_40 = tpu.memref_slice %arg11[%dma_start3A_38, %dma_start3A_39] : memref<125x128xf32, #tpu.memory_space<vmem>> -> memref<80x128xf32, #tpu.memory_space<vmem>>
      tpu.enqueue_dma source(%dma_start3A_40 : memref<80x128xf32, #tpu.memory_space<vmem>>) target(%dma_start3A_37 : memref<80x128xf32, #tpu.memory_space<vmem_shared>>) target_semaphore(%arg24 : memref<!tpu.dma_semaphore, #tpu.memory_space<semaphore_mem>>)
      %dma_start3A_41 = tpu.memref_slice %arg17[%multiple_of3A] : memref<10000xf32, #tpu.memory_space<vmem_shared>> -> memref<80xf32, #tpu.memory_space<vmem_shared>>
      %dma_start3A_42 = tpu.memref_slice %arg17[%multiple_of3A] : memref<10000xf32, #tpu.memory_space<vmem_shared>> -> memref<80xf32, #tpu.memory_space<vmem_shared>>
      tpu.enqueue_dma source(%arg14 : memref<80xf32, #tpu.memory_space<vmem>>) target(%dma_start3A_42 : memref<80xf32, #tpu.memory_space<vmem_shared>>) target_semaphore(%arg26 : memref<!tpu.dma_semaphore, #tpu.memory_space<semaphore_mem>>)
      %add3A_43 = arith.constant 16 : i32
      %add3A_44 = arith.addi %add3A_43, %arg1 : i32
      %mul3A_45 = arith.constant 80 : i32
      %mul3A_46 = arith.muli %add3A_44, %mul3A_45 : i32
      %multiple_of3A_47 = tpu.assume_multiple %mul3A_46, 80 : i32
      %dma_start3A_48 = arith.constant 0 : i32
      %dma_start3A_49 = arith.constant 0 : i32
      %dma_start3A_50 = tpu.memref_slice %arg11[%dma_start3A_48, %dma_start3A_49] : memref<125x128xf32, #tpu.memory_space<vmem>> -> memref<80x128xf32, #tpu.memory_space<vmem>>
      %dma_start3A_51 = arith.constant 0 : i32
      %dma_start3A_52 = tpu.memref_slice %arg16[%multiple_of3A_47, %dma_start3A_51] : memref<10000x128xf32, #tpu.memory_space<vmem_shared>> -> memref<80x128xf32, #tpu.memory_space<vmem_shared>>
      %dma_start3A_53 = arith.constant 0 : i32
      %dma_start3A_54 = tpu.memref_slice %arg16[%multiple_of3A_47, %dma_start3A_53] : memref<10000x128xf32, #tpu.memory_space<vmem_shared>> -> memref<80x128xf32, #tpu.memory_space<vmem_shared>>
      %dma_start3A_55 = arith.constant 0 : i32
      %dma_start3A_56 = arith.constant 0 : i32
      %dma_start3A_57 = tpu.memref_slice %arg11[%dma_start3A_55, %dma_start3A_56] : memref<125x128xf32, #tpu.memory_space<vmem>> -> memref<80x128xf32, #tpu.memory_space<vmem>>
      tpu.enqueue_dma source(%dma_start3A_57 : memref<80x128xf32, #tpu.memory_space<vmem>>) target(%dma_start3A_54 : memref<80x128xf32, #tpu.memory_space<vmem_shared>>) target_semaphore(%arg24 : memref<!tpu.dma_semaphore, #tpu.memory_space<semaphore_mem>>)
      %dma_start3A_58 = tpu.memref_slice %arg17[%multiple_of3A_47] : memref<10000xf32, #tpu.memory_space<vmem_shared>> -> memref<80xf32, #tpu.memory_space<vmem_shared>>
      %dma_start3A_59 = tpu.memref_slice %arg17[%multiple_of3A_47] : memref<10000xf32, #tpu.memory_space<vmem_shared>> -> memref<80xf32, #tpu.memory_space<vmem_shared>>
      tpu.enqueue_dma source(%arg14 : memref<80xf32, #tpu.memory_space<vmem>>) target(%dma_start3A_59 : memref<80xf32, #tpu.memory_space<vmem_shared>>) target_semaphore(%arg26 : memref<!tpu.dma_semaphore, #tpu.memory_space<semaphore_mem>>)
      %add3A_60 = arith.constant 32 : i32
      %add3A_61 = arith.addi %add3A_60, %arg1 : i32
      %mul3A_62 = arith.constant 80 : i32
      %mul3A_63 = arith.muli %add3A_61, %mul3A_62 : i32
      %multiple_of3A_64 = tpu.assume_multiple %mul3A_63, 80 : i32
      %dma_start3A_65 = arith.constant 0 : i32
      %dma_start3A_66 = arith.constant 0 : i32
      %dma_start3A_67 = tpu.memref_slice %arg11[%dma_start3A_65, %dma_start3A_66] : memref<125x128xf32, #tpu.memory_space<vmem>> -> memref<80x128xf32, #tpu.memory_space<vmem>>
      %dma_start3A_68 = arith.constant 0 : i32
      %dma_start3A_69 = tpu.memref_slice %arg16[%multiple_of3A_64, %dma_start3A_68] : memref<10000x128xf32, #tpu.memory_space<vmem_shared>> -> memref<80x128xf32, #tpu.memory_space<vmem_shared>>
      %dma_start3A_70 = arith.constant 0 : i32
      %dma_start3A_71 = tpu.memref_slice %arg16[%multiple_of3A_64, %dma_start3A_70] : memref<10000x128xf32, #tpu.memory_space<vmem_shared>> -> memref<80x128xf32, #tpu.memory_space<vmem_shared>>
      %dma_start3A_72 = arith.constant 0 : i32
      %dma_start3A_73 = arith.constant 0 : i32
      %dma_start3A_74 = tpu.memref_slice %arg11[%dma_start3A_72, %dma_start3A_73] : memref<125x128xf32, #tpu.memory_space<vmem>> -> memref<80x128xf32, #tpu.memory_space<vmem>>
      tpu.enqueue_dma source(%dma_start3A_74 : memref<80x128xf32, #tpu.memory_space<vmem>>) target(%dma_start3A_71 : memref<80x128xf32, #tpu.memory_space<vmem_shared>>) target_semaphore(%arg24 : memref<!tpu.dma_semaphore, #tpu.memory_space<semaphore_mem>>)
      %dma_start3A_75 = tpu.memref_slice %arg17[%multiple_of3A_64] : memref<10000xf32, #tpu.memory_space<vmem_shared>> -> memref<80xf32, #tpu.memory_space<vmem_shared>>
      %dma_start3A_76 = tpu.memref_slice %arg17[%multiple_of3A_64] : memref<10000xf32, #tpu.memory_space<vmem_shared>> -> memref<80xf32, #tpu.memory_space<vmem_shared>>
      tpu.enqueue_dma source(%arg14 : memref<80xf32, #tpu.memory_space<vmem>>) target(%dma_start3A_76 : memref<80xf32, #tpu.memory_space<vmem_shared>>) target_semaphore(%arg26 : memref<!tpu.dma_semaphore, #tpu.memory_space<semaphore_mem>>)
      %add3A_77 = arith.constant 48 : i32
      %add3A_78 = arith.addi %add3A_77, %arg1 : i32
      %mul3A_79 = arith.constant 80 : i32
      %mul3A_80 = arith.muli %add3A_78, %mul3A_79 : i32
      %multiple_of3A_81 = tpu.assume_multiple %mul3A_80, 80 : i32
      %dma_start3A_82 = arith.constant 0 : i32
      %dma_start3A_83 = arith.constant 0 : i32
      %dma_start3A_84 = tpu.memref_slice %arg11[%dma_start3A_82, %dma_start3A_83] : memref<125x128xf32, #tpu.memory_space<vmem>> -> memref<80x128xf32, #tpu.memory_space<vmem>>
      %dma_start3A_85 = arith.constant 0 : i32
      %dma_start3A_86 = tpu.memref_slice %arg16[%multiple_of3A_81, %dma_start3A_85] : memref<10000x128xf32, #tpu.memory_space<vmem_shared>> -> memref<80x128xf32, #tpu.memory_space<vmem_shared>>
      %dma_start3A_87 = arith.constant 0 : i32
      %dma_start3A_88 = tpu.memref_slice %arg16[%multiple_of3A_81, %dma_start3A_87] : memref<10000x128xf32, #tpu.memory_space<vmem_shared>> -> memref<80x128xf32, #tpu.memory_space<vmem_shared>>
      %dma_start3A_89 = arith.constant 0 : i32
      %dma_start3A_90 = arith.constant 0 : i32
      %dma_start3A_91 = tpu.memref_slice %arg11[%dma_start3A_89, %dma_start3A_90] : memref<125x128xf32, #tpu.memory_space<vmem>> -> memref<80x128xf32, #tpu.memory_space<vmem>>
      tpu.enqueue_dma source(%dma_start3A_91 : memref<80x128xf32, #tpu.memory_space<vmem>>) target(%dma_start3A_88 : memref<80x128xf32, #tpu.memory_space<vmem_shared>>) target_semaphore(%arg24 : memref<!tpu.dma_semaphore, #tpu.memory_space<semaphore_mem>>)
      %dma_start3A_92 = tpu.memref_slice %arg17[%multiple_of3A_81] : memref<10000xf32, #tpu.memory_space<vmem_shared>> -> memref<80xf32, #tpu.memory_space<vmem_shared>>
      %dma_start3A_93 = tpu.memref_slice %arg17[%multiple_of3A_81] : memref<10000xf32, #tpu.memory_space<vmem_shared>> -> memref<80xf32, #tpu.memory_space<vmem_shared>>
      tpu.enqueue_dma source(%arg14 : memref<80xf32, #tpu.memory_space<vmem>>) target(%dma_start3A_93 : memref<80xf32, #tpu.memory_space<vmem_shared>>) target_semaphore(%arg26 : memref<!tpu.dma_semaphore, #tpu.memory_space<semaphore_mem>>)
      %add3A_94 = arith.constant 64 : i32
      %add3A_95 = arith.addi %add3A_94, %arg1 : i32
      %mul3A_96 = arith.constant 80 : i32
      %mul3A_97 = arith.muli %add3A_95, %mul3A_96 : i32
      %multiple_of3A_98 = tpu.assume_multiple %mul3A_97, 80 : i32
      %dma_start3A_99 = arith.constant 0 : i32
      %dma_start3A_100 = arith.constant 0 : i32
      %dma_start3A_101 = tpu.memref_slice %arg11[%dma_start3A_99, %dma_start3A_100] : memref<125x128xf32, #tpu.memory_space<vmem>> -> memref<80x128xf32, #tpu.memory_space<vmem>>
      %dma_start3A_102 = arith.constant 0 : i32
      %dma_start3A_103 = tpu.memref_slice %arg16[%multiple_of3A_98, %dma_start3A_102] : memref<10000x128xf32, #tpu.memory_space<vmem_shared>> -> memref<80x128xf32, #tpu.memory_space<vmem_shared>>
      %dma_start3A_104 = arith.constant 0 : i32
      %dma_start3A_105 = tpu.memref_slice %arg16[%multiple_of3A_98, %dma_start3A_104] : memref<10000x128xf32, #tpu.memory_space<vmem_shared>> -> memref<80x128xf32, #tpu.memory_space<vmem_shared>>
      %dma_start3A_106 = arith.constant 0 : i32
      %dma_start3A_107 = arith.constant 0 : i32
      %dma_start3A_108 = tpu.memref_slice %arg11[%dma_start3A_106, %dma_start3A_107] : memref<125x128xf32, #tpu.memory_space<vmem>> -> memref<80x128xf32, #tpu.memory_space<vmem>>
      tpu.enqueue_dma source(%dma_start3A_108 : memref<80x128xf32, #tpu.memory_space<vmem>>) target(%dma_start3A_105 : memref<80x128xf32, #tpu.memory_space<vmem_shared>>) target_semaphore(%arg24 : memref<!tpu.dma_semaphore, #tpu.memory_space<semaphore_mem>>)
      %dma_start3A_109 = tpu.memref_slice %arg17[%multiple_of3A_98] : memref<10000xf32, #tpu.memory_space<vmem_shared>> -> memref<80xf32, #tpu.memory_space<vmem_shared>>
      %dma_start3A_110 = tpu.memref_slice %arg17[%multiple_of3A_98] : memref<10000xf32, #tpu.memory_space<vmem_shared>> -> memref<80xf32, #tpu.memory_space<vmem_shared>>
      tpu.enqueue_dma source(%arg14 : memref<80xf32, #tpu.memory_space<vmem>>) target(%dma_start3A_110 : memref<80xf32, #tpu.memory_space<vmem_shared>>) target_semaphore(%arg26 : memref<!tpu.dma_semaphore, #tpu.memory_space<semaphore_mem>>)
      %add3A_111 = arith.constant 80 : i32
      %add3A_112 = arith.addi %add3A_111, %arg1 : i32
      %mul3A_113 = arith.constant 80 : i32
      %mul3A_114 = arith.muli %add3A_112, %mul3A_113 : i32
      %multiple_of3A_115 = tpu.assume_multiple %mul3A_114, 80 : i32
      %dma_start3A_116 = arith.constant 0 : i32
      %dma_start3A_117 = arith.constant 0 : i32
      %dma_start3A_118 = tpu.memref_slice %arg11[%dma_start3A_116, %dma_start3A_117] : memref<125x128xf32, #tpu.memory_space<vmem>> -> memref<80x128xf32, #tpu.memory_space<vmem>>
      %dma_start3A_119 = arith.constant 0 : i32
      %dma_start3A_120 = tpu.memref_slice %arg16[%multiple_of3A_115, %dma_start3A_119] : memref<10000x128xf32, #tpu.memory_space<vmem_shared>> -> memref<80x128xf32, #tpu.memory_space<vmem_shared>>
      %dma_start3A_121 = arith.constant 0 : i32
      %dma_start3A_122 = tpu.memref_slice %arg16[%multiple_of3A_115, %dma_start3A_121] : memref<10000x128xf32, #tpu.memory_space<vmem_shared>> -> memref<80x128xf32, #tpu.memory_space<vmem_shared>>
      %dma_start3A_123 = arith.constant 0 : i32
      %dma_start3A_124 = arith.constant 0 : i32
      %dma_start3A_125 = tpu.memref_slice %arg11[%dma_start3A_123, %dma_start3A_124] : memref<125x128xf32, #tpu.memory_space<vmem>> -> memref<80x128xf32, #tpu.memory_space<vmem>>
      tpu.enqueue_dma source(%dma_start3A_125 : memref<80x128xf32, #tpu.memory_space<vmem>>) target(%dma_start3A_122 : memref<80x128xf32, #tpu.memory_space<vmem_shared>>) target_semaphore(%arg24 : memref<!tpu.dma_semaphore, #tpu.memory_space<semaphore_mem>>)
      %dma_start3A_126 = tpu.memref_slice %arg17[%multiple_of3A_115] : memref<10000xf32, #tpu.memory_space<vmem_shared>> -> memref<80xf32, #tpu.memory_space<vmem_shared>>
      %dma_start3A_127 = tpu.memref_slice %arg17[%multiple_of3A_115] : memref<10000xf32, #tpu.memory_space<vmem_shared>> -> memref<80xf32, #tpu.memory_space<vmem_shared>>
      tpu.enqueue_dma source(%arg14 : memref<80xf32, #tpu.memory_space<vmem>>) target(%dma_start3A_127 : memref<80xf32, #tpu.memory_space<vmem_shared>>) target_semaphore(%arg26 : memref<!tpu.dma_semaphore, #tpu.memory_space<semaphore_mem>>)
      %add3A_128 = arith.constant 96 : i32
      %add3A_129 = arith.addi %add3A_128, %arg1 : i32
      %mul3A_130 = arith.constant 80 : i32
      %mul3A_131 = arith.muli %add3A_129, %mul3A_130 : i32
      %multiple_of3A_132 = tpu.assume_multiple %mul3A_131, 80 : i32
      %dma_start3A_133 = arith.constant 0 : i32
      %dma_start3A_134 = arith.constant 0 : i32
      %dma_start3A_135 = tpu.memref_slice %arg11[%dma_start3A_133, %dma_start3A_134] : memref<125x128xf32, #tpu.memory_space<vmem>> -> memref<80x128xf32, #tpu.memory_space<vmem>>
      %dma_start3A_136 = arith.constant 0 : i32
      %dma_start3A_137 = tpu.memref_slice %arg16[%multiple_of3A_132, %dma_start3A_136] : memref<10000x128xf32, #tpu.memory_space<vmem_shared>> -> memref<80x128xf32, #tpu.memory_space<vmem_shared>>
      %dma_start3A_138 = arith.constant 0 : i32
      %dma_start3A_139 = tpu.memref_slice %arg16[%multiple_of3A_132, %dma_start3A_138] : memref<10000x128xf32, #tpu.memory_space<vmem_shared>> -> memref<80x128xf32, #tpu.memory_space<vmem_shared>>
      %dma_start3A_140 = arith.constant 0 : i32
      %dma_start3A_141 = arith.constant 0 : i32
      %dma_start3A_142 = tpu.memref_slice %arg11[%dma_start3A_140, %dma_start3A_141] : memref<125x128xf32, #tpu.memory_space<vmem>> -> memref<80x128xf32, #tpu.memory_space<vmem>>
      tpu.enqueue_dma source(%dma_start3A_142 : memref<80x128xf32, #tpu.memory_space<vmem>>) target(%dma_start3A_139 : memref<80x128xf32, #tpu.memory_space<vmem_shared>>) target_semaphore(%arg24 : memref<!tpu.dma_semaphore, #tpu.memory_space<semaphore_mem>>)
      %dma_start3A_143 = tpu.memref_slice %arg17[%multiple_of3A_132] : memref<10000xf32, #tpu.memory_space<vmem_shared>> -> memref<80xf32, #tpu.memory_space<vmem_shared>>
      %dma_start3A_144 = tpu.memref_slice %arg17[%multiple_of3A_132] : memref<10000xf32, #tpu.memory_space<vmem_shared>> -> memref<80xf32, #tpu.memory_space<vmem_shared>>
      tpu.enqueue_dma source(%arg14 : memref<80xf32, #tpu.memory_space<vmem>>) target(%dma_start3A_144 : memref<80xf32, #tpu.memory_space<vmem_shared>>) target_semaphore(%arg26 : memref<!tpu.dma_semaphore, #tpu.memory_space<semaphore_mem>>)
      %add3A_145 = arith.constant 112 : i32
      %add3A_146 = arith.addi %add3A_145, %arg1 : i32
      %mul3A_147 = arith.constant 80 : i32
      %mul3A_148 = arith.muli %add3A_146, %mul3A_147 : i32
      %multiple_of3A_149 = tpu.assume_multiple %mul3A_148, 80 : i32
      %add3A_150 = arith.constant 112 : i32
      %add3A_151 = arith.addi %add3A_150, %arg1 : i32
      %lt3A = arith.constant 125 : i32
      %lt3A_152 = arith.cmpi slt, %add3A_151, %lt3A : i32
      %convert_element_type3A_153 = arith.extui %lt3A_152 : i1 to i32
      %cond3A_154 = arith.constant 0 : i32
      %cond3A_155 = arith.cmpi ne, %convert_element_type3A_153, %cond3A_154 : i32
      scf.if %cond3A_155 {
        %dma_start3A_740 = arith.constant 0 : i32
        %dma_start3A_741 = arith.constant 0 : i32
        %dma_start3A_742 = tpu.memref_slice %arg11[%dma_start3A_740, %dma_start3A_741] : memref<125x128xf32, #tpu.memory_space<vmem>> -> memref<80x128xf32, #tpu.memory_space<vmem>>
        %dma_start3A_743 = arith.constant 0 : i32
        %dma_start3A_744 = tpu.memref_slice %arg16[%multiple_of3A_149, %dma_start3A_743] : memref<10000x128xf32, #tpu.memory_space<vmem_shared>> -> memref<80x128xf32, #tpu.memory_space<vmem_shared>>
        %dma_start3A_745 = arith.constant 0 : i32
        %dma_start3A_746 = tpu.memref_slice %arg16[%multiple_of3A_149, %dma_start3A_745] : memref<10000x128xf32, #tpu.memory_space<vmem_shared>> -> memref<80x128xf32, #tpu.memory_space<vmem_shared>>
        %dma_start3A_747 = arith.constant 0 : i32
        %dma_start3A_748 = arith.constant 0 : i32
        %dma_start3A_749 = tpu.memref_slice %arg11[%dma_start3A_747, %dma_start3A_748] : memref<125x128xf32, #tpu.memory_space<vmem>> -> memref<80x128xf32, #tpu.memory_space<vmem>>
        tpu.enqueue_dma source(%dma_start3A_749 : memref<80x128xf32, #tpu.memory_space<vmem>>) target(%dma_start3A_746 : memref<80x128xf32, #tpu.memory_space<vmem_shared>>) target_semaphore(%arg24 : memref<!tpu.dma_semaphore, #tpu.memory_space<semaphore_mem>>)
        %dma_start3A_750 = tpu.memref_slice %arg17[%multiple_of3A_149] : memref<10000xf32, #tpu.memory_space<vmem_shared>> -> memref<80xf32, #tpu.memory_space<vmem_shared>>
        %dma_start3A_751 = tpu.memref_slice %arg17[%multiple_of3A_149] : memref<10000xf32, #tpu.memory_space<vmem_shared>> -> memref<80xf32, #tpu.memory_space<vmem_shared>>
        tpu.enqueue_dma source(%arg14 : memref<80xf32, #tpu.memory_space<vmem>>) target(%dma_start3A_751 : memref<80xf32, #tpu.memory_space<vmem_shared>>) target_semaphore(%arg26 : memref<!tpu.dma_semaphore, #tpu.memory_space<semaphore_mem>>)
      } else {
      }
      %add3A_156 = arith.constant 0 : i32
      %add3A_157 = arith.addi %add3A_156, %arg1 : i32
      %mul3A_158 = arith.constant 80 : i32
      %mul3A_159 = arith.muli %add3A_157, %mul3A_158 : i32
      %multiple_of3A_160 = tpu.assume_multiple %mul3A_159, 80 : i32
      %dma_wait3A = arith.constant 0 : i32
      %dma_wait3A_161 = arith.constant 0 : i32
      %dma_wait3A_162 = tpu.memref_slice %arg11[%dma_wait3A, %dma_wait3A_161] : memref<125x128xf32, #tpu.memory_space<vmem>> -> memref<80x128xf32, #tpu.memory_space<vmem>>
      %dma_wait3A_163 = arith.constant 0 : i32
      %dma_wait3A_164 = tpu.memref_slice %arg16[%multiple_of3A_160, %dma_wait3A_163] : memref<10000x128xf32, #tpu.memory_space<vmem_shared>> -> memref<80x128xf32, #tpu.memory_space<vmem_shared>>
      %dma_wait3A_165 = arith.constant 0 : i32
      %dma_wait3A_166 = tpu.memref_slice %arg16[%multiple_of3A_160, %dma_wait3A_165] : memref<10000x128xf32, #tpu.memory_space<vmem_shared>> -> memref<80x128xf32, #tpu.memory_space<vmem_shared>>
      %dma_wait3A_167 = arith.constant 0 : i32
      %dma_wait3A_168 = arith.constant 0 : i32
      %dma_wait3A_169 = tpu.memref_slice %arg11[%dma_wait3A_167, %dma_wait3A_168] : memref<125x128xf32, #tpu.memory_space<vmem>> -> memref<80x128xf32, #tpu.memory_space<vmem>>
      tpu.wait_dma2 semaphore(%arg24 : memref<!tpu.dma_semaphore, #tpu.memory_space<semaphore_mem>>) src(%dma_wait3A_169 : memref<80x128xf32, #tpu.memory_space<vmem>>) dst(%dma_wait3A_166 : memref<80x128xf32, #tpu.memory_space<vmem_shared>>)
      %dma_wait3A_170 = tpu.memref_slice %arg17[%multiple_of3A_160] : memref<10000xf32, #tpu.memory_space<vmem_shared>> -> memref<80xf32, #tpu.memory_space<vmem_shared>>
      %dma_wait3A_171 = tpu.memref_slice %arg17[%multiple_of3A_160] : memref<10000xf32, #tpu.memory_space<vmem_shared>> -> memref<80xf32, #tpu.memory_space<vmem_shared>>
      tpu.wait_dma2 semaphore(%arg26 : memref<!tpu.dma_semaphore, #tpu.memory_space<semaphore_mem>>) src(%arg14 : memref<80xf32, #tpu.memory_space<vmem>>) dst(%dma_wait3A_171 : memref<80xf32, #tpu.memory_space<vmem_shared>>)
      %add3A_172 = arith.constant 16 : i32
      %add3A_173 = arith.addi %add3A_172, %arg1 : i32
      %mul3A_174 = arith.constant 80 : i32
      %mul3A_175 = arith.muli %add3A_173, %mul3A_174 : i32
      %multiple_of3A_176 = tpu.assume_multiple %mul3A_175, 80 : i32
      %dma_wait3A_177 = arith.constant 0 : i32
      %dma_wait3A_178 = arith.constant 0 : i32
      %dma_wait3A_179 = tpu.memref_slice %arg11[%dma_wait3A_177, %dma_wait3A_178] : memref<125x128xf32, #tpu.memory_space<vmem>> -> memref<80x128xf32, #tpu.memory_space<vmem>>
      %dma_wait3A_180 = arith.constant 0 : i32
      %dma_wait3A_181 = tpu.memref_slice %arg16[%multiple_of3A_176, %dma_wait3A_180] : memref<10000x128xf32, #tpu.memory_space<vmem_shared>> -> memref<80x128xf32, #tpu.memory_space<vmem_shared>>
      %dma_wait3A_182 = arith.constant 0 : i32
      %dma_wait3A_183 = tpu.memref_slice %arg16[%multiple_of3A_176, %dma_wait3A_182] : memref<10000x128xf32, #tpu.memory_space<vmem_shared>> -> memref<80x128xf32, #tpu.memory_space<vmem_shared>>
      %dma_wait3A_184 = arith.constant 0 : i32
      %dma_wait3A_185 = arith.constant 0 : i32
      %dma_wait3A_186 = tpu.memref_slice %arg11[%dma_wait3A_184, %dma_wait3A_185] : memref<125x128xf32, #tpu.memory_space<vmem>> -> memref<80x128xf32, #tpu.memory_space<vmem>>
      tpu.wait_dma2 semaphore(%arg24 : memref<!tpu.dma_semaphore, #tpu.memory_space<semaphore_mem>>) src(%dma_wait3A_186 : memref<80x128xf32, #tpu.memory_space<vmem>>) dst(%dma_wait3A_183 : memref<80x128xf32, #tpu.memory_space<vmem_shared>>)
      %dma_wait3A_187 = tpu.memref_slice %arg17[%multiple_of3A_176] : memref<10000xf32, #tpu.memory_space<vmem_shared>> -> memref<80xf32, #tpu.memory_space<vmem_shared>>
      %dma_wait3A_188 = tpu.memref_slice %arg17[%multiple_of3A_176] : memref<10000xf32, #tpu.memory_space<vmem_shared>> -> memref<80xf32, #tpu.memory_space<vmem_shared>>
      tpu.wait_dma2 semaphore(%arg26 : memref<!tpu.dma_semaphore, #tpu.memory_space<semaphore_mem>>) src(%arg14 : memref<80xf32, #tpu.memory_space<vmem>>) dst(%dma_wait3A_188 : memref<80xf32, #tpu.memory_space<vmem_shared>>)
      %add3A_189 = arith.constant 32 : i32
      %add3A_190 = arith.addi %add3A_189, %arg1 : i32
      %mul3A_191 = arith.constant 80 : i32
      %mul3A_192 = arith.muli %add3A_190, %mul3A_191 : i32
      %multiple_of3A_193 = tpu.assume_multiple %mul3A_192, 80 : i32
      %dma_wait3A_194 = arith.constant 0 : i32
      %dma_wait3A_195 = arith.constant 0 : i32
      %dma_wait3A_196 = tpu.memref_slice %arg11[%dma_wait3A_194, %dma_wait3A_195] : memref<125x128xf32, #tpu.memory_space<vmem>> -> memref<80x128xf32, #tpu.memory_space<vmem>>
      %dma_wait3A_197 = arith.constant 0 : i32
      %dma_wait3A_198 = tpu.memref_slice %arg16[%multiple_of3A_193, %dma_wait3A_197] : memref<10000x128xf32, #tpu.memory_space<vmem_shared>> -> memref<80x128xf32, #tpu.memory_space<vmem_shared>>
      %dma_wait3A_199 = arith.constant 0 : i32
      %dma_wait3A_200 = tpu.memref_slice %arg16[%multiple_of3A_193, %dma_wait3A_199] : memref<10000x128xf32, #tpu.memory_space<vmem_shared>> -> memref<80x128xf32, #tpu.memory_space<vmem_shared>>
      %dma_wait3A_201 = arith.constant 0 : i32
      %dma_wait3A_202 = arith.constant 0 : i32
      %dma_wait3A_203 = tpu.memref_slice %arg11[%dma_wait3A_201, %dma_wait3A_202] : memref<125x128xf32, #tpu.memory_space<vmem>> -> memref<80x128xf32, #tpu.memory_space<vmem>>
      tpu.wait_dma2 semaphore(%arg24 : memref<!tpu.dma_semaphore, #tpu.memory_space<semaphore_mem>>) src(%dma_wait3A_203 : memref<80x128xf32, #tpu.memory_space<vmem>>) dst(%dma_wait3A_200 : memref<80x128xf32, #tpu.memory_space<vmem_shared>>)
      %dma_wait3A_204 = tpu.memref_slice %arg17[%multiple_of3A_193] : memref<10000xf32, #tpu.memory_space<vmem_shared>> -> memref<80xf32, #tpu.memory_space<vmem_shared>>
      %dma_wait3A_205 = tpu.memref_slice %arg17[%multiple_of3A_193] : memref<10000xf32, #tpu.memory_space<vmem_shared>> -> memref<80xf32, #tpu.memory_space<vmem_shared>>
      tpu.wait_dma2 semaphore(%arg26 : memref<!tpu.dma_semaphore, #tpu.memory_space<semaphore_mem>>) src(%arg14 : memref<80xf32, #tpu.memory_space<vmem>>) dst(%dma_wait3A_205 : memref<80xf32, #tpu.memory_space<vmem_shared>>)
      %add3A_206 = arith.constant 48 : i32
      %add3A_207 = arith.addi %add3A_206, %arg1 : i32
      %mul3A_208 = arith.constant 80 : i32
      %mul3A_209 = arith.muli %add3A_207, %mul3A_208 : i32
      %multiple_of3A_210 = tpu.assume_multiple %mul3A_209, 80 : i32
      %dma_wait3A_211 = arith.constant 0 : i32
      %dma_wait3A_212 = arith.constant 0 : i32
      %dma_wait3A_213 = tpu.memref_slice %arg11[%dma_wait3A_211, %dma_wait3A_212] : memref<125x128xf32, #tpu.memory_space<vmem>> -> memref<80x128xf32, #tpu.memory_space<vmem>>
      %dma_wait3A_214 = arith.constant 0 : i32
      %dma_wait3A_215 = tpu.memref_slice %arg16[%multiple_of3A_210, %dma_wait3A_214] : memref<10000x128xf32, #tpu.memory_space<vmem_shared>> -> memref<80x128xf32, #tpu.memory_space<vmem_shared>>
      %dma_wait3A_216 = arith.constant 0 : i32
      %dma_wait3A_217 = tpu.memref_slice %arg16[%multiple_of3A_210, %dma_wait3A_216] : memref<10000x128xf32, #tpu.memory_space<vmem_shared>> -> memref<80x128xf32, #tpu.memory_space<vmem_shared>>
      %dma_wait3A_218 = arith.constant 0 : i32
      %dma_wait3A_219 = arith.constant 0 : i32
      %dma_wait3A_220 = tpu.memref_slice %arg11[%dma_wait3A_218, %dma_wait3A_219] : memref<125x128xf32, #tpu.memory_space<vmem>> -> memref<80x128xf32, #tpu.memory_space<vmem>>
      tpu.wait_dma2 semaphore(%arg24 : memref<!tpu.dma_semaphore, #tpu.memory_space<semaphore_mem>>) src(%dma_wait3A_220 : memref<80x128xf32, #tpu.memory_space<vmem>>) dst(%dma_wait3A_217 : memref<80x128xf32, #tpu.memory_space<vmem_shared>>)
      %dma_wait3A_221 = tpu.memref_slice %arg17[%multiple_of3A_210] : memref<10000xf32, #tpu.memory_space<vmem_shared>> -> memref<80xf32, #tpu.memory_space<vmem_shared>>
      %dma_wait3A_222 = tpu.memref_slice %arg17[%multiple_of3A_210] : memref<10000xf32, #tpu.memory_space<vmem_shared>> -> memref<80xf32, #tpu.memory_space<vmem_shared>>
      tpu.wait_dma2 semaphore(%arg26 : memref<!tpu.dma_semaphore, #tpu.memory_space<semaphore_mem>>) src(%arg14 : memref<80xf32, #tpu.memory_space<vmem>>) dst(%dma_wait3A_222 : memref<80xf32, #tpu.memory_space<vmem_shared>>)
      %add3A_223 = arith.constant 64 : i32
      %add3A_224 = arith.addi %add3A_223, %arg1 : i32
      %mul3A_225 = arith.constant 80 : i32
      %mul3A_226 = arith.muli %add3A_224, %mul3A_225 : i32
      %multiple_of3A_227 = tpu.assume_multiple %mul3A_226, 80 : i32
      %dma_wait3A_228 = arith.constant 0 : i32
      %dma_wait3A_229 = arith.constant 0 : i32
      %dma_wait3A_230 = tpu.memref_slice %arg11[%dma_wait3A_228, %dma_wait3A_229] : memref<125x128xf32, #tpu.memory_space<vmem>> -> memref<80x128xf32, #tpu.memory_space<vmem>>
      %dma_wait3A_231 = arith.constant 0 : i32
      %dma_wait3A_232 = tpu.memref_slice %arg16[%multiple_of3A_227, %dma_wait3A_231] : memref<10000x128xf32, #tpu.memory_space<vmem_shared>> -> memref<80x128xf32, #tpu.memory_space<vmem_shared>>
      %dma_wait3A_233 = arith.constant 0 : i32
      %dma_wait3A_234 = tpu.memref_slice %arg16[%multiple_of3A_227, %dma_wait3A_233] : memref<10000x128xf32, #tpu.memory_space<vmem_shared>> -> memref<80x128xf32, #tpu.memory_space<vmem_shared>>
      %dma_wait3A_235 = arith.constant 0 : i32
      %dma_wait3A_236 = arith.constant 0 : i32
      %dma_wait3A_237 = tpu.memref_slice %arg11[%dma_wait3A_235, %dma_wait3A_236] : memref<125x128xf32, #tpu.memory_space<vmem>> -> memref<80x128xf32, #tpu.memory_space<vmem>>
      tpu.wait_dma2 semaphore(%arg24 : memref<!tpu.dma_semaphore, #tpu.memory_space<semaphore_mem>>) src(%dma_wait3A_237 : memref<80x128xf32, #tpu.memory_space<vmem>>) dst(%dma_wait3A_234 : memref<80x128xf32, #tpu.memory_space<vmem_shared>>)
      %dma_wait3A_238 = tpu.memref_slice %arg17[%multiple_of3A_227] : memref<10000xf32, #tpu.memory_space<vmem_shared>> -> memref<80xf32, #tpu.memory_space<vmem_shared>>
      %dma_wait3A_239 = tpu.memref_slice %arg17[%multiple_of3A_227] : memref<10000xf32, #tpu.memory_space<vmem_shared>> -> memref<80xf32, #tpu.memory_space<vmem_shared>>
      tpu.wait_dma2 semaphore(%arg26 : memref<!tpu.dma_semaphore, #tpu.memory_space<semaphore_mem>>) src(%arg14 : memref<80xf32, #tpu.memory_space<vmem>>) dst(%dma_wait3A_239 : memref<80xf32, #tpu.memory_space<vmem_shared>>)
      %add3A_240 = arith.constant 80 : i32
      %add3A_241 = arith.addi %add3A_240, %arg1 : i32
      %mul3A_242 = arith.constant 80 : i32
      %mul3A_243 = arith.muli %add3A_241, %mul3A_242 : i32
      %multiple_of3A_244 = tpu.assume_multiple %mul3A_243, 80 : i32
      %dma_wait3A_245 = arith.constant 0 : i32
      %dma_wait3A_246 = arith.constant 0 : i32
      %dma_wait3A_247 = tpu.memref_slice %arg11[%dma_wait3A_245, %dma_wait3A_246] : memref<125x128xf32, #tpu.memory_space<vmem>> -> memref<80x128xf32, #tpu.memory_space<vmem>>
      %dma_wait3A_248 = arith.constant 0 : i32
      %dma_wait3A_249 = tpu.memref_slice %arg16[%multiple_of3A_244, %dma_wait3A_248] : memref<10000x128xf32, #tpu.memory_space<vmem_shared>> -> memref<80x128xf32, #tpu.memory_space<vmem_shared>>
      %dma_wait3A_250 = arith.constant 0 : i32
      %dma_wait3A_251 = tpu.memref_slice %arg16[%multiple_of3A_244, %dma_wait3A_250] : memref<10000x128xf32, #tpu.memory_space<vmem_shared>> -> memref<80x128xf32, #tpu.memory_space<vmem_shared>>
      %dma_wait3A_252 = arith.constant 0 : i32
      %dma_wait3A_253 = arith.constant 0 : i32
      %dma_wait3A_254 = tpu.memref_slice %arg11[%dma_wait3A_252, %dma_wait3A_253] : memref<125x128xf32, #tpu.memory_space<vmem>> -> memref<80x128xf32, #tpu.memory_space<vmem>>
      tpu.wait_dma2 semaphore(%arg24 : memref<!tpu.dma_semaphore, #tpu.memory_space<semaphore_mem>>) src(%dma_wait3A_254 : memref<80x128xf32, #tpu.memory_space<vmem>>) dst(%dma_wait3A_251 : memref<80x128xf32, #tpu.memory_space<vmem_shared>>)
      %dma_wait3A_255 = tpu.memref_slice %arg17[%multiple_of3A_244] : memref<10000xf32, #tpu.memory_space<vmem_shared>> -> memref<80xf32, #tpu.memory_space<vmem_shared>>
      %dma_wait3A_256 = tpu.memref_slice %arg17[%multiple_of3A_244] : memref<10000xf32, #tpu.memory_space<vmem_shared>> -> memref<80xf32, #tpu.memory_space<vmem_shared>>
      tpu.wait_dma2 semaphore(%arg26 : memref<!tpu.dma_semaphore, #tpu.memory_space<semaphore_mem>>) src(%arg14 : memref<80xf32, #tpu.memory_space<vmem>>) dst(%dma_wait3A_256 : memref<80xf32, #tpu.memory_space<vmem_shared>>)
      %add3A_257 = arith.constant 96 : i32
      %add3A_258 = arith.addi %add3A_257, %arg1 : i32
      %mul3A_259 = arith.constant 80 : i32
      %mul3A_260 = arith.muli %add3A_258, %mul3A_259 : i32
      %multiple_of3A_261 = tpu.assume_multiple %mul3A_260, 80 : i32
      %dma_wait3A_262 = arith.constant 0 : i32
      %dma_wait3A_263 = arith.constant 0 : i32
      %dma_wait3A_264 = tpu.memref_slice %arg11[%dma_wait3A_262, %dma_wait3A_263] : memref<125x128xf32, #tpu.memory_space<vmem>> -> memref<80x128xf32, #tpu.memory_space<vmem>>
      %dma_wait3A_265 = arith.constant 0 : i32
      %dma_wait3A_266 = tpu.memref_slice %arg16[%multiple_of3A_261, %dma_wait3A_265] : memref<10000x128xf32, #tpu.memory_space<vmem_shared>> -> memref<80x128xf32, #tpu.memory_space<vmem_shared>>
      %dma_wait3A_267 = arith.constant 0 : i32
      %dma_wait3A_268 = tpu.memref_slice %arg16[%multiple_of3A_261, %dma_wait3A_267] : memref<10000x128xf32, #tpu.memory_space<vmem_shared>> -> memref<80x128xf32, #tpu.memory_space<vmem_shared>>
      %dma_wait3A_269 = arith.constant 0 : i32
      %dma_wait3A_270 = arith.constant 0 : i32
      %dma_wait3A_271 = tpu.memref_slice %arg11[%dma_wait3A_269, %dma_wait3A_270] : memref<125x128xf32, #tpu.memory_space<vmem>> -> memref<80x128xf32, #tpu.memory_space<vmem>>
      tpu.wait_dma2 semaphore(%arg24 : memref<!tpu.dma_semaphore, #tpu.memory_space<semaphore_mem>>) src(%dma_wait3A_271 : memref<80x128xf32, #tpu.memory_space<vmem>>) dst(%dma_wait3A_268 : memref<80x128xf32, #tpu.memory_space<vmem_shared>>)
      %dma_wait3A_272 = tpu.memref_slice %arg17[%multiple_of3A_261] : memref<10000xf32, #tpu.memory_space<vmem_shared>> -> memref<80xf32, #tpu.memory_space<vmem_shared>>
      %dma_wait3A_273 = tpu.memref_slice %arg17[%multiple_of3A_261] : memref<10000xf32, #tpu.memory_space<vmem_shared>> -> memref<80xf32, #tpu.memory_space<vmem_shared>>
      tpu.wait_dma2 semaphore(%arg26 : memref<!tpu.dma_semaphore, #tpu.memory_space<semaphore_mem>>) src(%arg14 : memref<80xf32, #tpu.memory_space<vmem>>) dst(%dma_wait3A_273 : memref<80xf32, #tpu.memory_space<vmem_shared>>)
      %add3A_274 = arith.constant 112 : i32
      %add3A_275 = arith.addi %add3A_274, %arg1 : i32
      %mul3A_276 = arith.constant 80 : i32
      %mul3A_277 = arith.muli %add3A_275, %mul3A_276 : i32
      %multiple_of3A_278 = tpu.assume_multiple %mul3A_277, 80 : i32
      %add3A_279 = arith.constant 112 : i32
      %add3A_280 = arith.addi %add3A_279, %arg1 : i32
      %lt3A_281 = arith.constant 125 : i32
      %lt3A_282 = arith.cmpi slt, %add3A_280, %lt3A_281 : i32
      %convert_element_type3A_283 = arith.extui %lt3A_282 : i1 to i32
      %cond3A_284 = arith.constant 0 : i32
      %cond3A_285 = arith.cmpi ne, %convert_element_type3A_283, %cond3A_284 : i32
      scf.if %cond3A_285 {
        %dma_wait3A_740 = arith.constant 0 : i32
        %dma_wait3A_741 = arith.constant 0 : i32
        %dma_wait3A_742 = tpu.memref_slice %arg11[%dma_wait3A_740, %dma_wait3A_741] : memref<125x128xf32, #tpu.memory_space<vmem>> -> memref<80x128xf32, #tpu.memory_space<vmem>>
        %dma_wait3A_743 = arith.constant 0 : i32
        %dma_wait3A_744 = tpu.memref_slice %arg16[%multiple_of3A_278, %dma_wait3A_743] : memref<10000x128xf32, #tpu.memory_space<vmem_shared>> -> memref<80x128xf32, #tpu.memory_space<vmem_shared>>
        %dma_wait3A_745 = arith.constant 0 : i32
        %dma_wait3A_746 = tpu.memref_slice %arg16[%multiple_of3A_278, %dma_wait3A_745] : memref<10000x128xf32, #tpu.memory_space<vmem_shared>> -> memref<80x128xf32, #tpu.memory_space<vmem_shared>>
        %dma_wait3A_747 = arith.constant 0 : i32
        %dma_wait3A_748 = arith.constant 0 : i32
        %dma_wait3A_749 = tpu.memref_slice %arg11[%dma_wait3A_747, %dma_wait3A_748] : memref<125x128xf32, #tpu.memory_space<vmem>> -> memref<80x128xf32, #tpu.memory_space<vmem>>
        tpu.wait_dma2 semaphore(%arg24 : memref<!tpu.dma_semaphore, #tpu.memory_space<semaphore_mem>>) src(%dma_wait3A_749 : memref<80x128xf32, #tpu.memory_space<vmem>>) dst(%dma_wait3A_746 : memref<80x128xf32, #tpu.memory_space<vmem_shared>>)
        %dma_wait3A_750 = tpu.memref_slice %arg17[%multiple_of3A_278] : memref<10000xf32, #tpu.memory_space<vmem_shared>> -> memref<80xf32, #tpu.memory_space<vmem_shared>>
        %dma_wait3A_751 = tpu.memref_slice %arg17[%multiple_of3A_278] : memref<10000xf32, #tpu.memory_space<vmem_shared>> -> memref<80xf32, #tpu.memory_space<vmem_shared>>
        tpu.wait_dma2 semaphore(%arg26 : memref<!tpu.dma_semaphore, #tpu.memory_space<semaphore_mem>>) src(%arg14 : memref<80xf32, #tpu.memory_space<vmem>>) dst(%dma_wait3A_751 : memref<80xf32, #tpu.memory_space<vmem_shared>>)
      } else {
      }
      %barrier3A = arith.constant 0 : index
      tpu.barrier barrier_id(%barrier3A)
      %dma_start3A_286 = arith.constant 0 : i32
      %dma_start3A_287 = arith.constant 0 : i32
      %dma_start3A_288 = arith.constant 0 : i32
      %dma_start3A_289 = arith.constant 0 : i32
      %dma_start3A_290 = tpu.memref_slice %arg9[%dma_start3A_288, %dma_start3A_289] : memref<4x125xi32, #tpu.memory_space<vmem>> -> memref<1x125xi32, #tpu.memory_space<vmem>>
      %dma_start3A_291 = tpu.memref_squeeze %dma_start3A_290 : memref<1x125xi32, #tpu.memory_space<vmem>> -> memref<125xi32, #tpu.memory_space<vmem>>
      %dma_start3A_292 = arith.constant 0 : i32
      %dma_start3A_293 = tpu.memref_slice %arg3[%dma_start3A_286, %arg1, %dma_start3A_287, %dma_start3A_292] : memref<2x16x80x125xi32, #tpu.memory_space<hbm>> -> memref<1x1x1x125xi32, #tpu.memory_space<hbm>>
      %dma_start3A_294 = tpu.memref_squeeze %dma_start3A_293 : memref<1x1x1x125xi32, #tpu.memory_space<hbm>> -> memref<125xi32, #tpu.memory_space<hbm>>
      %dma_start3A_295 = arith.constant 0 : i32
      %dma_start3A_296 = tpu.memref_slice %arg9[%dma_start3A_288, %dma_start3A_295] : memref<4x125xi32, #tpu.memory_space<vmem>> -> memref<1x125xi32, #tpu.memory_space<vmem>>
      %dma_start3A_297 = tpu.memref_squeeze %dma_start3A_296 : memref<1x125xi32, #tpu.memory_space<vmem>> -> memref<125xi32, #tpu.memory_space<vmem>>
      %dma_start3A_298 = arith.constant 0 : i32
      %dma_start3A_299 = tpu.memref_slice %arg3[%dma_start3A_286, %arg1, %dma_start3A_287, %dma_start3A_298] : memref<2x16x80x125xi32, #tpu.memory_space<hbm>> -> memref<1x1x1x125xi32, #tpu.memory_space<hbm>>
      %dma_start3A_300 = tpu.memref_squeeze %dma_start3A_299 : memref<1x1x1x125xi32, #tpu.memory_space<hbm>> -> memref<125xi32, #tpu.memory_space<hbm>>
      tpu.enqueue_dma source(%dma_start3A_300 : memref<125xi32, #tpu.memory_space<hbm>>) target(%dma_start3A_297 : memref<125xi32, #tpu.memory_space<vmem>>) target_semaphore(%arg18 : memref<!tpu.dma_semaphore, #tpu.memory_space<semaphore_mem>>)
      %dma_start3A_301 = arith.constant 1 : i32
      %dma_start3A_302 = arith.constant 0 : i32
      %dma_start3A_303 = arith.constant 0 : i32
      %dma_start3A_304 = arith.constant 0 : i32
      %dma_start3A_305 = tpu.memref_slice %arg10[%dma_start3A_303, %dma_start3A_304] : memref<4x125xi32, #tpu.memory_space<vmem>> -> memref<1x125xi32, #tpu.memory_space<vmem>>
      %dma_start3A_306 = tpu.memref_squeeze %dma_start3A_305 : memref<1x125xi32, #tpu.memory_space<vmem>> -> memref<125xi32, #tpu.memory_space<vmem>>
      %dma_start3A_307 = arith.constant 0 : i32
      %dma_start3A_308 = tpu.memref_slice %arg3[%dma_start3A_301, %arg1, %dma_start3A_302, %dma_start3A_307] : memref<2x16x80x125xi32, #tpu.memory_space<hbm>> -> memref<1x1x1x125xi32, #tpu.memory_space<hbm>>
      %dma_start3A_309 = tpu.memref_squeeze %dma_start3A_308 : memref<1x1x1x125xi32, #tpu.memory_space<hbm>> -> memref<125xi32, #tpu.memory_space<hbm>>
      %dma_start3A_310 = arith.constant 0 : i32
      %dma_start3A_311 = tpu.memref_slice %arg10[%dma_start3A_303, %dma_start3A_310] : memref<4x125xi32, #tpu.memory_space<vmem>> -> memref<1x125xi32, #tpu.memory_space<vmem>>
      %dma_start3A_312 = tpu.memref_squeeze %dma_start3A_311 : memref<1x125xi32, #tpu.memory_space<vmem>> -> memref<125xi32, #tpu.memory_space<vmem>>
      %dma_start3A_313 = arith.constant 0 : i32
      %dma_start3A_314 = tpu.memref_slice %arg3[%dma_start3A_301, %arg1, %dma_start3A_302, %dma_start3A_313] : memref<2x16x80x125xi32, #tpu.memory_space<hbm>> -> memref<1x1x1x125xi32, #tpu.memory_space<hbm>>
      %dma_start3A_315 = tpu.memref_squeeze %dma_start3A_314 : memref<1x1x1x125xi32, #tpu.memory_space<hbm>> -> memref<125xi32, #tpu.memory_space<hbm>>
      tpu.enqueue_dma source(%dma_start3A_315 : memref<125xi32, #tpu.memory_space<hbm>>) target(%dma_start3A_312 : memref<125xi32, #tpu.memory_space<vmem>>) target_semaphore(%arg18 : memref<!tpu.dma_semaphore, #tpu.memory_space<semaphore_mem>>)
      %dma_start3A_316 = arith.constant 0 : i32
      %dma_start3A_317 = arith.constant 1 : i32
      %dma_start3A_318 = arith.constant 1 : i32
      %dma_start3A_319 = arith.constant 0 : i32
      %dma_start3A_320 = tpu.memref_slice %arg9[%dma_start3A_318, %dma_start3A_319] : memref<4x125xi32, #tpu.memory_space<vmem>> -> memref<1x125xi32, #tpu.memory_space<vmem>>
      %dma_start3A_321 = tpu.memref_squeeze %dma_start3A_320 : memref<1x125xi32, #tpu.memory_space<vmem>> -> memref<125xi32, #tpu.memory_space<vmem>>
      %dma_start3A_322 = arith.constant 0 : i32
      %dma_start3A_323 = tpu.memref_slice %arg3[%dma_start3A_316, %arg1, %dma_start3A_317, %dma_start3A_322] : memref<2x16x80x125xi32, #tpu.memory_space<hbm>> -> memref<1x1x1x125xi32, #tpu.memory_space<hbm>>
      %dma_start3A_324 = tpu.memref_squeeze %dma_start3A_323 : memref<1x1x1x125xi32, #tpu.memory_space<hbm>> -> memref<125xi32, #tpu.memory_space<hbm>>
      %dma_start3A_325 = arith.constant 0 : i32
      %dma_start3A_326 = tpu.memref_slice %arg9[%dma_start3A_318, %dma_start3A_325] : memref<4x125xi32, #tpu.memory_space<vmem>> -> memref<1x125xi32, #tpu.memory_space<vmem>>
      %dma_start3A_327 = tpu.memref_squeeze %dma_start3A_326 : memref<1x125xi32, #tpu.memory_space<vmem>> -> memref<125xi32, #tpu.memory_space<vmem>>
      %dma_start3A_328 = arith.constant 0 : i32
      %dma_start3A_329 = tpu.memref_slice %arg3[%dma_start3A_316, %arg1, %dma_start3A_317, %dma_start3A_328] : memref<2x16x80x125xi32, #tpu.memory_space<hbm>> -> memref<1x1x1x125xi32, #tpu.memory_space<hbm>>
      %dma_start3A_330 = tpu.memref_squeeze %dma_start3A_329 : memref<1x1x1x125xi32, #tpu.memory_space<hbm>> -> memref<125xi32, #tpu.memory_space<hbm>>
      tpu.enqueue_dma source(%dma_start3A_330 : memref<125xi32, #tpu.memory_space<hbm>>) target(%dma_start3A_327 : memref<125xi32, #tpu.memory_space<vmem>>) target_semaphore(%arg19 : memref<!tpu.dma_semaphore, #tpu.memory_space<semaphore_mem>>)
      %dma_start3A_331 = arith.constant 1 : i32
      %dma_start3A_332 = arith.constant 1 : i32
      %dma_start3A_333 = arith.constant 1 : i32
      %dma_start3A_334 = arith.constant 0 : i32
      %dma_start3A_335 = tpu.memref_slice %arg10[%dma_start3A_333, %dma_start3A_334] : memref<4x125xi32, #tpu.memory_space<vmem>> -> memref<1x125xi32, #tpu.memory_space<vmem>>
      %dma_start3A_336 = tpu.memref_squeeze %dma_start3A_335 : memref<1x125xi32, #tpu.memory_space<vmem>> -> memref<125xi32, #tpu.memory_space<vmem>>
      %dma_start3A_337 = arith.constant 0 : i32
      %dma_start3A_338 = tpu.memref_slice %arg3[%dma_start3A_331, %arg1, %dma_start3A_332, %dma_start3A_337] : memref<2x16x80x125xi32, #tpu.memory_space<hbm>> -> memref<1x1x1x125xi32, #tpu.memory_space<hbm>>
      %dma_start3A_339 = tpu.memref_squeeze %dma_start3A_338 : memref<1x1x1x125xi32, #tpu.memory_space<hbm>> -> memref<125xi32, #tpu.memory_space<hbm>>
      %dma_start3A_340 = arith.constant 0 : i32
      %dma_start3A_341 = tpu.memref_slice %arg10[%dma_start3A_333, %dma_start3A_340] : memref<4x125xi32, #tpu.memory_space<vmem>> -> memref<1x125xi32, #tpu.memory_space<vmem>>
      %dma_start3A_342 = tpu.memref_squeeze %dma_start3A_341 : memref<1x125xi32, #tpu.memory_space<vmem>> -> memref<125xi32, #tpu.memory_space<vmem>>
      %dma_start3A_343 = arith.constant 0 : i32
      %dma_start3A_344 = tpu.memref_slice %arg3[%dma_start3A_331, %arg1, %dma_start3A_332, %dma_start3A_343] : memref<2x16x80x125xi32, #tpu.memory_space<hbm>> -> memref<1x1x1x125xi32, #tpu.memory_space<hbm>>
      %dma_start3A_345 = tpu.memref_squeeze %dma_start3A_344 : memref<1x1x1x125xi32, #tpu.memory_space<hbm>> -> memref<125xi32, #tpu.memory_space<hbm>>
      tpu.enqueue_dma source(%dma_start3A_345 : memref<125xi32, #tpu.memory_space<hbm>>) target(%dma_start3A_342 : memref<125xi32, #tpu.memory_space<vmem>>) target_semaphore(%arg19 : memref<!tpu.dma_semaphore, #tpu.memory_space<semaphore_mem>>)
      %dma_start3A_346 = arith.constant 0 : i32
      %dma_start3A_347 = arith.constant 2 : i32
      %dma_start3A_348 = arith.constant 2 : i32
      %dma_start3A_349 = arith.constant 0 : i32
      %dma_start3A_350 = tpu.memref_slice %arg9[%dma_start3A_348, %dma_start3A_349] : memref<4x125xi32, #tpu.memory_space<vmem>> -> memref<1x125xi32, #tpu.memory_space<vmem>>
      %dma_start3A_351 = tpu.memref_squeeze %dma_start3A_350 : memref<1x125xi32, #tpu.memory_space<vmem>> -> memref<125xi32, #tpu.memory_space<vmem>>
      %dma_start3A_352 = arith.constant 0 : i32
      %dma_start3A_353 = tpu.memref_slice %arg3[%dma_start3A_346, %arg1, %dma_start3A_347, %dma_start3A_352] : memref<2x16x80x125xi32, #tpu.memory_space<hbm>> -> memref<1x1x1x125xi32, #tpu.memory_space<hbm>>
      %dma_start3A_354 = tpu.memref_squeeze %dma_start3A_353 : memref<1x1x1x125xi32, #tpu.memory_space<hbm>> -> memref<125xi32, #tpu.memory_space<hbm>>
      %dma_start3A_355 = arith.constant 0 : i32
      %dma_start3A_356 = tpu.memref_slice %arg9[%dma_start3A_348, %dma_start3A_355] : memref<4x125xi32, #tpu.memory_space<vmem>> -> memref<1x125xi32, #tpu.memory_space<vmem>>
      %dma_start3A_357 = tpu.memref_squeeze %dma_start3A_356 : memref<1x125xi32, #tpu.memory_space<vmem>> -> memref<125xi32, #tpu.memory_space<vmem>>
      %dma_start3A_358 = arith.constant 0 : i32
      %dma_start3A_359 = tpu.memref_slice %arg3[%dma_start3A_346, %arg1, %dma_start3A_347, %dma_start3A_358] : memref<2x16x80x125xi32, #tpu.memory_space<hbm>> -> memref<1x1x1x125xi32, #tpu.memory_space<hbm>>
      %dma_start3A_360 = tpu.memref_squeeze %dma_start3A_359 : memref<1x1x1x125xi32, #tpu.memory_space<hbm>> -> memref<125xi32, #tpu.memory_space<hbm>>
      tpu.enqueue_dma source(%dma_start3A_360 : memref<125xi32, #tpu.memory_space<hbm>>) target(%dma_start3A_357 : memref<125xi32, #tpu.memory_space<vmem>>) target_semaphore(%arg20 : memref<!tpu.dma_semaphore, #tpu.memory_space<semaphore_mem>>)
      %dma_start3A_361 = arith.constant 1 : i32
      %dma_start3A_362 = arith.constant 2 : i32
      %dma_start3A_363 = arith.constant 2 : i32
      %dma_start3A_364 = arith.constant 0 : i32
      %dma_start3A_365 = tpu.memref_slice %arg10[%dma_start3A_363, %dma_start3A_364] : memref<4x125xi32, #tpu.memory_space<vmem>> -> memref<1x125xi32, #tpu.memory_space<vmem>>
      %dma_start3A_366 = tpu.memref_squeeze %dma_start3A_365 : memref<1x125xi32, #tpu.memory_space<vmem>> -> memref<125xi32, #tpu.memory_space<vmem>>
      %dma_start3A_367 = arith.constant 0 : i32
      %dma_start3A_368 = tpu.memref_slice %arg3[%dma_start3A_361, %arg1, %dma_start3A_362, %dma_start3A_367] : memref<2x16x80x125xi32, #tpu.memory_space<hbm>> -> memref<1x1x1x125xi32, #tpu.memory_space<hbm>>
      %dma_start3A_369 = tpu.memref_squeeze %dma_start3A_368 : memref<1x1x1x125xi32, #tpu.memory_space<hbm>> -> memref<125xi32, #tpu.memory_space<hbm>>
      %dma_start3A_370 = arith.constant 0 : i32
      %dma_start3A_371 = tpu.memref_slice %arg10[%dma_start3A_363, %dma_start3A_370] : memref<4x125xi32, #tpu.memory_space<vmem>> -> memref<1x125xi32, #tpu.memory_space<vmem>>
      %dma_start3A_372 = tpu.memref_squeeze %dma_start3A_371 : memref<1x125xi32, #tpu.memory_space<vmem>> -> memref<125xi32, #tpu.memory_space<vmem>>
      %dma_start3A_373 = arith.constant 0 : i32
      %dma_start3A_374 = tpu.memref_slice %arg3[%dma_start3A_361, %arg1, %dma_start3A_362, %dma_start3A_373] : memref<2x16x80x125xi32, #tpu.memory_space<hbm>> -> memref<1x1x1x125xi32, #tpu.memory_space<hbm>>
      %dma_start3A_375 = tpu.memref_squeeze %dma_start3A_374 : memref<1x1x1x125xi32, #tpu.memory_space<hbm>> -> memref<125xi32, #tpu.memory_space<hbm>>
      tpu.enqueue_dma source(%dma_start3A_375 : memref<125xi32, #tpu.memory_space<hbm>>) target(%dma_start3A_372 : memref<125xi32, #tpu.memory_space<vmem>>) target_semaphore(%arg20 : memref<!tpu.dma_semaphore, #tpu.memory_space<semaphore_mem>>)
      %dma_start3A_376 = arith.constant 0 : i32
      %dma_start3A_377 = arith.constant 3 : i32
      %dma_start3A_378 = arith.constant 3 : i32
      %dma_start3A_379 = arith.constant 0 : i32
      %dma_start3A_380 = tpu.memref_slice %arg9[%dma_start3A_378, %dma_start3A_379] : memref<4x125xi32, #tpu.memory_space<vmem>> -> memref<1x125xi32, #tpu.memory_space<vmem>>
      %dma_start3A_381 = tpu.memref_squeeze %dma_start3A_380 : memref<1x125xi32, #tpu.memory_space<vmem>> -> memref<125xi32, #tpu.memory_space<vmem>>
      %dma_start3A_382 = arith.constant 0 : i32
      %dma_start3A_383 = tpu.memref_slice %arg3[%dma_start3A_376, %arg1, %dma_start3A_377, %dma_start3A_382] : memref<2x16x80x125xi32, #tpu.memory_space<hbm>> -> memref<1x1x1x125xi32, #tpu.memory_space<hbm>>
      %dma_start3A_384 = tpu.memref_squeeze %dma_start3A_383 : memref<1x1x1x125xi32, #tpu.memory_space<hbm>> -> memref<125xi32, #tpu.memory_space<hbm>>
      %dma_start3A_385 = arith.constant 0 : i32
      %dma_start3A_386 = tpu.memref_slice %arg9[%dma_start3A_378, %dma_start3A_385] : memref<4x125xi32, #tpu.memory_space<vmem>> -> memref<1x125xi32, #tpu.memory_space<vmem>>
      %dma_start3A_387 = tpu.memref_squeeze %dma_start3A_386 : memref<1x125xi32, #tpu.memory_space<vmem>> -> memref<125xi32, #tpu.memory_space<vmem>>
      %dma_start3A_388 = arith.constant 0 : i32
      %dma_start3A_389 = tpu.memref_slice %arg3[%dma_start3A_376, %arg1, %dma_start3A_377, %dma_start3A_388] : memref<2x16x80x125xi32, #tpu.memory_space<hbm>> -> memref<1x1x1x125xi32, #tpu.memory_space<hbm>>
      %dma_start3A_390 = tpu.memref_squeeze %dma_start3A_389 : memref<1x1x1x125xi32, #tpu.memory_space<hbm>> -> memref<125xi32, #tpu.memory_space<hbm>>
      tpu.enqueue_dma source(%dma_start3A_390 : memref<125xi32, #tpu.memory_space<hbm>>) target(%dma_start3A_387 : memref<125xi32, #tpu.memory_space<vmem>>) target_semaphore(%arg21 : memref<!tpu.dma_semaphore, #tpu.memory_space<semaphore_mem>>)
      %dma_start3A_391 = arith.constant 1 : i32
      %dma_start3A_392 = arith.constant 3 : i32
      %dma_start3A_393 = arith.constant 3 : i32
      %dma_start3A_394 = arith.constant 0 : i32
      %dma_start3A_395 = tpu.memref_slice %arg10[%dma_start3A_393, %dma_start3A_394] : memref<4x125xi32, #tpu.memory_space<vmem>> -> memref<1x125xi32, #tpu.memory_space<vmem>>
      %dma_start3A_396 = tpu.memref_squeeze %dma_start3A_395 : memref<1x125xi32, #tpu.memory_space<vmem>> -> memref<125xi32, #tpu.memory_space<vmem>>
      %dma_start3A_397 = arith.constant 0 : i32
      %dma_start3A_398 = tpu.memref_slice %arg3[%dma_start3A_391, %arg1, %dma_start3A_392, %dma_start3A_397] : memref<2x16x80x125xi32, #tpu.memory_space<hbm>> -> memref<1x1x1x125xi32, #tpu.memory_space<hbm>>
      %dma_start3A_399 = tpu.memref_squeeze %dma_start3A_398 : memref<1x1x1x125xi32, #tpu.memory_space<hbm>> -> memref<125xi32, #tpu.memory_space<hbm>>
      %dma_start3A_400 = arith.constant 0 : i32
      %dma_start3A_401 = tpu.memref_slice %arg10[%dma_start3A_393, %dma_start3A_400] : memref<4x125xi32, #tpu.memory_space<vmem>> -> memref<1x125xi32, #tpu.memory_space<vmem>>
      %dma_start3A_402 = tpu.memref_squeeze %dma_start3A_401 : memref<1x125xi32, #tpu.memory_space<vmem>> -> memref<125xi32, #tpu.memory_space<vmem>>
      %dma_start3A_403 = arith.constant 0 : i32
      %dma_start3A_404 = tpu.memref_slice %arg3[%dma_start3A_391, %arg1, %dma_start3A_392, %dma_start3A_403] : memref<2x16x80x125xi32, #tpu.memory_space<hbm>> -> memref<1x1x1x125xi32, #tpu.memory_space<hbm>>
      %dma_start3A_405 = tpu.memref_squeeze %dma_start3A_404 : memref<1x1x1x125xi32, #tpu.memory_space<hbm>> -> memref<125xi32, #tpu.memory_space<hbm>>
      tpu.enqueue_dma source(%dma_start3A_405 : memref<125xi32, #tpu.memory_space<hbm>>) target(%dma_start3A_402 : memref<125xi32, #tpu.memory_space<vmem>>) target_semaphore(%arg21 : memref<!tpu.dma_semaphore, #tpu.memory_space<semaphore_mem>>)
      %dma_wait3A_406 = arith.constant 0 : i32
      %dma_wait3A_407 = arith.constant 0 : i32
      %dma_wait3A_408 = arith.constant 0 : i32
      %dma_wait3A_409 = arith.constant 0 : i32
      %dma_wait3A_410 = tpu.memref_slice %arg9[%dma_wait3A_408, %dma_wait3A_409] : memref<4x125xi32, #tpu.memory_space<vmem>> -> memref<1x125xi32, #tpu.memory_space<vmem>>
      %dma_wait3A_411 = tpu.memref_squeeze %dma_wait3A_410 : memref<1x125xi32, #tpu.memory_space<vmem>> -> memref<125xi32, #tpu.memory_space<vmem>>
      %dma_wait3A_412 = arith.constant 0 : i32
      %dma_wait3A_413 = tpu.memref_slice %arg3[%dma_wait3A_406, %arg1, %dma_wait3A_407, %dma_wait3A_412] : memref<2x16x80x125xi32, #tpu.memory_space<hbm>> -> memref<1x1x1x125xi32, #tpu.memory_space<hbm>>
      %dma_wait3A_414 = tpu.memref_squeeze %dma_wait3A_413 : memref<1x1x1x125xi32, #tpu.memory_space<hbm>> -> memref<125xi32, #tpu.memory_space<hbm>>
      %dma_wait3A_415 = arith.constant 0 : i32
      %dma_wait3A_416 = tpu.memref_slice %arg9[%dma_wait3A_408, %dma_wait3A_415] : memref<4x125xi32, #tpu.memory_space<vmem>> -> memref<1x125xi32, #tpu.memory_space<vmem>>
      %dma_wait3A_417 = tpu.memref_squeeze %dma_wait3A_416 : memref<1x125xi32, #tpu.memory_space<vmem>> -> memref<125xi32, #tpu.memory_space<vmem>>
      %dma_wait3A_418 = arith.constant 0 : i32
      %dma_wait3A_419 = tpu.memref_slice %arg3[%dma_wait3A_406, %arg1, %dma_wait3A_407, %dma_wait3A_418] : memref<2x16x80x125xi32, #tpu.memory_space<hbm>> -> memref<1x1x1x125xi32, #tpu.memory_space<hbm>>
      %dma_wait3A_420 = tpu.memref_squeeze %dma_wait3A_419 : memref<1x1x1x125xi32, #tpu.memory_space<hbm>> -> memref<125xi32, #tpu.memory_space<hbm>>
      tpu.wait_dma2 semaphore(%arg18 : memref<!tpu.dma_semaphore, #tpu.memory_space<semaphore_mem>>) src(%dma_wait3A_420 : memref<125xi32, #tpu.memory_space<hbm>>) dst(%dma_wait3A_417 : memref<125xi32, #tpu.memory_space<vmem>>)
      %dma_wait3A_421 = arith.constant 1 : i32
      %dma_wait3A_422 = arith.constant 0 : i32
      %dma_wait3A_423 = arith.constant 0 : i32
      %dma_wait3A_424 = arith.constant 0 : i32
      %dma_wait3A_425 = tpu.memref_slice %arg10[%dma_wait3A_423, %dma_wait3A_424] : memref<4x125xi32, #tpu.memory_space<vmem>> -> memref<1x125xi32, #tpu.memory_space<vmem>>
      %dma_wait3A_426 = tpu.memref_squeeze %dma_wait3A_425 : memref<1x125xi32, #tpu.memory_space<vmem>> -> memref<125xi32, #tpu.memory_space<vmem>>
      %dma_wait3A_427 = arith.constant 0 : i32
      %dma_wait3A_428 = tpu.memref_slice %arg3[%dma_wait3A_421, %arg1, %dma_wait3A_422, %dma_wait3A_427] : memref<2x16x80x125xi32, #tpu.memory_space<hbm>> -> memref<1x1x1x125xi32, #tpu.memory_space<hbm>>
      %dma_wait3A_429 = tpu.memref_squeeze %dma_wait3A_428 : memref<1x1x1x125xi32, #tpu.memory_space<hbm>> -> memref<125xi32, #tpu.memory_space<hbm>>
      %dma_wait3A_430 = arith.constant 0 : i32
      %dma_wait3A_431 = tpu.memref_slice %arg10[%dma_wait3A_423, %dma_wait3A_430] : memref<4x125xi32, #tpu.memory_space<vmem>> -> memref<1x125xi32, #tpu.memory_space<vmem>>
      %dma_wait3A_432 = tpu.memref_squeeze %dma_wait3A_431 : memref<1x125xi32, #tpu.memory_space<vmem>> -> memref<125xi32, #tpu.memory_space<vmem>>
      %dma_wait3A_433 = arith.constant 0 : i32
      %dma_wait3A_434 = tpu.memref_slice %arg3[%dma_wait3A_421, %arg1, %dma_wait3A_422, %dma_wait3A_433] : memref<2x16x80x125xi32, #tpu.memory_space<hbm>> -> memref<1x1x1x125xi32, #tpu.memory_space<hbm>>
      %dma_wait3A_435 = tpu.memref_squeeze %dma_wait3A_434 : memref<1x1x1x125xi32, #tpu.memory_space<hbm>> -> memref<125xi32, #tpu.memory_space<hbm>>
      tpu.wait_dma2 semaphore(%arg18 : memref<!tpu.dma_semaphore, #tpu.memory_space<semaphore_mem>>) src(%dma_wait3A_435 : memref<125xi32, #tpu.memory_space<hbm>>) dst(%dma_wait3A_432 : memref<125xi32, #tpu.memory_space<vmem>>)
      %dma_start3A_436 = arith.constant 0 : i32
      %dma_start3A_437 = arith.constant 0 : i32
      %dma_start3A_438 = tpu.memref_slice %arg9[%dma_start3A_436, %dma_start3A_437] : memref<4x125xi32, #tpu.memory_space<vmem>> -> memref<1x125xi32, #tpu.memory_space<vmem>>
      %dma_start3A_439 = tpu.memref_squeeze %dma_start3A_438 : memref<1x125xi32, #tpu.memory_space<vmem>> -> memref<125xi32, #tpu.memory_space<vmem>>
      %dma_start3A_440 = arith.constant 0 : i32
      %dma_start3A_441 = arith.constant 0 : i32
      %dma_start3A_442 = tpu.memref_slice %arg2[%dma_start3A_440, %dma_start3A_441] : memref<10000x128xf32, #tpu.memory_space<hbm>> -> memref<10000x128xf32, #tpu.memory_space<hbm>>
      tpu.enqueue_indirect_dma source(%dma_start3A_442 : memref<10000x128xf32, #tpu.memory_space<hbm>>) target(%arg11 : memref<125x128xf32, #tpu.memory_space<vmem>>) offsets(%dma_start3A_439 : memref<125xi32, #tpu.memory_space<vmem>>) semaphore(%arg22 : memref<!tpu.dma_semaphore, #tpu.memory_space<semaphore_mem>>)
      %dma_wait3A_443 = arith.constant 0 : i32
      %dma_wait3A_444 = arith.constant 1 : i32
      %dma_wait3A_445 = arith.constant 1 : i32
      %dma_wait3A_446 = arith.constant 0 : i32
      %dma_wait3A_447 = tpu.memref_slice %arg9[%dma_wait3A_445, %dma_wait3A_446] : memref<4x125xi32, #tpu.memory_space<vmem>> -> memref<1x125xi32, #tpu.memory_space<vmem>>
      %dma_wait3A_448 = tpu.memref_squeeze %dma_wait3A_447 : memref<1x125xi32, #tpu.memory_space<vmem>> -> memref<125xi32, #tpu.memory_space<vmem>>
      %dma_wait3A_449 = arith.constant 0 : i32
      %dma_wait3A_450 = tpu.memref_slice %arg3[%dma_wait3A_443, %arg1, %dma_wait3A_444, %dma_wait3A_449] : memref<2x16x80x125xi32, #tpu.memory_space<hbm>> -> memref<1x1x1x125xi32, #tpu.memory_space<hbm>>
      %dma_wait3A_451 = tpu.memref_squeeze %dma_wait3A_450 : memref<1x1x1x125xi32, #tpu.memory_space<hbm>> -> memref<125xi32, #tpu.memory_space<hbm>>
      %dma_wait3A_452 = arith.constant 0 : i32
      %dma_wait3A_453 = tpu.memref_slice %arg9[%dma_wait3A_445, %dma_wait3A_452] : memref<4x125xi32, #tpu.memory_space<vmem>> -> memref<1x125xi32, #tpu.memory_space<vmem>>
      %dma_wait3A_454 = tpu.memref_squeeze %dma_wait3A_453 : memref<1x125xi32, #tpu.memory_space<vmem>> -> memref<125xi32, #tpu.memory_space<vmem>>
      %dma_wait3A_455 = arith.constant 0 : i32
      %dma_wait3A_456 = tpu.memref_slice %arg3[%dma_wait3A_443, %arg1, %dma_wait3A_444, %dma_wait3A_455] : memref<2x16x80x125xi32, #tpu.memory_space<hbm>> -> memref<1x1x1x125xi32, #tpu.memory_space<hbm>>
      %dma_wait3A_457 = tpu.memref_squeeze %dma_wait3A_456 : memref<1x1x1x125xi32, #tpu.memory_space<hbm>> -> memref<125xi32, #tpu.memory_space<hbm>>
      tpu.wait_dma2 semaphore(%arg19 : memref<!tpu.dma_semaphore, #tpu.memory_space<semaphore_mem>>) src(%dma_wait3A_457 : memref<125xi32, #tpu.memory_space<hbm>>) dst(%dma_wait3A_454 : memref<125xi32, #tpu.memory_space<vmem>>)
      %dma_wait3A_458 = arith.constant 1 : i32
      %dma_wait3A_459 = arith.constant 1 : i32
      %dma_wait3A_460 = arith.constant 1 : i32
      %dma_wait3A_461 = arith.constant 0 : i32
      %dma_wait3A_462 = tpu.memref_slice %arg10[%dma_wait3A_460, %dma_wait3A_461] : memref<4x125xi32, #tpu.memory_space<vmem>> -> memref<1x125xi32, #tpu.memory_space<vmem>>
      %dma_wait3A_463 = tpu.memref_squeeze %dma_wait3A_462 : memref<1x125xi32, #tpu.memory_space<vmem>> -> memref<125xi32, #tpu.memory_space<vmem>>
      %dma_wait3A_464 = arith.constant 0 : i32
      %dma_wait3A_465 = tpu.memref_slice %arg3[%dma_wait3A_458, %arg1, %dma_wait3A_459, %dma_wait3A_464] : memref<2x16x80x125xi32, #tpu.memory_space<hbm>> -> memref<1x1x1x125xi32, #tpu.memory_space<hbm>>
      %dma_wait3A_466 = tpu.memref_squeeze %dma_wait3A_465 : memref<1x1x1x125xi32, #tpu.memory_space<hbm>> -> memref<125xi32, #tpu.memory_space<hbm>>
      %dma_wait3A_467 = arith.constant 0 : i32
      %dma_wait3A_468 = tpu.memref_slice %arg10[%dma_wait3A_460, %dma_wait3A_467] : memref<4x125xi32, #tpu.memory_space<vmem>> -> memref<1x125xi32, #tpu.memory_space<vmem>>
      %dma_wait3A_469 = tpu.memref_squeeze %dma_wait3A_468 : memref<1x125xi32, #tpu.memory_space<vmem>> -> memref<125xi32, #tpu.memory_space<vmem>>
      %dma_wait3A_470 = arith.constant 0 : i32
      %dma_wait3A_471 = tpu.memref_slice %arg3[%dma_wait3A_458, %arg1, %dma_wait3A_459, %dma_wait3A_470] : memref<2x16x80x125xi32, #tpu.memory_space<hbm>> -> memref<1x1x1x125xi32, #tpu.memory_space<hbm>>
      %dma_wait3A_472 = tpu.memref_squeeze %dma_wait3A_471 : memref<1x1x1x125xi32, #tpu.memory_space<hbm>> -> memref<125xi32, #tpu.memory_space<hbm>>
      tpu.wait_dma2 semaphore(%arg19 : memref<!tpu.dma_semaphore, #tpu.memory_space<semaphore_mem>>) src(%dma_wait3A_472 : memref<125xi32, #tpu.memory_space<hbm>>) dst(%dma_wait3A_469 : memref<125xi32, #tpu.memory_space<vmem>>)
      %dma_start3A_473 = arith.constant 1 : i32
      %dma_start3A_474 = arith.constant 0 : i32
      %dma_start3A_475 = tpu.memref_slice %arg9[%dma_start3A_473, %dma_start3A_474] : memref<4x125xi32, #tpu.memory_space<vmem>> -> memref<1x125xi32, #tpu.memory_space<vmem>>
      %dma_start3A_476 = tpu.memref_squeeze %dma_start3A_475 : memref<1x125xi32, #tpu.memory_space<vmem>> -> memref<125xi32, #tpu.memory_space<vmem>>
      %dma_start3A_477 = arith.constant 0 : i32
      %dma_start3A_478 = arith.constant 0 : i32
      %dma_start3A_479 = tpu.memref_slice %arg2[%dma_start3A_477, %dma_start3A_478] : memref<10000x128xf32, #tpu.memory_space<hbm>> -> memref<10000x128xf32, #tpu.memory_space<hbm>>
      tpu.enqueue_indirect_dma source(%dma_start3A_479 : memref<10000x128xf32, #tpu.memory_space<hbm>>) target(%arg12 : memref<125x128xf32, #tpu.memory_space<vmem>>) offsets(%dma_start3A_476 : memref<125xi32, #tpu.memory_space<vmem>>) semaphore(%arg23 : memref<!tpu.dma_semaphore, #tpu.memory_space<semaphore_mem>>)
      %scan3A_480 = arith.constant 0 : i32
      %scan3A_481 = arith.constant 0 : i32
      %scan3A_482 = arith.constant 20 : i32
      %scan3A_483 = arith.addi %scan3A_481, %scan3A_482 : i32
      %scan3A_484 = arith.constant 1 : i32
      %scan3A_485 = scf.for %scan3A_740 = %scan3A_481 to %scan3A_483 step %scan3A_484 iter_args(%scan3A_741 = %scan3A_480) -> (i32)  : i32 {
        %mul3A_742 = arith.constant 4 : i32
        %mul3A_743 = arith.muli %scan3A_740, %mul3A_742 : i32
        %add3A_744 = arith.constant 0 : i32
        %add3A_745 = arith.addi %mul3A_743, %add3A_744 : i32
        %dma_wait3A_746 = arith.constant 0 : i32
        %dma_wait3A_747 = arith.constant 0 : i32
        %dma_wait3A_748 = tpu.memref_slice %arg9[%dma_wait3A_746, %dma_wait3A_747] : memref<4x125xi32, #tpu.memory_space<vmem>> -> memref<1x125xi32, #tpu.memory_space<vmem>>
        %dma_wait3A_749 = tpu.memref_squeeze %dma_wait3A_748 : memref<1x125xi32, #tpu.memory_space<vmem>> -> memref<125xi32, #tpu.memory_space<vmem>>
        %dma_wait3A_750 = arith.constant 0 : i32
        %dma_wait3A_751 = arith.constant 0 : i32
        %dma_wait3A_752 = tpu.memref_slice %arg2[%dma_wait3A_750, %dma_wait3A_751] : memref<10000x128xf32, #tpu.memory_space<hbm>> -> memref<10000x128xf32, #tpu.memory_space<hbm>>
        tpu.wait_indirect_dma semaphore(%arg22 : memref<!tpu.dma_semaphore, #tpu.memory_space<semaphore_mem>>) src(%dma_wait3A_752 : memref<10000x128xf32, #tpu.memory_space<hbm>>) dst(%arg11 : memref<125x128xf32, #tpu.memory_space<vmem>>)
        %dma_start3A_753 = arith.constant 0 : i32
        %dma_start3A_754 = arith.constant 0 : i32
        %dma_start3A_755 = tpu.memref_slice %arg10[%dma_start3A_753, %dma_start3A_754] : memref<4x125xi32, #tpu.memory_space<vmem>> -> memref<1x125xi32, #tpu.memory_space<vmem>>
        %dma_start3A_756 = tpu.memref_squeeze %dma_start3A_755 : memref<1x125xi32, #tpu.memory_space<vmem>> -> memref<125xi32, #tpu.memory_space<vmem>>
        %dma_start3A_757 = arith.constant 0 : i32
        %dma_start3A_758 = arith.constant 0 : i32
        %dma_start3A_759 = tpu.memref_slice %arg16[%dma_start3A_757, %dma_start3A_758] : memref<10000x128xf32, #tpu.memory_space<vmem_shared>> -> memref<10000x128xf32, #tpu.memory_space<vmem_shared>>
        tpu.enqueue_indirect_dma source(%arg11 : memref<125x128xf32, #tpu.memory_space<vmem>>) target(%dma_start3A_759 : memref<10000x128xf32, #tpu.memory_space<vmem_shared>>) offsets(%dma_start3A_756 : memref<125xi32, #tpu.memory_space<vmem>>) semaphore(%arg24 : memref<!tpu.dma_semaphore, #tpu.memory_space<semaphore_mem>>) {add = true}
        %dma_start3A_760 = arith.constant 0 : i32
        %dma_start3A_761 = arith.constant 0 : i32
        %dma_start3A_762 = tpu.memref_slice %arg10[%dma_start3A_760, %dma_start3A_761] : memref<4x125xi32, #tpu.memory_space<vmem>> -> memref<1x125xi32, #tpu.memory_space<vmem>>
        %dma_start3A_763 = tpu.memref_squeeze %dma_start3A_762 : memref<1x125xi32, #tpu.memory_space<vmem>> -> memref<125xi32, #tpu.memory_space<vmem>>
        %dma_start3A_764 = arith.constant 0 : i32
        %dma_start3A_765 = tpu.memref_slice %arg17[%dma_start3A_764] : memref<10000xf32, #tpu.memory_space<vmem_shared>> -> memref<10000xf32, #tpu.memory_space<vmem_shared>>
        tpu.enqueue_indirect_dma source(%arg13 : memref<125xf32, #tpu.memory_space<vmem>>) target(%dma_start3A_765 : memref<10000xf32, #tpu.memory_space<vmem_shared>>) offsets(%dma_start3A_763 : memref<125xi32, #tpu.memory_space<vmem>>) semaphore(%arg26 : memref<!tpu.dma_semaphore, #tpu.memory_space<semaphore_mem>>) {add = true}
        %add3A_766 = arith.constant 2 : i32
        %add3A_767 = arith.addi %add3A_745, %add3A_766 : i32
        %lt3A_768 = arith.constant 80 : i32
        %lt3A_769 = arith.cmpi slt, %add3A_767, %lt3A_768 : i32
        %convert_element_type3A_770 = arith.extui %lt3A_769 : i1 to i32
        %cond3A_771 = arith.constant 0 : i32
        %cond3A_772 = arith.cmpi ne, %convert_element_type3A_770, %cond3A_771 : i32
        scf.if %cond3A_772 {
          %add3A_975 = arith.constant 2 : i32
          %add3A_976 = arith.addi %add3A_745, %add3A_975 : i32
          %dma_wait3A_977 = arith.constant 0 : i32
          %dma_wait3A_978 = arith.constant 2 : i32
          %dma_wait3A_979 = arith.constant 0 : i32
          %dma_wait3A_980 = tpu.memref_slice %arg9[%dma_wait3A_978, %dma_wait3A_979] : memref<4x125xi32, #tpu.memory_space<vmem>> -> memref<1x125xi32, #tpu.memory_space<vmem>>
          %dma_wait3A_981 = tpu.memref_squeeze %dma_wait3A_980 : memref<1x125xi32, #tpu.memory_space<vmem>> -> memref<125xi32, #tpu.memory_space<vmem>>
          %dma_wait3A_982 = arith.constant 0 : i32
          %dma_wait3A_983 = tpu.memref_slice %arg3[%dma_wait3A_977, %arg1, %add3A_976, %dma_wait3A_982] : memref<2x16x80x125xi32, #tpu.memory_space<hbm>> -> memref<1x1x1x125xi32, #tpu.memory_space<hbm>>
          %dma_wait3A_984 = tpu.memref_squeeze %dma_wait3A_983 : memref<1x1x1x125xi32, #tpu.memory_space<hbm>> -> memref<125xi32, #tpu.memory_space<hbm>>
          %dma_wait3A_985 = arith.constant 0 : i32
          %dma_wait3A_986 = tpu.memref_slice %arg9[%dma_wait3A_978, %dma_wait3A_985] : memref<4x125xi32, #tpu.memory_space<vmem>> -> memref<1x125xi32, #tpu.memory_space<vmem>>
          %dma_wait3A_987 = tpu.memref_squeeze %dma_wait3A_986 : memref<1x125xi32, #tpu.memory_space<vmem>> -> memref<125xi32, #tpu.memory_space<vmem>>
          %dma_wait3A_988 = arith.constant 0 : i32
          %dma_wait3A_989 = tpu.memref_slice %arg3[%dma_wait3A_977, %arg1, %add3A_976, %dma_wait3A_988] : memref<2x16x80x125xi32, #tpu.memory_space<hbm>> -> memref<1x1x1x125xi32, #tpu.memory_space<hbm>>
          %dma_wait3A_990 = tpu.memref_squeeze %dma_wait3A_989 : memref<1x1x1x125xi32, #tpu.memory_space<hbm>> -> memref<125xi32, #tpu.memory_space<hbm>>
          tpu.wait_dma2 semaphore(%arg20 : memref<!tpu.dma_semaphore, #tpu.memory_space<semaphore_mem>>) src(%dma_wait3A_990 : memref<125xi32, #tpu.memory_space<hbm>>) dst(%dma_wait3A_987 : memref<125xi32, #tpu.memory_space<vmem>>)
          %dma_wait3A_991 = arith.constant 1 : i32
          %dma_wait3A_992 = arith.constant 2 : i32
          %dma_wait3A_993 = arith.constant 0 : i32
          %dma_wait3A_994 = tpu.memref_slice %arg10[%dma_wait3A_992, %dma_wait3A_993] : memref<4x125xi32, #tpu.memory_space<vmem>> -> memref<1x125xi32, #tpu.memory_space<vmem>>
          %dma_wait3A_995 = tpu.memref_squeeze %dma_wait3A_994 : memref<1x125xi32, #tpu.memory_space<vmem>> -> memref<125xi32, #tpu.memory_space<vmem>>
          %dma_wait3A_996 = arith.constant 0 : i32
          %dma_wait3A_997 = tpu.memref_slice %arg3[%dma_wait3A_991, %arg1, %add3A_976, %dma_wait3A_996] : memref<2x16x80x125xi32, #tpu.memory_space<hbm>> -> memref<1x1x1x125xi32, #tpu.memory_space<hbm>>
          %dma_wait3A_998 = tpu.memref_squeeze %dma_wait3A_997 : memref<1x1x1x125xi32, #tpu.memory_space<hbm>> -> memref<125xi32, #tpu.memory_space<hbm>>
          %dma_wait3A_999 = arith.constant 0 : i32
          %dma_wait3A_1000 = tpu.memref_slice %arg10[%dma_wait3A_992, %dma_wait3A_999] : memref<4x125xi32, #tpu.memory_space<vmem>> -> memref<1x125xi32, #tpu.memory_space<vmem>>
          %dma_wait3A_1001 = tpu.memref_squeeze %dma_wait3A_1000 : memref<1x125xi32, #tpu.memory_space<vmem>> -> memref<125xi32, #tpu.memory_space<vmem>>
          %dma_wait3A_1002 = arith.constant 0 : i32
          %dma_wait3A_1003 = tpu.memref_slice %arg3[%dma_wait3A_991, %arg1, %add3A_976, %dma_wait3A_1002] : memref<2x16x80x125xi32, #tpu.memory_space<hbm>> -> memref<1x1x1x125xi32, #tpu.memory_space<hbm>>
          %dma_wait3A_1004 = tpu.memref_squeeze %dma_wait3A_1003 : memref<1x1x1x125xi32, #tpu.memory_space<hbm>> -> memref<125xi32, #tpu.memory_space<hbm>>
          tpu.wait_dma2 semaphore(%arg20 : memref<!tpu.dma_semaphore, #tpu.memory_space<semaphore_mem>>) src(%dma_wait3A_1004 : memref<125xi32, #tpu.memory_space<hbm>>) dst(%dma_wait3A_1001 : memref<125xi32, #tpu.memory_space<vmem>>)
        } else {
        }
        %dma_wait3A_773 = arith.constant 0 : i32
        %dma_wait3A_774 = arith.constant 0 : i32
        %dma_wait3A_775 = tpu.memref_slice %arg10[%dma_wait3A_773, %dma_wait3A_774] : memref<4x125xi32, #tpu.memory_space<vmem>> -> memref<1x125xi32, #tpu.memory_space<vmem>>
        %dma_wait3A_776 = tpu.memref_squeeze %dma_wait3A_775 : memref<1x125xi32, #tpu.memory_space<vmem>> -> memref<125xi32, #tpu.memory_space<vmem>>
        %dma_wait3A_777 = arith.constant 0 : i32
        %dma_wait3A_778 = arith.constant 0 : i32
        %dma_wait3A_779 = tpu.memref_slice %arg16[%dma_wait3A_777, %dma_wait3A_778] : memref<10000x128xf32, #tpu.memory_space<vmem_shared>> -> memref<10000x128xf32, #tpu.memory_space<vmem_shared>>
        tpu.wait_indirect_dma semaphore(%arg24 : memref<!tpu.dma_semaphore, #tpu.memory_space<semaphore_mem>>) src(%arg11 : memref<125x128xf32, #tpu.memory_space<vmem>>) dst(%dma_wait3A_779 : memref<10000x128xf32, #tpu.memory_space<vmem_shared>>)
        %add3A_780 = arith.constant 2 : i32
        %add3A_781 = arith.addi %add3A_745, %add3A_780 : i32
        %lt3A_782 = arith.constant 80 : i32
        %lt3A_783 = arith.cmpi slt, %add3A_781, %lt3A_782 : i32
        %convert_element_type3A_784 = arith.extui %lt3A_783 : i1 to i32
        %cond3A_785 = arith.constant 0 : i32
        %cond3A_786 = arith.cmpi ne, %convert_element_type3A_784, %cond3A_785 : i32
        scf.if %cond3A_786 {
          %dma_start3A_975 = arith.constant 2 : i32
          %dma_start3A_976 = arith.constant 0 : i32
          %dma_start3A_977 = tpu.memref_slice %arg9[%dma_start3A_975, %dma_start3A_976] : memref<4x125xi32, #tpu.memory_space<vmem>> -> memref<1x125xi32, #tpu.memory_space<vmem>>
          %dma_start3A_978 = tpu.memref_squeeze %dma_start3A_977 : memref<1x125xi32, #tpu.memory_space<vmem>> -> memref<125xi32, #tpu.memory_space<vmem>>
          %dma_start3A_979 = arith.constant 0 : i32
          %dma_start3A_980 = arith.constant 0 : i32
          %dma_start3A_981 = tpu.memref_slice %arg2[%dma_start3A_979, %dma_start3A_980] : memref<10000x128xf32, #tpu.memory_space<hbm>> -> memref<10000x128xf32, #tpu.memory_space<hbm>>
          tpu.enqueue_indirect_dma source(%dma_start3A_981 : memref<10000x128xf32, #tpu.memory_space<hbm>>) target(%arg11 : memref<125x128xf32, #tpu.memory_space<vmem>>) offsets(%dma_start3A_978 : memref<125xi32, #tpu.memory_space<vmem>>) semaphore(%arg22 : memref<!tpu.dma_semaphore, #tpu.memory_space<semaphore_mem>>)
        } else {
        }
        %dma_wait3A_787 = arith.constant 0 : i32
        %dma_wait3A_788 = arith.constant 0 : i32
        %dma_wait3A_789 = tpu.memref_slice %arg10[%dma_wait3A_787, %dma_wait3A_788] : memref<4x125xi32, #tpu.memory_space<vmem>> -> memref<1x125xi32, #tpu.memory_space<vmem>>
        %dma_wait3A_790 = tpu.memref_squeeze %dma_wait3A_789 : memref<1x125xi32, #tpu.memory_space<vmem>> -> memref<125xi32, #tpu.memory_space<vmem>>
        %dma_wait3A_791 = arith.constant 0 : i32
        %dma_wait3A_792 = tpu.memref_slice %arg17[%dma_wait3A_791] : memref<10000xf32, #tpu.memory_space<vmem_shared>> -> memref<10000xf32, #tpu.memory_space<vmem_shared>>
        tpu.wait_indirect_dma semaphore(%arg26 : memref<!tpu.dma_semaphore, #tpu.memory_space<semaphore_mem>>) src(%arg13 : memref<125xf32, #tpu.memory_space<vmem>>) dst(%dma_wait3A_792 : memref<10000xf32, #tpu.memory_space<vmem_shared>>)
        %add3A_793 = arith.constant 4 : i32
        %add3A_794 = arith.addi %add3A_745, %add3A_793 : i32
        %lt3A_795 = arith.constant 80 : i32
        %lt3A_796 = arith.cmpi slt, %add3A_794, %lt3A_795 : i32
        %convert_element_type3A_797 = arith.extui %lt3A_796 : i1 to i32
        %cond3A_798 = arith.constant 0 : i32
        %cond3A_799 = arith.cmpi ne, %convert_element_type3A_797, %cond3A_798 : i32
        scf.if %cond3A_799 {
          %add3A_975 = arith.constant 4 : i32
          %add3A_976 = arith.addi %add3A_745, %add3A_975 : i32
          %dma_start3A_977 = arith.constant 0 : i32
          %dma_start3A_978 = arith.constant 0 : i32
          %dma_start3A_979 = arith.constant 0 : i32
          %dma_start3A_980 = tpu.memref_slice %arg9[%dma_start3A_978, %dma_start3A_979] : memref<4x125xi32, #tpu.memory_space<vmem>> -> memref<1x125xi32, #tpu.memory_space<vmem>>
          %dma_start3A_981 = tpu.memref_squeeze %dma_start3A_980 : memref<1x125xi32, #tpu.memory_space<vmem>> -> memref<125xi32, #tpu.memory_space<vmem>>
          %dma_start3A_982 = arith.constant 0 : i32
          %dma_start3A_983 = tpu.memref_slice %arg3[%dma_start3A_977, %arg1, %add3A_976, %dma_start3A_982] : memref<2x16x80x125xi32, #tpu.memory_space<hbm>> -> memref<1x1x1x125xi32, #tpu.memory_space<hbm>>
          %dma_start3A_984 = tpu.memref_squeeze %dma_start3A_983 : memref<1x1x1x125xi32, #tpu.memory_space<hbm>> -> memref<125xi32, #tpu.memory_space<hbm>>
          %dma_start3A_985 = arith.constant 0 : i32
          %dma_start3A_986 = tpu.memref_slice %arg9[%dma_start3A_978, %dma_start3A_985] : memref<4x125xi32, #tpu.memory_space<vmem>> -> memref<1x125xi32, #tpu.memory_space<vmem>>
          %dma_start3A_987 = tpu.memref_squeeze %dma_start3A_986 : memref<1x125xi32, #tpu.memory_space<vmem>> -> memref<125xi32, #tpu.memory_space<vmem>>
          %dma_start3A_988 = arith.constant 0 : i32
          %dma_start3A_989 = tpu.memref_slice %arg3[%dma_start3A_977, %arg1, %add3A_976, %dma_start3A_988] : memref<2x16x80x125xi32, #tpu.memory_space<hbm>> -> memref<1x1x1x125xi32, #tpu.memory_space<hbm>>
          %dma_start3A_990 = tpu.memref_squeeze %dma_start3A_989 : memref<1x1x1x125xi32, #tpu.memory_space<hbm>> -> memref<125xi32, #tpu.memory_space<hbm>>
          tpu.enqueue_dma source(%dma_start3A_990 : memref<125xi32, #tpu.memory_space<hbm>>) target(%dma_start3A_987 : memref<125xi32, #tpu.memory_space<vmem>>) target_semaphore(%arg18 : memref<!tpu.dma_semaphore, #tpu.memory_space<semaphore_mem>>)
          %dma_start3A_991 = arith.constant 1 : i32
          %dma_start3A_992 = arith.constant 0 : i32
          %dma_start3A_993 = arith.constant 0 : i32
          %dma_start3A_994 = tpu.memref_slice %arg10[%dma_start3A_992, %dma_start3A_993] : memref<4x125xi32, #tpu.memory_space<vmem>> -> memref<1x125xi32, #tpu.memory_space<vmem>>
          %dma_start3A_995 = tpu.memref_squeeze %dma_start3A_994 : memref<1x125xi32, #tpu.memory_space<vmem>> -> memref<125xi32, #tpu.memory_space<vmem>>
          %dma_start3A_996 = arith.constant 0 : i32
          %dma_start3A_997 = tpu.memref_slice %arg3[%dma_start3A_991, %arg1, %add3A_976, %dma_start3A_996] : memref<2x16x80x125xi32, #tpu.memory_space<hbm>> -> memref<1x1x1x125xi32, #tpu.memory_space<hbm>>
          %dma_start3A_998 = tpu.memref_squeeze %dma_start3A_997 : memref<1x1x1x125xi32, #tpu.memory_space<hbm>> -> memref<125xi32, #tpu.memory_space<hbm>>
          %dma_start3A_999 = arith.constant 0 : i32
          %dma_start3A_1000 = tpu.memref_slice %arg10[%dma_start3A_992, %dma_start3A_999] : memref<4x125xi32, #tpu.memory_space<vmem>> -> memref<1x125xi32, #tpu.memory_space<vmem>>
          %dma_start3A_1001 = tpu.memref_squeeze %dma_start3A_1000 : memref<1x125xi32, #tpu.memory_space<vmem>> -> memref<125xi32, #tpu.memory_space<vmem>>
          %dma_start3A_1002 = arith.constant 0 : i32
          %dma_start3A_1003 = tpu.memref_slice %arg3[%dma_start3A_991, %arg1, %add3A_976, %dma_start3A_1002] : memref<2x16x80x125xi32, #tpu.memory_space<hbm>> -> memref<1x1x1x125xi32, #tpu.memory_space<hbm>>
          %dma_start3A_1004 = tpu.memref_squeeze %dma_start3A_1003 : memref<1x1x1x125xi32, #tpu.memory_space<hbm>> -> memref<125xi32, #tpu.memory_space<hbm>>
          tpu.enqueue_dma source(%dma_start3A_1004 : memref<125xi32, #tpu.memory_space<hbm>>) target(%dma_start3A_1001 : memref<125xi32, #tpu.memory_space<vmem>>) target_semaphore(%arg18 : memref<!tpu.dma_semaphore, #tpu.memory_space<semaphore_mem>>)
        } else {
        }
        %mul3A_800 = arith.constant 4 : i32
        %mul3A_801 = arith.muli %scan3A_740, %mul3A_800 : i32
        %add3A_802 = arith.constant 1 : i32
        %add3A_803 = arith.addi %mul3A_801, %add3A_802 : i32
        %dma_wait3A_804 = arith.constant 1 : i32
        %dma_wait3A_805 = arith.constant 0 : i32
        %dma_wait3A_806 = tpu.memref_slice %arg9[%dma_wait3A_804, %dma_wait3A_805] : memref<4x125xi32, #tpu.memory_space<vmem>> -> memref<1x125xi32, #tpu.memory_space<vmem>>
        %dma_wait3A_807 = tpu.memref_squeeze %dma_wait3A_806 : memref<1x125xi32, #tpu.memory_space<vmem>> -> memref<125xi32, #tpu.memory_space<vmem>>
        %dma_wait3A_808 = arith.constant 0 : i32
        %dma_wait3A_809 = arith.constant 0 : i32
        %dma_wait3A_810 = tpu.memref_slice %arg2[%dma_wait3A_808, %dma_wait3A_809] : memref<10000x128xf32, #tpu.memory_space<hbm>> -> memref<10000x128xf32, #tpu.memory_space<hbm>>
        tpu.wait_indirect_dma semaphore(%arg23 : memref<!tpu.dma_semaphore, #tpu.memory_space<semaphore_mem>>) src(%dma_wait3A_810 : memref<10000x128xf32, #tpu.memory_space<hbm>>) dst(%arg12 : memref<125x128xf32, #tpu.memory_space<vmem>>)
        %dma_start3A_811 = arith.constant 1 : i32
        %dma_start3A_812 = arith.constant 0 : i32
        %dma_start3A_813 = tpu.memref_slice %arg10[%dma_start3A_811, %dma_start3A_812] : memref<4x125xi32, #tpu.memory_space<vmem>> -> memref<1x125xi32, #tpu.memory_space<vmem>>
        %dma_start3A_814 = tpu.memref_squeeze %dma_start3A_813 : memref<1x125xi32, #tpu.memory_space<vmem>> -> memref<125xi32, #tpu.memory_space<vmem>>
        %dma_start3A_815 = arith.constant 0 : i32
        %dma_start3A_816 = arith.constant 0 : i32
        %dma_start3A_817 = tpu.memref_slice %arg16[%dma_start3A_815, %dma_start3A_816] : memref<10000x128xf32, #tpu.memory_space<vmem_shared>> -> memref<10000x128xf32, #tpu.memory_space<vmem_shared>>
        tpu.enqueue_indirect_dma source(%arg12 : memref<125x128xf32, #tpu.memory_space<vmem>>) target(%dma_start3A_817 : memref<10000x128xf32, #tpu.memory_space<vmem_shared>>) offsets(%dma_start3A_814 : memref<125xi32, #tpu.memory_space<vmem>>) semaphore(%arg25 : memref<!tpu.dma_semaphore, #tpu.memory_space<semaphore_mem>>) {add = true}
        %dma_start3A_818 = arith.constant 1 : i32
        %dma_start3A_819 = arith.constant 0 : i32
        %dma_start3A_820 = tpu.memref_slice %arg10[%dma_start3A_818, %dma_start3A_819] : memref<4x125xi32, #tpu.memory_space<vmem>> -> memref<1x125xi32, #tpu.memory_space<vmem>>
        %dma_start3A_821 = tpu.memref_squeeze %dma_start3A_820 : memref<1x125xi32, #tpu.memory_space<vmem>> -> memref<125xi32, #tpu.memory_space<vmem>>
        %dma_start3A_822 = arith.constant 0 : i32
        %dma_start3A_823 = tpu.memref_slice %arg17[%dma_start3A_822] : memref<10000xf32, #tpu.memory_space<vmem_shared>> -> memref<10000xf32, #tpu.memory_space<vmem_shared>>
        tpu.enqueue_indirect_dma source(%arg13 : memref<125xf32, #tpu.memory_space<vmem>>) target(%dma_start3A_823 : memref<10000xf32, #tpu.memory_space<vmem_shared>>) offsets(%dma_start3A_821 : memref<125xi32, #tpu.memory_space<vmem>>) semaphore(%arg27 : memref<!tpu.dma_semaphore, #tpu.memory_space<semaphore_mem>>) {add = true}
        %add3A_824 = arith.constant 2 : i32
        %add3A_825 = arith.addi %add3A_803, %add3A_824 : i32
        %lt3A_826 = arith.constant 80 : i32
        %lt3A_827 = arith.cmpi slt, %add3A_825, %lt3A_826 : i32
        %convert_element_type3A_828 = arith.extui %lt3A_827 : i1 to i32
        %cond3A_829 = arith.constant 0 : i32
        %cond3A_830 = arith.cmpi ne, %convert_element_type3A_828, %cond3A_829 : i32
        scf.if %cond3A_830 {
          %add3A_975 = arith.constant 2 : i32
          %add3A_976 = arith.addi %add3A_803, %add3A_975 : i32
          %dma_wait3A_977 = arith.constant 0 : i32
          %dma_wait3A_978 = arith.constant 3 : i32
          %dma_wait3A_979 = arith.constant 0 : i32
          %dma_wait3A_980 = tpu.memref_slice %arg9[%dma_wait3A_978, %dma_wait3A_979] : memref<4x125xi32, #tpu.memory_space<vmem>> -> memref<1x125xi32, #tpu.memory_space<vmem>>
          %dma_wait3A_981 = tpu.memref_squeeze %dma_wait3A_980 : memref<1x125xi32, #tpu.memory_space<vmem>> -> memref<125xi32, #tpu.memory_space<vmem>>
          %dma_wait3A_982 = arith.constant 0 : i32
          %dma_wait3A_983 = tpu.memref_slice %arg3[%dma_wait3A_977, %arg1, %add3A_976, %dma_wait3A_982] : memref<2x16x80x125xi32, #tpu.memory_space<hbm>> -> memref<1x1x1x125xi32, #tpu.memory_space<hbm>>
          %dma_wait3A_984 = tpu.memref_squeeze %dma_wait3A_983 : memref<1x1x1x125xi32, #tpu.memory_space<hbm>> -> memref<125xi32, #tpu.memory_space<hbm>>
          %dma_wait3A_985 = arith.constant 0 : i32
          %dma_wait3A_986 = tpu.memref_slice %arg9[%dma_wait3A_978, %dma_wait3A_985] : memref<4x125xi32, #tpu.memory_space<vmem>> -> memref<1x125xi32, #tpu.memory_space<vmem>>
          %dma_wait3A_987 = tpu.memref_squeeze %dma_wait3A_986 : memref<1x125xi32, #tpu.memory_space<vmem>> -> memref<125xi32, #tpu.memory_space<vmem>>
          %dma_wait3A_988 = arith.constant 0 : i32
          %dma_wait3A_989 = tpu.memref_slice %arg3[%dma_wait3A_977, %arg1, %add3A_976, %dma_wait3A_988] : memref<2x16x80x125xi32, #tpu.memory_space<hbm>> -> memref<1x1x1x125xi32, #tpu.memory_space<hbm>>
          %dma_wait3A_990 = tpu.memref_squeeze %dma_wait3A_989 : memref<1x1x1x125xi32, #tpu.memory_space<hbm>> -> memref<125xi32, #tpu.memory_space<hbm>>
          tpu.wait_dma2 semaphore(%arg21 : memref<!tpu.dma_semaphore, #tpu.memory_space<semaphore_mem>>) src(%dma_wait3A_990 : memref<125xi32, #tpu.memory_space<hbm>>) dst(%dma_wait3A_987 : memref<125xi32, #tpu.memory_space<vmem>>)
          %dma_wait3A_991 = arith.constant 1 : i32
          %dma_wait3A_992 = arith.constant 3 : i32
          %dma_wait3A_993 = arith.constant 0 : i32
          %dma_wait3A_994 = tpu.memref_slice %arg10[%dma_wait3A_992, %dma_wait3A_993] : memref<4x125xi32, #tpu.memory_space<vmem>> -> memref<1x125xi32, #tpu.memory_space<vmem>>
          %dma_wait3A_995 = tpu.memref_squeeze %dma_wait3A_994 : memref<1x125xi32, #tpu.memory_space<vmem>> -> memref<125xi32, #tpu.memory_space<vmem>>
          %dma_wait3A_996 = arith.constant 0 : i32
          %dma_wait3A_997 = tpu.memref_slice %arg3[%dma_wait3A_991, %arg1, %add3A_976, %dma_wait3A_996] : memref<2x16x80x125xi32, #tpu.memory_space<hbm>> -> memref<1x1x1x125xi32, #tpu.memory_space<hbm>>
          %dma_wait3A_998 = tpu.memref_squeeze %dma_wait3A_997 : memref<1x1x1x125xi32, #tpu.memory_space<hbm>> -> memref<125xi32, #tpu.memory_space<hbm>>
          %dma_wait3A_999 = arith.constant 0 : i32
          %dma_wait3A_1000 = tpu.memref_slice %arg10[%dma_wait3A_992, %dma_wait3A_999] : memref<4x125xi32, #tpu.memory_space<vmem>> -> memref<1x125xi32, #tpu.memory_space<vmem>>
          %dma_wait3A_1001 = tpu.memref_squeeze %dma_wait3A_1000 : memref<1x125xi32, #tpu.memory_space<vmem>> -> memref<125xi32, #tpu.memory_space<vmem>>
          %dma_wait3A_1002 = arith.constant 0 : i32
          %dma_wait3A_1003 = tpu.memref_slice %arg3[%dma_wait3A_991, %arg1, %add3A_976, %dma_wait3A_1002] : memref<2x16x80x125xi32, #tpu.memory_space<hbm>> -> memref<1x1x1x125xi32, #tpu.memory_space<hbm>>
          %dma_wait3A_1004 = tpu.memref_squeeze %dma_wait3A_1003 : memref<1x1x1x125xi32, #tpu.memory_space<hbm>> -> memref<125xi32, #tpu.memory_space<hbm>>
          tpu.wait_dma2 semaphore(%arg21 : memref<!tpu.dma_semaphore, #tpu.memory_space<semaphore_mem>>) src(%dma_wait3A_1004 : memref<125xi32, #tpu.memory_space<hbm>>) dst(%dma_wait3A_1001 : memref<125xi32, #tpu.memory_space<vmem>>)
        } else {
        }
        %dma_wait3A_831 = arith.constant 1 : i32
        %dma_wait3A_832 = arith.constant 0 : i32
        %dma_wait3A_833 = tpu.memref_slice %arg10[%dma_wait3A_831, %dma_wait3A_832] : memref<4x125xi32, #tpu.memory_space<vmem>> -> memref<1x125xi32, #tpu.memory_space<vmem>>
        %dma_wait3A_834 = tpu.memref_squeeze %dma_wait3A_833 : memref<1x125xi32, #tpu.memory_space<vmem>> -> memref<125xi32, #tpu.memory_space<vmem>>
        %dma_wait3A_835 = arith.constant 0 : i32
        %dma_wait3A_836 = arith.constant 0 : i32
        %dma_wait3A_837 = tpu.memref_slice %arg16[%dma_wait3A_835, %dma_wait3A_836] : memref<10000x128xf32, #tpu.memory_space<vmem_shared>> -> memref<10000x128xf32, #tpu.memory_space<vmem_shared>>
        tpu.wait_indirect_dma semaphore(%arg25 : memref<!tpu.dma_semaphore, #tpu.memory_space<semaphore_mem>>) src(%arg12 : memref<125x128xf32, #tpu.memory_space<vmem>>) dst(%dma_wait3A_837 : memref<10000x128xf32, #tpu.memory_space<vmem_shared>>)
        %add3A_838 = arith.constant 2 : i32
        %add3A_839 = arith.addi %add3A_803, %add3A_838 : i32
        %lt3A_840 = arith.constant 80 : i32
        %lt3A_841 = arith.cmpi slt, %add3A_839, %lt3A_840 : i32
        %convert_element_type3A_842 = arith.extui %lt3A_841 : i1 to i32
        %cond3A_843 = arith.constant 0 : i32
        %cond3A_844 = arith.cmpi ne, %convert_element_type3A_842, %cond3A_843 : i32
        scf.if %cond3A_844 {
          %dma_start3A_975 = arith.constant 3 : i32
          %dma_start3A_976 = arith.constant 0 : i32
          %dma_start3A_977 = tpu.memref_slice %arg9[%dma_start3A_975, %dma_start3A_976] : memref<4x125xi32, #tpu.memory_space<vmem>> -> memref<1x125xi32, #tpu.memory_space<vmem>>
          %dma_start3A_978 = tpu.memref_squeeze %dma_start3A_977 : memref<1x125xi32, #tpu.memory_space<vmem>> -> memref<125xi32, #tpu.memory_space<vmem>>
          %dma_start3A_979 = arith.constant 0 : i32
          %dma_start3A_980 = arith.constant 0 : i32
          %dma_start3A_981 = tpu.memref_slice %arg2[%dma_start3A_979, %dma_start3A_980] : memref<10000x128xf32, #tpu.memory_space<hbm>> -> memref<10000x128xf32, #tpu.memory_space<hbm>>
          tpu.enqueue_indirect_dma source(%dma_start3A_981 : memref<10000x128xf32, #tpu.memory_space<hbm>>) target(%arg12 : memref<125x128xf32, #tpu.memory_space<vmem>>) offsets(%dma_start3A_978 : memref<125xi32, #tpu.memory_space<vmem>>) semaphore(%arg23 : memref<!tpu.dma_semaphore, #tpu.memory_space<semaphore_mem>>)
        } else {
        }
        %dma_wait3A_845 = arith.constant 1 : i32
        %dma_wait3A_846 = arith.constant 0 : i32
        %dma_wait3A_847 = tpu.memref_slice %arg10[%dma_wait3A_845, %dma_wait3A_846] : memref<4x125xi32, #tpu.memory_space<vmem>> -> memref<1x125xi32, #tpu.memory_space<vmem>>
        %dma_wait3A_848 = tpu.memref_squeeze %dma_wait3A_847 : memref<1x125xi32, #tpu.memory_space<vmem>> -> memref<125xi32, #tpu.memory_space<vmem>>
        %dma_wait3A_849 = arith.constant 0 : i32
        %dma_wait3A_850 = tpu.memref_slice %arg17[%dma_wait3A_849] : memref<10000xf32, #tpu.memory_space<vmem_shared>> -> memref<10000xf32, #tpu.memory_space<vmem_shared>>
        tpu.wait_indirect_dma semaphore(%arg27 : memref<!tpu.dma_semaphore, #tpu.memory_space<semaphore_mem>>) src(%arg13 : memref<125xf32, #tpu.memory_space<vmem>>) dst(%dma_wait3A_850 : memref<10000xf32, #tpu.memory_space<vmem_shared>>)
        %add3A_851 = arith.constant 4 : i32
        %add3A_852 = arith.addi %add3A_803, %add3A_851 : i32
        %lt3A_853 = arith.constant 80 : i32
        %lt3A_854 = arith.cmpi slt, %add3A_852, %lt3A_853 : i32
        %convert_element_type3A_855 = arith.extui %lt3A_854 : i1 to i32
        %cond3A_856 = arith.constant 0 : i32
        %cond3A_857 = arith.cmpi ne, %convert_element_type3A_855, %cond3A_856 : i32
        scf.if %cond3A_857 {
          %add3A_975 = arith.constant 4 : i32
          %add3A_976 = arith.addi %add3A_803, %add3A_975 : i32
          %dma_start3A_977 = arith.constant 0 : i32
          %dma_start3A_978 = arith.constant 1 : i32
          %dma_start3A_979 = arith.constant 0 : i32
          %dma_start3A_980 = tpu.memref_slice %arg9[%dma_start3A_978, %dma_start3A_979] : memref<4x125xi32, #tpu.memory_space<vmem>> -> memref<1x125xi32, #tpu.memory_space<vmem>>
          %dma_start3A_981 = tpu.memref_squeeze %dma_start3A_980 : memref<1x125xi32, #tpu.memory_space<vmem>> -> memref<125xi32, #tpu.memory_space<vmem>>
          %dma_start3A_982 = arith.constant 0 : i32
          %dma_start3A_983 = tpu.memref_slice %arg3[%dma_start3A_977, %arg1, %add3A_976, %dma_start3A_982] : memref<2x16x80x125xi32, #tpu.memory_space<hbm>> -> memref<1x1x1x125xi32, #tpu.memory_space<hbm>>
          %dma_start3A_984 = tpu.memref_squeeze %dma_start3A_983 : memref<1x1x1x125xi32, #tpu.memory_space<hbm>> -> memref<125xi32, #tpu.memory_space<hbm>>
          %dma_start3A_985 = arith.constant 0 : i32
          %dma_start3A_986 = tpu.memref_slice %arg9[%dma_start3A_978, %dma_start3A_985] : memref<4x125xi32, #tpu.memory_space<vmem>> -> memref<1x125xi32, #tpu.memory_space<vmem>>
          %dma_start3A_987 = tpu.memref_squeeze %dma_start3A_986 : memref<1x125xi32, #tpu.memory_space<vmem>> -> memref<125xi32, #tpu.memory_space<vmem>>
          %dma_start3A_988 = arith.constant 0 : i32
          %dma_start3A_989 = tpu.memref_slice %arg3[%dma_start3A_977, %arg1, %add3A_976, %dma_start3A_988] : memref<2x16x80x125xi32, #tpu.memory_space<hbm>> -> memref<1x1x1x125xi32, #tpu.memory_space<hbm>>
          %dma_start3A_990 = tpu.memref_squeeze %dma_start3A_989 : memref<1x1x1x125xi32, #tpu.memory_space<hbm>> -> memref<125xi32, #tpu.memory_space<hbm>>
          tpu.enqueue_dma source(%dma_start3A_990 : memref<125xi32, #tpu.memory_space<hbm>>) target(%dma_start3A_987 : memref<125xi32, #tpu.memory_space<vmem>>) target_semaphore(%arg19 : memref<!tpu.dma_semaphore, #tpu.memory_space<semaphore_mem>>)
          %dma_start3A_991 = arith.constant 1 : i32
          %dma_start3A_992 = arith.constant 1 : i32
          %dma_start3A_993 = arith.constant 0 : i32
          %dma_start3A_994 = tpu.memref_slice %arg10[%dma_start3A_992, %dma_start3A_993] : memref<4x125xi32, #tpu.memory_space<vmem>> -> memref<1x125xi32, #tpu.memory_space<vmem>>
          %dma_start3A_995 = tpu.memref_squeeze %dma_start3A_994 : memref<1x125xi32, #tpu.memory_space<vmem>> -> memref<125xi32, #tpu.memory_space<vmem>>
          %dma_start3A_996 = arith.constant 0 : i32
          %dma_start3A_997 = tpu.memref_slice %arg3[%dma_start3A_991, %arg1, %add3A_976, %dma_start3A_996] : memref<2x16x80x125xi32, #tpu.memory_space<hbm>> -> memref<1x1x1x125xi32, #tpu.memory_space<hbm>>
          %dma_start3A_998 = tpu.memref_squeeze %dma_start3A_997 : memref<1x1x1x125xi32, #tpu.memory_space<hbm>> -> memref<125xi32, #tpu.memory_space<hbm>>
          %dma_start3A_999 = arith.constant 0 : i32
          %dma_start3A_1000 = tpu.memref_slice %arg10[%dma_start3A_992, %dma_start3A_999] : memref<4x125xi32, #tpu.memory_space<vmem>> -> memref<1x125xi32, #tpu.memory_space<vmem>>
          %dma_start3A_1001 = tpu.memref_squeeze %dma_start3A_1000 : memref<1x125xi32, #tpu.memory_space<vmem>> -> memref<125xi32, #tpu.memory_space<vmem>>
          %dma_start3A_1002 = arith.constant 0 : i32
          %dma_start3A_1003 = tpu.memref_slice %arg3[%dma_start3A_991, %arg1, %add3A_976, %dma_start3A_1002] : memref<2x16x80x125xi32, #tpu.memory_space<hbm>> -> memref<1x1x1x125xi32, #tpu.memory_space<hbm>>
          %dma_start3A_1004 = tpu.memref_squeeze %dma_start3A_1003 : memref<1x1x1x125xi32, #tpu.memory_space<hbm>> -> memref<125xi32, #tpu.memory_space<hbm>>
          tpu.enqueue_dma source(%dma_start3A_1004 : memref<125xi32, #tpu.memory_space<hbm>>) target(%dma_start3A_1001 : memref<125xi32, #tpu.memory_space<vmem>>) target_semaphore(%arg19 : memref<!tpu.dma_semaphore, #tpu.memory_space<semaphore_mem>>)
        } else {
        }
        %mul3A_858 = arith.constant 4 : i32
        %mul3A_859 = arith.muli %scan3A_740, %mul3A_858 : i32
        %add3A_860 = arith.constant 2 : i32
        %add3A_861 = arith.addi %mul3A_859, %add3A_860 : i32
        %dma_wait3A_862 = arith.constant 2 : i32
        %dma_wait3A_863 = arith.constant 0 : i32
        %dma_wait3A_864 = tpu.memref_slice %arg9[%dma_wait3A_862, %dma_wait3A_863] : memref<4x125xi32, #tpu.memory_space<vmem>> -> memref<1x125xi32, #tpu.memory_space<vmem>>
        %dma_wait3A_865 = tpu.memref_squeeze %dma_wait3A_864 : memref<1x125xi32, #tpu.memory_space<vmem>> -> memref<125xi32, #tpu.memory_space<vmem>>
        %dma_wait3A_866 = arith.constant 0 : i32
        %dma_wait3A_867 = arith.constant 0 : i32
        %dma_wait3A_868 = tpu.memref_slice %arg2[%dma_wait3A_866, %dma_wait3A_867] : memref<10000x128xf32, #tpu.memory_space<hbm>> -> memref<10000x128xf32, #tpu.memory_space<hbm>>
        tpu.wait_indirect_dma semaphore(%arg22 : memref<!tpu.dma_semaphore, #tpu.memory_space<semaphore_mem>>) src(%dma_wait3A_868 : memref<10000x128xf32, #tpu.memory_space<hbm>>) dst(%arg11 : memref<125x128xf32, #tpu.memory_space<vmem>>)
        %dma_start3A_869 = arith.constant 2 : i32
        %dma_start3A_870 = arith.constant 0 : i32
        %dma_start3A_871 = tpu.memref_slice %arg10[%dma_start3A_869, %dma_start3A_870] : memref<4x125xi32, #tpu.memory_space<vmem>> -> memref<1x125xi32, #tpu.memory_space<vmem>>
        %dma_start3A_872 = tpu.memref_squeeze %dma_start3A_871 : memref<1x125xi32, #tpu.memory_space<vmem>> -> memref<125xi32, #tpu.memory_space<vmem>>
        %dma_start3A_873 = arith.constant 0 : i32
        %dma_start3A_874 = arith.constant 0 : i32
        %dma_start3A_875 = tpu.memref_slice %arg16[%dma_start3A_873, %dma_start3A_874] : memref<10000x128xf32, #tpu.memory_space<vmem_shared>> -> memref<10000x128xf32, #tpu.memory_space<vmem_shared>>
        tpu.enqueue_indirect_dma source(%arg11 : memref<125x128xf32, #tpu.memory_space<vmem>>) target(%dma_start3A_875 : memref<10000x128xf32, #tpu.memory_space<vmem_shared>>) offsets(%dma_start3A_872 : memref<125xi32, #tpu.memory_space<vmem>>) semaphore(%arg24 : memref<!tpu.dma_semaphore, #tpu.memory_space<semaphore_mem>>) {add = true}
        %dma_start3A_876 = arith.constant 2 : i32
        %dma_start3A_877 = arith.constant 0 : i32
        %dma_start3A_878 = tpu.memref_slice %arg10[%dma_start3A_876, %dma_start3A_877] : memref<4x125xi32, #tpu.memory_space<vmem>> -> memref<1x125xi32, #tpu.memory_space<vmem>>
        %dma_start3A_879 = tpu.memref_squeeze %dma_start3A_878 : memref<1x125xi32, #tpu.memory_space<vmem>> -> memref<125xi32, #tpu.memory_space<vmem>>
        %dma_start3A_880 = arith.constant 0 : i32
        %dma_start3A_881 = tpu.memref_slice %arg17[%dma_start3A_880] : memref<10000xf32, #tpu.memory_space<vmem_shared>> -> memref<10000xf32, #tpu.memory_space<vmem_shared>>
        tpu.enqueue_indirect_dma source(%arg13 : memref<125xf32, #tpu.memory_space<vmem>>) target(%dma_start3A_881 : memref<10000xf32, #tpu.memory_space<vmem_shared>>) offsets(%dma_start3A_879 : memref<125xi32, #tpu.memory_space<vmem>>) semaphore(%arg26 : memref<!tpu.dma_semaphore, #tpu.memory_space<semaphore_mem>>) {add = true}
        %add3A_882 = arith.constant 2 : i32
        %add3A_883 = arith.addi %add3A_861, %add3A_882 : i32
        %lt3A_884 = arith.constant 80 : i32
        %lt3A_885 = arith.cmpi slt, %add3A_883, %lt3A_884 : i32
        %convert_element_type3A_886 = arith.extui %lt3A_885 : i1 to i32
        %cond3A_887 = arith.constant 0 : i32
        %cond3A_888 = arith.cmpi ne, %convert_element_type3A_886, %cond3A_887 : i32
        scf.if %cond3A_888 {
          %add3A_975 = arith.constant 2 : i32
          %add3A_976 = arith.addi %add3A_861, %add3A_975 : i32
          %dma_wait3A_977 = arith.constant 0 : i32
          %dma_wait3A_978 = arith.constant 0 : i32
          %dma_wait3A_979 = arith.constant 0 : i32
          %dma_wait3A_980 = tpu.memref_slice %arg9[%dma_wait3A_978, %dma_wait3A_979] : memref<4x125xi32, #tpu.memory_space<vmem>> -> memref<1x125xi32, #tpu.memory_space<vmem>>
          %dma_wait3A_981 = tpu.memref_squeeze %dma_wait3A_980 : memref<1x125xi32, #tpu.memory_space<vmem>> -> memref<125xi32, #tpu.memory_space<vmem>>
          %dma_wait3A_982 = arith.constant 0 : i32
          %dma_wait3A_983 = tpu.memref_slice %arg3[%dma_wait3A_977, %arg1, %add3A_976, %dma_wait3A_982] : memref<2x16x80x125xi32, #tpu.memory_space<hbm>> -> memref<1x1x1x125xi32, #tpu.memory_space<hbm>>
          %dma_wait3A_984 = tpu.memref_squeeze %dma_wait3A_983 : memref<1x1x1x125xi32, #tpu.memory_space<hbm>> -> memref<125xi32, #tpu.memory_space<hbm>>
          %dma_wait3A_985 = arith.constant 0 : i32
          %dma_wait3A_986 = tpu.memref_slice %arg9[%dma_wait3A_978, %dma_wait3A_985] : memref<4x125xi32, #tpu.memory_space<vmem>> -> memref<1x125xi32, #tpu.memory_space<vmem>>
          %dma_wait3A_987 = tpu.memref_squeeze %dma_wait3A_986 : memref<1x125xi32, #tpu.memory_space<vmem>> -> memref<125xi32, #tpu.memory_space<vmem>>
          %dma_wait3A_988 = arith.constant 0 : i32
          %dma_wait3A_989 = tpu.memref_slice %arg3[%dma_wait3A_977, %arg1, %add3A_976, %dma_wait3A_988] : memref<2x16x80x125xi32, #tpu.memory_space<hbm>> -> memref<1x1x1x125xi32, #tpu.memory_space<hbm>>
          %dma_wait3A_990 = tpu.memref_squeeze %dma_wait3A_989 : memref<1x1x1x125xi32, #tpu.memory_space<hbm>> -> memref<125xi32, #tpu.memory_space<hbm>>
          tpu.wait_dma2 semaphore(%arg18 : memref<!tpu.dma_semaphore, #tpu.memory_space<semaphore_mem>>) src(%dma_wait3A_990 : memref<125xi32, #tpu.memory_space<hbm>>) dst(%dma_wait3A_987 : memref<125xi32, #tpu.memory_space<vmem>>)
          %dma_wait3A_991 = arith.constant 1 : i32
          %dma_wait3A_992 = arith.constant 0 : i32
          %dma_wait3A_993 = arith.constant 0 : i32
          %dma_wait3A_994 = tpu.memref_slice %arg10[%dma_wait3A_992, %dma_wait3A_993] : memref<4x125xi32, #tpu.memory_space<vmem>> -> memref<1x125xi32, #tpu.memory_space<vmem>>
          %dma_wait3A_995 = tpu.memref_squeeze %dma_wait3A_994 : memref<1x125xi32, #tpu.memory_space<vmem>> -> memref<125xi32, #tpu.memory_space<vmem>>
          %dma_wait3A_996 = arith.constant 0 : i32
          %dma_wait3A_997 = tpu.memref_slice %arg3[%dma_wait3A_991, %arg1, %add3A_976, %dma_wait3A_996] : memref<2x16x80x125xi32, #tpu.memory_space<hbm>> -> memref<1x1x1x125xi32, #tpu.memory_space<hbm>>
          %dma_wait3A_998 = tpu.memref_squeeze %dma_wait3A_997 : memref<1x1x1x125xi32, #tpu.memory_space<hbm>> -> memref<125xi32, #tpu.memory_space<hbm>>
          %dma_wait3A_999 = arith.constant 0 : i32
          %dma_wait3A_1000 = tpu.memref_slice %arg10[%dma_wait3A_992, %dma_wait3A_999] : memref<4x125xi32, #tpu.memory_space<vmem>> -> memref<1x125xi32, #tpu.memory_space<vmem>>
          %dma_wait3A_1001 = tpu.memref_squeeze %dma_wait3A_1000 : memref<1x125xi32, #tpu.memory_space<vmem>> -> memref<125xi32, #tpu.memory_space<vmem>>
          %dma_wait3A_1002 = arith.constant 0 : i32
          %dma_wait3A_1003 = tpu.memref_slice %arg3[%dma_wait3A_991, %arg1, %add3A_976, %dma_wait3A_1002] : memref<2x16x80x125xi32, #tpu.memory_space<hbm>> -> memref<1x1x1x125xi32, #tpu.memory_space<hbm>>
          %dma_wait3A_1004 = tpu.memref_squeeze %dma_wait3A_1003 : memref<1x1x1x125xi32, #tpu.memory_space<hbm>> -> memref<125xi32, #tpu.memory_space<hbm>>
          tpu.wait_dma2 semaphore(%arg18 : memref<!tpu.dma_semaphore, #tpu.memory_space<semaphore_mem>>) src(%dma_wait3A_1004 : memref<125xi32, #tpu.memory_space<hbm>>) dst(%dma_wait3A_1001 : memref<125xi32, #tpu.memory_space<vmem>>)
        } else {
        }
        %dma_wait3A_889 = arith.constant 2 : i32
        %dma_wait3A_890 = arith.constant 0 : i32
        %dma_wait3A_891 = tpu.memref_slice %arg10[%dma_wait3A_889, %dma_wait3A_890] : memref<4x125xi32, #tpu.memory_space<vmem>> -> memref<1x125xi32, #tpu.memory_space<vmem>>
        %dma_wait3A_892 = tpu.memref_squeeze %dma_wait3A_891 : memref<1x125xi32, #tpu.memory_space<vmem>> -> memref<125xi32, #tpu.memory_space<vmem>>
        %dma_wait3A_893 = arith.constant 0 : i32
        %dma_wait3A_894 = arith.constant 0 : i32
        %dma_wait3A_895 = tpu.memref_slice %arg16[%dma_wait3A_893, %dma_wait3A_894] : memref<10000x128xf32, #tpu.memory_space<vmem_shared>> -> memref<10000x128xf32, #tpu.memory_space<vmem_shared>>
        tpu.wait_indirect_dma semaphore(%arg24 : memref<!tpu.dma_semaphore, #tpu.memory_space<semaphore_mem>>) src(%arg11 : memref<125x128xf32, #tpu.memory_space<vmem>>) dst(%dma_wait3A_895 : memref<10000x128xf32, #tpu.memory_space<vmem_shared>>)
        %add3A_896 = arith.constant 2 : i32
        %add3A_897 = arith.addi %add3A_861, %add3A_896 : i32
        %lt3A_898 = arith.constant 80 : i32
        %lt3A_899 = arith.cmpi slt, %add3A_897, %lt3A_898 : i32
        %convert_element_type3A_900 = arith.extui %lt3A_899 : i1 to i32
        %cond3A_901 = arith.constant 0 : i32
        %cond3A_902 = arith.cmpi ne, %convert_element_type3A_900, %cond3A_901 : i32
        scf.if %cond3A_902 {
          %dma_start3A_975 = arith.constant 0 : i32
          %dma_start3A_976 = arith.constant 0 : i32
          %dma_start3A_977 = tpu.memref_slice %arg9[%dma_start3A_975, %dma_start3A_976] : memref<4x125xi32, #tpu.memory_space<vmem>> -> memref<1x125xi32, #tpu.memory_space<vmem>>
          %dma_start3A_978 = tpu.memref_squeeze %dma_start3A_977 : memref<1x125xi32, #tpu.memory_space<vmem>> -> memref<125xi32, #tpu.memory_space<vmem>>
          %dma_start3A_979 = arith.constant 0 : i32
          %dma_start3A_980 = arith.constant 0 : i32
          %dma_start3A_981 = tpu.memref_slice %arg2[%dma_start3A_979, %dma_start3A_980] : memref<10000x128xf32, #tpu.memory_space<hbm>> -> memref<10000x128xf32, #tpu.memory_space<hbm>>
          tpu.enqueue_indirect_dma source(%dma_start3A_981 : memref<10000x128xf32, #tpu.memory_space<hbm>>) target(%arg11 : memref<125x128xf32, #tpu.memory_space<vmem>>) offsets(%dma_start3A_978 : memref<125xi32, #tpu.memory_space<vmem>>) semaphore(%arg22 : memref<!tpu.dma_semaphore, #tpu.memory_space<semaphore_mem>>)
        } else {
        }
        %dma_wait3A_903 = arith.constant 2 : i32
        %dma_wait3A_904 = arith.constant 0 : i32
        %dma_wait3A_905 = tpu.memref_slice %arg10[%dma_wait3A_903, %dma_wait3A_904] : memref<4x125xi32, #tpu.memory_space<vmem>> -> memref<1x125xi32, #tpu.memory_space<vmem>>
        %dma_wait3A_906 = tpu.memref_squeeze %dma_wait3A_905 : memref<1x125xi32, #tpu.memory_space<vmem>> -> memref<125xi32, #tpu.memory_space<vmem>>
        %dma_wait3A_907 = arith.constant 0 : i32
        %dma_wait3A_908 = tpu.memref_slice %arg17[%dma_wait3A_907] : memref<10000xf32, #tpu.memory_space<vmem_shared>> -> memref<10000xf32, #tpu.memory_space<vmem_shared>>
        tpu.wait_indirect_dma semaphore(%arg26 : memref<!tpu.dma_semaphore, #tpu.memory_space<semaphore_mem>>) src(%arg13 : memref<125xf32, #tpu.memory_space<vmem>>) dst(%dma_wait3A_908 : memref<10000xf32, #tpu.memory_space<vmem_shared>>)
        %add3A_909 = arith.constant 4 : i32
        %add3A_910 = arith.addi %add3A_861, %add3A_909 : i32
        %lt3A_911 = arith.constant 80 : i32
        %lt3A_912 = arith.cmpi slt, %add3A_910, %lt3A_911 : i32
        %convert_element_type3A_913 = arith.extui %lt3A_912 : i1 to i32
        %cond3A_914 = arith.constant 0 : i32
        %cond3A_915 = arith.cmpi ne, %convert_element_type3A_913, %cond3A_914 : i32
        scf.if %cond3A_915 {
          %add3A_975 = arith.constant 4 : i32
          %add3A_976 = arith.addi %add3A_861, %add3A_975 : i32
          %dma_start3A_977 = arith.constant 0 : i32
          %dma_start3A_978 = arith.constant 2 : i32
          %dma_start3A_979 = arith.constant 0 : i32
          %dma_start3A_980 = tpu.memref_slice %arg9[%dma_start3A_978, %dma_start3A_979] : memref<4x125xi32, #tpu.memory_space<vmem>> -> memref<1x125xi32, #tpu.memory_space<vmem>>
          %dma_start3A_981 = tpu.memref_squeeze %dma_start3A_980 : memref<1x125xi32, #tpu.memory_space<vmem>> -> memref<125xi32, #tpu.memory_space<vmem>>
          %dma_start3A_982 = arith.constant 0 : i32
          %dma_start3A_983 = tpu.memref_slice %arg3[%dma_start3A_977, %arg1, %add3A_976, %dma_start3A_982] : memref<2x16x80x125xi32, #tpu.memory_space<hbm>> -> memref<1x1x1x125xi32, #tpu.memory_space<hbm>>
          %dma_start3A_984 = tpu.memref_squeeze %dma_start3A_983 : memref<1x1x1x125xi32, #tpu.memory_space<hbm>> -> memref<125xi32, #tpu.memory_space<hbm>>
          %dma_start3A_985 = arith.constant 0 : i32
          %dma_start3A_986 = tpu.memref_slice %arg9[%dma_start3A_978, %dma_start3A_985] : memref<4x125xi32, #tpu.memory_space<vmem>> -> memref<1x125xi32, #tpu.memory_space<vmem>>
          %dma_start3A_987 = tpu.memref_squeeze %dma_start3A_986 : memref<1x125xi32, #tpu.memory_space<vmem>> -> memref<125xi32, #tpu.memory_space<vmem>>
          %dma_start3A_988 = arith.constant 0 : i32
          %dma_start3A_989 = tpu.memref_slice %arg3[%dma_start3A_977, %arg1, %add3A_976, %dma_start3A_988] : memref<2x16x80x125xi32, #tpu.memory_space<hbm>> -> memref<1x1x1x125xi32, #tpu.memory_space<hbm>>
          %dma_start3A_990 = tpu.memref_squeeze %dma_start3A_989 : memref<1x1x1x125xi32, #tpu.memory_space<hbm>> -> memref<125xi32, #tpu.memory_space<hbm>>
          tpu.enqueue_dma source(%dma_start3A_990 : memref<125xi32, #tpu.memory_space<hbm>>) target(%dma_start3A_987 : memref<125xi32, #tpu.memory_space<vmem>>) target_semaphore(%arg20 : memref<!tpu.dma_semaphore, #tpu.memory_space<semaphore_mem>>)
          %dma_start3A_991 = arith.constant 1 : i32
          %dma_start3A_992 = arith.constant 2 : i32
          %dma_start3A_993 = arith.constant 0 : i32
          %dma_start3A_994 = tpu.memref_slice %arg10[%dma_start3A_992, %dma_start3A_993] : memref<4x125xi32, #tpu.memory_space<vmem>> -> memref<1x125xi32, #tpu.memory_space<vmem>>
          %dma_start3A_995 = tpu.memref_squeeze %dma_start3A_994 : memref<1x125xi32, #tpu.memory_space<vmem>> -> memref<125xi32, #tpu.memory_space<vmem>>
          %dma_start3A_996 = arith.constant 0 : i32
          %dma_start3A_997 = tpu.memref_slice %arg3[%dma_start3A_991, %arg1, %add3A_976, %dma_start3A_996] : memref<2x16x80x125xi32, #tpu.memory_space<hbm>> -> memref<1x1x1x125xi32, #tpu.memory_space<hbm>>
          %dma_start3A_998 = tpu.memref_squeeze %dma_start3A_997 : memref<1x1x1x125xi32, #tpu.memory_space<hbm>> -> memref<125xi32, #tpu.memory_space<hbm>>
          %dma_start3A_999 = arith.constant 0 : i32
          %dma_start3A_1000 = tpu.memref_slice %arg10[%dma_start3A_992, %dma_start3A_999] : memref<4x125xi32, #tpu.memory_space<vmem>> -> memref<1x125xi32, #tpu.memory_space<vmem>>
          %dma_start3A_1001 = tpu.memref_squeeze %dma_start3A_1000 : memref<1x125xi32, #tpu.memory_space<vmem>> -> memref<125xi32, #tpu.memory_space<vmem>>
          %dma_start3A_1002 = arith.constant 0 : i32
          %dma_start3A_1003 = tpu.memref_slice %arg3[%dma_start3A_991, %arg1, %add3A_976, %dma_start3A_1002] : memref<2x16x80x125xi32, #tpu.memory_space<hbm>> -> memref<1x1x1x125xi32, #tpu.memory_space<hbm>>
          %dma_start3A_1004 = tpu.memref_squeeze %dma_start3A_1003 : memref<1x1x1x125xi32, #tpu.memory_space<hbm>> -> memref<125xi32, #tpu.memory_space<hbm>>
          tpu.enqueue_dma source(%dma_start3A_1004 : memref<125xi32, #tpu.memory_space<hbm>>) target(%dma_start3A_1001 : memref<125xi32, #tpu.memory_space<vmem>>) target_semaphore(%arg20 : memref<!tpu.dma_semaphore, #tpu.memory_space<semaphore_mem>>)
        } else {
        }
        %mul3A_916 = arith.constant 4 : i32
        %mul3A_917 = arith.muli %scan3A_740, %mul3A_916 : i32
        %add3A_918 = arith.constant 3 : i32
        %add3A_919 = arith.addi %mul3A_917, %add3A_918 : i32
        %dma_wait3A_920 = arith.constant 3 : i32
        %dma_wait3A_921 = arith.constant 0 : i32
        %dma_wait3A_922 = tpu.memref_slice %arg9[%dma_wait3A_920, %dma_wait3A_921] : memref<4x125xi32, #tpu.memory_space<vmem>> -> memref<1x125xi32, #tpu.memory_space<vmem>>
        %dma_wait3A_923 = tpu.memref_squeeze %dma_wait3A_922 : memref<1x125xi32, #tpu.memory_space<vmem>> -> memref<125xi32, #tpu.memory_space<vmem>>
        %dma_wait3A_924 = arith.constant 0 : i32
        %dma_wait3A_925 = arith.constant 0 : i32
        %dma_wait3A_926 = tpu.memref_slice %arg2[%dma_wait3A_924, %dma_wait3A_925] : memref<10000x128xf32, #tpu.memory_space<hbm>> -> memref<10000x128xf32, #tpu.memory_space<hbm>>
        tpu.wait_indirect_dma semaphore(%arg23 : memref<!tpu.dma_semaphore, #tpu.memory_space<semaphore_mem>>) src(%dma_wait3A_926 : memref<10000x128xf32, #tpu.memory_space<hbm>>) dst(%arg12 : memref<125x128xf32, #tpu.memory_space<vmem>>)
        %dma_start3A_927 = arith.constant 3 : i32
        %dma_start3A_928 = arith.constant 0 : i32
        %dma_start3A_929 = tpu.memref_slice %arg10[%dma_start3A_927, %dma_start3A_928] : memref<4x125xi32, #tpu.memory_space<vmem>> -> memref<1x125xi32, #tpu.memory_space<vmem>>
        %dma_start3A_930 = tpu.memref_squeeze %dma_start3A_929 : memref<1x125xi32, #tpu.memory_space<vmem>> -> memref<125xi32, #tpu.memory_space<vmem>>
        %dma_start3A_931 = arith.constant 0 : i32
        %dma_start3A_932 = arith.constant 0 : i32
        %dma_start3A_933 = tpu.memref_slice %arg16[%dma_start3A_931, %dma_start3A_932] : memref<10000x128xf32, #tpu.memory_space<vmem_shared>> -> memref<10000x128xf32, #tpu.memory_space<vmem_shared>>
        tpu.enqueue_indirect_dma source(%arg12 : memref<125x128xf32, #tpu.memory_space<vmem>>) target(%dma_start3A_933 : memref<10000x128xf32, #tpu.memory_space<vmem_shared>>) offsets(%dma_start3A_930 : memref<125xi32, #tpu.memory_space<vmem>>) semaphore(%arg25 : memref<!tpu.dma_semaphore, #tpu.memory_space<semaphore_mem>>) {add = true}
        %dma_start3A_934 = arith.constant 3 : i32
        %dma_start3A_935 = arith.constant 0 : i32
        %dma_start3A_936 = tpu.memref_slice %arg10[%dma_start3A_934, %dma_start3A_935] : memref<4x125xi32, #tpu.memory_space<vmem>> -> memref<1x125xi32, #tpu.memory_space<vmem>>
        %dma_start3A_937 = tpu.memref_squeeze %dma_start3A_936 : memref<1x125xi32, #tpu.memory_space<vmem>> -> memref<125xi32, #tpu.memory_space<vmem>>
        %dma_start3A_938 = arith.constant 0 : i32
        %dma_start3A_939 = tpu.memref_slice %arg17[%dma_start3A_938] : memref<10000xf32, #tpu.memory_space<vmem_shared>> -> memref<10000xf32, #tpu.memory_space<vmem_shared>>
        tpu.enqueue_indirect_dma source(%arg13 : memref<125xf32, #tpu.memory_space<vmem>>) target(%dma_start3A_939 : memref<10000xf32, #tpu.memory_space<vmem_shared>>) offsets(%dma_start3A_937 : memref<125xi32, #tpu.memory_space<vmem>>) semaphore(%arg27 : memref<!tpu.dma_semaphore, #tpu.memory_space<semaphore_mem>>) {add = true}
        %add3A_940 = arith.constant 2 : i32
        %add3A_941 = arith.addi %add3A_919, %add3A_940 : i32
        %lt3A_942 = arith.constant 80 : i32
        %lt3A_943 = arith.cmpi slt, %add3A_941, %lt3A_942 : i32
        %convert_element_type3A_944 = arith.extui %lt3A_943 : i1 to i32
        %cond3A_945 = arith.constant 0 : i32
        %cond3A_946 = arith.cmpi ne, %convert_element_type3A_944, %cond3A_945 : i32
        scf.if %cond3A_946 {
          %add3A_975 = arith.constant 2 : i32
          %add3A_976 = arith.addi %add3A_919, %add3A_975 : i32
          %dma_wait3A_977 = arith.constant 0 : i32
          %dma_wait3A_978 = arith.constant 1 : i32
          %dma_wait3A_979 = arith.constant 0 : i32
          %dma_wait3A_980 = tpu.memref_slice %arg9[%dma_wait3A_978, %dma_wait3A_979] : memref<4x125xi32, #tpu.memory_space<vmem>> -> memref<1x125xi32, #tpu.memory_space<vmem>>
          %dma_wait3A_981 = tpu.memref_squeeze %dma_wait3A_980 : memref<1x125xi32, #tpu.memory_space<vmem>> -> memref<125xi32, #tpu.memory_space<vmem>>
          %dma_wait3A_982 = arith.constant 0 : i32
          %dma_wait3A_983 = tpu.memref_slice %arg3[%dma_wait3A_977, %arg1, %add3A_976, %dma_wait3A_982] : memref<2x16x80x125xi32, #tpu.memory_space<hbm>> -> memref<1x1x1x125xi32, #tpu.memory_space<hbm>>
          %dma_wait3A_984 = tpu.memref_squeeze %dma_wait3A_983 : memref<1x1x1x125xi32, #tpu.memory_space<hbm>> -> memref<125xi32, #tpu.memory_space<hbm>>
          %dma_wait3A_985 = arith.constant 0 : i32
          %dma_wait3A_986 = tpu.memref_slice %arg9[%dma_wait3A_978, %dma_wait3A_985] : memref<4x125xi32, #tpu.memory_space<vmem>> -> memref<1x125xi32, #tpu.memory_space<vmem>>
          %dma_wait3A_987 = tpu.memref_squeeze %dma_wait3A_986 : memref<1x125xi32, #tpu.memory_space<vmem>> -> memref<125xi32, #tpu.memory_space<vmem>>
          %dma_wait3A_988 = arith.constant 0 : i32
          %dma_wait3A_989 = tpu.memref_slice %arg3[%dma_wait3A_977, %arg1, %add3A_976, %dma_wait3A_988] : memref<2x16x80x125xi32, #tpu.memory_space<hbm>> -> memref<1x1x1x125xi32, #tpu.memory_space<hbm>>
          %dma_wait3A_990 = tpu.memref_squeeze %dma_wait3A_989 : memref<1x1x1x125xi32, #tpu.memory_space<hbm>> -> memref<125xi32, #tpu.memory_space<hbm>>
          tpu.wait_dma2 semaphore(%arg19 : memref<!tpu.dma_semaphore, #tpu.memory_space<semaphore_mem>>) src(%dma_wait3A_990 : memref<125xi32, #tpu.memory_space<hbm>>) dst(%dma_wait3A_987 : memref<125xi32, #tpu.memory_space<vmem>>)
          %dma_wait3A_991 = arith.constant 1 : i32
          %dma_wait3A_992 = arith.constant 1 : i32
          %dma_wait3A_993 = arith.constant 0 : i32
          %dma_wait3A_994 = tpu.memref_slice %arg10[%dma_wait3A_992, %dma_wait3A_993] : memref<4x125xi32, #tpu.memory_space<vmem>> -> memref<1x125xi32, #tpu.memory_space<vmem>>
          %dma_wait3A_995 = tpu.memref_squeeze %dma_wait3A_994 : memref<1x125xi32, #tpu.memory_space<vmem>> -> memref<125xi32, #tpu.memory_space<vmem>>
          %dma_wait3A_996 = arith.constant 0 : i32
          %dma_wait3A_997 = tpu.memref_slice %arg3[%dma_wait3A_991, %arg1, %add3A_976, %dma_wait3A_996] : memref<2x16x80x125xi32, #tpu.memory_space<hbm>> -> memref<1x1x1x125xi32, #tpu.memory_space<hbm>>
          %dma_wait3A_998 = tpu.memref_squeeze %dma_wait3A_997 : memref<1x1x1x125xi32, #tpu.memory_space<hbm>> -> memref<125xi32, #tpu.memory_space<hbm>>
          %dma_wait3A_999 = arith.constant 0 : i32
          %dma_wait3A_1000 = tpu.memref_slice %arg10[%dma_wait3A_992, %dma_wait3A_999] : memref<4x125xi32, #tpu.memory_space<vmem>> -> memref<1x125xi32, #tpu.memory_space<vmem>>
          %dma_wait3A_1001 = tpu.memref_squeeze %dma_wait3A_1000 : memref<1x125xi32, #tpu.memory_space<vmem>> -> memref<125xi32, #tpu.memory_space<vmem>>
          %dma_wait3A_1002 = arith.constant 0 : i32
          %dma_wait3A_1003 = tpu.memref_slice %arg3[%dma_wait3A_991, %arg1, %add3A_976, %dma_wait3A_1002] : memref<2x16x80x125xi32, #tpu.memory_space<hbm>> -> memref<1x1x1x125xi32, #tpu.memory_space<hbm>>
          %dma_wait3A_1004 = tpu.memref_squeeze %dma_wait3A_1003 : memref<1x1x1x125xi32, #tpu.memory_space<hbm>> -> memref<125xi32, #tpu.memory_space<hbm>>
          tpu.wait_dma2 semaphore(%arg19 : memref<!tpu.dma_semaphore, #tpu.memory_space<semaphore_mem>>) src(%dma_wait3A_1004 : memref<125xi32, #tpu.memory_space<hbm>>) dst(%dma_wait3A_1001 : memref<125xi32, #tpu.memory_space<vmem>>)
        } else {
        }
        %dma_wait3A_947 = arith.constant 3 : i32
        %dma_wait3A_948 = arith.constant 0 : i32
        %dma_wait3A_949 = tpu.memref_slice %arg10[%dma_wait3A_947, %dma_wait3A_948] : memref<4x125xi32, #tpu.memory_space<vmem>> -> memref<1x125xi32, #tpu.memory_space<vmem>>
        %dma_wait3A_950 = tpu.memref_squeeze %dma_wait3A_949 : memref<1x125xi32, #tpu.memory_space<vmem>> -> memref<125xi32, #tpu.memory_space<vmem>>
        %dma_wait3A_951 = arith.constant 0 : i32
        %dma_wait3A_952 = arith.constant 0 : i32
        %dma_wait3A_953 = tpu.memref_slice %arg16[%dma_wait3A_951, %dma_wait3A_952] : memref<10000x128xf32, #tpu.memory_space<vmem_shared>> -> memref<10000x128xf32, #tpu.memory_space<vmem_shared>>
        tpu.wait_indirect_dma semaphore(%arg25 : memref<!tpu.dma_semaphore, #tpu.memory_space<semaphore_mem>>) src(%arg12 : memref<125x128xf32, #tpu.memory_space<vmem>>) dst(%dma_wait3A_953 : memref<10000x128xf32, #tpu.memory_space<vmem_shared>>)
        %add3A_954 = arith.constant 2 : i32
        %add3A_955 = arith.addi %add3A_919, %add3A_954 : i32
        %lt3A_956 = arith.constant 80 : i32
        %lt3A_957 = arith.cmpi slt, %add3A_955, %lt3A_956 : i32
        %convert_element_type3A_958 = arith.extui %lt3A_957 : i1 to i32
        %cond3A_959 = arith.constant 0 : i32
        %cond3A_960 = arith.cmpi ne, %convert_element_type3A_958, %cond3A_959 : i32
        scf.if %cond3A_960 {
          %dma_start3A_975 = arith.constant 1 : i32
          %dma_start3A_976 = arith.constant 0 : i32
          %dma_start3A_977 = tpu.memref_slice %arg9[%dma_start3A_975, %dma_start3A_976] : memref<4x125xi32, #tpu.memory_space<vmem>> -> memref<1x125xi32, #tpu.memory_space<vmem>>
          %dma_start3A_978 = tpu.memref_squeeze %dma_start3A_977 : memref<1x125xi32, #tpu.memory_space<vmem>> -> memref<125xi32, #tpu.memory_space<vmem>>
          %dma_start3A_979 = arith.constant 0 : i32
          %dma_start3A_980 = arith.constant 0 : i32
          %dma_start3A_981 = tpu.memref_slice %arg2[%dma_start3A_979, %dma_start3A_980] : memref<10000x128xf32, #tpu.memory_space<hbm>> -> memref<10000x128xf32, #tpu.memory_space<hbm>>
          tpu.enqueue_indirect_dma source(%dma_start3A_981 : memref<10000x128xf32, #tpu.memory_space<hbm>>) target(%arg12 : memref<125x128xf32, #tpu.memory_space<vmem>>) offsets(%dma_start3A_978 : memref<125xi32, #tpu.memory_space<vmem>>) semaphore(%arg23 : memref<!tpu.dma_semaphore, #tpu.memory_space<semaphore_mem>>)
        } else {
        }
        %dma_wait3A_961 = arith.constant 3 : i32
        %dma_wait3A_962 = arith.constant 0 : i32
        %dma_wait3A_963 = tpu.memref_slice %arg10[%dma_wait3A_961, %dma_wait3A_962] : memref<4x125xi32, #tpu.memory_space<vmem>> -> memref<1x125xi32, #tpu.memory_space<vmem>>
        %dma_wait3A_964 = tpu.memref_squeeze %dma_wait3A_963 : memref<1x125xi32, #tpu.memory_space<vmem>> -> memref<125xi32, #tpu.memory_space<vmem>>
        %dma_wait3A_965 = arith.constant 0 : i32
        %dma_wait3A_966 = tpu.memref_slice %arg17[%dma_wait3A_965] : memref<10000xf32, #tpu.memory_space<vmem_shared>> -> memref<10000xf32, #tpu.memory_space<vmem_shared>>
        tpu.wait_indirect_dma semaphore(%arg27 : memref<!tpu.dma_semaphore, #tpu.memory_space<semaphore_mem>>) src(%arg13 : memref<125xf32, #tpu.memory_space<vmem>>) dst(%dma_wait3A_966 : memref<10000xf32, #tpu.memory_space<vmem_shared>>)
        %add3A_967 = arith.constant 4 : i32
        %add3A_968 = arith.addi %add3A_919, %add3A_967 : i32
        %lt3A_969 = arith.constant 80 : i32
        %lt3A_970 = arith.cmpi slt, %add3A_968, %lt3A_969 : i32
        %convert_element_type3A_971 = arith.extui %lt3A_970 : i1 to i32
        %cond3A_972 = arith.constant 0 : i32
        %cond3A_973 = arith.cmpi ne, %convert_element_type3A_971, %cond3A_972 : i32
        scf.if %cond3A_973 {
          %add3A_975 = arith.constant 4 : i32
          %add3A_976 = arith.addi %add3A_919, %add3A_975 : i32
          %dma_start3A_977 = arith.constant 0 : i32
          %dma_start3A_978 = arith.constant 3 : i32
          %dma_start3A_979 = arith.constant 0 : i32
          %dma_start3A_980 = tpu.memref_slice %arg9[%dma_start3A_978, %dma_start3A_979] : memref<4x125xi32, #tpu.memory_space<vmem>> -> memref<1x125xi32, #tpu.memory_space<vmem>>
          %dma_start3A_981 = tpu.memref_squeeze %dma_start3A_980 : memref<1x125xi32, #tpu.memory_space<vmem>> -> memref<125xi32, #tpu.memory_space<vmem>>
          %dma_start3A_982 = arith.constant 0 : i32
          %dma_start3A_983 = tpu.memref_slice %arg3[%dma_start3A_977, %arg1, %add3A_976, %dma_start3A_982] : memref<2x16x80x125xi32, #tpu.memory_space<hbm>> -> memref<1x1x1x125xi32, #tpu.memory_space<hbm>>
          %dma_start3A_984 = tpu.memref_squeeze %dma_start3A_983 : memref<1x1x1x125xi32, #tpu.memory_space<hbm>> -> memref<125xi32, #tpu.memory_space<hbm>>
          %dma_start3A_985 = arith.constant 0 : i32
          %dma_start3A_986 = tpu.memref_slice %arg9[%dma_start3A_978, %dma_start3A_985] : memref<4x125xi32, #tpu.memory_space<vmem>> -> memref<1x125xi32, #tpu.memory_space<vmem>>
          %dma_start3A_987 = tpu.memref_squeeze %dma_start3A_986 : memref<1x125xi32, #tpu.memory_space<vmem>> -> memref<125xi32, #tpu.memory_space<vmem>>
          %dma_start3A_988 = arith.constant 0 : i32
          %dma_start3A_989 = tpu.memref_slice %arg3[%dma_start3A_977, %arg1, %add3A_976, %dma_start3A_988] : memref<2x16x80x125xi32, #tpu.memory_space<hbm>> -> memref<1x1x1x125xi32, #tpu.memory_space<hbm>>
          %dma_start3A_990 = tpu.memref_squeeze %dma_start3A_989 : memref<1x1x1x125xi32, #tpu.memory_space<hbm>> -> memref<125xi32, #tpu.memory_space<hbm>>
          tpu.enqueue_dma source(%dma_start3A_990 : memref<125xi32, #tpu.memory_space<hbm>>) target(%dma_start3A_987 : memref<125xi32, #tpu.memory_space<vmem>>) target_semaphore(%arg21 : memref<!tpu.dma_semaphore, #tpu.memory_space<semaphore_mem>>)
          %dma_start3A_991 = arith.constant 1 : i32
          %dma_start3A_992 = arith.constant 3 : i32
          %dma_start3A_993 = arith.constant 0 : i32
          %dma_start3A_994 = tpu.memref_slice %arg10[%dma_start3A_992, %dma_start3A_993] : memref<4x125xi32, #tpu.memory_space<vmem>> -> memref<1x125xi32, #tpu.memory_space<vmem>>
          %dma_start3A_995 = tpu.memref_squeeze %dma_start3A_994 : memref<1x125xi32, #tpu.memory_space<vmem>> -> memref<125xi32, #tpu.memory_space<vmem>>
          %dma_start3A_996 = arith.constant 0 : i32
          %dma_start3A_997 = tpu.memref_slice %arg3[%dma_start3A_991, %arg1, %add3A_976, %dma_start3A_996] : memref<2x16x80x125xi32, #tpu.memory_space<hbm>> -> memref<1x1x1x125xi32, #tpu.memory_space<hbm>>
          %dma_start3A_998 = tpu.memref_squeeze %dma_start3A_997 : memref<1x1x1x125xi32, #tpu.memory_space<hbm>> -> memref<125xi32, #tpu.memory_space<hbm>>
          %dma_start3A_999 = arith.constant 0 : i32
          %dma_start3A_1000 = tpu.memref_slice %arg10[%dma_start3A_992, %dma_start3A_999] : memref<4x125xi32, #tpu.memory_space<vmem>> -> memref<1x125xi32, #tpu.memory_space<vmem>>
          %dma_start3A_1001 = tpu.memref_squeeze %dma_start3A_1000 : memref<1x125xi32, #tpu.memory_space<vmem>> -> memref<125xi32, #tpu.memory_space<vmem>>
          %dma_start3A_1002 = arith.constant 0 : i32
          %dma_start3A_1003 = tpu.memref_slice %arg3[%dma_start3A_991, %arg1, %add3A_976, %dma_start3A_1002] : memref<2x16x80x125xi32, #tpu.memory_space<hbm>> -> memref<1x1x1x125xi32, #tpu.memory_space<hbm>>
          %dma_start3A_1004 = tpu.memref_squeeze %dma_start3A_1003 : memref<1x1x1x125xi32, #tpu.memory_space<hbm>> -> memref<125xi32, #tpu.memory_space<hbm>>
          tpu.enqueue_dma source(%dma_start3A_1004 : memref<125xi32, #tpu.memory_space<hbm>>) target(%dma_start3A_1001 : memref<125xi32, #tpu.memory_space<vmem>>) target_semaphore(%arg21 : memref<!tpu.dma_semaphore, #tpu.memory_space<semaphore_mem>>)
        } else {
        }
        %scan3A_974 = arith.constant 0 : i32
        scf.yield %scan3A_974 : i32
      }
      %scan3A_486 = arith.constant 20 : i32
      %barrier3A_487 = arith.constant 0 : index
      tpu.barrier barrier_id(%barrier3A_487)
      %add3A_488 = arith.constant 0 : i32
      %add3A_489 = arith.addi %add3A_488, %arg1 : i32
      %mul3A_490 = arith.constant 80 : i32
      %mul3A_491 = arith.muli %add3A_489, %mul3A_490 : i32
      %multiple_of3A_492 = tpu.assume_multiple %mul3A_491, 80 : i32
      "tpu.region"() ({
        %run_scoped3A = tpu.sem_alloc : memref<!tpu.dma_semaphore, #tpu.memory_space<semaphore_mem>>
        %dma_start3A_740 = arith.constant 0 : i32
        %dma_start3A_741 = arith.constant 0 : i32
        %dma_start3A_742 = tpu.memref_slice %arg11[%dma_start3A_740, %dma_start3A_741] : memref<125x128xf32, #tpu.memory_space<vmem>> -> memref<80x128xf32, #tpu.memory_space<vmem>>
        %dma_start3A_743 = arith.constant 0 : i32
        %dma_start3A_744 = tpu.memref_slice %arg16[%multiple_of3A_492, %dma_start3A_743] : memref<10000x128xf32, #tpu.memory_space<vmem_shared>> -> memref<80x128xf32, #tpu.memory_space<vmem_shared>>
        %dma_start3A_745 = arith.constant 0 : i32
        %dma_start3A_746 = arith.constant 0 : i32
        %dma_start3A_747 = tpu.memref_slice %arg11[%dma_start3A_745, %dma_start3A_746] : memref<125x128xf32, #tpu.memory_space<vmem>> -> memref<80x128xf32, #tpu.memory_space<vmem>>
        %dma_start3A_748 = arith.constant 0 : i32
        %dma_start3A_749 = tpu.memref_slice %arg16[%multiple_of3A_492, %dma_start3A_748] : memref<10000x128xf32, #tpu.memory_space<vmem_shared>> -> memref<80x128xf32, #tpu.memory_space<vmem_shared>>
        tpu.enqueue_dma source(%dma_start3A_749 : memref<80x128xf32, #tpu.memory_space<vmem_shared>>) target(%dma_start3A_747 : memref<80x128xf32, #tpu.memory_space<vmem>>) target_semaphore(%run_scoped3A : memref<!tpu.dma_semaphore, #tpu.memory_space<semaphore_mem>>)
        %dma_wait3A_750 = arith.constant 0 : i32
        %dma_wait3A_751 = arith.constant 0 : i32
        %dma_wait3A_752 = tpu.memref_slice %arg11[%dma_wait3A_750, %dma_wait3A_751] : memref<125x128xf32, #tpu.memory_space<vmem>> -> memref<80x128xf32, #tpu.memory_space<vmem>>
        %dma_wait3A_753 = arith.constant 0 : i32
        %dma_wait3A_754 = tpu.memref_slice %arg16[%multiple_of3A_492, %dma_wait3A_753] : memref<10000x128xf32, #tpu.memory_space<vmem_shared>> -> memref<80x128xf32, #tpu.memory_space<vmem_shared>>
        %dma_wait3A_755 = arith.constant 0 : i32
        %dma_wait3A_756 = arith.constant 0 : i32
        %dma_wait3A_757 = tpu.memref_slice %arg11[%dma_wait3A_755, %dma_wait3A_756] : memref<125x128xf32, #tpu.memory_space<vmem>> -> memref<80x128xf32, #tpu.memory_space<vmem>>
        %dma_wait3A_758 = arith.constant 0 : i32
        %dma_wait3A_759 = tpu.memref_slice %arg16[%multiple_of3A_492, %dma_wait3A_758] : memref<10000x128xf32, #tpu.memory_space<vmem_shared>> -> memref<80x128xf32, #tpu.memory_space<vmem_shared>>
        tpu.wait_dma2 semaphore(%run_scoped3A : memref<!tpu.dma_semaphore, #tpu.memory_space<semaphore_mem>>) src(%dma_wait3A_759 : memref<80x128xf32, #tpu.memory_space<vmem_shared>>) dst(%dma_wait3A_757 : memref<80x128xf32, #tpu.memory_space<vmem>>)
        tpu.yield
      }) : () -> ()
      %dma_start3A_493 = arith.constant 0 : i32
      %dma_start3A_494 = arith.constant 0 : i32
      %dma_start3A_495 = tpu.memref_slice %arg11[%dma_start3A_493, %dma_start3A_494] : memref<125x128xf32, #tpu.memory_space<vmem>> -> memref<80x128xf32, #tpu.memory_space<vmem>>
      %dma_start3A_496 = arith.constant 0 : i32
      %dma_start3A_497 = tpu.memref_slice %arg5[%multiple_of3A_492, %dma_start3A_496] : memref<10000x128xf32, #tpu.memory_space<hbm>> -> memref<80x128xf32, #tpu.memory_space<hbm>>
      %dma_start3A_498 = arith.constant 0 : i32
      %dma_start3A_499 = tpu.memref_slice %arg5[%multiple_of3A_492, %dma_start3A_498] : memref<10000x128xf32, #tpu.memory_space<hbm>> -> memref<80x128xf32, #tpu.memory_space<hbm>>
      %dma_start3A_500 = arith.constant 0 : i32
      %dma_start3A_501 = arith.constant 0 : i32
      %dma_start3A_502 = tpu.memref_slice %arg11[%dma_start3A_500, %dma_start3A_501] : memref<125x128xf32, #tpu.memory_space<vmem>> -> memref<80x128xf32, #tpu.memory_space<vmem>>
      tpu.enqueue_dma source(%dma_start3A_502 : memref<80x128xf32, #tpu.memory_space<vmem>>) target(%dma_start3A_499 : memref<80x128xf32, #tpu.memory_space<hbm>>) target_semaphore(%arg22 : memref<!tpu.dma_semaphore, #tpu.memory_space<semaphore_mem>>)
      "tpu.region"() ({
        %run_scoped3A = tpu.sem_alloc : memref<!tpu.dma_semaphore, #tpu.memory_space<semaphore_mem>>
        %dma_start3A_740 = tpu.memref_slice %arg17[%multiple_of3A_492] : memref<10000xf32, #tpu.memory_space<vmem_shared>> -> memref<80xf32, #tpu.memory_space<vmem_shared>>
        %dma_start3A_741 = tpu.memref_slice %arg17[%multiple_of3A_492] : memref<10000xf32, #tpu.memory_space<vmem_shared>> -> memref<80xf32, #tpu.memory_space<vmem_shared>>
        tpu.enqueue_dma source(%dma_start3A_741 : memref<80xf32, #tpu.memory_space<vmem_shared>>) target(%arg14 : memref<80xf32, #tpu.memory_space<vmem>>) target_semaphore(%run_scoped3A : memref<!tpu.dma_semaphore, #tpu.memory_space<semaphore_mem>>)
        %dma_wait3A_742 = tpu.memref_slice %arg17[%multiple_of3A_492] : memref<10000xf32, #tpu.memory_space<vmem_shared>> -> memref<80xf32, #tpu.memory_space<vmem_shared>>
        %dma_wait3A_743 = tpu.memref_slice %arg17[%multiple_of3A_492] : memref<10000xf32, #tpu.memory_space<vmem_shared>> -> memref<80xf32, #tpu.memory_space<vmem_shared>>
        tpu.wait_dma2 semaphore(%run_scoped3A : memref<!tpu.dma_semaphore, #tpu.memory_space<semaphore_mem>>) src(%dma_wait3A_743 : memref<80xf32, #tpu.memory_space<vmem_shared>>) dst(%arg14 : memref<80xf32, #tpu.memory_space<vmem>>)
        tpu.yield
      }) : () -> ()
      %dma_start3A_503 = tpu.memref_slice %arg6[%multiple_of3A_492] : memref<10000xf32, #tpu.memory_space<hbm>> -> memref<80xf32, #tpu.memory_space<hbm>>
      %dma_start3A_504 = tpu.memref_slice %arg6[%multiple_of3A_492] : memref<10000xf32, #tpu.memory_space<hbm>> -> memref<80xf32, #tpu.memory_space<hbm>>
      tpu.enqueue_dma source(%arg14 : memref<80xf32, #tpu.memory_space<vmem>>) target(%dma_start3A_504 : memref<80xf32, #tpu.memory_space<hbm>>) target_semaphore(%arg18 : memref<!tpu.dma_semaphore, #tpu.memory_space<semaphore_mem>>)
      %add3A_505 = arith.constant 16 : i32
      %add3A_506 = arith.addi %add3A_505, %arg1 : i32
      %mul3A_507 = arith.constant 80 : i32
      %mul3A_508 = arith.muli %add3A_506, %mul3A_507 : i32
      %multiple_of3A_509 = tpu.assume_multiple %mul3A_508, 80 : i32
      "tpu.region"() ({
        %run_scoped3A = tpu.sem_alloc : memref<!tpu.dma_semaphore, #tpu.memory_space<semaphore_mem>>
        %dma_start3A_740 = arith.constant 0 : i32
        %dma_start3A_741 = arith.constant 0 : i32
        %dma_start3A_742 = tpu.memref_slice %arg12[%dma_start3A_740, %dma_start3A_741] : memref<125x128xf32, #tpu.memory_space<vmem>> -> memref<80x128xf32, #tpu.memory_space<vmem>>
        %dma_start3A_743 = arith.constant 0 : i32
        %dma_start3A_744 = tpu.memref_slice %arg16[%multiple_of3A_509, %dma_start3A_743] : memref<10000x128xf32, #tpu.memory_space<vmem_shared>> -> memref<80x128xf32, #tpu.memory_space<vmem_shared>>
        %dma_start3A_745 = arith.constant 0 : i32
        %dma_start3A_746 = arith.constant 0 : i32
        %dma_start3A_747 = tpu.memref_slice %arg12[%dma_start3A_745, %dma_start3A_746] : memref<125x128xf32, #tpu.memory_space<vmem>> -> memref<80x128xf32, #tpu.memory_space<vmem>>
        %dma_start3A_748 = arith.constant 0 : i32
        %dma_start3A_749 = tpu.memref_slice %arg16[%multiple_of3A_509, %dma_start3A_748] : memref<10000x128xf32, #tpu.memory_space<vmem_shared>> -> memref<80x128xf32, #tpu.memory_space<vmem_shared>>
        tpu.enqueue_dma source(%dma_start3A_749 : memref<80x128xf32, #tpu.memory_space<vmem_shared>>) target(%dma_start3A_747 : memref<80x128xf32, #tpu.memory_space<vmem>>) target_semaphore(%run_scoped3A : memref<!tpu.dma_semaphore, #tpu.memory_space<semaphore_mem>>)
        %dma_wait3A_750 = arith.constant 0 : i32
        %dma_wait3A_751 = arith.constant 0 : i32
        %dma_wait3A_752 = tpu.memref_slice %arg12[%dma_wait3A_750, %dma_wait3A_751] : memref<125x128xf32, #tpu.memory_space<vmem>> -> memref<80x128xf32, #tpu.memory_space<vmem>>
        %dma_wait3A_753 = arith.constant 0 : i32
        %dma_wait3A_754 = tpu.memref_slice %arg16[%multiple_of3A_509, %dma_wait3A_753] : memref<10000x128xf32, #tpu.memory_space<vmem_shared>> -> memref<80x128xf32, #tpu.memory_space<vmem_shared>>
        %dma_wait3A_755 = arith.constant 0 : i32
        %dma_wait3A_756 = arith.constant 0 : i32
        %dma_wait3A_757 = tpu.memref_slice %arg12[%dma_wait3A_755, %dma_wait3A_756] : memref<125x128xf32, #tpu.memory_space<vmem>> -> memref<80x128xf32, #tpu.memory_space<vmem>>
        %dma_wait3A_758 = arith.constant 0 : i32
        %dma_wait3A_759 = tpu.memref_slice %arg16[%multiple_of3A_509, %dma_wait3A_758] : memref<10000x128xf32, #tpu.memory_space<vmem_shared>> -> memref<80x128xf32, #tpu.memory_space<vmem_shared>>
        tpu.wait_dma2 semaphore(%run_scoped3A : memref<!tpu.dma_semaphore, #tpu.memory_space<semaphore_mem>>) src(%dma_wait3A_759 : memref<80x128xf32, #tpu.memory_space<vmem_shared>>) dst(%dma_wait3A_757 : memref<80x128xf32, #tpu.memory_space<vmem>>)
        tpu.yield
      }) : () -> ()
      %dma_start3A_510 = arith.constant 0 : i32
      %dma_start3A_511 = arith.constant 0 : i32
      %dma_start3A_512 = tpu.memref_slice %arg12[%dma_start3A_510, %dma_start3A_511] : memref<125x128xf32, #tpu.memory_space<vmem>> -> memref<80x128xf32, #tpu.memory_space<vmem>>
      %dma_start3A_513 = arith.constant 0 : i32
      %dma_start3A_514 = tpu.memref_slice %arg5[%multiple_of3A_509, %dma_start3A_513] : memref<10000x128xf32, #tpu.memory_space<hbm>> -> memref<80x128xf32, #tpu.memory_space<hbm>>
      %dma_start3A_515 = arith.constant 0 : i32
      %dma_start3A_516 = tpu.memref_slice %arg5[%multiple_of3A_509, %dma_start3A_515] : memref<10000x128xf32, #tpu.memory_space<hbm>> -> memref<80x128xf32, #tpu.memory_space<hbm>>
      %dma_start3A_517 = arith.constant 0 : i32
      %dma_start3A_518 = arith.constant 0 : i32
      %dma_start3A_519 = tpu.memref_slice %arg12[%dma_start3A_517, %dma_start3A_518] : memref<125x128xf32, #tpu.memory_space<vmem>> -> memref<80x128xf32, #tpu.memory_space<vmem>>
      tpu.enqueue_dma source(%dma_start3A_519 : memref<80x128xf32, #tpu.memory_space<vmem>>) target(%dma_start3A_516 : memref<80x128xf32, #tpu.memory_space<hbm>>) target_semaphore(%arg23 : memref<!tpu.dma_semaphore, #tpu.memory_space<semaphore_mem>>)
      "tpu.region"() ({
        %run_scoped3A = tpu.sem_alloc : memref<!tpu.dma_semaphore, #tpu.memory_space<semaphore_mem>>
        %dma_start3A_740 = tpu.memref_slice %arg17[%multiple_of3A_509] : memref<10000xf32, #tpu.memory_space<vmem_shared>> -> memref<80xf32, #tpu.memory_space<vmem_shared>>
        %dma_start3A_741 = tpu.memref_slice %arg17[%multiple_of3A_509] : memref<10000xf32, #tpu.memory_space<vmem_shared>> -> memref<80xf32, #tpu.memory_space<vmem_shared>>
        tpu.enqueue_dma source(%dma_start3A_741 : memref<80xf32, #tpu.memory_space<vmem_shared>>) target(%arg15 : memref<80xf32, #tpu.memory_space<vmem>>) target_semaphore(%run_scoped3A : memref<!tpu.dma_semaphore, #tpu.memory_space<semaphore_mem>>)
        %dma_wait3A_742 = tpu.memref_slice %arg17[%multiple_of3A_509] : memref<10000xf32, #tpu.memory_space<vmem_shared>> -> memref<80xf32, #tpu.memory_space<vmem_shared>>
        %dma_wait3A_743 = tpu.memref_slice %arg17[%multiple_of3A_509] : memref<10000xf32, #tpu.memory_space<vmem_shared>> -> memref<80xf32, #tpu.memory_space<vmem_shared>>
        tpu.wait_dma2 semaphore(%run_scoped3A : memref<!tpu.dma_semaphore, #tpu.memory_space<semaphore_mem>>) src(%dma_wait3A_743 : memref<80xf32, #tpu.memory_space<vmem_shared>>) dst(%arg15 : memref<80xf32, #tpu.memory_space<vmem>>)
        tpu.yield
      }) : () -> ()
      %dma_start3A_520 = tpu.memref_slice %arg6[%multiple_of3A_509] : memref<10000xf32, #tpu.memory_space<hbm>> -> memref<80xf32, #tpu.memory_space<hbm>>
      %dma_start3A_521 = tpu.memref_slice %arg6[%multiple_of3A_509] : memref<10000xf32, #tpu.memory_space<hbm>> -> memref<80xf32, #tpu.memory_space<hbm>>
      tpu.enqueue_dma source(%arg15 : memref<80xf32, #tpu.memory_space<vmem>>) target(%dma_start3A_521 : memref<80xf32, #tpu.memory_space<hbm>>) target_semaphore(%arg19 : memref<!tpu.dma_semaphore, #tpu.memory_space<semaphore_mem>>)
      %add3A_522 = arith.constant 0 : i32
      %add3A_523 = arith.addi %add3A_522, %arg1 : i32
      %mul3A_524 = arith.constant 80 : i32
      %mul3A_525 = arith.muli %add3A_523, %mul3A_524 : i32
      %multiple_of3A_526 = tpu.assume_multiple %mul3A_525, 80 : i32
      %dma_wait3A_527 = arith.constant 0 : i32
      %dma_wait3A_528 = arith.constant 0 : i32
      %dma_wait3A_529 = tpu.memref_slice %arg11[%dma_wait3A_527, %dma_wait3A_528] : memref<125x128xf32, #tpu.memory_space<vmem>> -> memref<80x128xf32, #tpu.memory_space<vmem>>
      %dma_wait3A_530 = arith.constant 0 : i32
      %dma_wait3A_531 = tpu.memref_slice %arg5[%multiple_of3A_526, %dma_wait3A_530] : memref<10000x128xf32, #tpu.memory_space<hbm>> -> memref<80x128xf32, #tpu.memory_space<hbm>>
      %dma_wait3A_532 = arith.constant 0 : i32
      %dma_wait3A_533 = tpu.memref_slice %arg5[%multiple_of3A_526, %dma_wait3A_532] : memref<10000x128xf32, #tpu.memory_space<hbm>> -> memref<80x128xf32, #tpu.memory_space<hbm>>
      %dma_wait3A_534 = arith.constant 0 : i32
      %dma_wait3A_535 = arith.constant 0 : i32
      %dma_wait3A_536 = tpu.memref_slice %arg11[%dma_wait3A_534, %dma_wait3A_535] : memref<125x128xf32, #tpu.memory_space<vmem>> -> memref<80x128xf32, #tpu.memory_space<vmem>>
      tpu.wait_dma2 semaphore(%arg22 : memref<!tpu.dma_semaphore, #tpu.memory_space<semaphore_mem>>) src(%dma_wait3A_536 : memref<80x128xf32, #tpu.memory_space<vmem>>) dst(%dma_wait3A_533 : memref<80x128xf32, #tpu.memory_space<hbm>>)
      %dma_wait3A_537 = tpu.memref_slice %arg6[%multiple_of3A_526] : memref<10000xf32, #tpu.memory_space<hbm>> -> memref<80xf32, #tpu.memory_space<hbm>>
      %dma_wait3A_538 = tpu.memref_slice %arg6[%multiple_of3A_526] : memref<10000xf32, #tpu.memory_space<hbm>> -> memref<80xf32, #tpu.memory_space<hbm>>
      tpu.wait_dma2 semaphore(%arg18 : memref<!tpu.dma_semaphore, #tpu.memory_space<semaphore_mem>>) src(%arg14 : memref<80xf32, #tpu.memory_space<vmem>>) dst(%dma_wait3A_538 : memref<80xf32, #tpu.memory_space<hbm>>)
      %add3A_539 = arith.constant 32 : i32
      %add3A_540 = arith.addi %add3A_539, %arg1 : i32
      %mul3A_541 = arith.constant 80 : i32
      %mul3A_542 = arith.muli %add3A_540, %mul3A_541 : i32
      %multiple_of3A_543 = tpu.assume_multiple %mul3A_542, 80 : i32
      "tpu.region"() ({
        %run_scoped3A = tpu.sem_alloc : memref<!tpu.dma_semaphore, #tpu.memory_space<semaphore_mem>>
        %dma_start3A_740 = arith.constant 0 : i32
        %dma_start3A_741 = arith.constant 0 : i32
        %dma_start3A_742 = tpu.memref_slice %arg11[%dma_start3A_740, %dma_start3A_741] : memref<125x128xf32, #tpu.memory_space<vmem>> -> memref<80x128xf32, #tpu.memory_space<vmem>>
        %dma_start3A_743 = arith.constant 0 : i32
        %dma_start3A_744 = tpu.memref_slice %arg16[%multiple_of3A_543, %dma_start3A_743] : memref<10000x128xf32, #tpu.memory_space<vmem_shared>> -> memref<80x128xf32, #tpu.memory_space<vmem_shared>>
        %dma_start3A_745 = arith.constant 0 : i32
        %dma_start3A_746 = arith.constant 0 : i32
        %dma_start3A_747 = tpu.memref_slice %arg11[%dma_start3A_745, %dma_start3A_746] : memref<125x128xf32, #tpu.memory_space<vmem>> -> memref<80x128xf32, #tpu.memory_space<vmem>>
        %dma_start3A_748 = arith.constant 0 : i32
        %dma_start3A_749 = tpu.memref_slice %arg16[%multiple_of3A_543, %dma_start3A_748] : memref<10000x128xf32, #tpu.memory_space<vmem_shared>> -> memref<80x128xf32, #tpu.memory_space<vmem_shared>>
        tpu.enqueue_dma source(%dma_start3A_749 : memref<80x128xf32, #tpu.memory_space<vmem_shared>>) target(%dma_start3A_747 : memref<80x128xf32, #tpu.memory_space<vmem>>) target_semaphore(%run_scoped3A : memref<!tpu.dma_semaphore, #tpu.memory_space<semaphore_mem>>)
        %dma_wait3A_750 = arith.constant 0 : i32
        %dma_wait3A_751 = arith.constant 0 : i32
        %dma_wait3A_752 = tpu.memref_slice %arg11[%dma_wait3A_750, %dma_wait3A_751] : memref<125x128xf32, #tpu.memory_space<vmem>> -> memref<80x128xf32, #tpu.memory_space<vmem>>
        %dma_wait3A_753 = arith.constant 0 : i32
        %dma_wait3A_754 = tpu.memref_slice %arg16[%multiple_of3A_543, %dma_wait3A_753] : memref<10000x128xf32, #tpu.memory_space<vmem_shared>> -> memref<80x128xf32, #tpu.memory_space<vmem_shared>>
        %dma_wait3A_755 = arith.constant 0 : i32
        %dma_wait3A_756 = arith.constant 0 : i32
        %dma_wait3A_757 = tpu.memref_slice %arg11[%dma_wait3A_755, %dma_wait3A_756] : memref<125x128xf32, #tpu.memory_space<vmem>> -> memref<80x128xf32, #tpu.memory_space<vmem>>
        %dma_wait3A_758 = arith.constant 0 : i32
        %dma_wait3A_759 = tpu.memref_slice %arg16[%multiple_of3A_543, %dma_wait3A_758] : memref<10000x128xf32, #tpu.memory_space<vmem_shared>> -> memref<80x128xf32, #tpu.memory_space<vmem_shared>>
        tpu.wait_dma2 semaphore(%run_scoped3A : memref<!tpu.dma_semaphore, #tpu.memory_space<semaphore_mem>>) src(%dma_wait3A_759 : memref<80x128xf32, #tpu.memory_space<vmem_shared>>) dst(%dma_wait3A_757 : memref<80x128xf32, #tpu.memory_space<vmem>>)
        tpu.yield
      }) : () -> ()
      %dma_start3A_544 = arith.constant 0 : i32
      %dma_start3A_545 = arith.constant 0 : i32
      %dma_start3A_546 = tpu.memref_slice %arg11[%dma_start3A_544, %dma_start3A_545] : memref<125x128xf32, #tpu.memory_space<vmem>> -> memref<80x128xf32, #tpu.memory_space<vmem>>
      %dma_start3A_547 = arith.constant 0 : i32
      %dma_start3A_548 = tpu.memref_slice %arg5[%multiple_of3A_543, %dma_start3A_547] : memref<10000x128xf32, #tpu.memory_space<hbm>> -> memref<80x128xf32, #tpu.memory_space<hbm>>
      %dma_start3A_549 = arith.constant 0 : i32
      %dma_start3A_550 = tpu.memref_slice %arg5[%multiple_of3A_543, %dma_start3A_549] : memref<10000x128xf32, #tpu.memory_space<hbm>> -> memref<80x128xf32, #tpu.memory_space<hbm>>
      %dma_start3A_551 = arith.constant 0 : i32
      %dma_start3A_552 = arith.constant 0 : i32
      %dma_start3A_553 = tpu.memref_slice %arg11[%dma_start3A_551, %dma_start3A_552] : memref<125x128xf32, #tpu.memory_space<vmem>> -> memref<80x128xf32, #tpu.memory_space<vmem>>
      tpu.enqueue_dma source(%dma_start3A_553 : memref<80x128xf32, #tpu.memory_space<vmem>>) target(%dma_start3A_550 : memref<80x128xf32, #tpu.memory_space<hbm>>) target_semaphore(%arg22 : memref<!tpu.dma_semaphore, #tpu.memory_space<semaphore_mem>>)
      "tpu.region"() ({
        %run_scoped3A = tpu.sem_alloc : memref<!tpu.dma_semaphore, #tpu.memory_space<semaphore_mem>>
        %dma_start3A_740 = tpu.memref_slice %arg17[%multiple_of3A_543] : memref<10000xf32, #tpu.memory_space<vmem_shared>> -> memref<80xf32, #tpu.memory_space<vmem_shared>>
        %dma_start3A_741 = tpu.memref_slice %arg17[%multiple_of3A_543] : memref<10000xf32, #tpu.memory_space<vmem_shared>> -> memref<80xf32, #tpu.memory_space<vmem_shared>>
        tpu.enqueue_dma source(%dma_start3A_741 : memref<80xf32, #tpu.memory_space<vmem_shared>>) target(%arg14 : memref<80xf32, #tpu.memory_space<vmem>>) target_semaphore(%run_scoped3A : memref<!tpu.dma_semaphore, #tpu.memory_space<semaphore_mem>>)
        %dma_wait3A_742 = tpu.memref_slice %arg17[%multiple_of3A_543] : memref<10000xf32, #tpu.memory_space<vmem_shared>> -> memref<80xf32, #tpu.memory_space<vmem_shared>>
        %dma_wait3A_743 = tpu.memref_slice %arg17[%multiple_of3A_543] : memref<10000xf32, #tpu.memory_space<vmem_shared>> -> memref<80xf32, #tpu.memory_space<vmem_shared>>
        tpu.wait_dma2 semaphore(%run_scoped3A : memref<!tpu.dma_semaphore, #tpu.memory_space<semaphore_mem>>) src(%dma_wait3A_743 : memref<80xf32, #tpu.memory_space<vmem_shared>>) dst(%arg14 : memref<80xf32, #tpu.memory_space<vmem>>)
        tpu.yield
      }) : () -> ()
      %dma_start3A_554 = tpu.memref_slice %arg6[%multiple_of3A_543] : memref<10000xf32, #tpu.memory_space<hbm>> -> memref<80xf32, #tpu.memory_space<hbm>>
      %dma_start3A_555 = tpu.memref_slice %arg6[%multiple_of3A_543] : memref<10000xf32, #tpu.memory_space<hbm>> -> memref<80xf32, #tpu.memory_space<hbm>>
      tpu.enqueue_dma source(%arg14 : memref<80xf32, #tpu.memory_space<vmem>>) target(%dma_start3A_555 : memref<80xf32, #tpu.memory_space<hbm>>) target_semaphore(%arg18 : memref<!tpu.dma_semaphore, #tpu.memory_space<semaphore_mem>>)
      %add3A_556 = arith.constant 16 : i32
      %add3A_557 = arith.addi %add3A_556, %arg1 : i32
      %mul3A_558 = arith.constant 80 : i32
      %mul3A_559 = arith.muli %add3A_557, %mul3A_558 : i32
      %multiple_of3A_560 = tpu.assume_multiple %mul3A_559, 80 : i32
      %dma_wait3A_561 = arith.constant 0 : i32
      %dma_wait3A_562 = arith.constant 0 : i32
      %dma_wait3A_563 = tpu.memref_slice %arg12[%dma_wait3A_561, %dma_wait3A_562] : memref<125x128xf32, #tpu.memory_space<vmem>> -> memref<80x128xf32, #tpu.memory_space<vmem>>
      %dma_wait3A_564 = arith.constant 0 : i32
      %dma_wait3A_565 = tpu.memref_slice %arg5[%multiple_of3A_560, %dma_wait3A_564] : memref<10000x128xf32, #tpu.memory_space<hbm>> -> memref<80x128xf32, #tpu.memory_space<hbm>>
      %dma_wait3A_566 = arith.constant 0 : i32
      %dma_wait3A_567 = tpu.memref_slice %arg5[%multiple_of3A_560, %dma_wait3A_566] : memref<10000x128xf32, #tpu.memory_space<hbm>> -> memref<80x128xf32, #tpu.memory_space<hbm>>
      %dma_wait3A_568 = arith.constant 0 : i32
      %dma_wait3A_569 = arith.constant 0 : i32
      %dma_wait3A_570 = tpu.memref_slice %arg12[%dma_wait3A_568, %dma_wait3A_569] : memref<125x128xf32, #tpu.memory_space<vmem>> -> memref<80x128xf32, #tpu.memory_space<vmem>>
      tpu.wait_dma2 semaphore(%arg23 : memref<!tpu.dma_semaphore, #tpu.memory_space<semaphore_mem>>) src(%dma_wait3A_570 : memref<80x128xf32, #tpu.memory_space<vmem>>) dst(%dma_wait3A_567 : memref<80x128xf32, #tpu.memory_space<hbm>>)
      %dma_wait3A_571 = tpu.memref_slice %arg6[%multiple_of3A_560] : memref<10000xf32, #tpu.memory_space<hbm>> -> memref<80xf32, #tpu.memory_space<hbm>>
      %dma_wait3A_572 = tpu.memref_slice %arg6[%multiple_of3A_560] : memref<10000xf32, #tpu.memory_space<hbm>> -> memref<80xf32, #tpu.memory_space<hbm>>
      tpu.wait_dma2 semaphore(%arg19 : memref<!tpu.dma_semaphore, #tpu.memory_space<semaphore_mem>>) src(%arg15 : memref<80xf32, #tpu.memory_space<vmem>>) dst(%dma_wait3A_572 : memref<80xf32, #tpu.memory_space<hbm>>)
      %add3A_573 = arith.constant 48 : i32
      %add3A_574 = arith.addi %add3A_573, %arg1 : i32
      %mul3A_575 = arith.constant 80 : i32
      %mul3A_576 = arith.muli %add3A_574, %mul3A_575 : i32
      %multiple_of3A_577 = tpu.assume_multiple %mul3A_576, 80 : i32
      "tpu.region"() ({
        %run_scoped3A = tpu.sem_alloc : memref<!tpu.dma_semaphore, #tpu.memory_space<semaphore_mem>>
        %dma_start3A_740 = arith.constant 0 : i32
        %dma_start3A_741 = arith.constant 0 : i32
        %dma_start3A_742 = tpu.memref_slice %arg12[%dma_start3A_740, %dma_start3A_741] : memref<125x128xf32, #tpu.memory_space<vmem>> -> memref<80x128xf32, #tpu.memory_space<vmem>>
        %dma_start3A_743 = arith.constant 0 : i32
        %dma_start3A_744 = tpu.memref_slice %arg16[%multiple_of3A_577, %dma_start3A_743] : memref<10000x128xf32, #tpu.memory_space<vmem_shared>> -> memref<80x128xf32, #tpu.memory_space<vmem_shared>>
        %dma_start3A_745 = arith.constant 0 : i32
        %dma_start3A_746 = arith.constant 0 : i32
        %dma_start3A_747 = tpu.memref_slice %arg12[%dma_start3A_745, %dma_start3A_746] : memref<125x128xf32, #tpu.memory_space<vmem>> -> memref<80x128xf32, #tpu.memory_space<vmem>>
        %dma_start3A_748 = arith.constant 0 : i32
        %dma_start3A_749 = tpu.memref_slice %arg16[%multiple_of3A_577, %dma_start3A_748] : memref<10000x128xf32, #tpu.memory_space<vmem_shared>> -> memref<80x128xf32, #tpu.memory_space<vmem_shared>>
        tpu.enqueue_dma source(%dma_start3A_749 : memref<80x128xf32, #tpu.memory_space<vmem_shared>>) target(%dma_start3A_747 : memref<80x128xf32, #tpu.memory_space<vmem>>) target_semaphore(%run_scoped3A : memref<!tpu.dma_semaphore, #tpu.memory_space<semaphore_mem>>)
        %dma_wait3A_750 = arith.constant 0 : i32
        %dma_wait3A_751 = arith.constant 0 : i32
        %dma_wait3A_752 = tpu.memref_slice %arg12[%dma_wait3A_750, %dma_wait3A_751] : memref<125x128xf32, #tpu.memory_space<vmem>> -> memref<80x128xf32, #tpu.memory_space<vmem>>
        %dma_wait3A_753 = arith.constant 0 : i32
        %dma_wait3A_754 = tpu.memref_slice %arg16[%multiple_of3A_577, %dma_wait3A_753] : memref<10000x128xf32, #tpu.memory_space<vmem_shared>> -> memref<80x128xf32, #tpu.memory_space<vmem_shared>>
        %dma_wait3A_755 = arith.constant 0 : i32
        %dma_wait3A_756 = arith.constant 0 : i32
        %dma_wait3A_757 = tpu.memref_slice %arg12[%dma_wait3A_755, %dma_wait3A_756] : memref<125x128xf32, #tpu.memory_space<vmem>> -> memref<80x128xf32, #tpu.memory_space<vmem>>
        %dma_wait3A_758 = arith.constant 0 : i32
        %dma_wait3A_759 = tpu.memref_slice %arg16[%multiple_of3A_577, %dma_wait3A_758] : memref<10000x128xf32, #tpu.memory_space<vmem_shared>> -> memref<80x128xf32, #tpu.memory_space<vmem_shared>>
        tpu.wait_dma2 semaphore(%run_scoped3A : memref<!tpu.dma_semaphore, #tpu.memory_space<semaphore_mem>>) src(%dma_wait3A_759 : memref<80x128xf32, #tpu.memory_space<vmem_shared>>) dst(%dma_wait3A_757 : memref<80x128xf32, #tpu.memory_space<vmem>>)
        tpu.yield
      }) : () -> ()
      %dma_start3A_578 = arith.constant 0 : i32
      %dma_start3A_579 = arith.constant 0 : i32
      %dma_start3A_580 = tpu.memref_slice %arg12[%dma_start3A_578, %dma_start3A_579] : memref<125x128xf32, #tpu.memory_space<vmem>> -> memref<80x128xf32, #tpu.memory_space<vmem>>
      %dma_start3A_581 = arith.constant 0 : i32
      %dma_start3A_582 = tpu.memref_slice %arg5[%multiple_of3A_577, %dma_start3A_581] : memref<10000x128xf32, #tpu.memory_space<hbm>> -> memref<80x128xf32, #tpu.memory_space<hbm>>
      %dma_start3A_583 = arith.constant 0 : i32
      %dma_start3A_584 = tpu.memref_slice %arg5[%multiple_of3A_577, %dma_start3A_583] : memref<10000x128xf32, #tpu.memory_space<hbm>> -> memref<80x128xf32, #tpu.memory_space<hbm>>
      %dma_start3A_585 = arith.constant 0 : i32
      %dma_start3A_586 = arith.constant 0 : i32
      %dma_start3A_587 = tpu.memref_slice %arg12[%dma_start3A_585, %dma_start3A_586] : memref<125x128xf32, #tpu.memory_space<vmem>> -> memref<80x128xf32, #tpu.memory_space<vmem>>
      tpu.enqueue_dma source(%dma_start3A_587 : memref<80x128xf32, #tpu.memory_space<vmem>>) target(%dma_start3A_584 : memref<80x128xf32, #tpu.memory_space<hbm>>) target_semaphore(%arg23 : memref<!tpu.dma_semaphore, #tpu.memory_space<semaphore_mem>>)
      "tpu.region"() ({
        %run_scoped3A = tpu.sem_alloc : memref<!tpu.dma_semaphore, #tpu.memory_space<semaphore_mem>>
        %dma_start3A_740 = tpu.memref_slice %arg17[%multiple_of3A_577] : memref<10000xf32, #tpu.memory_space<vmem_shared>> -> memref<80xf32, #tpu.memory_space<vmem_shared>>
        %dma_start3A_741 = tpu.memref_slice %arg17[%multiple_of3A_577] : memref<10000xf32, #tpu.memory_space<vmem_shared>> -> memref<80xf32, #tpu.memory_space<vmem_shared>>
        tpu.enqueue_dma source(%dma_start3A_741 : memref<80xf32, #tpu.memory_space<vmem_shared>>) target(%arg15 : memref<80xf32, #tpu.memory_space<vmem>>) target_semaphore(%run_scoped3A : memref<!tpu.dma_semaphore, #tpu.memory_space<semaphore_mem>>)
        %dma_wait3A_742 = tpu.memref_slice %arg17[%multiple_of3A_577] : memref<10000xf32, #tpu.memory_space<vmem_shared>> -> memref<80xf32, #tpu.memory_space<vmem_shared>>
        %dma_wait3A_743 = tpu.memref_slice %arg17[%multiple_of3A_577] : memref<10000xf32, #tpu.memory_space<vmem_shared>> -> memref<80xf32, #tpu.memory_space<vmem_shared>>
        tpu.wait_dma2 semaphore(%run_scoped3A : memref<!tpu.dma_semaphore, #tpu.memory_space<semaphore_mem>>) src(%dma_wait3A_743 : memref<80xf32, #tpu.memory_space<vmem_shared>>) dst(%arg15 : memref<80xf32, #tpu.memory_space<vmem>>)
        tpu.yield
      }) : () -> ()
      %dma_start3A_588 = tpu.memref_slice %arg6[%multiple_of3A_577] : memref<10000xf32, #tpu.memory_space<hbm>> -> memref<80xf32, #tpu.memory_space<hbm>>
      %dma_start3A_589 = tpu.memref_slice %arg6[%multiple_of3A_577] : memref<10000xf32, #tpu.memory_space<hbm>> -> memref<80xf32, #tpu.memory_space<hbm>>
      tpu.enqueue_dma source(%arg15 : memref<80xf32, #tpu.memory_space<vmem>>) target(%dma_start3A_589 : memref<80xf32, #tpu.memory_space<hbm>>) target_semaphore(%arg19 : memref<!tpu.dma_semaphore, #tpu.memory_space<semaphore_mem>>)
      %add3A_590 = arith.constant 32 : i32
      %add3A_591 = arith.addi %add3A_590, %arg1 : i32
      %mul3A_592 = arith.constant 80 : i32
      %mul3A_593 = arith.muli %add3A_591, %mul3A_592 : i32
      %multiple_of3A_594 = tpu.assume_multiple %mul3A_593, 80 : i32
      %dma_wait3A_595 = arith.constant 0 : i32
      %dma_wait3A_596 = arith.constant 0 : i32
      %dma_wait3A_597 = tpu.memref_slice %arg11[%dma_wait3A_595, %dma_wait3A_596] : memref<125x128xf32, #tpu.memory_space<vmem>> -> memref<80x128xf32, #tpu.memory_space<vmem>>
      %dma_wait3A_598 = arith.constant 0 : i32
      %dma_wait3A_599 = tpu.memref_slice %arg5[%multiple_of3A_594, %dma_wait3A_598] : memref<10000x128xf32, #tpu.memory_space<hbm>> -> memref<80x128xf32, #tpu.memory_space<hbm>>
      %dma_wait3A_600 = arith.constant 0 : i32
      %dma_wait3A_601 = tpu.memref_slice %arg5[%multiple_of3A_594, %dma_wait3A_600] : memref<10000x128xf32, #tpu.memory_space<hbm>> -> memref<80x128xf32, #tpu.memory_space<hbm>>
      %dma_wait3A_602 = arith.constant 0 : i32
      %dma_wait3A_603 = arith.constant 0 : i32
      %dma_wait3A_604 = tpu.memref_slice %arg11[%dma_wait3A_602, %dma_wait3A_603] : memref<125x128xf32, #tpu.memory_space<vmem>> -> memref<80x128xf32, #tpu.memory_space<vmem>>
      tpu.wait_dma2 semaphore(%arg22 : memref<!tpu.dma_semaphore, #tpu.memory_space<semaphore_mem>>) src(%dma_wait3A_604 : memref<80x128xf32, #tpu.memory_space<vmem>>) dst(%dma_wait3A_601 : memref<80x128xf32, #tpu.memory_space<hbm>>)
      %dma_wait3A_605 = tpu.memref_slice %arg6[%multiple_of3A_594] : memref<10000xf32, #tpu.memory_space<hbm>> -> memref<80xf32, #tpu.memory_space<hbm>>
      %dma_wait3A_606 = tpu.memref_slice %arg6[%multiple_of3A_594] : memref<10000xf32, #tpu.memory_space<hbm>> -> memref<80xf32, #tpu.memory_space<hbm>>
      tpu.wait_dma2 semaphore(%arg18 : memref<!tpu.dma_semaphore, #tpu.memory_space<semaphore_mem>>) src(%arg14 : memref<80xf32, #tpu.memory_space<vmem>>) dst(%dma_wait3A_606 : memref<80xf32, #tpu.memory_space<hbm>>)
      %add3A_607 = arith.constant 64 : i32
      %add3A_608 = arith.addi %add3A_607, %arg1 : i32
      %mul3A_609 = arith.constant 80 : i32
      %mul3A_610 = arith.muli %add3A_608, %mul3A_609 : i32
      %multiple_of3A_611 = tpu.assume_multiple %mul3A_610, 80 : i32
      "tpu.region"() ({
        %run_scoped3A = tpu.sem_alloc : memref<!tpu.dma_semaphore, #tpu.memory_space<semaphore_mem>>
        %dma_start3A_740 = arith.constant 0 : i32
        %dma_start3A_741 = arith.constant 0 : i32
        %dma_start3A_742 = tpu.memref_slice %arg11[%dma_start3A_740, %dma_start3A_741] : memref<125x128xf32, #tpu.memory_space<vmem>> -> memref<80x128xf32, #tpu.memory_space<vmem>>
        %dma_start3A_743 = arith.constant 0 : i32
        %dma_start3A_744 = tpu.memref_slice %arg16[%multiple_of3A_611, %dma_start3A_743] : memref<10000x128xf32, #tpu.memory_space<vmem_shared>> -> memref<80x128xf32, #tpu.memory_space<vmem_shared>>
        %dma_start3A_745 = arith.constant 0 : i32
        %dma_start3A_746 = arith.constant 0 : i32
        %dma_start3A_747 = tpu.memref_slice %arg11[%dma_start3A_745, %dma_start3A_746] : memref<125x128xf32, #tpu.memory_space<vmem>> -> memref<80x128xf32, #tpu.memory_space<vmem>>
        %dma_start3A_748 = arith.constant 0 : i32
        %dma_start3A_749 = tpu.memref_slice %arg16[%multiple_of3A_611, %dma_start3A_748] : memref<10000x128xf32, #tpu.memory_space<vmem_shared>> -> memref<80x128xf32, #tpu.memory_space<vmem_shared>>
        tpu.enqueue_dma source(%dma_start3A_749 : memref<80x128xf32, #tpu.memory_space<vmem_shared>>) target(%dma_start3A_747 : memref<80x128xf32, #tpu.memory_space<vmem>>) target_semaphore(%run_scoped3A : memref<!tpu.dma_semaphore, #tpu.memory_space<semaphore_mem>>)
        %dma_wait3A_750 = arith.constant 0 : i32
        %dma_wait3A_751 = arith.constant 0 : i32
        %dma_wait3A_752 = tpu.memref_slice %arg11[%dma_wait3A_750, %dma_wait3A_751] : memref<125x128xf32, #tpu.memory_space<vmem>> -> memref<80x128xf32, #tpu.memory_space<vmem>>
        %dma_wait3A_753 = arith.constant 0 : i32
        %dma_wait3A_754 = tpu.memref_slice %arg16[%multiple_of3A_611, %dma_wait3A_753] : memref<10000x128xf32, #tpu.memory_space<vmem_shared>> -> memref<80x128xf32, #tpu.memory_space<vmem_shared>>
        %dma_wait3A_755 = arith.constant 0 : i32
        %dma_wait3A_756 = arith.constant 0 : i32
        %dma_wait3A_757 = tpu.memref_slice %arg11[%dma_wait3A_755, %dma_wait3A_756] : memref<125x128xf32, #tpu.memory_space<vmem>> -> memref<80x128xf32, #tpu.memory_space<vmem>>
        %dma_wait3A_758 = arith.constant 0 : i32
        %dma_wait3A_759 = tpu.memref_slice %arg16[%multiple_of3A_611, %dma_wait3A_758] : memref<10000x128xf32, #tpu.memory_space<vmem_shared>> -> memref<80x128xf32, #tpu.memory_space<vmem_shared>>
        tpu.wait_dma2 semaphore(%run_scoped3A : memref<!tpu.dma_semaphore, #tpu.memory_space<semaphore_mem>>) src(%dma_wait3A_759 : memref<80x128xf32, #tpu.memory_space<vmem_shared>>) dst(%dma_wait3A_757 : memref<80x128xf32, #tpu.memory_space<vmem>>)
        tpu.yield
      }) : () -> ()
      %dma_start3A_612 = arith.constant 0 : i32
      %dma_start3A_613 = arith.constant 0 : i32
      %dma_start3A_614 = tpu.memref_slice %arg11[%dma_start3A_612, %dma_start3A_613] : memref<125x128xf32, #tpu.memory_space<vmem>> -> memref<80x128xf32, #tpu.memory_space<vmem>>
      %dma_start3A_615 = arith.constant 0 : i32
      %dma_start3A_616 = tpu.memref_slice %arg5[%multiple_of3A_611, %dma_start3A_615] : memref<10000x128xf32, #tpu.memory_space<hbm>> -> memref<80x128xf32, #tpu.memory_space<hbm>>
      %dma_start3A_617 = arith.constant 0 : i32
      %dma_start3A_618 = tpu.memref_slice %arg5[%multiple_of3A_611, %dma_start3A_617] : memref<10000x128xf32, #tpu.memory_space<hbm>> -> memref<80x128xf32, #tpu.memory_space<hbm>>
      %dma_start3A_619 = arith.constant 0 : i32
      %dma_start3A_620 = arith.constant 0 : i32
      %dma_start3A_621 = tpu.memref_slice %arg11[%dma_start3A_619, %dma_start3A_620] : memref<125x128xf32, #tpu.memory_space<vmem>> -> memref<80x128xf32, #tpu.memory_space<vmem>>
      tpu.enqueue_dma source(%dma_start3A_621 : memref<80x128xf32, #tpu.memory_space<vmem>>) target(%dma_start3A_618 : memref<80x128xf32, #tpu.memory_space<hbm>>) target_semaphore(%arg22 : memref<!tpu.dma_semaphore, #tpu.memory_space<semaphore_mem>>)
      "tpu.region"() ({
        %run_scoped3A = tpu.sem_alloc : memref<!tpu.dma_semaphore, #tpu.memory_space<semaphore_mem>>
        %dma_start3A_740 = tpu.memref_slice %arg17[%multiple_of3A_611] : memref<10000xf32, #tpu.memory_space<vmem_shared>> -> memref<80xf32, #tpu.memory_space<vmem_shared>>
        %dma_start3A_741 = tpu.memref_slice %arg17[%multiple_of3A_611] : memref<10000xf32, #tpu.memory_space<vmem_shared>> -> memref<80xf32, #tpu.memory_space<vmem_shared>>
        tpu.enqueue_dma source(%dma_start3A_741 : memref<80xf32, #tpu.memory_space<vmem_shared>>) target(%arg14 : memref<80xf32, #tpu.memory_space<vmem>>) target_semaphore(%run_scoped3A : memref<!tpu.dma_semaphore, #tpu.memory_space<semaphore_mem>>)
        %dma_wait3A_742 = tpu.memref_slice %arg17[%multiple_of3A_611] : memref<10000xf32, #tpu.memory_space<vmem_shared>> -> memref<80xf32, #tpu.memory_space<vmem_shared>>
        %dma_wait3A_743 = tpu.memref_slice %arg17[%multiple_of3A_611] : memref<10000xf32, #tpu.memory_space<vmem_shared>> -> memref<80xf32, #tpu.memory_space<vmem_shared>>
        tpu.wait_dma2 semaphore(%run_scoped3A : memref<!tpu.dma_semaphore, #tpu.memory_space<semaphore_mem>>) src(%dma_wait3A_743 : memref<80xf32, #tpu.memory_space<vmem_shared>>) dst(%arg14 : memref<80xf32, #tpu.memory_space<vmem>>)
        tpu.yield
      }) : () -> ()
      %dma_start3A_622 = tpu.memref_slice %arg6[%multiple_of3A_611] : memref<10000xf32, #tpu.memory_space<hbm>> -> memref<80xf32, #tpu.memory_space<hbm>>
      %dma_start3A_623 = tpu.memref_slice %arg6[%multiple_of3A_611] : memref<10000xf32, #tpu.memory_space<hbm>> -> memref<80xf32, #tpu.memory_space<hbm>>
      tpu.enqueue_dma source(%arg14 : memref<80xf32, #tpu.memory_space<vmem>>) target(%dma_start3A_623 : memref<80xf32, #tpu.memory_space<hbm>>) target_semaphore(%arg18 : memref<!tpu.dma_semaphore, #tpu.memory_space<semaphore_mem>>)
      %add3A_624 = arith.constant 48 : i32
      %add3A_625 = arith.addi %add3A_624, %arg1 : i32
      %mul3A_626 = arith.constant 80 : i32
      %mul3A_627 = arith.muli %add3A_625, %mul3A_626 : i32
      %multiple_of3A_628 = tpu.assume_multiple %mul3A_627, 80 : i32
      %dma_wait3A_629 = arith.constant 0 : i32
      %dma_wait3A_630 = arith.constant 0 : i32
      %dma_wait3A_631 = tpu.memref_slice %arg12[%dma_wait3A_629, %dma_wait3A_630] : memref<125x128xf32, #tpu.memory_space<vmem>> -> memref<80x128xf32, #tpu.memory_space<vmem>>
      %dma_wait3A_632 = arith.constant 0 : i32
      %dma_wait3A_633 = tpu.memref_slice %arg5[%multiple_of3A_628, %dma_wait3A_632] : memref<10000x128xf32, #tpu.memory_space<hbm>> -> memref<80x128xf32, #tpu.memory_space<hbm>>
      %dma_wait3A_634 = arith.constant 0 : i32
      %dma_wait3A_635 = tpu.memref_slice %arg5[%multiple_of3A_628, %dma_wait3A_634] : memref<10000x128xf32, #tpu.memory_space<hbm>> -> memref<80x128xf32, #tpu.memory_space<hbm>>
      %dma_wait3A_636 = arith.constant 0 : i32
      %dma_wait3A_637 = arith.constant 0 : i32
      %dma_wait3A_638 = tpu.memref_slice %arg12[%dma_wait3A_636, %dma_wait3A_637] : memref<125x128xf32, #tpu.memory_space<vmem>> -> memref<80x128xf32, #tpu.memory_space<vmem>>
      tpu.wait_dma2 semaphore(%arg23 : memref<!tpu.dma_semaphore, #tpu.memory_space<semaphore_mem>>) src(%dma_wait3A_638 : memref<80x128xf32, #tpu.memory_space<vmem>>) dst(%dma_wait3A_635 : memref<80x128xf32, #tpu.memory_space<hbm>>)
      %dma_wait3A_639 = tpu.memref_slice %arg6[%multiple_of3A_628] : memref<10000xf32, #tpu.memory_space<hbm>> -> memref<80xf32, #tpu.memory_space<hbm>>
      %dma_wait3A_640 = tpu.memref_slice %arg6[%multiple_of3A_628] : memref<10000xf32, #tpu.memory_space<hbm>> -> memref<80xf32, #tpu.memory_space<hbm>>
      tpu.wait_dma2 semaphore(%arg19 : memref<!tpu.dma_semaphore, #tpu.memory_space<semaphore_mem>>) src(%arg15 : memref<80xf32, #tpu.memory_space<vmem>>) dst(%dma_wait3A_640 : memref<80xf32, #tpu.memory_space<hbm>>)
      %add3A_641 = arith.constant 80 : i32
      %add3A_642 = arith.addi %add3A_641, %arg1 : i32
      %mul3A_643 = arith.constant 80 : i32
      %mul3A_644 = arith.muli %add3A_642, %mul3A_643 : i32
      %multiple_of3A_645 = tpu.assume_multiple %mul3A_644, 80 : i32
      "tpu.region"() ({
        %run_scoped3A = tpu.sem_alloc : memref<!tpu.dma_semaphore, #tpu.memory_space<semaphore_mem>>
        %dma_start3A_740 = arith.constant 0 : i32
        %dma_start3A_741 = arith.constant 0 : i32
        %dma_start3A_742 = tpu.memref_slice %arg12[%dma_start3A_740, %dma_start3A_741] : memref<125x128xf32, #tpu.memory_space<vmem>> -> memref<80x128xf32, #tpu.memory_space<vmem>>
        %dma_start3A_743 = arith.constant 0 : i32
        %dma_start3A_744 = tpu.memref_slice %arg16[%multiple_of3A_645, %dma_start3A_743] : memref<10000x128xf32, #tpu.memory_space<vmem_shared>> -> memref<80x128xf32, #tpu.memory_space<vmem_shared>>
        %dma_start3A_745 = arith.constant 0 : i32
        %dma_start3A_746 = arith.constant 0 : i32
        %dma_start3A_747 = tpu.memref_slice %arg12[%dma_start3A_745, %dma_start3A_746] : memref<125x128xf32, #tpu.memory_space<vmem>> -> memref<80x128xf32, #tpu.memory_space<vmem>>
        %dma_start3A_748 = arith.constant 0 : i32
        %dma_start3A_749 = tpu.memref_slice %arg16[%multiple_of3A_645, %dma_start3A_748] : memref<10000x128xf32, #tpu.memory_space<vmem_shared>> -> memref<80x128xf32, #tpu.memory_space<vmem_shared>>
        tpu.enqueue_dma source(%dma_start3A_749 : memref<80x128xf32, #tpu.memory_space<vmem_shared>>) target(%dma_start3A_747 : memref<80x128xf32, #tpu.memory_space<vmem>>) target_semaphore(%run_scoped3A : memref<!tpu.dma_semaphore, #tpu.memory_space<semaphore_mem>>)
        %dma_wait3A_750 = arith.constant 0 : i32
        %dma_wait3A_751 = arith.constant 0 : i32
        %dma_wait3A_752 = tpu.memref_slice %arg12[%dma_wait3A_750, %dma_wait3A_751] : memref<125x128xf32, #tpu.memory_space<vmem>> -> memref<80x128xf32, #tpu.memory_space<vmem>>
        %dma_wait3A_753 = arith.constant 0 : i32
        %dma_wait3A_754 = tpu.memref_slice %arg16[%multiple_of3A_645, %dma_wait3A_753] : memref<10000x128xf32, #tpu.memory_space<vmem_shared>> -> memref<80x128xf32, #tpu.memory_space<vmem_shared>>
        %dma_wait3A_755 = arith.constant 0 : i32
        %dma_wait3A_756 = arith.constant 0 : i32
        %dma_wait3A_757 = tpu.memref_slice %arg12[%dma_wait3A_755, %dma_wait3A_756] : memref<125x128xf32, #tpu.memory_space<vmem>> -> memref<80x128xf32, #tpu.memory_space<vmem>>
        %dma_wait3A_758 = arith.constant 0 : i32
        %dma_wait3A_759 = tpu.memref_slice %arg16[%multiple_of3A_645, %dma_wait3A_758] : memref<10000x128xf32, #tpu.memory_space<vmem_shared>> -> memref<80x128xf32, #tpu.memory_space<vmem_shared>>
        tpu.wait_dma2 semaphore(%run_scoped3A : memref<!tpu.dma_semaphore, #tpu.memory_space<semaphore_mem>>) src(%dma_wait3A_759 : memref<80x128xf32, #tpu.memory_space<vmem_shared>>) dst(%dma_wait3A_757 : memref<80x128xf32, #tpu.memory_space<vmem>>)
        tpu.yield
      }) : () -> ()
      %dma_start3A_646 = arith.constant 0 : i32
      %dma_start3A_647 = arith.constant 0 : i32
      %dma_start3A_648 = tpu.memref_slice %arg12[%dma_start3A_646, %dma_start3A_647] : memref<125x128xf32, #tpu.memory_space<vmem>> -> memref<80x128xf32, #tpu.memory_space<vmem>>
      %dma_start3A_649 = arith.constant 0 : i32
      %dma_start3A_650 = tpu.memref_slice %arg5[%multiple_of3A_645, %dma_start3A_649] : memref<10000x128xf32, #tpu.memory_space<hbm>> -> memref<80x128xf32, #tpu.memory_space<hbm>>
      %dma_start3A_651 = arith.constant 0 : i32
      %dma_start3A_652 = tpu.memref_slice %arg5[%multiple_of3A_645, %dma_start3A_651] : memref<10000x128xf32, #tpu.memory_space<hbm>> -> memref<80x128xf32, #tpu.memory_space<hbm>>
      %dma_start3A_653 = arith.constant 0 : i32
      %dma_start3A_654 = arith.constant 0 : i32
      %dma_start3A_655 = tpu.memref_slice %arg12[%dma_start3A_653, %dma_start3A_654] : memref<125x128xf32, #tpu.memory_space<vmem>> -> memref<80x128xf32, #tpu.memory_space<vmem>>
      tpu.enqueue_dma source(%dma_start3A_655 : memref<80x128xf32, #tpu.memory_space<vmem>>) target(%dma_start3A_652 : memref<80x128xf32, #tpu.memory_space<hbm>>) target_semaphore(%arg23 : memref<!tpu.dma_semaphore, #tpu.memory_space<semaphore_mem>>)
      "tpu.region"() ({
        %run_scoped3A = tpu.sem_alloc : memref<!tpu.dma_semaphore, #tpu.memory_space<semaphore_mem>>
        %dma_start3A_740 = tpu.memref_slice %arg17[%multiple_of3A_645] : memref<10000xf32, #tpu.memory_space<vmem_shared>> -> memref<80xf32, #tpu.memory_space<vmem_shared>>
        %dma_start3A_741 = tpu.memref_slice %arg17[%multiple_of3A_645] : memref<10000xf32, #tpu.memory_space<vmem_shared>> -> memref<80xf32, #tpu.memory_space<vmem_shared>>
        tpu.enqueue_dma source(%dma_start3A_741 : memref<80xf32, #tpu.memory_space<vmem_shared>>) target(%arg15 : memref<80xf32, #tpu.memory_space<vmem>>) target_semaphore(%run_scoped3A : memref<!tpu.dma_semaphore, #tpu.memory_space<semaphore_mem>>)
        %dma_wait3A_742 = tpu.memref_slice %arg17[%multiple_of3A_645] : memref<10000xf32, #tpu.memory_space<vmem_shared>> -> memref<80xf32, #tpu.memory_space<vmem_shared>>
        %dma_wait3A_743 = tpu.memref_slice %arg17[%multiple_of3A_645] : memref<10000xf32, #tpu.memory_space<vmem_shared>> -> memref<80xf32, #tpu.memory_space<vmem_shared>>
        tpu.wait_dma2 semaphore(%run_scoped3A : memref<!tpu.dma_semaphore, #tpu.memory_space<semaphore_mem>>) src(%dma_wait3A_743 : memref<80xf32, #tpu.memory_space<vmem_shared>>) dst(%arg15 : memref<80xf32, #tpu.memory_space<vmem>>)
        tpu.yield
      }) : () -> ()
      %dma_start3A_656 = tpu.memref_slice %arg6[%multiple_of3A_645] : memref<10000xf32, #tpu.memory_space<hbm>> -> memref<80xf32, #tpu.memory_space<hbm>>
      %dma_start3A_657 = tpu.memref_slice %arg6[%multiple_of3A_645] : memref<10000xf32, #tpu.memory_space<hbm>> -> memref<80xf32, #tpu.memory_space<hbm>>
      tpu.enqueue_dma source(%arg15 : memref<80xf32, #tpu.memory_space<vmem>>) target(%dma_start3A_657 : memref<80xf32, #tpu.memory_space<hbm>>) target_semaphore(%arg19 : memref<!tpu.dma_semaphore, #tpu.memory_space<semaphore_mem>>)
      %add3A_658 = arith.constant 64 : i32
      %add3A_659 = arith.addi %add3A_658, %arg1 : i32
      %mul3A_660 = arith.constant 80 : i32
      %mul3A_661 = arith.muli %add3A_659, %mul3A_660 : i32
      %multiple_of3A_662 = tpu.assume_multiple %mul3A_661, 80 : i32
      %dma_wait3A_663 = arith.constant 0 : i32
      %dma_wait3A_664 = arith.constant 0 : i32
      %dma_wait3A_665 = tpu.memref_slice %arg11[%dma_wait3A_663, %dma_wait3A_664] : memref<125x128xf32, #tpu.memory_space<vmem>> -> memref<80x128xf32, #tpu.memory_space<vmem>>
      %dma_wait3A_666 = arith.constant 0 : i32
      %dma_wait3A_667 = tpu.memref_slice %arg5[%multiple_of3A_662, %dma_wait3A_666] : memref<10000x128xf32, #tpu.memory_space<hbm>> -> memref<80x128xf32, #tpu.memory_space<hbm>>
      %dma_wait3A_668 = arith.constant 0 : i32
      %dma_wait3A_669 = tpu.memref_slice %arg5[%multiple_of3A_662, %dma_wait3A_668] : memref<10000x128xf32, #tpu.memory_space<hbm>> -> memref<80x128xf32, #tpu.memory_space<hbm>>
      %dma_wait3A_670 = arith.constant 0 : i32
      %dma_wait3A_671 = arith.constant 0 : i32
      %dma_wait3A_672 = tpu.memref_slice %arg11[%dma_wait3A_670, %dma_wait3A_671] : memref<125x128xf32, #tpu.memory_space<vmem>> -> memref<80x128xf32, #tpu.memory_space<vmem>>
      tpu.wait_dma2 semaphore(%arg22 : memref<!tpu.dma_semaphore, #tpu.memory_space<semaphore_mem>>) src(%dma_wait3A_672 : memref<80x128xf32, #tpu.memory_space<vmem>>) dst(%dma_wait3A_669 : memref<80x128xf32, #tpu.memory_space<hbm>>)
      %dma_wait3A_673 = tpu.memref_slice %arg6[%multiple_of3A_662] : memref<10000xf32, #tpu.memory_space<hbm>> -> memref<80xf32, #tpu.memory_space<hbm>>
      %dma_wait3A_674 = tpu.memref_slice %arg6[%multiple_of3A_662] : memref<10000xf32, #tpu.memory_space<hbm>> -> memref<80xf32, #tpu.memory_space<hbm>>
      tpu.wait_dma2 semaphore(%arg18 : memref<!tpu.dma_semaphore, #tpu.memory_space<semaphore_mem>>) src(%arg14 : memref<80xf32, #tpu.memory_space<vmem>>) dst(%dma_wait3A_674 : memref<80xf32, #tpu.memory_space<hbm>>)
      %add3A_675 = arith.constant 96 : i32
      %add3A_676 = arith.addi %add3A_675, %arg1 : i32
      %mul3A_677 = arith.constant 80 : i32
      %mul3A_678 = arith.muli %add3A_676, %mul3A_677 : i32
      %multiple_of3A_679 = tpu.assume_multiple %mul3A_678, 80 : i32
      "tpu.region"() ({
        %run_scoped3A = tpu.sem_alloc : memref<!tpu.dma_semaphore, #tpu.memory_space<semaphore_mem>>
        %dma_start3A_740 = arith.constant 0 : i32
        %dma_start3A_741 = arith.constant 0 : i32
        %dma_start3A_742 = tpu.memref_slice %arg11[%dma_start3A_740, %dma_start3A_741] : memref<125x128xf32, #tpu.memory_space<vmem>> -> memref<80x128xf32, #tpu.memory_space<vmem>>
        %dma_start3A_743 = arith.constant 0 : i32
        %dma_start3A_744 = tpu.memref_slice %arg16[%multiple_of3A_679, %dma_start3A_743] : memref<10000x128xf32, #tpu.memory_space<vmem_shared>> -> memref<80x128xf32, #tpu.memory_space<vmem_shared>>
        %dma_start3A_745 = arith.constant 0 : i32
        %dma_start3A_746 = arith.constant 0 : i32
        %dma_start3A_747 = tpu.memref_slice %arg11[%dma_start3A_745, %dma_start3A_746] : memref<125x128xf32, #tpu.memory_space<vmem>> -> memref<80x128xf32, #tpu.memory_space<vmem>>
        %dma_start3A_748 = arith.constant 0 : i32
        %dma_start3A_749 = tpu.memref_slice %arg16[%multiple_of3A_679, %dma_start3A_748] : memref<10000x128xf32, #tpu.memory_space<vmem_shared>> -> memref<80x128xf32, #tpu.memory_space<vmem_shared>>
        tpu.enqueue_dma source(%dma_start3A_749 : memref<80x128xf32, #tpu.memory_space<vmem_shared>>) target(%dma_start3A_747 : memref<80x128xf32, #tpu.memory_space<vmem>>) target_semaphore(%run_scoped3A : memref<!tpu.dma_semaphore, #tpu.memory_space<semaphore_mem>>)
        %dma_wait3A_750 = arith.constant 0 : i32
        %dma_wait3A_751 = arith.constant 0 : i32
        %dma_wait3A_752 = tpu.memref_slice %arg11[%dma_wait3A_750, %dma_wait3A_751] : memref<125x128xf32, #tpu.memory_space<vmem>> -> memref<80x128xf32, #tpu.memory_space<vmem>>
        %dma_wait3A_753 = arith.constant 0 : i32
        %dma_wait3A_754 = tpu.memref_slice %arg16[%multiple_of3A_679, %dma_wait3A_753] : memref<10000x128xf32, #tpu.memory_space<vmem_shared>> -> memref<80x128xf32, #tpu.memory_space<vmem_shared>>
        %dma_wait3A_755 = arith.constant 0 : i32
        %dma_wait3A_756 = arith.constant 0 : i32
        %dma_wait3A_757 = tpu.memref_slice %arg11[%dma_wait3A_755, %dma_wait3A_756] : memref<125x128xf32, #tpu.memory_space<vmem>> -> memref<80x128xf32, #tpu.memory_space<vmem>>
        %dma_wait3A_758 = arith.constant 0 : i32
        %dma_wait3A_759 = tpu.memref_slice %arg16[%multiple_of3A_679, %dma_wait3A_758] : memref<10000x128xf32, #tpu.memory_space<vmem_shared>> -> memref<80x128xf32, #tpu.memory_space<vmem_shared>>
        tpu.wait_dma2 semaphore(%run_scoped3A : memref<!tpu.dma_semaphore, #tpu.memory_space<semaphore_mem>>) src(%dma_wait3A_759 : memref<80x128xf32, #tpu.memory_space<vmem_shared>>) dst(%dma_wait3A_757 : memref<80x128xf32, #tpu.memory_space<vmem>>)
        tpu.yield
      }) : () -> ()
      %dma_start3A_680 = arith.constant 0 : i32
      %dma_start3A_681 = arith.constant 0 : i32
      %dma_start3A_682 = tpu.memref_slice %arg11[%dma_start3A_680, %dma_start3A_681] : memref<125x128xf32, #tpu.memory_space<vmem>> -> memref<80x128xf32, #tpu.memory_space<vmem>>
      %dma_start3A_683 = arith.constant 0 : i32
      %dma_start3A_684 = tpu.memref_slice %arg5[%multiple_of3A_679, %dma_start3A_683] : memref<10000x128xf32, #tpu.memory_space<hbm>> -> memref<80x128xf32, #tpu.memory_space<hbm>>
      %dma_start3A_685 = arith.constant 0 : i32
      %dma_start3A_686 = tpu.memref_slice %arg5[%multiple_of3A_679, %dma_start3A_685] : memref<10000x128xf32, #tpu.memory_space<hbm>> -> memref<80x128xf32, #tpu.memory_space<hbm>>
      %dma_start3A_687 = arith.constant 0 : i32
      %dma_start3A_688 = arith.constant 0 : i32
      %dma_start3A_689 = tpu.memref_slice %arg11[%dma_start3A_687, %dma_start3A_688] : memref<125x128xf32, #tpu.memory_space<vmem>> -> memref<80x128xf32, #tpu.memory_space<vmem>>
      tpu.enqueue_dma source(%dma_start3A_689 : memref<80x128xf32, #tpu.memory_space<vmem>>) target(%dma_start3A_686 : memref<80x128xf32, #tpu.memory_space<hbm>>) target_semaphore(%arg22 : memref<!tpu.dma_semaphore, #tpu.memory_space<semaphore_mem>>)
      "tpu.region"() ({
        %run_scoped3A = tpu.sem_alloc : memref<!tpu.dma_semaphore, #tpu.memory_space<semaphore_mem>>
        %dma_start3A_740 = tpu.memref_slice %arg17[%multiple_of3A_679] : memref<10000xf32, #tpu.memory_space<vmem_shared>> -> memref<80xf32, #tpu.memory_space<vmem_shared>>
        %dma_start3A_741 = tpu.memref_slice %arg17[%multiple_of3A_679] : memref<10000xf32, #tpu.memory_space<vmem_shared>> -> memref<80xf32, #tpu.memory_space<vmem_shared>>
        tpu.enqueue_dma source(%dma_start3A_741 : memref<80xf32, #tpu.memory_space<vmem_shared>>) target(%arg14 : memref<80xf32, #tpu.memory_space<vmem>>) target_semaphore(%run_scoped3A : memref<!tpu.dma_semaphore, #tpu.memory_space<semaphore_mem>>)
        %dma_wait3A_742 = tpu.memref_slice %arg17[%multiple_of3A_679] : memref<10000xf32, #tpu.memory_space<vmem_shared>> -> memref<80xf32, #tpu.memory_space<vmem_shared>>
        %dma_wait3A_743 = tpu.memref_slice %arg17[%multiple_of3A_679] : memref<10000xf32, #tpu.memory_space<vmem_shared>> -> memref<80xf32, #tpu.memory_space<vmem_shared>>
        tpu.wait_dma2 semaphore(%run_scoped3A : memref<!tpu.dma_semaphore, #tpu.memory_space<semaphore_mem>>) src(%dma_wait3A_743 : memref<80xf32, #tpu.memory_space<vmem_shared>>) dst(%arg14 : memref<80xf32, #tpu.memory_space<vmem>>)
        tpu.yield
      }) : () -> ()
      %dma_start3A_690 = tpu.memref_slice %arg6[%multiple_of3A_679] : memref<10000xf32, #tpu.memory_space<hbm>> -> memref<80xf32, #tpu.memory_space<hbm>>
      %dma_start3A_691 = tpu.memref_slice %arg6[%multiple_of3A_679] : memref<10000xf32, #tpu.memory_space<hbm>> -> memref<80xf32, #tpu.memory_space<hbm>>
      tpu.enqueue_dma source(%arg14 : memref<80xf32, #tpu.memory_space<vmem>>) target(%dma_start3A_691 : memref<80xf32, #tpu.memory_space<hbm>>) target_semaphore(%arg18 : memref<!tpu.dma_semaphore, #tpu.memory_space<semaphore_mem>>)
      %add3A_692 = arith.constant 80 : i32
      %add3A_693 = arith.addi %add3A_692, %arg1 : i32
      %mul3A_694 = arith.constant 80 : i32
      %mul3A_695 = arith.muli %add3A_693, %mul3A_694 : i32
      %multiple_of3A_696 = tpu.assume_multiple %mul3A_695, 80 : i32
      %dma_wait3A_697 = arith.constant 0 : i32
      %dma_wait3A_698 = arith.constant 0 : i32
      %dma_wait3A_699 = tpu.memref_slice %arg12[%dma_wait3A_697, %dma_wait3A_698] : memref<125x128xf32, #tpu.memory_space<vmem>> -> memref<80x128xf32, #tpu.memory_space<vmem>>
      %dma_wait3A_700 = arith.constant 0 : i32
      %dma_wait3A_701 = tpu.memref_slice %arg5[%multiple_of3A_696, %dma_wait3A_700] : memref<10000x128xf32, #tpu.memory_space<hbm>> -> memref<80x128xf32, #tpu.memory_space<hbm>>
      %dma_wait3A_702 = arith.constant 0 : i32
      %dma_wait3A_703 = tpu.memref_slice %arg5[%multiple_of3A_696, %dma_wait3A_702] : memref<10000x128xf32, #tpu.memory_space<hbm>> -> memref<80x128xf32, #tpu.memory_space<hbm>>
      %dma_wait3A_704 = arith.constant 0 : i32
      %dma_wait3A_705 = arith.constant 0 : i32
      %dma_wait3A_706 = tpu.memref_slice %arg12[%dma_wait3A_704, %dma_wait3A_705] : memref<125x128xf32, #tpu.memory_space<vmem>> -> memref<80x128xf32, #tpu.memory_space<vmem>>
      tpu.wait_dma2 semaphore(%arg23 : memref<!tpu.dma_semaphore, #tpu.memory_space<semaphore_mem>>) src(%dma_wait3A_706 : memref<80x128xf32, #tpu.memory_space<vmem>>) dst(%dma_wait3A_703 : memref<80x128xf32, #tpu.memory_space<hbm>>)
      %dma_wait3A_707 = tpu.memref_slice %arg6[%multiple_of3A_696] : memref<10000xf32, #tpu.memory_space<hbm>> -> memref<80xf32, #tpu.memory_space<hbm>>
      %dma_wait3A_708 = tpu.memref_slice %arg6[%multiple_of3A_696] : memref<10000xf32, #tpu.memory_space<hbm>> -> memref<80xf32, #tpu.memory_space<hbm>>
      tpu.wait_dma2 semaphore(%arg19 : memref<!tpu.dma_semaphore, #tpu.memory_space<semaphore_mem>>) src(%arg15 : memref<80xf32, #tpu.memory_space<vmem>>) dst(%dma_wait3A_708 : memref<80xf32, #tpu.memory_space<hbm>>)
      %add3A_709 = arith.constant 112 : i32
      %add3A_710 = arith.addi %add3A_709, %arg1 : i32
      %lt3A_711 = arith.constant 125 : i32
      %lt3A_712 = arith.cmpi slt, %add3A_710, %lt3A_711 : i32
      %convert_element_type3A_713 = arith.extui %lt3A_712 : i1 to i32
      %cond3A_714 = arith.constant 0 : i32
      %cond3A_715 = arith.cmpi ne, %convert_element_type3A_713, %cond3A_714 : i32
      scf.if %cond3A_715 {
        %add3A_740 = arith.constant 112 : i32
        %add3A_741 = arith.addi %add3A_740, %arg1 : i32
        %mul3A_742 = arith.constant 80 : i32
        %mul3A_743 = arith.muli %add3A_741, %mul3A_742 : i32
        %multiple_of3A_744 = tpu.assume_multiple %mul3A_743, 80 : i32
        "tpu.region"() ({
          %run_scoped3A = tpu.sem_alloc : memref<!tpu.dma_semaphore, #tpu.memory_space<semaphore_mem>>
          %dma_start3A_757 = arith.constant 0 : i32
          %dma_start3A_758 = arith.constant 0 : i32
          %dma_start3A_759 = tpu.memref_slice %arg12[%dma_start3A_757, %dma_start3A_758] : memref<125x128xf32, #tpu.memory_space<vmem>> -> memref<80x128xf32, #tpu.memory_space<vmem>>
          %dma_start3A_760 = arith.constant 0 : i32
          %dma_start3A_761 = tpu.memref_slice %arg16[%multiple_of3A_744, %dma_start3A_760] : memref<10000x128xf32, #tpu.memory_space<vmem_shared>> -> memref<80x128xf32, #tpu.memory_space<vmem_shared>>
          %dma_start3A_762 = arith.constant 0 : i32
          %dma_start3A_763 = arith.constant 0 : i32
          %dma_start3A_764 = tpu.memref_slice %arg12[%dma_start3A_762, %dma_start3A_763] : memref<125x128xf32, #tpu.memory_space<vmem>> -> memref<80x128xf32, #tpu.memory_space<vmem>>
          %dma_start3A_765 = arith.constant 0 : i32
          %dma_start3A_766 = tpu.memref_slice %arg16[%multiple_of3A_744, %dma_start3A_765] : memref<10000x128xf32, #tpu.memory_space<vmem_shared>> -> memref<80x128xf32, #tpu.memory_space<vmem_shared>>
          tpu.enqueue_dma source(%dma_start3A_766 : memref<80x128xf32, #tpu.memory_space<vmem_shared>>) target(%dma_start3A_764 : memref<80x128xf32, #tpu.memory_space<vmem>>) target_semaphore(%run_scoped3A : memref<!tpu.dma_semaphore, #tpu.memory_space<semaphore_mem>>)
          %dma_wait3A_767 = arith.constant 0 : i32
          %dma_wait3A_768 = arith.constant 0 : i32
          %dma_wait3A_769 = tpu.memref_slice %arg12[%dma_wait3A_767, %dma_wait3A_768] : memref<125x128xf32, #tpu.memory_space<vmem>> -> memref<80x128xf32, #tpu.memory_space<vmem>>
          %dma_wait3A_770 = arith.constant 0 : i32
          %dma_wait3A_771 = tpu.memref_slice %arg16[%multiple_of3A_744, %dma_wait3A_770] : memref<10000x128xf32, #tpu.memory_space<vmem_shared>> -> memref<80x128xf32, #tpu.memory_space<vmem_shared>>
          %dma_wait3A_772 = arith.constant 0 : i32
          %dma_wait3A_773 = arith.constant 0 : i32
          %dma_wait3A_774 = tpu.memref_slice %arg12[%dma_wait3A_772, %dma_wait3A_773] : memref<125x128xf32, #tpu.memory_space<vmem>> -> memref<80x128xf32, #tpu.memory_space<vmem>>
          %dma_wait3A_775 = arith.constant 0 : i32
          %dma_wait3A_776 = tpu.memref_slice %arg16[%multiple_of3A_744, %dma_wait3A_775] : memref<10000x128xf32, #tpu.memory_space<vmem_shared>> -> memref<80x128xf32, #tpu.memory_space<vmem_shared>>
          tpu.wait_dma2 semaphore(%run_scoped3A : memref<!tpu.dma_semaphore, #tpu.memory_space<semaphore_mem>>) src(%dma_wait3A_776 : memref<80x128xf32, #tpu.memory_space<vmem_shared>>) dst(%dma_wait3A_774 : memref<80x128xf32, #tpu.memory_space<vmem>>)
          tpu.yield
        }) : () -> ()
        %dma_start3A_745 = arith.constant 0 : i32
        %dma_start3A_746 = arith.constant 0 : i32
        %dma_start3A_747 = tpu.memref_slice %arg12[%dma_start3A_745, %dma_start3A_746] : memref<125x128xf32, #tpu.memory_space<vmem>> -> memref<80x128xf32, #tpu.memory_space<vmem>>
        %dma_start3A_748 = arith.constant 0 : i32
        %dma_start3A_749 = tpu.memref_slice %arg5[%multiple_of3A_744, %dma_start3A_748] : memref<10000x128xf32, #tpu.memory_space<hbm>> -> memref<80x128xf32, #tpu.memory_space<hbm>>
        %dma_start3A_750 = arith.constant 0 : i32
        %dma_start3A_751 = tpu.memref_slice %arg5[%multiple_of3A_744, %dma_start3A_750] : memref<10000x128xf32, #tpu.memory_space<hbm>> -> memref<80x128xf32, #tpu.memory_space<hbm>>
        %dma_start3A_752 = arith.constant 0 : i32
        %dma_start3A_753 = arith.constant 0 : i32
        %dma_start3A_754 = tpu.memref_slice %arg12[%dma_start3A_752, %dma_start3A_753] : memref<125x128xf32, #tpu.memory_space<vmem>> -> memref<80x128xf32, #tpu.memory_space<vmem>>
        tpu.enqueue_dma source(%dma_start3A_754 : memref<80x128xf32, #tpu.memory_space<vmem>>) target(%dma_start3A_751 : memref<80x128xf32, #tpu.memory_space<hbm>>) target_semaphore(%arg23 : memref<!tpu.dma_semaphore, #tpu.memory_space<semaphore_mem>>)
        "tpu.region"() ({
          %run_scoped3A = tpu.sem_alloc : memref<!tpu.dma_semaphore, #tpu.memory_space<semaphore_mem>>
          %dma_start3A_757 = tpu.memref_slice %arg17[%multiple_of3A_744] : memref<10000xf32, #tpu.memory_space<vmem_shared>> -> memref<80xf32, #tpu.memory_space<vmem_shared>>
          %dma_start3A_758 = tpu.memref_slice %arg17[%multiple_of3A_744] : memref<10000xf32, #tpu.memory_space<vmem_shared>> -> memref<80xf32, #tpu.memory_space<vmem_shared>>
          tpu.enqueue_dma source(%dma_start3A_758 : memref<80xf32, #tpu.memory_space<vmem_shared>>) target(%arg15 : memref<80xf32, #tpu.memory_space<vmem>>) target_semaphore(%run_scoped3A : memref<!tpu.dma_semaphore, #tpu.memory_space<semaphore_mem>>)
          %dma_wait3A_759 = tpu.memref_slice %arg17[%multiple_of3A_744] : memref<10000xf32, #tpu.memory_space<vmem_shared>> -> memref<80xf32, #tpu.memory_space<vmem_shared>>
          %dma_wait3A_760 = tpu.memref_slice %arg17[%multiple_of3A_744] : memref<10000xf32, #tpu.memory_space<vmem_shared>> -> memref<80xf32, #tpu.memory_space<vmem_shared>>
          tpu.wait_dma2 semaphore(%run_scoped3A : memref<!tpu.dma_semaphore, #tpu.memory_space<semaphore_mem>>) src(%dma_wait3A_760 : memref<80xf32, #tpu.memory_space<vmem_shared>>) dst(%arg15 : memref<80xf32, #tpu.memory_space<vmem>>)
          tpu.yield
        }) : () -> ()
        %dma_start3A_755 = tpu.memref_slice %arg6[%multiple_of3A_744] : memref<10000xf32, #tpu.memory_space<hbm>> -> memref<80xf32, #tpu.memory_space<hbm>>
        %dma_start3A_756 = tpu.memref_slice %arg6[%multiple_of3A_744] : memref<10000xf32, #tpu.memory_space<hbm>> -> memref<80xf32, #tpu.memory_space<hbm>>
        tpu.enqueue_dma source(%arg15 : memref<80xf32, #tpu.memory_space<vmem>>) target(%dma_start3A_756 : memref<80xf32, #tpu.memory_space<hbm>>) target_semaphore(%arg19 : memref<!tpu.dma_semaphore, #tpu.memory_space<semaphore_mem>>)
      } else {
      }
      %add3A_716 = arith.constant 96 : i32
      %add3A_717 = arith.addi %add3A_716, %arg1 : i32
      %mul3A_718 = arith.constant 80 : i32
      %mul3A_719 = arith.muli %add3A_717, %mul3A_718 : i32
      %multiple_of3A_720 = tpu.assume_multiple %mul3A_719, 80 : i32
      %dma_wait3A_721 = arith.constant 0 : i32
      %dma_wait3A_722 = arith.constant 0 : i32
      %dma_wait3A_723 = tpu.memref_slice %arg11[%dma_wait3A_721, %dma_wait3A_722] : memref<125x128xf32, #tpu.memory_space<vmem>> -> memref<80x128xf32, #tpu.memory_space<vmem>>
      %dma_wait3A_724 = arith.constant 0 : i32
      %dma_wait3A_725 = tpu.memref_slice %arg5[%multiple_of3A_720, %dma_wait3A_724] : memref<10000x128xf32, #tpu.memory_space<hbm>> -> memref<80x128xf32, #tpu.memory_space<hbm>>
      %dma_wait3A_726 = arith.constant 0 : i32
      %dma_wait3A_727 = tpu.memref_slice %arg5[%multiple_of3A_720, %dma_wait3A_726] : memref<10000x128xf32, #tpu.memory_space<hbm>> -> memref<80x128xf32, #tpu.memory_space<hbm>>
      %dma_wait3A_728 = arith.constant 0 : i32
      %dma_wait3A_729 = arith.constant 0 : i32
      %dma_wait3A_730 = tpu.memref_slice %arg11[%dma_wait3A_728, %dma_wait3A_729] : memref<125x128xf32, #tpu.memory_space<vmem>> -> memref<80x128xf32, #tpu.memory_space<vmem>>
      tpu.wait_dma2 semaphore(%arg22 : memref<!tpu.dma_semaphore, #tpu.memory_space<semaphore_mem>>) src(%dma_wait3A_730 : memref<80x128xf32, #tpu.memory_space<vmem>>) dst(%dma_wait3A_727 : memref<80x128xf32, #tpu.memory_space<hbm>>)
      %dma_wait3A_731 = tpu.memref_slice %arg6[%multiple_of3A_720] : memref<10000xf32, #tpu.memory_space<hbm>> -> memref<80xf32, #tpu.memory_space<hbm>>
      %dma_wait3A_732 = tpu.memref_slice %arg6[%multiple_of3A_720] : memref<10000xf32, #tpu.memory_space<hbm>> -> memref<80xf32, #tpu.memory_space<hbm>>
      tpu.wait_dma2 semaphore(%arg18 : memref<!tpu.dma_semaphore, #tpu.memory_space<semaphore_mem>>) src(%arg14 : memref<80xf32, #tpu.memory_space<vmem>>) dst(%dma_wait3A_732 : memref<80xf32, #tpu.memory_space<hbm>>)
      %add3A_733 = arith.constant 112 : i32
      %add3A_734 = arith.addi %add3A_733, %arg1 : i32
      %lt3A_735 = arith.constant 125 : i32
      %lt3A_736 = arith.cmpi slt, %add3A_734, %lt3A_735 : i32
      %convert_element_type3A_737 = arith.extui %lt3A_736 : i1 to i32
      %cond3A_738 = arith.constant 0 : i32
      %cond3A_739 = arith.cmpi ne, %convert_element_type3A_737, %cond3A_738 : i32
      scf.if %cond3A_739 {
        %add3A_740 = arith.constant 112 : i32
        %add3A_741 = arith.addi %add3A_740, %arg1 : i32
        %mul3A_742 = arith.constant 80 : i32
        %mul3A_743 = arith.muli %add3A_741, %mul3A_742 : i32
        %multiple_of3A_744 = tpu.assume_multiple %mul3A_743, 80 : i32
        %dma_wait3A_745 = arith.constant 0 : i32
        %dma_wait3A_746 = arith.constant 0 : i32
        %dma_wait3A_747 = tpu.memref_slice %arg12[%dma_wait3A_745, %dma_wait3A_746] : memref<125x128xf32, #tpu.memory_space<vmem>> -> memref<80x128xf32, #tpu.memory_space<vmem>>
        %dma_wait3A_748 = arith.constant 0 : i32
        %dma_wait3A_749 = tpu.memref_slice %arg5[%multiple_of3A_744, %dma_wait3A_748] : memref<10000x128xf32, #tpu.memory_space<hbm>> -> memref<80x128xf32, #tpu.memory_space<hbm>>
        %dma_wait3A_750 = arith.constant 0 : i32
        %dma_wait3A_751 = tpu.memref_slice %arg5[%multiple_of3A_744, %dma_wait3A_750] : memref<10000x128xf32, #tpu.memory_space<hbm>> -> memref<80x128xf32, #tpu.memory_space<hbm>>
        %dma_wait3A_752 = arith.constant 0 : i32
        %dma_wait3A_753 = arith.constant 0 : i32
        %dma_wait3A_754 = tpu.memref_slice %arg12[%dma_wait3A_752, %dma_wait3A_753] : memref<125x128xf32, #tpu.memory_space<vmem>> -> memref<80x128xf32, #tpu.memory_space<vmem>>
        tpu.wait_dma2 semaphore(%arg23 : memref<!tpu.dma_semaphore, #tpu.memory_space<semaphore_mem>>) src(%dma_wait3A_754 : memref<80x128xf32, #tpu.memory_space<vmem>>) dst(%dma_wait3A_751 : memref<80x128xf32, #tpu.memory_space<hbm>>)
        %dma_wait3A_755 = tpu.memref_slice %arg6[%multiple_of3A_744] : memref<10000xf32, #tpu.memory_space<hbm>> -> memref<80xf32, #tpu.memory_space<hbm>>
        %dma_wait3A_756 = tpu.memref_slice %arg6[%multiple_of3A_744] : memref<10000xf32, #tpu.memory_space<hbm>> -> memref<80xf32, #tpu.memory_space<hbm>>
        tpu.wait_dma2 semaphore(%arg19 : memref<!tpu.dma_semaphore, #tpu.memory_space<semaphore_mem>>) src(%arg15 : memref<80xf32, #tpu.memory_space<vmem>>) dst(%dma_wait3A_756 : memref<80xf32, #tpu.memory_space<hbm>>)
      } else {
      }
    } else {
    }
    %eq3A_11 = arith.constant 1 : i32
    %eq3A_12 = arith.cmpi eq, %arg0, %eq3A_11 : i32
    %convert_element_type3A_13 = arith.extui %eq3A_12 : i1 to i32
    %cond3A_14 = arith.constant 0 : i32
    %cond3A_15 = arith.cmpi ne, %convert_element_type3A_13, %cond3A_14 : i32
    scf.if %cond3A_15 {
      %scan3A_16 = arith.constant 0 : i32
      %scan3A_17 = arith.constant 0 : i32
      %scan3A_18 = arith.constant 5 : i32
      %scan3A_19 = arith.addi %scan3A_17, %scan3A_18 : i32
      %scan3A_20 = arith.constant 1 : i32
      %scan3A_21 = scf.for %scan3A_740 = %scan3A_17 to %scan3A_19 step %scan3A_20 iter_args(%scan3A_741 = %scan3A_16) -> (i32)  : i32 {
        %mul3A_742 = arith.constant 16 : i32
        %mul3A_743 = arith.muli %scan3A_740, %mul3A_742 : i32
        %swap3A = arith.index_cast %mul3A_743 : i32 to index
        %swap3A_744 = tpu.vector_load %arg14[%swap3A] {strides = array<i32>} : memref<80xf32, #tpu.memory_space<vmem>>, vector<16xf32>,
        %swap3A_745 = vector.shape_cast %swap3A_744 : vector<16xf32> to vector<16xf32>
        %swap3A_746 = vector.shape_cast %broadcast_in_dim3A_0 : vector<16xf32> to vector<16xf32>
        tpu.vector_store %arg14[%swap3A], %swap3A_746 {strides = array<i32>} : memref<80xf32, #tpu.memory_space<vmem>>, vector<16xf32>,
        %scan3A_747 = arith.constant 0 : i32
        scf.yield %scan3A_747 : i32
      }
      %scan3A_22 = arith.constant 5 : i32
      %scan3A_23 = arith.constant 0 : i32
      %scan3A_24 = arith.constant 0 : i32
      %scan3A_25 = arith.constant 640 : i32
      %scan3A_26 = arith.addi %scan3A_24, %scan3A_25 : i32
      %scan3A_27 = arith.constant 1 : i32
      %scan3A_28 = scf.for %scan3A_740 = %scan3A_24 to %scan3A_26 step %scan3A_27 iter_args(%scan3A_741 = %scan3A_23) -> (i32)  : i32 {
        %jit3A = arith.constant 8 : i32
        %div3A = arith.divsi %scan3A_740, %jit3A : i32
        %sign3A = arith.constant 0 : i32
        %sign3A_742 = arith.cmpi sgt, %scan3A_740, %sign3A : i32
        %sign3A_743 = arith.extui %sign3A_742 : i1 to i32
        %sign3A_744 = arith.constant 0 : i32
        %sign3A_745 = arith.cmpi slt, %scan3A_740, %sign3A_744 : i32
        %sign3A_746 = arith.extui %sign3A_745 : i1 to i32
        %sign3A_747 = arith.subi %sign3A_743, %sign3A_746 : i32
        %sign3A_748 = arith.constant 0 : i32
        %sign3A_749 = arith.cmpi sgt, %jit3A, %sign3A_748 : i32
        %sign3A_750 = arith.extui %sign3A_749 : i1 to i32
        %sign3A_751 = arith.constant 0 : i32
        %sign3A_752 = arith.cmpi slt, %jit3A, %sign3A_751 : i32
        %sign3A_753 = arith.extui %sign3A_752 : i1 to i32
        %sign3A_754 = arith.subi %sign3A_750, %sign3A_753 : i32
        %ne3A = arith.cmpi ne, %sign3A_747, %sign3A_754 : i32
        %rem3A = arith.remsi %scan3A_740, %jit3A : i32
        %ne3A_755 = arith.constant 0 : i32
        %ne3A_756 = arith.cmpi ne, %rem3A, %ne3A_755 : i32
        %and3A = arith.andi %ne3A, %ne3A_756 : i1
        %sub3A = arith.constant 1 : i32
        %sub3A_757 = arith.subi %div3A, %sub3A : i32
        %select_n3A = arith.select %and3A, %sub3A_757, %div3A : i32
        %jit3A_758 = arith.constant 8 : i32
        %eq3A_759 = arith.constant 0 : i32
        %eq3A_760 = arith.cmpi eq, %jit3A_758, %eq3A_759 : i32
        %jit3A_761 = arith.constant 1 : i32
        %select_n3A_762 = arith.select %eq3A_760, %jit3A_761, %jit3A_758 : i32
        %rem3A_763 = arith.remsi %scan3A_740, %select_n3A_762 : i32
        %ne3A_764 = arith.constant 0 : i32
        %ne3A_765 = arith.cmpi ne, %rem3A_763, %ne3A_764 : i32
        %lt3A_766 = arith.constant 0 : i32
        %lt3A_767 = arith.cmpi slt, %rem3A_763, %lt3A_766 : i32
        %lt3A_768 = arith.constant 0 : i32
        %lt3A_769 = arith.cmpi slt, %select_n3A_762, %lt3A_768 : i32
        %ne3A_770 = arith.xori %lt3A_767, %lt3A_769 : i1
        %and3A_771 = arith.andi %ne3A_770, %ne3A_765 : i1
        %add3A_772 = arith.addi %rem3A_763, %select_n3A_762 : i32
        %select_n3A_773 = arith.select %and3A_771, %add3A_772, %rem3A_763 : i32
        %mul3A_774 = arith.constant 16 : i32
        %mul3A_775 = arith.muli %select_n3A_773, %mul3A_774 : i32
        %swap3A = arith.index_cast %select_n3A : i32 to index
        %swap3A_776 = arith.index_cast %mul3A_775 : i32 to index
        %swap3A_777 = tpu.vector_load %arg11[%swap3A, %swap3A_776] {strides = array<i32>} : memref<125x128xf32, #tpu.memory_space<vmem>>, vector<1x16xf32>,
        %swap3A_778 = vector.shape_cast %swap3A_777 : vector<1x16xf32> to vector<16xf32>
        %swap3A_779 = vector.shape_cast %broadcast_in_dim3A_0 : vector<16xf32> to vector<1x16xf32>
        tpu.vector_store %arg11[%swap3A, %swap3A_776], %swap3A_779 {strides = array<i32>} : memref<125x128xf32, #tpu.memory_space<vmem>>, vector<1x16xf32>,
        %scan3A_780 = arith.constant 0 : i32
        scf.yield %scan3A_780 : i32
      }
      %scan3A_29 = arith.constant 640 : i32
      %add3A = arith.constant 0 : i32
      %add3A_30 = arith.addi %add3A, %arg1 : i32
      %mul3A = arith.constant 80 : i32
      %mul3A_31 = arith.muli %add3A_30, %mul3A : i32
      %multiple_of3A = tpu.assume_multiple %mul3A_31, 80 : i32
      %dma_start3A = arith.constant 0 : i32
      %dma_start3A_32 = arith.constant 0 : i32
      %dma_start3A_33 = tpu.memref_slice %arg11[%dma_start3A, %dma_start3A_32] : memref<125x128xf32, #tpu.memory_space<vmem>> -> memref<80x128xf32, #tpu.memory_space<vmem>>
      %dma_start3A_34 = arith.constant 0 : i32
      %dma_start3A_35 = tpu.memref_slice %arg16[%multiple_of3A, %dma_start3A_34] : memref<10000x128xf32, #tpu.memory_space<vmem_shared>> -> memref<80x128xf32, #tpu.memory_space<vmem_shared>>
      %dma_start3A_36 = arith.constant 0 : i32
      %dma_start3A_37 = tpu.memref_slice %arg16[%multiple_of3A, %dma_start3A_36] : memref<10000x128xf32, #tpu.memory_space<vmem_shared>> -> memref<80x128xf32, #tpu.memory_space<vmem_shared>>
      %dma_start3A_38 = arith.constant 0 : i32
      %dma_start3A_39 = arith.constant 0 : i32
      %dma_start3A_40 = tpu.memref_slice %arg11[%dma_start3A_38, %dma_start3A_39] : memref<125x128xf32, #tpu.memory_space<vmem>> -> memref<80x128xf32, #tpu.memory_space<vmem>>
      tpu.enqueue_dma source(%dma_start3A_40 : memref<80x128xf32, #tpu.memory_space<vmem>>) target(%dma_start3A_37 : memref<80x128xf32, #tpu.memory_space<vmem_shared>>) target_semaphore(%arg24 : memref<!tpu.dma_semaphore, #tpu.memory_space<semaphore_mem>>)
      %dma_start3A_41 = tpu.memref_slice %arg17[%multiple_of3A] : memref<10000xf32, #tpu.memory_space<vmem_shared>> -> memref<80xf32, #tpu.memory_space<vmem_shared>>
      %dma_start3A_42 = tpu.memref_slice %arg17[%multiple_of3A] : memref<10000xf32, #tpu.memory_space<vmem_shared>> -> memref<80xf32, #tpu.memory_space<vmem_shared>>
      tpu.enqueue_dma source(%arg14 : memref<80xf32, #tpu.memory_space<vmem>>) target(%dma_start3A_42 : memref<80xf32, #tpu.memory_space<vmem_shared>>) target_semaphore(%arg26 : memref<!tpu.dma_semaphore, #tpu.memory_space<semaphore_mem>>)
      %add3A_43 = arith.constant 16 : i32
      %add3A_44 = arith.addi %add3A_43, %arg1 : i32
      %mul3A_45 = arith.constant 80 : i32
      %mul3A_46 = arith.muli %add3A_44, %mul3A_45 : i32
      %multiple_of3A_47 = tpu.assume_multiple %mul3A_46, 80 : i32
      %dma_start3A_48 = arith.constant 0 : i32
      %dma_start3A_49 = arith.constant 0 : i32
      %dma_start3A_50 = tpu.memref_slice %arg11[%dma_start3A_48, %dma_start3A_49] : memref<125x128xf32, #tpu.memory_space<vmem>> -> memref<80x128xf32, #tpu.memory_space<vmem>>
      %dma_start3A_51 = arith.constant 0 : i32
      %dma_start3A_52 = tpu.memref_slice %arg16[%multiple_of3A_47, %dma_start3A_51] : memref<10000x128xf32, #tpu.memory_space<vmem_shared>> -> memref<80x128xf32, #tpu.memory_space<vmem_shared>>
      %dma_start3A_53 = arith.constant 0 : i32
      %dma_start3A_54 = tpu.memref_slice %arg16[%multiple_of3A_47, %dma_start3A_53] : memref<10000x128xf32, #tpu.memory_space<vmem_shared>> -> memref<80x128xf32, #tpu.memory_space<vmem_shared>>
      %dma_start3A_55 = arith.constant 0 : i32
      %dma_start3A_56 = arith.constant 0 : i32
      %dma_start3A_57 = tpu.memref_slice %arg11[%dma_start3A_55, %dma_start3A_56] : memref<125x128xf32, #tpu.memory_space<vmem>> -> memref<80x128xf32, #tpu.memory_space<vmem>>
      tpu.enqueue_dma source(%dma_start3A_57 : memref<80x128xf32, #tpu.memory_space<vmem>>) target(%dma_start3A_54 : memref<80x128xf32, #tpu.memory_space<vmem_shared>>) target_semaphore(%arg24 : memref<!tpu.dma_semaphore, #tpu.memory_space<semaphore_mem>>)
      %dma_start3A_58 = tpu.memref_slice %arg17[%multiple_of3A_47] : memref<10000xf32, #tpu.memory_space<vmem_shared>> -> memref<80xf32, #tpu.memory_space<vmem_shared>>
      %dma_start3A_59 = tpu.memref_slice %arg17[%multiple_of3A_47] : memref<10000xf32, #tpu.memory_space<vmem_shared>> -> memref<80xf32, #tpu.memory_space<vmem_shared>>
      tpu.enqueue_dma source(%arg14 : memref<80xf32, #tpu.memory_space<vmem>>) target(%dma_start3A_59 : memref<80xf32, #tpu.memory_space<vmem_shared>>) target_semaphore(%arg26 : memref<!tpu.dma_semaphore, #tpu.memory_space<semaphore_mem>>)
      %add3A_60 = arith.constant 32 : i32
      %add3A_61 = arith.addi %add3A_60, %arg1 : i32
      %mul3A_62 = arith.constant 80 : i32
      %mul3A_63 = arith.muli %add3A_61, %mul3A_62 : i32
      %multiple_of3A_64 = tpu.assume_multiple %mul3A_63, 80 : i32
      %dma_start3A_65 = arith.constant 0 : i32
      %dma_start3A_66 = arith.constant 0 : i32
      %dma_start3A_67 = tpu.memref_slice %arg11[%dma_start3A_65, %dma_start3A_66] : memref<125x128xf32, #tpu.memory_space<vmem>> -> memref<80x128xf32, #tpu.memory_space<vmem>>
      %dma_start3A_68 = arith.constant 0 : i32
      %dma_start3A_69 = tpu.memref_slice %arg16[%multiple_of3A_64, %dma_start3A_68] : memref<10000x128xf32, #tpu.memory_space<vmem_shared>> -> memref<80x128xf32, #tpu.memory_space<vmem_shared>>
      %dma_start3A_70 = arith.constant 0 : i32
      %dma_start3A_71 = tpu.memref_slice %arg16[%multiple_of3A_64, %dma_start3A_70] : memref<10000x128xf32, #tpu.memory_space<vmem_shared>> -> memref<80x128xf32, #tpu.memory_space<vmem_shared>>
      %dma_start3A_72 = arith.constant 0 : i32
      %dma_start3A_73 = arith.constant 0 : i32
      %dma_start3A_74 = tpu.memref_slice %arg11[%dma_start3A_72, %dma_start3A_73] : memref<125x128xf32, #tpu.memory_space<vmem>> -> memref<80x128xf32, #tpu.memory_space<vmem>>
      tpu.enqueue_dma source(%dma_start3A_74 : memref<80x128xf32, #tpu.memory_space<vmem>>) target(%dma_start3A_71 : memref<80x128xf32, #tpu.memory_space<vmem_shared>>) target_semaphore(%arg24 : memref<!tpu.dma_semaphore, #tpu.memory_space<semaphore_mem>>)
      %dma_start3A_75 = tpu.memref_slice %arg17[%multiple_of3A_64] : memref<10000xf32, #tpu.memory_space<vmem_shared>> -> memref<80xf32, #tpu.memory_space<vmem_shared>>
      %dma_start3A_76 = tpu.memref_slice %arg17[%multiple_of3A_64] : memref<10000xf32, #tpu.memory_space<vmem_shared>> -> memref<80xf32, #tpu.memory_space<vmem_shared>>
      tpu.enqueue_dma source(%arg14 : memref<80xf32, #tpu.memory_space<vmem>>) target(%dma_start3A_76 : memref<80xf32, #tpu.memory_space<vmem_shared>>) target_semaphore(%arg26 : memref<!tpu.dma_semaphore, #tpu.memory_space<semaphore_mem>>)
      %add3A_77 = arith.constant 48 : i32
      %add3A_78 = arith.addi %add3A_77, %arg1 : i32
      %mul3A_79 = arith.constant 80 : i32
      %mul3A_80 = arith.muli %add3A_78, %mul3A_79 : i32
      %multiple_of3A_81 = tpu.assume_multiple %mul3A_80, 80 : i32
      %dma_start3A_82 = arith.constant 0 : i32
      %dma_start3A_83 = arith.constant 0 : i32
      %dma_start3A_84 = tpu.memref_slice %arg11[%dma_start3A_82, %dma_start3A_83] : memref<125x128xf32, #tpu.memory_space<vmem>> -> memref<80x128xf32, #tpu.memory_space<vmem>>
      %dma_start3A_85 = arith.constant 0 : i32
      %dma_start3A_86 = tpu.memref_slice %arg16[%multiple_of3A_81, %dma_start3A_85] : memref<10000x128xf32, #tpu.memory_space<vmem_shared>> -> memref<80x128xf32, #tpu.memory_space<vmem_shared>>
      %dma_start3A_87 = arith.constant 0 : i32
      %dma_start3A_88 = tpu.memref_slice %arg16[%multiple_of3A_81, %dma_start3A_87] : memref<10000x128xf32, #tpu.memory_space<vmem_shared>> -> memref<80x128xf32, #tpu.memory_space<vmem_shared>>
      %dma_start3A_89 = arith.constant 0 : i32
      %dma_start3A_90 = arith.constant 0 : i32
      %dma_start3A_91 = tpu.memref_slice %arg11[%dma_start3A_89, %dma_start3A_90] : memref<125x128xf32, #tpu.memory_space<vmem>> -> memref<80x128xf32, #tpu.memory_space<vmem>>
      tpu.enqueue_dma source(%dma_start3A_91 : memref<80x128xf32, #tpu.memory_space<vmem>>) target(%dma_start3A_88 : memref<80x128xf32, #tpu.memory_space<vmem_shared>>) target_semaphore(%arg24 : memref<!tpu.dma_semaphore, #tpu.memory_space<semaphore_mem>>)
      %dma_start3A_92 = tpu.memref_slice %arg17[%multiple_of3A_81] : memref<10000xf32, #tpu.memory_space<vmem_shared>> -> memref<80xf32, #tpu.memory_space<vmem_shared>>
      %dma_start3A_93 = tpu.memref_slice %arg17[%multiple_of3A_81] : memref<10000xf32, #tpu.memory_space<vmem_shared>> -> memref<80xf32, #tpu.memory_space<vmem_shared>>
      tpu.enqueue_dma source(%arg14 : memref<80xf32, #tpu.memory_space<vmem>>) target(%dma_start3A_93 : memref<80xf32, #tpu.memory_space<vmem_shared>>) target_semaphore(%arg26 : memref<!tpu.dma_semaphore, #tpu.memory_space<semaphore_mem>>)
      %add3A_94 = arith.constant 64 : i32
      %add3A_95 = arith.addi %add3A_94, %arg1 : i32
      %mul3A_96 = arith.constant 80 : i32
      %mul3A_97 = arith.muli %add3A_95, %mul3A_96 : i32
      %multiple_of3A_98 = tpu.assume_multiple %mul3A_97, 80 : i32
      %dma_start3A_99 = arith.constant 0 : i32
      %dma_start3A_100 = arith.constant 0 : i32
      %dma_start3A_101 = tpu.memref_slice %arg11[%dma_start3A_99, %dma_start3A_100] : memref<125x128xf32, #tpu.memory_space<vmem>> -> memref<80x128xf32, #tpu.memory_space<vmem>>
      %dma_start3A_102 = arith.constant 0 : i32
      %dma_start3A_103 = tpu.memref_slice %arg16[%multiple_of3A_98, %dma_start3A_102] : memref<10000x128xf32, #tpu.memory_space<vmem_shared>> -> memref<80x128xf32, #tpu.memory_space<vmem_shared>>
      %dma_start3A_104 = arith.constant 0 : i32
      %dma_start3A_105 = tpu.memref_slice %arg16[%multiple_of3A_98, %dma_start3A_104] : memref<10000x128xf32, #tpu.memory_space<vmem_shared>> -> memref<80x128xf32, #tpu.memory_space<vmem_shared>>
      %dma_start3A_106 = arith.constant 0 : i32
      %dma_start3A_107 = arith.constant 0 : i32
      %dma_start3A_108 = tpu.memref_slice %arg11[%dma_start3A_106, %dma_start3A_107] : memref<125x128xf32, #tpu.memory_space<vmem>> -> memref<80x128xf32, #tpu.memory_space<vmem>>
      tpu.enqueue_dma source(%dma_start3A_108 : memref<80x128xf32, #tpu.memory_space<vmem>>) target(%dma_start3A_105 : memref<80x128xf32, #tpu.memory_space<vmem_shared>>) target_semaphore(%arg24 : memref<!tpu.dma_semaphore, #tpu.memory_space<semaphore_mem>>)
      %dma_start3A_109 = tpu.memref_slice %arg17[%multiple_of3A_98] : memref<10000xf32, #tpu.memory_space<vmem_shared>> -> memref<80xf32, #tpu.memory_space<vmem_shared>>
      %dma_start3A_110 = tpu.memref_slice %arg17[%multiple_of3A_98] : memref<10000xf32, #tpu.memory_space<vmem_shared>> -> memref<80xf32, #tpu.memory_space<vmem_shared>>
      tpu.enqueue_dma source(%arg14 : memref<80xf32, #tpu.memory_space<vmem>>) target(%dma_start3A_110 : memref<80xf32, #tpu.memory_space<vmem_shared>>) target_semaphore(%arg26 : memref<!tpu.dma_semaphore, #tpu.memory_space<semaphore_mem>>)
      %add3A_111 = arith.constant 80 : i32
      %add3A_112 = arith.addi %add3A_111, %arg1 : i32
      %mul3A_113 = arith.constant 80 : i32
      %mul3A_114 = arith.muli %add3A_112, %mul3A_113 : i32
      %multiple_of3A_115 = tpu.assume_multiple %mul3A_114, 80 : i32
      %dma_start3A_116 = arith.constant 0 : i32
      %dma_start3A_117 = arith.constant 0 : i32
      %dma_start3A_118 = tpu.memref_slice %arg11[%dma_start3A_116, %dma_start3A_117] : memref<125x128xf32, #tpu.memory_space<vmem>> -> memref<80x128xf32, #tpu.memory_space<vmem>>
      %dma_start3A_119 = arith.constant 0 : i32
      %dma_start3A_120 = tpu.memref_slice %arg16[%multiple_of3A_115, %dma_start3A_119] : memref<10000x128xf32, #tpu.memory_space<vmem_shared>> -> memref<80x128xf32, #tpu.memory_space<vmem_shared>>
      %dma_start3A_121 = arith.constant 0 : i32
      %dma_start3A_122 = tpu.memref_slice %arg16[%multiple_of3A_115, %dma_start3A_121] : memref<10000x128xf32, #tpu.memory_space<vmem_shared>> -> memref<80x128xf32, #tpu.memory_space<vmem_shared>>
      %dma_start3A_123 = arith.constant 0 : i32
      %dma_start3A_124 = arith.constant 0 : i32
      %dma_start3A_125 = tpu.memref_slice %arg11[%dma_start3A_123, %dma_start3A_124] : memref<125x128xf32, #tpu.memory_space<vmem>> -> memref<80x128xf32, #tpu.memory_space<vmem>>
      tpu.enqueue_dma source(%dma_start3A_125 : memref<80x128xf32, #tpu.memory_space<vmem>>) target(%dma_start3A_122 : memref<80x128xf32, #tpu.memory_space<vmem_shared>>) target_semaphore(%arg24 : memref<!tpu.dma_semaphore, #tpu.memory_space<semaphore_mem>>)
      %dma_start3A_126 = tpu.memref_slice %arg17[%multiple_of3A_115] : memref<10000xf32, #tpu.memory_space<vmem_shared>> -> memref<80xf32, #tpu.memory_space<vmem_shared>>
      %dma_start3A_127 = tpu.memref_slice %arg17[%multiple_of3A_115] : memref<10000xf32, #tpu.memory_space<vmem_shared>> -> memref<80xf32, #tpu.memory_space<vmem_shared>>
      tpu.enqueue_dma source(%arg14 : memref<80xf32, #tpu.memory_space<vmem>>) target(%dma_start3A_127 : memref<80xf32, #tpu.memory_space<vmem_shared>>) target_semaphore(%arg26 : memref<!tpu.dma_semaphore, #tpu.memory_space<semaphore_mem>>)
      %add3A_128 = arith.constant 96 : i32
      %add3A_129 = arith.addi %add3A_128, %arg1 : i32
      %mul3A_130 = arith.constant 80 : i32
      %mul3A_131 = arith.muli %add3A_129, %mul3A_130 : i32
      %multiple_of3A_132 = tpu.assume_multiple %mul3A_131, 80 : i32
      %dma_start3A_133 = arith.constant 0 : i32
      %dma_start3A_134 = arith.constant 0 : i32
      %dma_start3A_135 = tpu.memref_slice %arg11[%dma_start3A_133, %dma_start3A_134] : memref<125x128xf32, #tpu.memory_space<vmem>> -> memref<80x128xf32, #tpu.memory_space<vmem>>
      %dma_start3A_136 = arith.constant 0 : i32
      %dma_start3A_137 = tpu.memref_slice %arg16[%multiple_of3A_132, %dma_start3A_136] : memref<10000x128xf32, #tpu.memory_space<vmem_shared>> -> memref<80x128xf32, #tpu.memory_space<vmem_shared>>
      %dma_start3A_138 = arith.constant 0 : i32
      %dma_start3A_139 = tpu.memref_slice %arg16[%multiple_of3A_132, %dma_start3A_138] : memref<10000x128xf32, #tpu.memory_space<vmem_shared>> -> memref<80x128xf32, #tpu.memory_space<vmem_shared>>
      %dma_start3A_140 = arith.constant 0 : i32
      %dma_start3A_141 = arith.constant 0 : i32
      %dma_start3A_142 = tpu.memref_slice %arg11[%dma_start3A_140, %dma_start3A_141] : memref<125x128xf32, #tpu.memory_space<vmem>> -> memref<80x128xf32, #tpu.memory_space<vmem>>
      tpu.enqueue_dma source(%dma_start3A_142 : memref<80x128xf32, #tpu.memory_space<vmem>>) target(%dma_start3A_139 : memref<80x128xf32, #tpu.memory_space<vmem_shared>>) target_semaphore(%arg24 : memref<!tpu.dma_semaphore, #tpu.memory_space<semaphore_mem>>)
      %dma_start3A_143 = tpu.memref_slice %arg17[%multiple_of3A_132] : memref<10000xf32, #tpu.memory_space<vmem_shared>> -> memref<80xf32, #tpu.memory_space<vmem_shared>>
      %dma_start3A_144 = tpu.memref_slice %arg17[%multiple_of3A_132] : memref<10000xf32, #tpu.memory_space<vmem_shared>> -> memref<80xf32, #tpu.memory_space<vmem_shared>>
      tpu.enqueue_dma source(%arg14 : memref<80xf32, #tpu.memory_space<vmem>>) target(%dma_start3A_144 : memref<80xf32, #tpu.memory_space<vmem_shared>>) target_semaphore(%arg26 : memref<!tpu.dma_semaphore, #tpu.memory_space<semaphore_mem>>)
      %add3A_145 = arith.constant 112 : i32
      %add3A_146 = arith.addi %add3A_145, %arg1 : i32
      %mul3A_147 = arith.constant 80 : i32
      %mul3A_148 = arith.muli %add3A_146, %mul3A_147 : i32
      %multiple_of3A_149 = tpu.assume_multiple %mul3A_148, 80 : i32
      %add3A_150 = arith.constant 112 : i32
      %add3A_151 = arith.addi %add3A_150, %arg1 : i32
      %lt3A = arith.constant 125 : i32
      %lt3A_152 = arith.cmpi slt, %add3A_151, %lt3A : i32
      %convert_element_type3A_153 = arith.extui %lt3A_152 : i1 to i32
      %cond3A_154 = arith.constant 0 : i32
      %cond3A_155 = arith.cmpi ne, %convert_element_type3A_153, %cond3A_154 : i32
      scf.if %cond3A_155 {
        %dma_start3A_740 = arith.constant 0 : i32
        %dma_start3A_741 = arith.constant 0 : i32
        %dma_start3A_742 = tpu.memref_slice %arg11[%dma_start3A_740, %dma_start3A_741] : memref<125x128xf32, #tpu.memory_space<vmem>> -> memref<80x128xf32, #tpu.memory_space<vmem>>
        %dma_start3A_743 = arith.constant 0 : i32
        %dma_start3A_744 = tpu.memref_slice %arg16[%multiple_of3A_149, %dma_start3A_743] : memref<10000x128xf32, #tpu.memory_space<vmem_shared>> -> memref<80x128xf32, #tpu.memory_space<vmem_shared>>
        %dma_start3A_745 = arith.constant 0 : i32
        %dma_start3A_746 = tpu.memref_slice %arg16[%multiple_of3A_149, %dma_start3A_745] : memref<10000x128xf32, #tpu.memory_space<vmem_shared>> -> memref<80x128xf32, #tpu.memory_space<vmem_shared>>
        %dma_start3A_747 = arith.constant 0 : i32
        %dma_start3A_748 = arith.constant 0 : i32
        %dma_start3A_749 = tpu.memref_slice %arg11[%dma_start3A_747, %dma_start3A_748] : memref<125x128xf32, #tpu.memory_space<vmem>> -> memref<80x128xf32, #tpu.memory_space<vmem>>
        tpu.enqueue_dma source(%dma_start3A_749 : memref<80x128xf32, #tpu.memory_space<vmem>>) target(%dma_start3A_746 : memref<80x128xf32, #tpu.memory_space<vmem_shared>>) target_semaphore(%arg24 : memref<!tpu.dma_semaphore, #tpu.memory_space<semaphore_mem>>)
        %dma_start3A_750 = tpu.memref_slice %arg17[%multiple_of3A_149] : memref<10000xf32, #tpu.memory_space<vmem_shared>> -> memref<80xf32, #tpu.memory_space<vmem_shared>>
        %dma_start3A_751 = tpu.memref_slice %arg17[%multiple_of3A_149] : memref<10000xf32, #tpu.memory_space<vmem_shared>> -> memref<80xf32, #tpu.memory_space<vmem_shared>>
        tpu.enqueue_dma source(%arg14 : memref<80xf32, #tpu.memory_space<vmem>>) target(%dma_start3A_751 : memref<80xf32, #tpu.memory_space<vmem_shared>>) target_semaphore(%arg26 : memref<!tpu.dma_semaphore, #tpu.memory_space<semaphore_mem>>)
      } else {
      }
      %add3A_156 = arith.constant 0 : i32
      %add3A_157 = arith.addi %add3A_156, %arg1 : i32
      %mul3A_158 = arith.constant 80 : i32
      %mul3A_159 = arith.muli %add3A_157, %mul3A_158 : i32
      %multiple_of3A_160 = tpu.assume_multiple %mul3A_159, 80 : i32
      %dma_wait3A = arith.constant 0 : i32
      %dma_wait3A_161 = arith.constant 0 : i32
      %dma_wait3A_162 = tpu.memref_slice %arg11[%dma_wait3A, %dma_wait3A_161] : memref<125x128xf32, #tpu.memory_space<vmem>> -> memref<80x128xf32, #tpu.memory_space<vmem>>
      %dma_wait3A_163 = arith.constant 0 : i32
      %dma_wait3A_164 = tpu.memref_slice %arg16[%multiple_of3A_160, %dma_wait3A_163] : memref<10000x128xf32, #tpu.memory_space<vmem_shared>> -> memref<80x128xf32, #tpu.memory_space<vmem_shared>>
      %dma_wait3A_165 = arith.constant 0 : i32
      %dma_wait3A_166 = tpu.memref_slice %arg16[%multiple_of3A_160, %dma_wait3A_165] : memref<10000x128xf32, #tpu.memory_space<vmem_shared>> -> memref<80x128xf32, #tpu.memory_space<vmem_shared>>
      %dma_wait3A_167 = arith.constant 0 : i32
      %dma_wait3A_168 = arith.constant 0 : i32
      %dma_wait3A_169 = tpu.memref_slice %arg11[%dma_wait3A_167, %dma_wait3A_168] : memref<125x128xf32, #tpu.memory_space<vmem>> -> memref<80x128xf32, #tpu.memory_space<vmem>>
      tpu.wait_dma2 semaphore(%arg24 : memref<!tpu.dma_semaphore, #tpu.memory_space<semaphore_mem>>) src(%dma_wait3A_169 : memref<80x128xf32, #tpu.memory_space<vmem>>) dst(%dma_wait3A_166 : memref<80x128xf32, #tpu.memory_space<vmem_shared>>)
      %dma_wait3A_170 = tpu.memref_slice %arg17[%multiple_of3A_160] : memref<10000xf32, #tpu.memory_space<vmem_shared>> -> memref<80xf32, #tpu.memory_space<vmem_shared>>
      %dma_wait3A_171 = tpu.memref_slice %arg17[%multiple_of3A_160] : memref<10000xf32, #tpu.memory_space<vmem_shared>> -> memref<80xf32, #tpu.memory_space<vmem_shared>>
      tpu.wait_dma2 semaphore(%arg26 : memref<!tpu.dma_semaphore, #tpu.memory_space<semaphore_mem>>) src(%arg14 : memref<80xf32, #tpu.memory_space<vmem>>) dst(%dma_wait3A_171 : memref<80xf32, #tpu.memory_space<vmem_shared>>)
      %add3A_172 = arith.constant 16 : i32
      %add3A_173 = arith.addi %add3A_172, %arg1 : i32
      %mul3A_174 = arith.constant 80 : i32
      %mul3A_175 = arith.muli %add3A_173, %mul3A_174 : i32
      %multiple_of3A_176 = tpu.assume_multiple %mul3A_175, 80 : i32
      %dma_wait3A_177 = arith.constant 0 : i32
      %dma_wait3A_178 = arith.constant 0 : i32
      %dma_wait3A_179 = tpu.memref_slice %arg11[%dma_wait3A_177, %dma_wait3A_178] : memref<125x128xf32, #tpu.memory_space<vmem>> -> memref<80x128xf32, #tpu.memory_space<vmem>>
      %dma_wait3A_180 = arith.constant 0 : i32
      %dma_wait3A_181 = tpu.memref_slice %arg16[%multiple_of3A_176, %dma_wait3A_180] : memref<10000x128xf32, #tpu.memory_space<vmem_shared>> -> memref<80x128xf32, #tpu.memory_space<vmem_shared>>
      %dma_wait3A_182 = arith.constant 0 : i32
      %dma_wait3A_183 = tpu.memref_slice %arg16[%multiple_of3A_176, %dma_wait3A_182] : memref<10000x128xf32, #tpu.memory_space<vmem_shared>> -> memref<80x128xf32, #tpu.memory_space<vmem_shared>>
      %dma_wait3A_184 = arith.constant 0 : i32
      %dma_wait3A_185 = arith.constant 0 : i32
      %dma_wait3A_186 = tpu.memref_slice %arg11[%dma_wait3A_184, %dma_wait3A_185] : memref<125x128xf32, #tpu.memory_space<vmem>> -> memref<80x128xf32, #tpu.memory_space<vmem>>
      tpu.wait_dma2 semaphore(%arg24 : memref<!tpu.dma_semaphore, #tpu.memory_space<semaphore_mem>>) src(%dma_wait3A_186 : memref<80x128xf32, #tpu.memory_space<vmem>>) dst(%dma_wait3A_183 : memref<80x128xf32, #tpu.memory_space<vmem_shared>>)
      %dma_wait3A_187 = tpu.memref_slice %arg17[%multiple_of3A_176] : memref<10000xf32, #tpu.memory_space<vmem_shared>> -> memref<80xf32, #tpu.memory_space<vmem_shared>>
      %dma_wait3A_188 = tpu.memref_slice %arg17[%multiple_of3A_176] : memref<10000xf32, #tpu.memory_space<vmem_shared>> -> memref<80xf32, #tpu.memory_space<vmem_shared>>
      tpu.wait_dma2 semaphore(%arg26 : memref<!tpu.dma_semaphore, #tpu.memory_space<semaphore_mem>>) src(%arg14 : memref<80xf32, #tpu.memory_space<vmem>>) dst(%dma_wait3A_188 : memref<80xf32, #tpu.memory_space<vmem_shared>>)
      %add3A_189 = arith.constant 32 : i32
      %add3A_190 = arith.addi %add3A_189, %arg1 : i32
      %mul3A_191 = arith.constant 80 : i32
      %mul3A_192 = arith.muli %add3A_190, %mul3A_191 : i32
      %multiple_of3A_193 = tpu.assume_multiple %mul3A_192, 80 : i32
      %dma_wait3A_194 = arith.constant 0 : i32
      %dma_wait3A_195 = arith.constant 0 : i32
      %dma_wait3A_196 = tpu.memref_slice %arg11[%dma_wait3A_194, %dma_wait3A_195] : memref<125x128xf32, #tpu.memory_space<vmem>> -> memref<80x128xf32, #tpu.memory_space<vmem>>
      %dma_wait3A_197 = arith.constant 0 : i32
      %dma_wait3A_198 = tpu.memref_slice %arg16[%multiple_of3A_193, %dma_wait3A_197] : memref<10000x128xf32, #tpu.memory_space<vmem_shared>> -> memref<80x128xf32, #tpu.memory_space<vmem_shared>>
      %dma_wait3A_199 = arith.constant 0 : i32
      %dma_wait3A_200 = tpu.memref_slice %arg16[%multiple_of3A_193, %dma_wait3A_199] : memref<10000x128xf32, #tpu.memory_space<vmem_shared>> -> memref<80x128xf32, #tpu.memory_space<vmem_shared>>
      %dma_wait3A_201 = arith.constant 0 : i32
      %dma_wait3A_202 = arith.constant 0 : i32
      %dma_wait3A_203 = tpu.memref_slice %arg11[%dma_wait3A_201, %dma_wait3A_202] : memref<125x128xf32, #tpu.memory_space<vmem>> -> memref<80x128xf32, #tpu.memory_space<vmem>>
      tpu.wait_dma2 semaphore(%arg24 : memref<!tpu.dma_semaphore, #tpu.memory_space<semaphore_mem>>) src(%dma_wait3A_203 : memref<80x128xf32, #tpu.memory_space<vmem>>) dst(%dma_wait3A_200 : memref<80x128xf32, #tpu.memory_space<vmem_shared>>)
      %dma_wait3A_204 = tpu.memref_slice %arg17[%multiple_of3A_193] : memref<10000xf32, #tpu.memory_space<vmem_shared>> -> memref<80xf32, #tpu.memory_space<vmem_shared>>
      %dma_wait3A_205 = tpu.memref_slice %arg17[%multiple_of3A_193] : memref<10000xf32, #tpu.memory_space<vmem_shared>> -> memref<80xf32, #tpu.memory_space<vmem_shared>>
      tpu.wait_dma2 semaphore(%arg26 : memref<!tpu.dma_semaphore, #tpu.memory_space<semaphore_mem>>) src(%arg14 : memref<80xf32, #tpu.memory_space<vmem>>) dst(%dma_wait3A_205 : memref<80xf32, #tpu.memory_space<vmem_shared>>)
      %add3A_206 = arith.constant 48 : i32
      %add3A_207 = arith.addi %add3A_206, %arg1 : i32
      %mul3A_208 = arith.constant 80 : i32
      %mul3A_209 = arith.muli %add3A_207, %mul3A_208 : i32
      %multiple_of3A_210 = tpu.assume_multiple %mul3A_209, 80 : i32
      %dma_wait3A_211 = arith.constant 0 : i32
      %dma_wait3A_212 = arith.constant 0 : i32
      %dma_wait3A_213 = tpu.memref_slice %arg11[%dma_wait3A_211, %dma_wait3A_212] : memref<125x128xf32, #tpu.memory_space<vmem>> -> memref<80x128xf32, #tpu.memory_space<vmem>>
      %dma_wait3A_214 = arith.constant 0 : i32
      %dma_wait3A_215 = tpu.memref_slice %arg16[%multiple_of3A_210, %dma_wait3A_214] : memref<10000x128xf32, #tpu.memory_space<vmem_shared>> -> memref<80x128xf32, #tpu.memory_space<vmem_shared>>
      %dma_wait3A_216 = arith.constant 0 : i32
      %dma_wait3A_217 = tpu.memref_slice %arg16[%multiple_of3A_210, %dma_wait3A_216] : memref<10000x128xf32, #tpu.memory_space<vmem_shared>> -> memref<80x128xf32, #tpu.memory_space<vmem_shared>>
      %dma_wait3A_218 = arith.constant 0 : i32
      %dma_wait3A_219 = arith.constant 0 : i32
      %dma_wait3A_220 = tpu.memref_slice %arg11[%dma_wait3A_218, %dma_wait3A_219] : memref<125x128xf32, #tpu.memory_space<vmem>> -> memref<80x128xf32, #tpu.memory_space<vmem>>
      tpu.wait_dma2 semaphore(%arg24 : memref<!tpu.dma_semaphore, #tpu.memory_space<semaphore_mem>>) src(%dma_wait3A_220 : memref<80x128xf32, #tpu.memory_space<vmem>>) dst(%dma_wait3A_217 : memref<80x128xf32, #tpu.memory_space<vmem_shared>>)
      %dma_wait3A_221 = tpu.memref_slice %arg17[%multiple_of3A_210] : memref<10000xf32, #tpu.memory_space<vmem_shared>> -> memref<80xf32, #tpu.memory_space<vmem_shared>>
      %dma_wait3A_222 = tpu.memref_slice %arg17[%multiple_of3A_210] : memref<10000xf32, #tpu.memory_space<vmem_shared>> -> memref<80xf32, #tpu.memory_space<vmem_shared>>
      tpu.wait_dma2 semaphore(%arg26 : memref<!tpu.dma_semaphore, #tpu.memory_space<semaphore_mem>>) src(%arg14 : memref<80xf32, #tpu.memory_space<vmem>>) dst(%dma_wait3A_222 : memref<80xf32, #tpu.memory_space<vmem_shared>>)
      %add3A_223 = arith.constant 64 : i32
      %add3A_224 = arith.addi %add3A_223, %arg1 : i32
      %mul3A_225 = arith.constant 80 : i32
      %mul3A_226 = arith.muli %add3A_224, %mul3A_225 : i32
      %multiple_of3A_227 = tpu.assume_multiple %mul3A_226, 80 : i32
      %dma_wait3A_228 = arith.constant 0 : i32
      %dma_wait3A_229 = arith.constant 0 : i32
      %dma_wait3A_230 = tpu.memref_slice %arg11[%dma_wait3A_228, %dma_wait3A_229] : memref<125x128xf32, #tpu.memory_space<vmem>> -> memref<80x128xf32, #tpu.memory_space<vmem>>
      %dma_wait3A_231 = arith.constant 0 : i32
      %dma_wait3A_232 = tpu.memref_slice %arg16[%multiple_of3A_227, %dma_wait3A_231] : memref<10000x128xf32, #tpu.memory_space<vmem_shared>> -> memref<80x128xf32, #tpu.memory_space<vmem_shared>>
      %dma_wait3A_233 = arith.constant 0 : i32
      %dma_wait3A_234 = tpu.memref_slice %arg16[%multiple_of3A_227, %dma_wait3A_233] : memref<10000x128xf32, #tpu.memory_space<vmem_shared>> -> memref<80x128xf32, #tpu.memory_space<vmem_shared>>
      %dma_wait3A_235 = arith.constant 0 : i32
      %dma_wait3A_236 = arith.constant 0 : i32
      %dma_wait3A_237 = tpu.memref_slice %arg11[%dma_wait3A_235, %dma_wait3A_236] : memref<125x128xf32, #tpu.memory_space<vmem>> -> memref<80x128xf32, #tpu.memory_space<vmem>>
      tpu.wait_dma2 semaphore(%arg24 : memref<!tpu.dma_semaphore, #tpu.memory_space<semaphore_mem>>) src(%dma_wait3A_237 : memref<80x128xf32, #tpu.memory_space<vmem>>) dst(%dma_wait3A_234 : memref<80x128xf32, #tpu.memory_space<vmem_shared>>)
      %dma_wait3A_238 = tpu.memref_slice %arg17[%multiple_of3A_227] : memref<10000xf32, #tpu.memory_space<vmem_shared>> -> memref<80xf32, #tpu.memory_space<vmem_shared>>
      %dma_wait3A_239 = tpu.memref_slice %arg17[%multiple_of3A_227] : memref<10000xf32, #tpu.memory_space<vmem_shared>> -> memref<80xf32, #tpu.memory_space<vmem_shared>>
      tpu.wait_dma2 semaphore(%arg26 : memref<!tpu.dma_semaphore, #tpu.memory_space<semaphore_mem>>) src(%arg14 : memref<80xf32, #tpu.memory_space<vmem>>) dst(%dma_wait3A_239 : memref<80xf32, #tpu.memory_space<vmem_shared>>)
      %add3A_240 = arith.constant 80 : i32
      %add3A_241 = arith.addi %add3A_240, %arg1 : i32
      %mul3A_242 = arith.constant 80 : i32
      %mul3A_243 = arith.muli %add3A_241, %mul3A_242 : i32
      %multiple_of3A_244 = tpu.assume_multiple %mul3A_243, 80 : i32
      %dma_wait3A_245 = arith.constant 0 : i32
      %dma_wait3A_246 = arith.constant 0 : i32
      %dma_wait3A_247 = tpu.memref_slice %arg11[%dma_wait3A_245, %dma_wait3A_246] : memref<125x128xf32, #tpu.memory_space<vmem>> -> memref<80x128xf32, #tpu.memory_space<vmem>>
      %dma_wait3A_248 = arith.constant 0 : i32
      %dma_wait3A_249 = tpu.memref_slice %arg16[%multiple_of3A_244, %dma_wait3A_248] : memref<10000x128xf32, #tpu.memory_space<vmem_shared>> -> memref<80x128xf32, #tpu.memory_space<vmem_shared>>
      %dma_wait3A_250 = arith.constant 0 : i32
      %dma_wait3A_251 = tpu.memref_slice %arg16[%multiple_of3A_244, %dma_wait3A_250] : memref<10000x128xf32, #tpu.memory_space<vmem_shared>> -> memref<80x128xf32, #tpu.memory_space<vmem_shared>>
      %dma_wait3A_252 = arith.constant 0 : i32
      %dma_wait3A_253 = arith.constant 0 : i32
      %dma_wait3A_254 = tpu.memref_slice %arg11[%dma_wait3A_252, %dma_wait3A_253] : memref<125x128xf32, #tpu.memory_space<vmem>> -> memref<80x128xf32, #tpu.memory_space<vmem>>
      tpu.wait_dma2 semaphore(%arg24 : memref<!tpu.dma_semaphore, #tpu.memory_space<semaphore_mem>>) src(%dma_wait3A_254 : memref<80x128xf32, #tpu.memory_space<vmem>>) dst(%dma_wait3A_251 : memref<80x128xf32, #tpu.memory_space<vmem_shared>>)
      %dma_wait3A_255 = tpu.memref_slice %arg17[%multiple_of3A_244] : memref<10000xf32, #tpu.memory_space<vmem_shared>> -> memref<80xf32, #tpu.memory_space<vmem_shared>>
      %dma_wait3A_256 = tpu.memref_slice %arg17[%multiple_of3A_244] : memref<10000xf32, #tpu.memory_space<vmem_shared>> -> memref<80xf32, #tpu.memory_space<vmem_shared>>
      tpu.wait_dma2 semaphore(%arg26 : memref<!tpu.dma_semaphore, #tpu.memory_space<semaphore_mem>>) src(%arg14 : memref<80xf32, #tpu.memory_space<vmem>>) dst(%dma_wait3A_256 : memref<80xf32, #tpu.memory_space<vmem_shared>>)
      %add3A_257 = arith.constant 96 : i32
      %add3A_258 = arith.addi %add3A_257, %arg1 : i32
      %mul3A_259 = arith.constant 80 : i32
      %mul3A_260 = arith.muli %add3A_258, %mul3A_259 : i32
      %multiple_of3A_261 = tpu.assume_multiple %mul3A_260, 80 : i32
      %dma_wait3A_262 = arith.constant 0 : i32
      %dma_wait3A_263 = arith.constant 0 : i32
      %dma_wait3A_264 = tpu.memref_slice %arg11[%dma_wait3A_262, %dma_wait3A_263] : memref<125x128xf32, #tpu.memory_space<vmem>> -> memref<80x128xf32, #tpu.memory_space<vmem>>
      %dma_wait3A_265 = arith.constant 0 : i32
      %dma_wait3A_266 = tpu.memref_slice %arg16[%multiple_of3A_261, %dma_wait3A_265] : memref<10000x128xf32, #tpu.memory_space<vmem_shared>> -> memref<80x128xf32, #tpu.memory_space<vmem_shared>>
      %dma_wait3A_267 = arith.constant 0 : i32
      %dma_wait3A_268 = tpu.memref_slice %arg16[%multiple_of3A_261, %dma_wait3A_267] : memref<10000x128xf32, #tpu.memory_space<vmem_shared>> -> memref<80x128xf32, #tpu.memory_space<vmem_shared>>
      %dma_wait3A_269 = arith.constant 0 : i32
      %dma_wait3A_270 = arith.constant 0 : i32
      %dma_wait3A_271 = tpu.memref_slice %arg11[%dma_wait3A_269, %dma_wait3A_270] : memref<125x128xf32, #tpu.memory_space<vmem>> -> memref<80x128xf32, #tpu.memory_space<vmem>>
      tpu.wait_dma2 semaphore(%arg24 : memref<!tpu.dma_semaphore, #tpu.memory_space<semaphore_mem>>) src(%dma_wait3A_271 : memref<80x128xf32, #tpu.memory_space<vmem>>) dst(%dma_wait3A_268 : memref<80x128xf32, #tpu.memory_space<vmem_shared>>)
      %dma_wait3A_272 = tpu.memref_slice %arg17[%multiple_of3A_261] : memref<10000xf32, #tpu.memory_space<vmem_shared>> -> memref<80xf32, #tpu.memory_space<vmem_shared>>
      %dma_wait3A_273 = tpu.memref_slice %arg17[%multiple_of3A_261] : memref<10000xf32, #tpu.memory_space<vmem_shared>> -> memref<80xf32, #tpu.memory_space<vmem_shared>>
      tpu.wait_dma2 semaphore(%arg26 : memref<!tpu.dma_semaphore, #tpu.memory_space<semaphore_mem>>) src(%arg14 : memref<80xf32, #tpu.memory_space<vmem>>) dst(%dma_wait3A_273 : memref<80xf32, #tpu.memory_space<vmem_shared>>)
      %add3A_274 = arith.constant 112 : i32
      %add3A_275 = arith.addi %add3A_274, %arg1 : i32
      %mul3A_276 = arith.constant 80 : i32
      %mul3A_277 = arith.muli %add3A_275, %mul3A_276 : i32
      %multiple_of3A_278 = tpu.assume_multiple %mul3A_277, 80 : i32
      %add3A_279 = arith.constant 112 : i32
      %add3A_280 = arith.addi %add3A_279, %arg1 : i32
      %lt3A_281 = arith.constant 125 : i32
      %lt3A_282 = arith.cmpi slt, %add3A_280, %lt3A_281 : i32
      %convert_element_type3A_283 = arith.extui %lt3A_282 : i1 to i32
      %cond3A_284 = arith.constant 0 : i32
      %cond3A_285 = arith.cmpi ne, %convert_element_type3A_283, %cond3A_284 : i32
      scf.if %cond3A_285 {
        %dma_wait3A_740 = arith.constant 0 : i32
        %dma_wait3A_741 = arith.constant 0 : i32
        %dma_wait3A_742 = tpu.memref_slice %arg11[%dma_wait3A_740, %dma_wait3A_741] : memref<125x128xf32, #tpu.memory_space<vmem>> -> memref<80x128xf32, #tpu.memory_space<vmem>>
        %dma_wait3A_743 = arith.constant 0 : i32
        %dma_wait3A_744 = tpu.memref_slice %arg16[%multiple_of3A_278, %dma_wait3A_743] : memref<10000x128xf32, #tpu.memory_space<vmem_shared>> -> memref<80x128xf32, #tpu.memory_space<vmem_shared>>
        %dma_wait3A_745 = arith.constant 0 : i32
        %dma_wait3A_746 = tpu.memref_slice %arg16[%multiple_of3A_278, %dma_wait3A_745] : memref<10000x128xf32, #tpu.memory_space<vmem_shared>> -> memref<80x128xf32, #tpu.memory_space<vmem_shared>>
        %dma_wait3A_747 = arith.constant 0 : i32
        %dma_wait3A_748 = arith.constant 0 : i32
        %dma_wait3A_749 = tpu.memref_slice %arg11[%dma_wait3A_747, %dma_wait3A_748] : memref<125x128xf32, #tpu.memory_space<vmem>> -> memref<80x128xf32, #tpu.memory_space<vmem>>
        tpu.wait_dma2 semaphore(%arg24 : memref<!tpu.dma_semaphore, #tpu.memory_space<semaphore_mem>>) src(%dma_wait3A_749 : memref<80x128xf32, #tpu.memory_space<vmem>>) dst(%dma_wait3A_746 : memref<80x128xf32, #tpu.memory_space<vmem_shared>>)
        %dma_wait3A_750 = tpu.memref_slice %arg17[%multiple_of3A_278] : memref<10000xf32, #tpu.memory_space<vmem_shared>> -> memref<80xf32, #tpu.memory_space<vmem_shared>>
        %dma_wait3A_751 = tpu.memref_slice %arg17[%multiple_of3A_278] : memref<10000xf32, #tpu.memory_space<vmem_shared>> -> memref<80xf32, #tpu.memory_space<vmem_shared>>
        tpu.wait_dma2 semaphore(%arg26 : memref<!tpu.dma_semaphore, #tpu.memory_space<semaphore_mem>>) src(%arg14 : memref<80xf32, #tpu.memory_space<vmem>>) dst(%dma_wait3A_751 : memref<80xf32, #tpu.memory_space<vmem_shared>>)
      } else {
      }
      %barrier3A = arith.constant 0 : index
      tpu.barrier barrier_id(%barrier3A)
      %dma_start3A_286 = arith.constant 0 : i32
      %dma_start3A_287 = arith.constant 0 : i32
      %dma_start3A_288 = arith.constant 0 : i32
      %dma_start3A_289 = arith.constant 0 : i32
      %dma_start3A_290 = tpu.memref_slice %arg9[%dma_start3A_288, %dma_start3A_289] : memref<4x125xi32, #tpu.memory_space<vmem>> -> memref<1x125xi32, #tpu.memory_space<vmem>>
      %dma_start3A_291 = tpu.memref_squeeze %dma_start3A_290 : memref<1x125xi32, #tpu.memory_space<vmem>> -> memref<125xi32, #tpu.memory_space<vmem>>
      %dma_start3A_292 = arith.constant 0 : i32
      %dma_start3A_293 = tpu.memref_slice %arg4[%dma_start3A_286, %arg1, %dma_start3A_287, %dma_start3A_292] : memref<2x16x80x125xi32, #tpu.memory_space<hbm>> -> memref<1x1x1x125xi32, #tpu.memory_space<hbm>>
      %dma_start3A_294 = tpu.memref_squeeze %dma_start3A_293 : memref<1x1x1x125xi32, #tpu.memory_space<hbm>> -> memref<125xi32, #tpu.memory_space<hbm>>
      %dma_start3A_295 = arith.constant 0 : i32
      %dma_start3A_296 = tpu.memref_slice %arg9[%dma_start3A_288, %dma_start3A_295] : memref<4x125xi32, #tpu.memory_space<vmem>> -> memref<1x125xi32, #tpu.memory_space<vmem>>
      %dma_start3A_297 = tpu.memref_squeeze %dma_start3A_296 : memref<1x125xi32, #tpu.memory_space<vmem>> -> memref<125xi32, #tpu.memory_space<vmem>>
      %dma_start3A_298 = arith.constant 0 : i32
      %dma_start3A_299 = tpu.memref_slice %arg4[%dma_start3A_286, %arg1, %dma_start3A_287, %dma_start3A_298] : memref<2x16x80x125xi32, #tpu.memory_space<hbm>> -> memref<1x1x1x125xi32, #tpu.memory_space<hbm>>
      %dma_start3A_300 = tpu.memref_squeeze %dma_start3A_299 : memref<1x1x1x125xi32, #tpu.memory_space<hbm>> -> memref<125xi32, #tpu.memory_space<hbm>>
      tpu.enqueue_dma source(%dma_start3A_300 : memref<125xi32, #tpu.memory_space<hbm>>) target(%dma_start3A_297 : memref<125xi32, #tpu.memory_space<vmem>>) target_semaphore(%arg18 : memref<!tpu.dma_semaphore, #tpu.memory_space<semaphore_mem>>)
      %dma_start3A_301 = arith.constant 1 : i32
      %dma_start3A_302 = arith.constant 0 : i32
      %dma_start3A_303 = arith.constant 0 : i32
      %dma_start3A_304 = arith.constant 0 : i32
      %dma_start3A_305 = tpu.memref_slice %arg10[%dma_start3A_303, %dma_start3A_304] : memref<4x125xi32, #tpu.memory_space<vmem>> -> memref<1x125xi32, #tpu.memory_space<vmem>>
      %dma_start3A_306 = tpu.memref_squeeze %dma_start3A_305 : memref<1x125xi32, #tpu.memory_space<vmem>> -> memref<125xi32, #tpu.memory_space<vmem>>
      %dma_start3A_307 = arith.constant 0 : i32
      %dma_start3A_308 = tpu.memref_slice %arg4[%dma_start3A_301, %arg1, %dma_start3A_302, %dma_start3A_307] : memref<2x16x80x125xi32, #tpu.memory_space<hbm>> -> memref<1x1x1x125xi32, #tpu.memory_space<hbm>>
      %dma_start3A_309 = tpu.memref_squeeze %dma_start3A_308 : memref<1x1x1x125xi32, #tpu.memory_space<hbm>> -> memref<125xi32, #tpu.memory_space<hbm>>
      %dma_start3A_310 = arith.constant 0 : i32
      %dma_start3A_311 = tpu.memref_slice %arg10[%dma_start3A_303, %dma_start3A_310] : memref<4x125xi32, #tpu.memory_space<vmem>> -> memref<1x125xi32, #tpu.memory_space<vmem>>
      %dma_start3A_312 = tpu.memref_squeeze %dma_start3A_311 : memref<1x125xi32, #tpu.memory_space<vmem>> -> memref<125xi32, #tpu.memory_space<vmem>>
      %dma_start3A_313 = arith.constant 0 : i32
      %dma_start3A_314 = tpu.memref_slice %arg4[%dma_start3A_301, %arg1, %dma_start3A_302, %dma_start3A_313] : memref<2x16x80x125xi32, #tpu.memory_space<hbm>> -> memref<1x1x1x125xi32, #tpu.memory_space<hbm>>
      %dma_start3A_315 = tpu.memref_squeeze %dma_start3A_314 : memref<1x1x1x125xi32, #tpu.memory_space<hbm>> -> memref<125xi32, #tpu.memory_space<hbm>>
      tpu.enqueue_dma source(%dma_start3A_315 : memref<125xi32, #tpu.memory_space<hbm>>) target(%dma_start3A_312 : memref<125xi32, #tpu.memory_space<vmem>>) target_semaphore(%arg18 : memref<!tpu.dma_semaphore, #tpu.memory_space<semaphore_mem>>)
      %dma_start3A_316 = arith.constant 0 : i32
      %dma_start3A_317 = arith.constant 1 : i32
      %dma_start3A_318 = arith.constant 1 : i32
      %dma_start3A_319 = arith.constant 0 : i32
      %dma_start3A_320 = tpu.memref_slice %arg9[%dma_start3A_318, %dma_start3A_319] : memref<4x125xi32, #tpu.memory_space<vmem>> -> memref<1x125xi32, #tpu.memory_space<vmem>>
      %dma_start3A_321 = tpu.memref_squeeze %dma_start3A_320 : memref<1x125xi32, #tpu.memory_space<vmem>> -> memref<125xi32, #tpu.memory_space<vmem>>
      %dma_start3A_322 = arith.constant 0 : i32
      %dma_start3A_323 = tpu.memref_slice %arg4[%dma_start3A_316, %arg1, %dma_start3A_317, %dma_start3A_322] : memref<2x16x80x125xi32, #tpu.memory_space<hbm>> -> memref<1x1x1x125xi32, #tpu.memory_space<hbm>>
      %dma_start3A_324 = tpu.memref_squeeze %dma_start3A_323 : memref<1x1x1x125xi32, #tpu.memory_space<hbm>> -> memref<125xi32, #tpu.memory_space<hbm>>
      %dma_start3A_325 = arith.constant 0 : i32
      %dma_start3A_326 = tpu.memref_slice %arg9[%dma_start3A_318, %dma_start3A_325] : memref<4x125xi32, #tpu.memory_space<vmem>> -> memref<1x125xi32, #tpu.memory_space<vmem>>
      %dma_start3A_327 = tpu.memref_squeeze %dma_start3A_326 : memref<1x125xi32, #tpu.memory_space<vmem>> -> memref<125xi32, #tpu.memory_space<vmem>>
      %dma_start3A_328 = arith.constant 0 : i32
      %dma_start3A_329 = tpu.memref_slice %arg4[%dma_start3A_316, %arg1, %dma_start3A_317, %dma_start3A_328] : memref<2x16x80x125xi32, #tpu.memory_space<hbm>> -> memref<1x1x1x125xi32, #tpu.memory_space<hbm>>
      %dma_start3A_330 = tpu.memref_squeeze %dma_start3A_329 : memref<1x1x1x125xi32, #tpu.memory_space<hbm>> -> memref<125xi32, #tpu.memory_space<hbm>>
      tpu.enqueue_dma source(%dma_start3A_330 : memref<125xi32, #tpu.memory_space<hbm>>) target(%dma_start3A_327 : memref<125xi32, #tpu.memory_space<vmem>>) target_semaphore(%arg19 : memref<!tpu.dma_semaphore, #tpu.memory_space<semaphore_mem>>)
      %dma_start3A_331 = arith.constant 1 : i32
      %dma_start3A_332 = arith.constant 1 : i32
      %dma_start3A_333 = arith.constant 1 : i32
      %dma_start3A_334 = arith.constant 0 : i32
      %dma_start3A_335 = tpu.memref_slice %arg10[%dma_start3A_333, %dma_start3A_334] : memref<4x125xi32, #tpu.memory_space<vmem>> -> memref<1x125xi32, #tpu.memory_space<vmem>>
      %dma_start3A_336 = tpu.memref_squeeze %dma_start3A_335 : memref<1x125xi32, #tpu.memory_space<vmem>> -> memref<125xi32, #tpu.memory_space<vmem>>
      %dma_start3A_337 = arith.constant 0 : i32
      %dma_start3A_338 = tpu.memref_slice %arg4[%dma_start3A_331, %arg1, %dma_start3A_332, %dma_start3A_337] : memref<2x16x80x125xi32, #tpu.memory_space<hbm>> -> memref<1x1x1x125xi32, #tpu.memory_space<hbm>>
      %dma_start3A_339 = tpu.memref_squeeze %dma_start3A_338 : memref<1x1x1x125xi32, #tpu.memory_space<hbm>> -> memref<125xi32, #tpu.memory_space<hbm>>
      %dma_start3A_340 = arith.constant 0 : i32
      %dma_start3A_341 = tpu.memref_slice %arg10[%dma_start3A_333, %dma_start3A_340] : memref<4x125xi32, #tpu.memory_space<vmem>> -> memref<1x125xi32, #tpu.memory_space<vmem>>
      %dma_start3A_342 = tpu.memref_squeeze %dma_start3A_341 : memref<1x125xi32, #tpu.memory_space<vmem>> -> memref<125xi32, #tpu.memory_space<vmem>>
      %dma_start3A_343 = arith.constant 0 : i32
      %dma_start3A_344 = tpu.memref_slice %arg4[%dma_start3A_331, %arg1, %dma_start3A_332, %dma_start3A_343] : memref<2x16x80x125xi32, #tpu.memory_space<hbm>> -> memref<1x1x1x125xi32, #tpu.memory_space<hbm>>
      %dma_start3A_345 = tpu.memref_squeeze %dma_start3A_344 : memref<1x1x1x125xi32, #tpu.memory_space<hbm>> -> memref<125xi32, #tpu.memory_space<hbm>>
      tpu.enqueue_dma source(%dma_start3A_345 : memref<125xi32, #tpu.memory_space<hbm>>) target(%dma_start3A_342 : memref<125xi32, #tpu.memory_space<vmem>>) target_semaphore(%arg19 : memref<!tpu.dma_semaphore, #tpu.memory_space<semaphore_mem>>)
      %dma_start3A_346 = arith.constant 0 : i32
      %dma_start3A_347 = arith.constant 2 : i32
      %dma_start3A_348 = arith.constant 2 : i32
      %dma_start3A_349 = arith.constant 0 : i32
      %dma_start3A_350 = tpu.memref_slice %arg9[%dma_start3A_348, %dma_start3A_349] : memref<4x125xi32, #tpu.memory_space<vmem>> -> memref<1x125xi32, #tpu.memory_space<vmem>>
      %dma_start3A_351 = tpu.memref_squeeze %dma_start3A_350 : memref<1x125xi32, #tpu.memory_space<vmem>> -> memref<125xi32, #tpu.memory_space<vmem>>
      %dma_start3A_352 = arith.constant 0 : i32
      %dma_start3A_353 = tpu.memref_slice %arg4[%dma_start3A_346, %arg1, %dma_start3A_347, %dma_start3A_352] : memref<2x16x80x125xi32, #tpu.memory_space<hbm>> -> memref<1x1x1x125xi32, #tpu.memory_space<hbm>>
      %dma_start3A_354 = tpu.memref_squeeze %dma_start3A_353 : memref<1x1x1x125xi32, #tpu.memory_space<hbm>> -> memref<125xi32, #tpu.memory_space<hbm>>
      %dma_start3A_355 = arith.constant 0 : i32
      %dma_start3A_356 = tpu.memref_slice %arg9[%dma_start3A_348, %dma_start3A_355] : memref<4x125xi32, #tpu.memory_space<vmem>> -> memref<1x125xi32, #tpu.memory_space<vmem>>
      %dma_start3A_357 = tpu.memref_squeeze %dma_start3A_356 : memref<1x125xi32, #tpu.memory_space<vmem>> -> memref<125xi32, #tpu.memory_space<vmem>>
      %dma_start3A_358 = arith.constant 0 : i32
      %dma_start3A_359 = tpu.memref_slice %arg4[%dma_start3A_346, %arg1, %dma_start3A_347, %dma_start3A_358] : memref<2x16x80x125xi32, #tpu.memory_space<hbm>> -> memref<1x1x1x125xi32, #tpu.memory_space<hbm>>
      %dma_start3A_360 = tpu.memref_squeeze %dma_start3A_359 : memref<1x1x1x125xi32, #tpu.memory_space<hbm>> -> memref<125xi32, #tpu.memory_space<hbm>>
      tpu.enqueue_dma source(%dma_start3A_360 : memref<125xi32, #tpu.memory_space<hbm>>) target(%dma_start3A_357 : memref<125xi32, #tpu.memory_space<vmem>>) target_semaphore(%arg20 : memref<!tpu.dma_semaphore, #tpu.memory_space<semaphore_mem>>)
      %dma_start3A_361 = arith.constant 1 : i32
      %dma_start3A_362 = arith.constant 2 : i32
      %dma_start3A_363 = arith.constant 2 : i32
      %dma_start3A_364 = arith.constant 0 : i32
      %dma_start3A_365 = tpu.memref_slice %arg10[%dma_start3A_363, %dma_start3A_364] : memref<4x125xi32, #tpu.memory_space<vmem>> -> memref<1x125xi32, #tpu.memory_space<vmem>>
      %dma_start3A_366 = tpu.memref_squeeze %dma_start3A_365 : memref<1x125xi32, #tpu.memory_space<vmem>> -> memref<125xi32, #tpu.memory_space<vmem>>
      %dma_start3A_367 = arith.constant 0 : i32
      %dma_start3A_368 = tpu.memref_slice %arg4[%dma_start3A_361, %arg1, %dma_start3A_362, %dma_start3A_367] : memref<2x16x80x125xi32, #tpu.memory_space<hbm>> -> memref<1x1x1x125xi32, #tpu.memory_space<hbm>>
      %dma_start3A_369 = tpu.memref_squeeze %dma_start3A_368 : memref<1x1x1x125xi32, #tpu.memory_space<hbm>> -> memref<125xi32, #tpu.memory_space<hbm>>
      %dma_start3A_370 = arith.constant 0 : i32
      %dma_start3A_371 = tpu.memref_slice %arg10[%dma_start3A_363, %dma_start3A_370] : memref<4x125xi32, #tpu.memory_space<vmem>> -> memref<1x125xi32, #tpu.memory_space<vmem>>
      %dma_start3A_372 = tpu.memref_squeeze %dma_start3A_371 : memref<1x125xi32, #tpu.memory_space<vmem>> -> memref<125xi32, #tpu.memory_space<vmem>>
      %dma_start3A_373 = arith.constant 0 : i32
      %dma_start3A_374 = tpu.memref_slice %arg4[%dma_start3A_361, %arg1, %dma_start3A_362, %dma_start3A_373] : memref<2x16x80x125xi32, #tpu.memory_space<hbm>> -> memref<1x1x1x125xi32, #tpu.memory_space<hbm>>
      %dma_start3A_375 = tpu.memref_squeeze %dma_start3A_374 : memref<1x1x1x125xi32, #tpu.memory_space<hbm>> -> memref<125xi32, #tpu.memory_space<hbm>>
      tpu.enqueue_dma source(%dma_start3A_375 : memref<125xi32, #tpu.memory_space<hbm>>) target(%dma_start3A_372 : memref<125xi32, #tpu.memory_space<vmem>>) target_semaphore(%arg20 : memref<!tpu.dma_semaphore, #tpu.memory_space<semaphore_mem>>)
      %dma_start3A_376 = arith.constant 0 : i32
      %dma_start3A_377 = arith.constant 3 : i32
      %dma_start3A_378 = arith.constant 3 : i32
      %dma_start3A_379 = arith.constant 0 : i32
      %dma_start3A_380 = tpu.memref_slice %arg9[%dma_start3A_378, %dma_start3A_379] : memref<4x125xi32, #tpu.memory_space<vmem>> -> memref<1x125xi32, #tpu.memory_space<vmem>>
      %dma_start3A_381 = tpu.memref_squeeze %dma_start3A_380 : memref<1x125xi32, #tpu.memory_space<vmem>> -> memref<125xi32, #tpu.memory_space<vmem>>
      %dma_start3A_382 = arith.constant 0 : i32
      %dma_start3A_383 = tpu.memref_slice %arg4[%dma_start3A_376, %arg1, %dma_start3A_377, %dma_start3A_382] : memref<2x16x80x125xi32, #tpu.memory_space<hbm>> -> memref<1x1x1x125xi32, #tpu.memory_space<hbm>>
      %dma_start3A_384 = tpu.memref_squeeze %dma_start3A_383 : memref<1x1x1x125xi32, #tpu.memory_space<hbm>> -> memref<125xi32, #tpu.memory_space<hbm>>
      %dma_start3A_385 = arith.constant 0 : i32
      %dma_start3A_386 = tpu.memref_slice %arg9[%dma_start3A_378, %dma_start3A_385] : memref<4x125xi32, #tpu.memory_space<vmem>> -> memref<1x125xi32, #tpu.memory_space<vmem>>
      %dma_start3A_387 = tpu.memref_squeeze %dma_start3A_386 : memref<1x125xi32, #tpu.memory_space<vmem>> -> memref<125xi32, #tpu.memory_space<vmem>>
      %dma_start3A_388 = arith.constant 0 : i32
      %dma_start3A_389 = tpu.memref_slice %arg4[%dma_start3A_376, %arg1, %dma_start3A_377, %dma_start3A_388] : memref<2x16x80x125xi32, #tpu.memory_space<hbm>> -> memref<1x1x1x125xi32, #tpu.memory_space<hbm>>
      %dma_start3A_390 = tpu.memref_squeeze %dma_start3A_389 : memref<1x1x1x125xi32, #tpu.memory_space<hbm>> -> memref<125xi32, #tpu.memory_space<hbm>>
      tpu.enqueue_dma source(%dma_start3A_390 : memref<125xi32, #tpu.memory_space<hbm>>) target(%dma_start3A_387 : memref<125xi32, #tpu.memory_space<vmem>>) target_semaphore(%arg21 : memref<!tpu.dma_semaphore, #tpu.memory_space<semaphore_mem>>)
      %dma_start3A_391 = arith.constant 1 : i32
      %dma_start3A_392 = arith.constant 3 : i32
      %dma_start3A_393 = arith.constant 3 : i32
      %dma_start3A_394 = arith.constant 0 : i32
      %dma_start3A_395 = tpu.memref_slice %arg10[%dma_start3A_393, %dma_start3A_394] : memref<4x125xi32, #tpu.memory_space<vmem>> -> memref<1x125xi32, #tpu.memory_space<vmem>>
      %dma_start3A_396 = tpu.memref_squeeze %dma_start3A_395 : memref<1x125xi32, #tpu.memory_space<vmem>> -> memref<125xi32, #tpu.memory_space<vmem>>
      %dma_start3A_397 = arith.constant 0 : i32
      %dma_start3A_398 = tpu.memref_slice %arg4[%dma_start3A_391, %arg1, %dma_start3A_392, %dma_start3A_397] : memref<2x16x80x125xi32, #tpu.memory_space<hbm>> -> memref<1x1x1x125xi32, #tpu.memory_space<hbm>>
      %dma_start3A_399 = tpu.memref_squeeze %dma_start3A_398 : memref<1x1x1x125xi32, #tpu.memory_space<hbm>> -> memref<125xi32, #tpu.memory_space<hbm>>
      %dma_start3A_400 = arith.constant 0 : i32
      %dma_start3A_401 = tpu.memref_slice %arg10[%dma_start3A_393, %dma_start3A_400] : memref<4x125xi32, #tpu.memory_space<vmem>> -> memref<1x125xi32, #tpu.memory_space<vmem>>
      %dma_start3A_402 = tpu.memref_squeeze %dma_start3A_401 : memref<1x125xi32, #tpu.memory_space<vmem>> -> memref<125xi32, #tpu.memory_space<vmem>>
      %dma_start3A_403 = arith.constant 0 : i32
      %dma_start3A_404 = tpu.memref_slice %arg4[%dma_start3A_391, %arg1, %dma_start3A_392, %dma_start3A_403] : memref<2x16x80x125xi32, #tpu.memory_space<hbm>> -> memref<1x1x1x125xi32, #tpu.memory_space<hbm>>
      %dma_start3A_405 = tpu.memref_squeeze %dma_start3A_404 : memref<1x1x1x125xi32, #tpu.memory_space<hbm>> -> memref<125xi32, #tpu.memory_space<hbm>>
      tpu.enqueue_dma source(%dma_start3A_405 : memref<125xi32, #tpu.memory_space<hbm>>) target(%dma_start3A_402 : memref<125xi32, #tpu.memory_space<vmem>>) target_semaphore(%arg21 : memref<!tpu.dma_semaphore, #tpu.memory_space<semaphore_mem>>)
      %dma_wait3A_406 = arith.constant 0 : i32
      %dma_wait3A_407 = arith.constant 0 : i32
      %dma_wait3A_408 = arith.constant 0 : i32
      %dma_wait3A_409 = arith.constant 0 : i32
      %dma_wait3A_410 = tpu.memref_slice %arg9[%dma_wait3A_408, %dma_wait3A_409] : memref<4x125xi32, #tpu.memory_space<vmem>> -> memref<1x125xi32, #tpu.memory_space<vmem>>
      %dma_wait3A_411 = tpu.memref_squeeze %dma_wait3A_410 : memref<1x125xi32, #tpu.memory_space<vmem>> -> memref<125xi32, #tpu.memory_space<vmem>>
      %dma_wait3A_412 = arith.constant 0 : i32
      %dma_wait3A_413 = tpu.memref_slice %arg4[%dma_wait3A_406, %arg1, %dma_wait3A_407, %dma_wait3A_412] : memref<2x16x80x125xi32, #tpu.memory_space<hbm>> -> memref<1x1x1x125xi32, #tpu.memory_space<hbm>>
      %dma_wait3A_414 = tpu.memref_squeeze %dma_wait3A_413 : memref<1x1x1x125xi32, #tpu.memory_space<hbm>> -> memref<125xi32, #tpu.memory_space<hbm>>
      %dma_wait3A_415 = arith.constant 0 : i32
      %dma_wait3A_416 = tpu.memref_slice %arg9[%dma_wait3A_408, %dma_wait3A_415] : memref<4x125xi32, #tpu.memory_space<vmem>> -> memref<1x125xi32, #tpu.memory_space<vmem>>
      %dma_wait3A_417 = tpu.memref_squeeze %dma_wait3A_416 : memref<1x125xi32, #tpu.memory_space<vmem>> -> memref<125xi32, #tpu.memory_space<vmem>>
      %dma_wait3A_418 = arith.constant 0 : i32
      %dma_wait3A_419 = tpu.memref_slice %arg4[%dma_wait3A_406, %arg1, %dma_wait3A_407, %dma_wait3A_418] : memref<2x16x80x125xi32, #tpu.memory_space<hbm>> -> memref<1x1x1x125xi32, #tpu.memory_space<hbm>>
      %dma_wait3A_420 = tpu.memref_squeeze %dma_wait3A_419 : memref<1x1x1x125xi32, #tpu.memory_space<hbm>> -> memref<125xi32, #tpu.memory_space<hbm>>
      tpu.wait_dma2 semaphore(%arg18 : memref<!tpu.dma_semaphore, #tpu.memory_space<semaphore_mem>>) src(%dma_wait3A_420 : memref<125xi32, #tpu.memory_space<hbm>>) dst(%dma_wait3A_417 : memref<125xi32, #tpu.memory_space<vmem>>)
      %dma_wait3A_421 = arith.constant 1 : i32
      %dma_wait3A_422 = arith.constant 0 : i32
      %dma_wait3A_423 = arith.constant 0 : i32
      %dma_wait3A_424 = arith.constant 0 : i32
      %dma_wait3A_425 = tpu.memref_slice %arg10[%dma_wait3A_423, %dma_wait3A_424] : memref<4x125xi32, #tpu.memory_space<vmem>> -> memref<1x125xi32, #tpu.memory_space<vmem>>
      %dma_wait3A_426 = tpu.memref_squeeze %dma_wait3A_425 : memref<1x125xi32, #tpu.memory_space<vmem>> -> memref<125xi32, #tpu.memory_space<vmem>>
      %dma_wait3A_427 = arith.constant 0 : i32
      %dma_wait3A_428 = tpu.memref_slice %arg4[%dma_wait3A_421, %arg1, %dma_wait3A_422, %dma_wait3A_427] : memref<2x16x80x125xi32, #tpu.memory_space<hbm>> -> memref<1x1x1x125xi32, #tpu.memory_space<hbm>>
      %dma_wait3A_429 = tpu.memref_squeeze %dma_wait3A_428 : memref<1x1x1x125xi32, #tpu.memory_space<hbm>> -> memref<125xi32, #tpu.memory_space<hbm>>
      %dma_wait3A_430 = arith.constant 0 : i32
      %dma_wait3A_431 = tpu.memref_slice %arg10[%dma_wait3A_423, %dma_wait3A_430] : memref<4x125xi32, #tpu.memory_space<vmem>> -> memref<1x125xi32, #tpu.memory_space<vmem>>
      %dma_wait3A_432 = tpu.memref_squeeze %dma_wait3A_431 : memref<1x125xi32, #tpu.memory_space<vmem>> -> memref<125xi32, #tpu.memory_space<vmem>>
      %dma_wait3A_433 = arith.constant 0 : i32
      %dma_wait3A_434 = tpu.memref_slice %arg4[%dma_wait3A_421, %arg1, %dma_wait3A_422, %dma_wait3A_433] : memref<2x16x80x125xi32, #tpu.memory_space<hbm>> -> memref<1x1x1x125xi32, #tpu.memory_space<hbm>>
      %dma_wait3A_435 = tpu.memref_squeeze %dma_wait3A_434 : memref<1x1x1x125xi32, #tpu.memory_space<hbm>> -> memref<125xi32, #tpu.memory_space<hbm>>
      tpu.wait_dma2 semaphore(%arg18 : memref<!tpu.dma_semaphore, #tpu.memory_space<semaphore_mem>>) src(%dma_wait3A_435 : memref<125xi32, #tpu.memory_space<hbm>>) dst(%dma_wait3A_432 : memref<125xi32, #tpu.memory_space<vmem>>)
      %dma_start3A_436 = arith.constant 0 : i32
      %dma_start3A_437 = arith.constant 0 : i32
      %dma_start3A_438 = tpu.memref_slice %arg9[%dma_start3A_436, %dma_start3A_437] : memref<4x125xi32, #tpu.memory_space<vmem>> -> memref<1x125xi32, #tpu.memory_space<vmem>>
      %dma_start3A_439 = tpu.memref_squeeze %dma_start3A_438 : memref<1x125xi32, #tpu.memory_space<vmem>> -> memref<125xi32, #tpu.memory_space<vmem>>
      %dma_start3A_440 = arith.constant 0 : i32
      %dma_start3A_441 = arith.constant 0 : i32
      %dma_start3A_442 = tpu.memref_slice %arg2[%dma_start3A_440, %dma_start3A_441] : memref<10000x128xf32, #tpu.memory_space<hbm>> -> memref<10000x128xf32, #tpu.memory_space<hbm>>
      tpu.enqueue_indirect_dma source(%dma_start3A_442 : memref<10000x128xf32, #tpu.memory_space<hbm>>) target(%arg11 : memref<125x128xf32, #tpu.memory_space<vmem>>) offsets(%dma_start3A_439 : memref<125xi32, #tpu.memory_space<vmem>>) semaphore(%arg22 : memref<!tpu.dma_semaphore, #tpu.memory_space<semaphore_mem>>)
      %dma_wait3A_443 = arith.constant 0 : i32
      %dma_wait3A_444 = arith.constant 1 : i32
      %dma_wait3A_445 = arith.constant 1 : i32
      %dma_wait3A_446 = arith.constant 0 : i32
      %dma_wait3A_447 = tpu.memref_slice %arg9[%dma_wait3A_445, %dma_wait3A_446] : memref<4x125xi32, #tpu.memory_space<vmem>> -> memref<1x125xi32, #tpu.memory_space<vmem>>
      %dma_wait3A_448 = tpu.memref_squeeze %dma_wait3A_447 : memref<1x125xi32, #tpu.memory_space<vmem>> -> memref<125xi32, #tpu.memory_space<vmem>>
      %dma_wait3A_449 = arith.constant 0 : i32
      %dma_wait3A_450 = tpu.memref_slice %arg4[%dma_wait3A_443, %arg1, %dma_wait3A_444, %dma_wait3A_449] : memref<2x16x80x125xi32, #tpu.memory_space<hbm>> -> memref<1x1x1x125xi32, #tpu.memory_space<hbm>>
      %dma_wait3A_451 = tpu.memref_squeeze %dma_wait3A_450 : memref<1x1x1x125xi32, #tpu.memory_space<hbm>> -> memref<125xi32, #tpu.memory_space<hbm>>
      %dma_wait3A_452 = arith.constant 0 : i32
      %dma_wait3A_453 = tpu.memref_slice %arg9[%dma_wait3A_445, %dma_wait3A_452] : memref<4x125xi32, #tpu.memory_space<vmem>> -> memref<1x125xi32, #tpu.memory_space<vmem>>
      %dma_wait3A_454 = tpu.memref_squeeze %dma_wait3A_453 : memref<1x125xi32, #tpu.memory_space<vmem>> -> memref<125xi32, #tpu.memory_space<vmem>>
      %dma_wait3A_455 = arith.constant 0 : i32
      %dma_wait3A_456 = tpu.memref_slice %arg4[%dma_wait3A_443, %arg1, %dma_wait3A_444, %dma_wait3A_455] : memref<2x16x80x125xi32, #tpu.memory_space<hbm>> -> memref<1x1x1x125xi32, #tpu.memory_space<hbm>>
      %dma_wait3A_457 = tpu.memref_squeeze %dma_wait3A_456 : memref<1x1x1x125xi32, #tpu.memory_space<hbm>> -> memref<125xi32, #tpu.memory_space<hbm>>
      tpu.wait_dma2 semaphore(%arg19 : memref<!tpu.dma_semaphore, #tpu.memory_space<semaphore_mem>>) src(%dma_wait3A_457 : memref<125xi32, #tpu.memory_space<hbm>>) dst(%dma_wait3A_454 : memref<125xi32, #tpu.memory_space<vmem>>)
      %dma_wait3A_458 = arith.constant 1 : i32
      %dma_wait3A_459 = arith.constant 1 : i32
      %dma_wait3A_460 = arith.constant 1 : i32
      %dma_wait3A_461 = arith.constant 0 : i32
      %dma_wait3A_462 = tpu.memref_slice %arg10[%dma_wait3A_460, %dma_wait3A_461] : memref<4x125xi32, #tpu.memory_space<vmem>> -> memref<1x125xi32, #tpu.memory_space<vmem>>
      %dma_wait3A_463 = tpu.memref_squeeze %dma_wait3A_462 : memref<1x125xi32, #tpu.memory_space<vmem>> -> memref<125xi32, #tpu.memory_space<vmem>>
      %dma_wait3A_464 = arith.constant 0 : i32
      %dma_wait3A_465 = tpu.memref_slice %arg4[%dma_wait3A_458, %arg1, %dma_wait3A_459, %dma_wait3A_464] : memref<2x16x80x125xi32, #tpu.memory_space<hbm>> -> memref<1x1x1x125xi32, #tpu.memory_space<hbm>>
      %dma_wait3A_466 = tpu.memref_squeeze %dma_wait3A_465 : memref<1x1x1x125xi32, #tpu.memory_space<hbm>> -> memref<125xi32, #tpu.memory_space<hbm>>
      %dma_wait3A_467 = arith.constant 0 : i32
      %dma_wait3A_468 = tpu.memref_slice %arg10[%dma_wait3A_460, %dma_wait3A_467] : memref<4x125xi32, #tpu.memory_space<vmem>> -> memref<1x125xi32, #tpu.memory_space<vmem>>
      %dma_wait3A_469 = tpu.memref_squeeze %dma_wait3A_468 : memref<1x125xi32, #tpu.memory_space<vmem>> -> memref<125xi32, #tpu.memory_space<vmem>>
      %dma_wait3A_470 = arith.constant 0 : i32
      %dma_wait3A_471 = tpu.memref_slice %arg4[%dma_wait3A_458, %arg1, %dma_wait3A_459, %dma_wait3A_470] : memref<2x16x80x125xi32, #tpu.memory_space<hbm>> -> memref<1x1x1x125xi32, #tpu.memory_space<hbm>>
      %dma_wait3A_472 = tpu.memref_squeeze %dma_wait3A_471 : memref<1x1x1x125xi32, #tpu.memory_space<hbm>> -> memref<125xi32, #tpu.memory_space<hbm>>
      tpu.wait_dma2 semaphore(%arg19 : memref<!tpu.dma_semaphore, #tpu.memory_space<semaphore_mem>>) src(%dma_wait3A_472 : memref<125xi32, #tpu.memory_space<hbm>>) dst(%dma_wait3A_469 : memref<125xi32, #tpu.memory_space<vmem>>)
      %dma_start3A_473 = arith.constant 1 : i32
      %dma_start3A_474 = arith.constant 0 : i32
      %dma_start3A_475 = tpu.memref_slice %arg9[%dma_start3A_473, %dma_start3A_474] : memref<4x125xi32, #tpu.memory_space<vmem>> -> memref<1x125xi32, #tpu.memory_space<vmem>>
      %dma_start3A_476 = tpu.memref_squeeze %dma_start3A_475 : memref<1x125xi32, #tpu.memory_space<vmem>> -> memref<125xi32, #tpu.memory_space<vmem>>
      %dma_start3A_477 = arith.constant 0 : i32
      %dma_start3A_478 = arith.constant 0 : i32
      %dma_start3A_479 = tpu.memref_slice %arg2[%dma_start3A_477, %dma_start3A_478] : memref<10000x128xf32, #tpu.memory_space<hbm>> -> memref<10000x128xf32, #tpu.memory_space<hbm>>
      tpu.enqueue_indirect_dma source(%dma_start3A_479 : memref<10000x128xf32, #tpu.memory_space<hbm>>) target(%arg12 : memref<125x128xf32, #tpu.memory_space<vmem>>) offsets(%dma_start3A_476 : memref<125xi32, #tpu.memory_space<vmem>>) semaphore(%arg23 : memref<!tpu.dma_semaphore, #tpu.memory_space<semaphore_mem>>)
      %scan3A_480 = arith.constant 0 : i32
      %scan3A_481 = arith.constant 0 : i32
      %scan3A_482 = arith.constant 20 : i32
      %scan3A_483 = arith.addi %scan3A_481, %scan3A_482 : i32
      %scan3A_484 = arith.constant 1 : i32
      %scan3A_485 = scf.for %scan3A_740 = %scan3A_481 to %scan3A_483 step %scan3A_484 iter_args(%scan3A_741 = %scan3A_480) -> (i32)  : i32 {
        %mul3A_742 = arith.constant 4 : i32
        %mul3A_743 = arith.muli %scan3A_740, %mul3A_742 : i32
        %add3A_744 = arith.constant 0 : i32
        %add3A_745 = arith.addi %mul3A_743, %add3A_744 : i32
        %dma_wait3A_746 = arith.constant 0 : i32
        %dma_wait3A_747 = arith.constant 0 : i32
        %dma_wait3A_748 = tpu.memref_slice %arg9[%dma_wait3A_746, %dma_wait3A_747] : memref<4x125xi32, #tpu.memory_space<vmem>> -> memref<1x125xi32, #tpu.memory_space<vmem>>
        %dma_wait3A_749 = tpu.memref_squeeze %dma_wait3A_748 : memref<1x125xi32, #tpu.memory_space<vmem>> -> memref<125xi32, #tpu.memory_space<vmem>>
        %dma_wait3A_750 = arith.constant 0 : i32
        %dma_wait3A_751 = arith.constant 0 : i32
        %dma_wait3A_752 = tpu.memref_slice %arg2[%dma_wait3A_750, %dma_wait3A_751] : memref<10000x128xf32, #tpu.memory_space<hbm>> -> memref<10000x128xf32, #tpu.memory_space<hbm>>
        tpu.wait_indirect_dma semaphore(%arg22 : memref<!tpu.dma_semaphore, #tpu.memory_space<semaphore_mem>>) src(%dma_wait3A_752 : memref<10000x128xf32, #tpu.memory_space<hbm>>) dst(%arg11 : memref<125x128xf32, #tpu.memory_space<vmem>>)
        %dma_start3A_753 = arith.constant 0 : i32
        %dma_start3A_754 = arith.constant 0 : i32
        %dma_start3A_755 = tpu.memref_slice %arg10[%dma_start3A_753, %dma_start3A_754] : memref<4x125xi32, #tpu.memory_space<vmem>> -> memref<1x125xi32, #tpu.memory_space<vmem>>
        %dma_start3A_756 = tpu.memref_squeeze %dma_start3A_755 : memref<1x125xi32, #tpu.memory_space<vmem>> -> memref<125xi32, #tpu.memory_space<vmem>>
        %dma_start3A_757 = arith.constant 0 : i32
        %dma_start3A_758 = arith.constant 0 : i32
        %dma_start3A_759 = tpu.memref_slice %arg16[%dma_start3A_757, %dma_start3A_758] : memref<10000x128xf32, #tpu.memory_space<vmem_shared>> -> memref<10000x128xf32, #tpu.memory_space<vmem_shared>>
        tpu.enqueue_indirect_dma source(%arg11 : memref<125x128xf32, #tpu.memory_space<vmem>>) target(%dma_start3A_759 : memref<10000x128xf32, #tpu.memory_space<vmem_shared>>) offsets(%dma_start3A_756 : memref<125xi32, #tpu.memory_space<vmem>>) semaphore(%arg24 : memref<!tpu.dma_semaphore, #tpu.memory_space<semaphore_mem>>) {add = true}
        %dma_start3A_760 = arith.constant 0 : i32
        %dma_start3A_761 = arith.constant 0 : i32
        %dma_start3A_762 = tpu.memref_slice %arg10[%dma_start3A_760, %dma_start3A_761] : memref<4x125xi32, #tpu.memory_space<vmem>> -> memref<1x125xi32, #tpu.memory_space<vmem>>
        %dma_start3A_763 = tpu.memref_squeeze %dma_start3A_762 : memref<1x125xi32, #tpu.memory_space<vmem>> -> memref<125xi32, #tpu.memory_space<vmem>>
        %dma_start3A_764 = arith.constant 0 : i32
        %dma_start3A_765 = tpu.memref_slice %arg17[%dma_start3A_764] : memref<10000xf32, #tpu.memory_space<vmem_shared>> -> memref<10000xf32, #tpu.memory_space<vmem_shared>>
        tpu.enqueue_indirect_dma source(%arg13 : memref<125xf32, #tpu.memory_space<vmem>>) target(%dma_start3A_765 : memref<10000xf32, #tpu.memory_space<vmem_shared>>) offsets(%dma_start3A_763 : memref<125xi32, #tpu.memory_space<vmem>>) semaphore(%arg26 : memref<!tpu.dma_semaphore, #tpu.memory_space<semaphore_mem>>) {add = true}
        %add3A_766 = arith.constant 2 : i32
        %add3A_767 = arith.addi %add3A_745, %add3A_766 : i32
        %lt3A_768 = arith.constant 80 : i32
        %lt3A_769 = arith.cmpi slt, %add3A_767, %lt3A_768 : i32
        %convert_element_type3A_770 = arith.extui %lt3A_769 : i1 to i32
        %cond3A_771 = arith.constant 0 : i32
        %cond3A_772 = arith.cmpi ne, %convert_element_type3A_770, %cond3A_771 : i32
        scf.if %cond3A_772 {
          %add3A_975 = arith.constant 2 : i32
          %add3A_976 = arith.addi %add3A_745, %add3A_975 : i32
          %dma_wait3A_977 = arith.constant 0 : i32
          %dma_wait3A_978 = arith.constant 2 : i32
          %dma_wait3A_979 = arith.constant 0 : i32
          %dma_wait3A_980 = tpu.memref_slice %arg9[%dma_wait3A_978, %dma_wait3A_979] : memref<4x125xi32, #tpu.memory_space<vmem>> -> memref<1x125xi32, #tpu.memory_space<vmem>>
          %dma_wait3A_981 = tpu.memref_squeeze %dma_wait3A_980 : memref<1x125xi32, #tpu.memory_space<vmem>> -> memref<125xi32, #tpu.memory_space<vmem>>
          %dma_wait3A_982 = arith.constant 0 : i32
          %dma_wait3A_983 = tpu.memref_slice %arg4[%dma_wait3A_977, %arg1, %add3A_976, %dma_wait3A_982] : memref<2x16x80x125xi32, #tpu.memory_space<hbm>> -> memref<1x1x1x125xi32, #tpu.memory_space<hbm>>
          %dma_wait3A_984 = tpu.memref_squeeze %dma_wait3A_983 : memref<1x1x1x125xi32, #tpu.memory_space<hbm>> -> memref<125xi32, #tpu.memory_space<hbm>>
          %dma_wait3A_985 = arith.constant 0 : i32
          %dma_wait3A_986 = tpu.memref_slice %arg9[%dma_wait3A_978, %dma_wait3A_985] : memref<4x125xi32, #tpu.memory_space<vmem>> -> memref<1x125xi32, #tpu.memory_space<vmem>>
          %dma_wait3A_987 = tpu.memref_squeeze %dma_wait3A_986 : memref<1x125xi32, #tpu.memory_space<vmem>> -> memref<125xi32, #tpu.memory_space<vmem>>
          %dma_wait3A_988 = arith.constant 0 : i32
          %dma_wait3A_989 = tpu.memref_slice %arg4[%dma_wait3A_977, %arg1, %add3A_976, %dma_wait3A_988] : memref<2x16x80x125xi32, #tpu.memory_space<hbm>> -> memref<1x1x1x125xi32, #tpu.memory_space<hbm>>
          %dma_wait3A_990 = tpu.memref_squeeze %dma_wait3A_989 : memref<1x1x1x125xi32, #tpu.memory_space<hbm>> -> memref<125xi32, #tpu.memory_space<hbm>>
          tpu.wait_dma2 semaphore(%arg20 : memref<!tpu.dma_semaphore, #tpu.memory_space<semaphore_mem>>) src(%dma_wait3A_990 : memref<125xi32, #tpu.memory_space<hbm>>) dst(%dma_wait3A_987 : memref<125xi32, #tpu.memory_space<vmem>>)
          %dma_wait3A_991 = arith.constant 1 : i32
          %dma_wait3A_992 = arith.constant 2 : i32
          %dma_wait3A_993 = arith.constant 0 : i32
          %dma_wait3A_994 = tpu.memref_slice %arg10[%dma_wait3A_992, %dma_wait3A_993] : memref<4x125xi32, #tpu.memory_space<vmem>> -> memref<1x125xi32, #tpu.memory_space<vmem>>
          %dma_wait3A_995 = tpu.memref_squeeze %dma_wait3A_994 : memref<1x125xi32, #tpu.memory_space<vmem>> -> memref<125xi32, #tpu.memory_space<vmem>>
          %dma_wait3A_996 = arith.constant 0 : i32
          %dma_wait3A_997 = tpu.memref_slice %arg4[%dma_wait3A_991, %arg1, %add3A_976, %dma_wait3A_996] : memref<2x16x80x125xi32, #tpu.memory_space<hbm>> -> memref<1x1x1x125xi32, #tpu.memory_space<hbm>>
          %dma_wait3A_998 = tpu.memref_squeeze %dma_wait3A_997 : memref<1x1x1x125xi32, #tpu.memory_space<hbm>> -> memref<125xi32, #tpu.memory_space<hbm>>
          %dma_wait3A_999 = arith.constant 0 : i32
          %dma_wait3A_1000 = tpu.memref_slice %arg10[%dma_wait3A_992, %dma_wait3A_999] : memref<4x125xi32, #tpu.memory_space<vmem>> -> memref<1x125xi32, #tpu.memory_space<vmem>>
          %dma_wait3A_1001 = tpu.memref_squeeze %dma_wait3A_1000 : memref<1x125xi32, #tpu.memory_space<vmem>> -> memref<125xi32, #tpu.memory_space<vmem>>
          %dma_wait3A_1002 = arith.constant 0 : i32
          %dma_wait3A_1003 = tpu.memref_slice %arg4[%dma_wait3A_991, %arg1, %add3A_976, %dma_wait3A_1002] : memref<2x16x80x125xi32, #tpu.memory_space<hbm>> -> memref<1x1x1x125xi32, #tpu.memory_space<hbm>>
          %dma_wait3A_1004 = tpu.memref_squeeze %dma_wait3A_1003 : memref<1x1x1x125xi32, #tpu.memory_space<hbm>> -> memref<125xi32, #tpu.memory_space<hbm>>
          tpu.wait_dma2 semaphore(%arg20 : memref<!tpu.dma_semaphore, #tpu.memory_space<semaphore_mem>>) src(%dma_wait3A_1004 : memref<125xi32, #tpu.memory_space<hbm>>) dst(%dma_wait3A_1001 : memref<125xi32, #tpu.memory_space<vmem>>)
        } else {
        }
        %dma_wait3A_773 = arith.constant 0 : i32
        %dma_wait3A_774 = arith.constant 0 : i32
        %dma_wait3A_775 = tpu.memref_slice %arg10[%dma_wait3A_773, %dma_wait3A_774] : memref<4x125xi32, #tpu.memory_space<vmem>> -> memref<1x125xi32, #tpu.memory_space<vmem>>
        %dma_wait3A_776 = tpu.memref_squeeze %dma_wait3A_775 : memref<1x125xi32, #tpu.memory_space<vmem>> -> memref<125xi32, #tpu.memory_space<vmem>>
        %dma_wait3A_777 = arith.constant 0 : i32
        %dma_wait3A_778 = arith.constant 0 : i32
        %dma_wait3A_779 = tpu.memref_slice %arg16[%dma_wait3A_777, %dma_wait3A_778] : memref<10000x128xf32, #tpu.memory_space<vmem_shared>> -> memref<10000x128xf32, #tpu.memory_space<vmem_shared>>
        tpu.wait_indirect_dma semaphore(%arg24 : memref<!tpu.dma_semaphore, #tpu.memory_space<semaphore_mem>>) src(%arg11 : memref<125x128xf32, #tpu.memory_space<vmem>>) dst(%dma_wait3A_779 : memref<10000x128xf32, #tpu.memory_space<vmem_shared>>)
        %add3A_780 = arith.constant 2 : i32
        %add3A_781 = arith.addi %add3A_745, %add3A_780 : i32
        %lt3A_782 = arith.constant 80 : i32
        %lt3A_783 = arith.cmpi slt, %add3A_781, %lt3A_782 : i32
        %convert_element_type3A_784 = arith.extui %lt3A_783 : i1 to i32
        %cond3A_785 = arith.constant 0 : i32
        %cond3A_786 = arith.cmpi ne, %convert_element_type3A_784, %cond3A_785 : i32
        scf.if %cond3A_786 {
          %dma_start3A_975 = arith.constant 2 : i32
          %dma_start3A_976 = arith.constant 0 : i32
          %dma_start3A_977 = tpu.memref_slice %arg9[%dma_start3A_975, %dma_start3A_976] : memref<4x125xi32, #tpu.memory_space<vmem>> -> memref<1x125xi32, #tpu.memory_space<vmem>>
          %dma_start3A_978 = tpu.memref_squeeze %dma_start3A_977 : memref<1x125xi32, #tpu.memory_space<vmem>> -> memref<125xi32, #tpu.memory_space<vmem>>
          %dma_start3A_979 = arith.constant 0 : i32
          %dma_start3A_980 = arith.constant 0 : i32
          %dma_start3A_981 = tpu.memref_slice %arg2[%dma_start3A_979, %dma_start3A_980] : memref<10000x128xf32, #tpu.memory_space<hbm>> -> memref<10000x128xf32, #tpu.memory_space<hbm>>
          tpu.enqueue_indirect_dma source(%dma_start3A_981 : memref<10000x128xf32, #tpu.memory_space<hbm>>) target(%arg11 : memref<125x128xf32, #tpu.memory_space<vmem>>) offsets(%dma_start3A_978 : memref<125xi32, #tpu.memory_space<vmem>>) semaphore(%arg22 : memref<!tpu.dma_semaphore, #tpu.memory_space<semaphore_mem>>)
        } else {
        }
        %dma_wait3A_787 = arith.constant 0 : i32
        %dma_wait3A_788 = arith.constant 0 : i32
        %dma_wait3A_789 = tpu.memref_slice %arg10[%dma_wait3A_787, %dma_wait3A_788] : memref<4x125xi32, #tpu.memory_space<vmem>> -> memref<1x125xi32, #tpu.memory_space<vmem>>
        %dma_wait3A_790 = tpu.memref_squeeze %dma_wait3A_789 : memref<1x125xi32, #tpu.memory_space<vmem>> -> memref<125xi32, #tpu.memory_space<vmem>>
        %dma_wait3A_791 = arith.constant 0 : i32
        %dma_wait3A_792 = tpu.memref_slice %arg17[%dma_wait3A_791] : memref<10000xf32, #tpu.memory_space<vmem_shared>> -> memref<10000xf32, #tpu.memory_space<vmem_shared>>
        tpu.wait_indirect_dma semaphore(%arg26 : memref<!tpu.dma_semaphore, #tpu.memory_space<semaphore_mem>>) src(%arg13 : memref<125xf32, #tpu.memory_space<vmem>>) dst(%dma_wait3A_792 : memref<10000xf32, #tpu.memory_space<vmem_shared>>)
        %add3A_793 = arith.constant 4 : i32
        %add3A_794 = arith.addi %add3A_745, %add3A_793 : i32
        %lt3A_795 = arith.constant 80 : i32
        %lt3A_796 = arith.cmpi slt, %add3A_794, %lt3A_795 : i32
        %convert_element_type3A_797 = arith.extui %lt3A_796 : i1 to i32
        %cond3A_798 = arith.constant 0 : i32
        %cond3A_799 = arith.cmpi ne, %convert_element_type3A_797, %cond3A_798 : i32
        scf.if %cond3A_799 {
          %add3A_975 = arith.constant 4 : i32
          %add3A_976 = arith.addi %add3A_745, %add3A_975 : i32
          %dma_start3A_977 = arith.constant 0 : i32
          %dma_start3A_978 = arith.constant 0 : i32
          %dma_start3A_979 = arith.constant 0 : i32
          %dma_start3A_980 = tpu.memref_slice %arg9[%dma_start3A_978, %dma_start3A_979] : memref<4x125xi32, #tpu.memory_space<vmem>> -> memref<1x125xi32, #tpu.memory_space<vmem>>
          %dma_start3A_981 = tpu.memref_squeeze %dma_start3A_980 : memref<1x125xi32, #tpu.memory_space<vmem>> -> memref<125xi32, #tpu.memory_space<vmem>>
          %dma_start3A_982 = arith.constant 0 : i32
          %dma_start3A_983 = tpu.memref_slice %arg4[%dma_start3A_977, %arg1, %add3A_976, %dma_start3A_982] : memref<2x16x80x125xi32, #tpu.memory_space<hbm>> -> memref<1x1x1x125xi32, #tpu.memory_space<hbm>>
          %dma_start3A_984 = tpu.memref_squeeze %dma_start3A_983 : memref<1x1x1x125xi32, #tpu.memory_space<hbm>> -> memref<125xi32, #tpu.memory_space<hbm>>
          %dma_start3A_985 = arith.constant 0 : i32
          %dma_start3A_986 = tpu.memref_slice %arg9[%dma_start3A_978, %dma_start3A_985] : memref<4x125xi32, #tpu.memory_space<vmem>> -> memref<1x125xi32, #tpu.memory_space<vmem>>
          %dma_start3A_987 = tpu.memref_squeeze %dma_start3A_986 : memref<1x125xi32, #tpu.memory_space<vmem>> -> memref<125xi32, #tpu.memory_space<vmem>>
          %dma_start3A_988 = arith.constant 0 : i32
          %dma_start3A_989 = tpu.memref_slice %arg4[%dma_start3A_977, %arg1, %add3A_976, %dma_start3A_988] : memref<2x16x80x125xi32, #tpu.memory_space<hbm>> -> memref<1x1x1x125xi32, #tpu.memory_space<hbm>>
          %dma_start3A_990 = tpu.memref_squeeze %dma_start3A_989 : memref<1x1x1x125xi32, #tpu.memory_space<hbm>> -> memref<125xi32, #tpu.memory_space<hbm>>
          tpu.enqueue_dma source(%dma_start3A_990 : memref<125xi32, #tpu.memory_space<hbm>>) target(%dma_start3A_987 : memref<125xi32, #tpu.memory_space<vmem>>) target_semaphore(%arg18 : memref<!tpu.dma_semaphore, #tpu.memory_space<semaphore_mem>>)
          %dma_start3A_991 = arith.constant 1 : i32
          %dma_start3A_992 = arith.constant 0 : i32
          %dma_start3A_993 = arith.constant 0 : i32
          %dma_start3A_994 = tpu.memref_slice %arg10[%dma_start3A_992, %dma_start3A_993] : memref<4x125xi32, #tpu.memory_space<vmem>> -> memref<1x125xi32, #tpu.memory_space<vmem>>
          %dma_start3A_995 = tpu.memref_squeeze %dma_start3A_994 : memref<1x125xi32, #tpu.memory_space<vmem>> -> memref<125xi32, #tpu.memory_space<vmem>>
          %dma_start3A_996 = arith.constant 0 : i32
          %dma_start3A_997 = tpu.memref_slice %arg4[%dma_start3A_991, %arg1, %add3A_976, %dma_start3A_996] : memref<2x16x80x125xi32, #tpu.memory_space<hbm>> -> memref<1x1x1x125xi32, #tpu.memory_space<hbm>>
          %dma_start3A_998 = tpu.memref_squeeze %dma_start3A_997 : memref<1x1x1x125xi32, #tpu.memory_space<hbm>> -> memref<125xi32, #tpu.memory_space<hbm>>
          %dma_start3A_999 = arith.constant 0 : i32
          %dma_start3A_1000 = tpu.memref_slice %arg10[%dma_start3A_992, %dma_start3A_999] : memref<4x125xi32, #tpu.memory_space<vmem>> -> memref<1x125xi32, #tpu.memory_space<vmem>>
          %dma_start3A_1001 = tpu.memref_squeeze %dma_start3A_1000 : memref<1x125xi32, #tpu.memory_space<vmem>> -> memref<125xi32, #tpu.memory_space<vmem>>
          %dma_start3A_1002 = arith.constant 0 : i32
          %dma_start3A_1003 = tpu.memref_slice %arg4[%dma_start3A_991, %arg1, %add3A_976, %dma_start3A_1002] : memref<2x16x80x125xi32, #tpu.memory_space<hbm>> -> memref<1x1x1x125xi32, #tpu.memory_space<hbm>>
          %dma_start3A_1004 = tpu.memref_squeeze %dma_start3A_1003 : memref<1x1x1x125xi32, #tpu.memory_space<hbm>> -> memref<125xi32, #tpu.memory_space<hbm>>
          tpu.enqueue_dma source(%dma_start3A_1004 : memref<125xi32, #tpu.memory_space<hbm>>) target(%dma_start3A_1001 : memref<125xi32, #tpu.memory_space<vmem>>) target_semaphore(%arg18 : memref<!tpu.dma_semaphore, #tpu.memory_space<semaphore_mem>>)
        } else {
        }
        %mul3A_800 = arith.constant 4 : i32
        %mul3A_801 = arith.muli %scan3A_740, %mul3A_800 : i32
        %add3A_802 = arith.constant 1 : i32
        %add3A_803 = arith.addi %mul3A_801, %add3A_802 : i32
        %dma_wait3A_804 = arith.constant 1 : i32
        %dma_wait3A_805 = arith.constant 0 : i32
        %dma_wait3A_806 = tpu.memref_slice %arg9[%dma_wait3A_804, %dma_wait3A_805] : memref<4x125xi32, #tpu.memory_space<vmem>> -> memref<1x125xi32, #tpu.memory_space<vmem>>
        %dma_wait3A_807 = tpu.memref_squeeze %dma_wait3A_806 : memref<1x125xi32, #tpu.memory_space<vmem>> -> memref<125xi32, #tpu.memory_space<vmem>>
        %dma_wait3A_808 = arith.constant 0 : i32
        %dma_wait3A_809 = arith.constant 0 : i32
        %dma_wait3A_810 = tpu.memref_slice %arg2[%dma_wait3A_808, %dma_wait3A_809] : memref<10000x128xf32, #tpu.memory_space<hbm>> -> memref<10000x128xf32, #tpu.memory_space<hbm>>
        tpu.wait_indirect_dma semaphore(%arg23 : memref<!tpu.dma_semaphore, #tpu.memory_space<semaphore_mem>>) src(%dma_wait3A_810 : memref<10000x128xf32, #tpu.memory_space<hbm>>) dst(%arg12 : memref<125x128xf32, #tpu.memory_space<vmem>>)
        %dma_start3A_811 = arith.constant 1 : i32
        %dma_start3A_812 = arith.constant 0 : i32
        %dma_start3A_813 = tpu.memref_slice %arg10[%dma_start3A_811, %dma_start3A_812] : memref<4x125xi32, #tpu.memory_space<vmem>> -> memref<1x125xi32, #tpu.memory_space<vmem>>
        %dma_start3A_814 = tpu.memref_squeeze %dma_start3A_813 : memref<1x125xi32, #tpu.memory_space<vmem>> -> memref<125xi32, #tpu.memory_space<vmem>>
        %dma_start3A_815 = arith.constant 0 : i32
        %dma_start3A_816 = arith.constant 0 : i32
        %dma_start3A_817 = tpu.memref_slice %arg16[%dma_start3A_815, %dma_start3A_816] : memref<10000x128xf32, #tpu.memory_space<vmem_shared>> -> memref<10000x128xf32, #tpu.memory_space<vmem_shared>>
        tpu.enqueue_indirect_dma source(%arg12 : memref<125x128xf32, #tpu.memory_space<vmem>>) target(%dma_start3A_817 : memref<10000x128xf32, #tpu.memory_space<vmem_shared>>) offsets(%dma_start3A_814 : memref<125xi32, #tpu.memory_space<vmem>>) semaphore(%arg25 : memref<!tpu.dma_semaphore, #tpu.memory_space<semaphore_mem>>) {add = true}
        %dma_start3A_818 = arith.constant 1 : i32
        %dma_start3A_819 = arith.constant 0 : i32
        %dma_start3A_820 = tpu.memref_slice %arg10[%dma_start3A_818, %dma_start3A_819] : memref<4x125xi32, #tpu.memory_space<vmem>> -> memref<1x125xi32, #tpu.memory_space<vmem>>
        %dma_start3A_821 = tpu.memref_squeeze %dma_start3A_820 : memref<1x125xi32, #tpu.memory_space<vmem>> -> memref<125xi32, #tpu.memory_space<vmem>>
        %dma_start3A_822 = arith.constant 0 : i32
        %dma_start3A_823 = tpu.memref_slice %arg17[%dma_start3A_822] : memref<10000xf32, #tpu.memory_space<vmem_shared>> -> memref<10000xf32, #tpu.memory_space<vmem_shared>>
        tpu.enqueue_indirect_dma source(%arg13 : memref<125xf32, #tpu.memory_space<vmem>>) target(%dma_start3A_823 : memref<10000xf32, #tpu.memory_space<vmem_shared>>) offsets(%dma_start3A_821 : memref<125xi32, #tpu.memory_space<vmem>>) semaphore(%arg27 : memref<!tpu.dma_semaphore, #tpu.memory_space<semaphore_mem>>) {add = true}
        %add3A_824 = arith.constant 2 : i32
        %add3A_825 = arith.addi %add3A_803, %add3A_824 : i32
        %lt3A_826 = arith.constant 80 : i32
        %lt3A_827 = arith.cmpi slt, %add3A_825, %lt3A_826 : i32
        %convert_element_type3A_828 = arith.extui %lt3A_827 : i1 to i32
        %cond3A_829 = arith.constant 0 : i32
        %cond3A_830 = arith.cmpi ne, %convert_element_type3A_828, %cond3A_829 : i32
        scf.if %cond3A_830 {
          %add3A_975 = arith.constant 2 : i32
          %add3A_976 = arith.addi %add3A_803, %add3A_975 : i32
          %dma_wait3A_977 = arith.constant 0 : i32
          %dma_wait3A_978 = arith.constant 3 : i32
          %dma_wait3A_979 = arith.constant 0 : i32
          %dma_wait3A_980 = tpu.memref_slice %arg9[%dma_wait3A_978, %dma_wait3A_979] : memref<4x125xi32, #tpu.memory_space<vmem>> -> memref<1x125xi32, #tpu.memory_space<vmem>>
          %dma_wait3A_981 = tpu.memref_squeeze %dma_wait3A_980 : memref<1x125xi32, #tpu.memory_space<vmem>> -> memref<125xi32, #tpu.memory_space<vmem>>
          %dma_wait3A_982 = arith.constant 0 : i32
          %dma_wait3A_983 = tpu.memref_slice %arg4[%dma_wait3A_977, %arg1, %add3A_976, %dma_wait3A_982] : memref<2x16x80x125xi32, #tpu.memory_space<hbm>> -> memref<1x1x1x125xi32, #tpu.memory_space<hbm>>
          %dma_wait3A_984 = tpu.memref_squeeze %dma_wait3A_983 : memref<1x1x1x125xi32, #tpu.memory_space<hbm>> -> memref<125xi32, #tpu.memory_space<hbm>>
          %dma_wait3A_985 = arith.constant 0 : i32
          %dma_wait3A_986 = tpu.memref_slice %arg9[%dma_wait3A_978, %dma_wait3A_985] : memref<4x125xi32, #tpu.memory_space<vmem>> -> memref<1x125xi32, #tpu.memory_space<vmem>>
          %dma_wait3A_987 = tpu.memref_squeeze %dma_wait3A_986 : memref<1x125xi32, #tpu.memory_space<vmem>> -> memref<125xi32, #tpu.memory_space<vmem>>
          %dma_wait3A_988 = arith.constant 0 : i32
          %dma_wait3A_989 = tpu.memref_slice %arg4[%dma_wait3A_977, %arg1, %add3A_976, %dma_wait3A_988] : memref<2x16x80x125xi32, #tpu.memory_space<hbm>> -> memref<1x1x1x125xi32, #tpu.memory_space<hbm>>
          %dma_wait3A_990 = tpu.memref_squeeze %dma_wait3A_989 : memref<1x1x1x125xi32, #tpu.memory_space<hbm>> -> memref<125xi32, #tpu.memory_space<hbm>>
          tpu.wait_dma2 semaphore(%arg21 : memref<!tpu.dma_semaphore, #tpu.memory_space<semaphore_mem>>) src(%dma_wait3A_990 : memref<125xi32, #tpu.memory_space<hbm>>) dst(%dma_wait3A_987 : memref<125xi32, #tpu.memory_space<vmem>>)
          %dma_wait3A_991 = arith.constant 1 : i32
          %dma_wait3A_992 = arith.constant 3 : i32
          %dma_wait3A_993 = arith.constant 0 : i32
          %dma_wait3A_994 = tpu.memref_slice %arg10[%dma_wait3A_992, %dma_wait3A_993] : memref<4x125xi32, #tpu.memory_space<vmem>> -> memref<1x125xi32, #tpu.memory_space<vmem>>
          %dma_wait3A_995 = tpu.memref_squeeze %dma_wait3A_994 : memref<1x125xi32, #tpu.memory_space<vmem>> -> memref<125xi32, #tpu.memory_space<vmem>>
          %dma_wait3A_996 = arith.constant 0 : i32
          %dma_wait3A_997 = tpu.memref_slice %arg4[%dma_wait3A_991, %arg1, %add3A_976, %dma_wait3A_996] : memref<2x16x80x125xi32, #tpu.memory_space<hbm>> -> memref<1x1x1x125xi32, #tpu.memory_space<hbm>>
          %dma_wait3A_998 = tpu.memref_squeeze %dma_wait3A_997 : memref<1x1x1x125xi32, #tpu.memory_space<hbm>> -> memref<125xi32, #tpu.memory_space<hbm>>
          %dma_wait3A_999 = arith.constant 0 : i32
          %dma_wait3A_1000 = tpu.memref_slice %arg10[%dma_wait3A_992, %dma_wait3A_999] : memref<4x125xi32, #tpu.memory_space<vmem>> -> memref<1x125xi32, #tpu.memory_space<vmem>>
          %dma_wait3A_1001 = tpu.memref_squeeze %dma_wait3A_1000 : memref<1x125xi32, #tpu.memory_space<vmem>> -> memref<125xi32, #tpu.memory_space<vmem>>
          %dma_wait3A_1002 = arith.constant 0 : i32
          %dma_wait3A_1003 = tpu.memref_slice %arg4[%dma_wait3A_991, %arg1, %add3A_976, %dma_wait3A_1002] : memref<2x16x80x125xi32, #tpu.memory_space<hbm>> -> memref<1x1x1x125xi32, #tpu.memory_space<hbm>>
          %dma_wait3A_1004 = tpu.memref_squeeze %dma_wait3A_1003 : memref<1x1x1x125xi32, #tpu.memory_space<hbm>> -> memref<125xi32, #tpu.memory_space<hbm>>
          tpu.wait_dma2 semaphore(%arg21 : memref<!tpu.dma_semaphore, #tpu.memory_space<semaphore_mem>>) src(%dma_wait3A_1004 : memref<125xi32, #tpu.memory_space<hbm>>) dst(%dma_wait3A_1001 : memref<125xi32, #tpu.memory_space<vmem>>)
        } else {
        }
        %dma_wait3A_831 = arith.constant 1 : i32
        %dma_wait3A_832 = arith.constant 0 : i32
        %dma_wait3A_833 = tpu.memref_slice %arg10[%dma_wait3A_831, %dma_wait3A_832] : memref<4x125xi32, #tpu.memory_space<vmem>> -> memref<1x125xi32, #tpu.memory_space<vmem>>
        %dma_wait3A_834 = tpu.memref_squeeze %dma_wait3A_833 : memref<1x125xi32, #tpu.memory_space<vmem>> -> memref<125xi32, #tpu.memory_space<vmem>>
        %dma_wait3A_835 = arith.constant 0 : i32
        %dma_wait3A_836 = arith.constant 0 : i32
        %dma_wait3A_837 = tpu.memref_slice %arg16[%dma_wait3A_835, %dma_wait3A_836] : memref<10000x128xf32, #tpu.memory_space<vmem_shared>> -> memref<10000x128xf32, #tpu.memory_space<vmem_shared>>
        tpu.wait_indirect_dma semaphore(%arg25 : memref<!tpu.dma_semaphore, #tpu.memory_space<semaphore_mem>>) src(%arg12 : memref<125x128xf32, #tpu.memory_space<vmem>>) dst(%dma_wait3A_837 : memref<10000x128xf32, #tpu.memory_space<vmem_shared>>)
        %add3A_838 = arith.constant 2 : i32
        %add3A_839 = arith.addi %add3A_803, %add3A_838 : i32
        %lt3A_840 = arith.constant 80 : i32
        %lt3A_841 = arith.cmpi slt, %add3A_839, %lt3A_840 : i32
        %convert_element_type3A_842 = arith.extui %lt3A_841 : i1 to i32
        %cond3A_843 = arith.constant 0 : i32
        %cond3A_844 = arith.cmpi ne, %convert_element_type3A_842, %cond3A_843 : i32
        scf.if %cond3A_844 {
          %dma_start3A_975 = arith.constant 3 : i32
          %dma_start3A_976 = arith.constant 0 : i32
          %dma_start3A_977 = tpu.memref_slice %arg9[%dma_start3A_975, %dma_start3A_976] : memref<4x125xi32, #tpu.memory_space<vmem>> -> memref<1x125xi32, #tpu.memory_space<vmem>>
          %dma_start3A_978 = tpu.memref_squeeze %dma_start3A_977 : memref<1x125xi32, #tpu.memory_space<vmem>> -> memref<125xi32, #tpu.memory_space<vmem>>
          %dma_start3A_979 = arith.constant 0 : i32
          %dma_start3A_980 = arith.constant 0 : i32
          %dma_start3A_981 = tpu.memref_slice %arg2[%dma_start3A_979, %dma_start3A_980] : memref<10000x128xf32, #tpu.memory_space<hbm>> -> memref<10000x128xf32, #tpu.memory_space<hbm>>
          tpu.enqueue_indirect_dma source(%dma_start3A_981 : memref<10000x128xf32, #tpu.memory_space<hbm>>) target(%arg12 : memref<125x128xf32, #tpu.memory_space<vmem>>) offsets(%dma_start3A_978 : memref<125xi32, #tpu.memory_space<vmem>>) semaphore(%arg23 : memref<!tpu.dma_semaphore, #tpu.memory_space<semaphore_mem>>)
        } else {
        }
        %dma_wait3A_845 = arith.constant 1 : i32
        %dma_wait3A_846 = arith.constant 0 : i32
        %dma_wait3A_847 = tpu.memref_slice %arg10[%dma_wait3A_845, %dma_wait3A_846] : memref<4x125xi32, #tpu.memory_space<vmem>> -> memref<1x125xi32, #tpu.memory_space<vmem>>
        %dma_wait3A_848 = tpu.memref_squeeze %dma_wait3A_847 : memref<1x125xi32, #tpu.memory_space<vmem>> -> memref<125xi32, #tpu.memory_space<vmem>>
        %dma_wait3A_849 = arith.constant 0 : i32
        %dma_wait3A_850 = tpu.memref_slice %arg17[%dma_wait3A_849] : memref<10000xf32, #tpu.memory_space<vmem_shared>> -> memref<10000xf32, #tpu.memory_space<vmem_shared>>
        tpu.wait_indirect_dma semaphore(%arg27 : memref<!tpu.dma_semaphore, #tpu.memory_space<semaphore_mem>>) src(%arg13 : memref<125xf32, #tpu.memory_space<vmem>>) dst(%dma_wait3A_850 : memref<10000xf32, #tpu.memory_space<vmem_shared>>)
        %add3A_851 = arith.constant 4 : i32
        %add3A_852 = arith.addi %add3A_803, %add3A_851 : i32
        %lt3A_853 = arith.constant 80 : i32
        %lt3A_854 = arith.cmpi slt, %add3A_852, %lt3A_853 : i32
        %convert_element_type3A_855 = arith.extui %lt3A_854 : i1 to i32
        %cond3A_856 = arith.constant 0 : i32
        %cond3A_857 = arith.cmpi ne, %convert_element_type3A_855, %cond3A_856 : i32
        scf.if %cond3A_857 {
          %add3A_975 = arith.constant 4 : i32
          %add3A_976 = arith.addi %add3A_803, %add3A_975 : i32
          %dma_start3A_977 = arith.constant 0 : i32
          %dma_start3A_978 = arith.constant 1 : i32
          %dma_start3A_979 = arith.constant 0 : i32
          %dma_start3A_980 = tpu.memref_slice %arg9[%dma_start3A_978, %dma_start3A_979] : memref<4x125xi32, #tpu.memory_space<vmem>> -> memref<1x125xi32, #tpu.memory_space<vmem>>
          %dma_start3A_981 = tpu.memref_squeeze %dma_start3A_980 : memref<1x125xi32, #tpu.memory_space<vmem>> -> memref<125xi32, #tpu.memory_space<vmem>>
          %dma_start3A_982 = arith.constant 0 : i32
          %dma_start3A_983 = tpu.memref_slice %arg4[%dma_start3A_977, %arg1, %add3A_976, %dma_start3A_982] : memref<2x16x80x125xi32, #tpu.memory_space<hbm>> -> memref<1x1x1x125xi32, #tpu.memory_space<hbm>>
          %dma_start3A_984 = tpu.memref_squeeze %dma_start3A_983 : memref<1x1x1x125xi32, #tpu.memory_space<hbm>> -> memref<125xi32, #tpu.memory_space<hbm>>
          %dma_start3A_985 = arith.constant 0 : i32
          %dma_start3A_986 = tpu.memref_slice %arg9[%dma_start3A_978, %dma_start3A_985] : memref<4x125xi32, #tpu.memory_space<vmem>> -> memref<1x125xi32, #tpu.memory_space<vmem>>
          %dma_start3A_987 = tpu.memref_squeeze %dma_start3A_986 : memref<1x125xi32, #tpu.memory_space<vmem>> -> memref<125xi32, #tpu.memory_space<vmem>>
          %dma_start3A_988 = arith.constant 0 : i32
          %dma_start3A_989 = tpu.memref_slice %arg4[%dma_start3A_977, %arg1, %add3A_976, %dma_start3A_988] : memref<2x16x80x125xi32, #tpu.memory_space<hbm>> -> memref<1x1x1x125xi32, #tpu.memory_space<hbm>>
          %dma_start3A_990 = tpu.memref_squeeze %dma_start3A_989 : memref<1x1x1x125xi32, #tpu.memory_space<hbm>> -> memref<125xi32, #tpu.memory_space<hbm>>
          tpu.enqueue_dma source(%dma_start3A_990 : memref<125xi32, #tpu.memory_space<hbm>>) target(%dma_start3A_987 : memref<125xi32, #tpu.memory_space<vmem>>) target_semaphore(%arg19 : memref<!tpu.dma_semaphore, #tpu.memory_space<semaphore_mem>>)
          %dma_start3A_991 = arith.constant 1 : i32
          %dma_start3A_992 = arith.constant 1 : i32
          %dma_start3A_993 = arith.constant 0 : i32
          %dma_start3A_994 = tpu.memref_slice %arg10[%dma_start3A_992, %dma_start3A_993] : memref<4x125xi32, #tpu.memory_space<vmem>> -> memref<1x125xi32, #tpu.memory_space<vmem>>
          %dma_start3A_995 = tpu.memref_squeeze %dma_start3A_994 : memref<1x125xi32, #tpu.memory_space<vmem>> -> memref<125xi32, #tpu.memory_space<vmem>>
          %dma_start3A_996 = arith.constant 0 : i32
          %dma_start3A_997 = tpu.memref_slice %arg4[%dma_start3A_991, %arg1, %add3A_976, %dma_start3A_996] : memref<2x16x80x125xi32, #tpu.memory_space<hbm>> -> memref<1x1x1x125xi32, #tpu.memory_space<hbm>>
          %dma_start3A_998 = tpu.memref_squeeze %dma_start3A_997 : memref<1x1x1x125xi32, #tpu.memory_space<hbm>> -> memref<125xi32, #tpu.memory_space<hbm>>
          %dma_start3A_999 = arith.constant 0 : i32
          %dma_start3A_1000 = tpu.memref_slice %arg10[%dma_start3A_992, %dma_start3A_999] : memref<4x125xi32, #tpu.memory_space<vmem>> -> memref<1x125xi32, #tpu.memory_space<vmem>>
          %dma_start3A_1001 = tpu.memref_squeeze %dma_start3A_1000 : memref<1x125xi32, #tpu.memory_space<vmem>> -> memref<125xi32, #tpu.memory_space<vmem>>
          %dma_start3A_1002 = arith.constant 0 : i32
          %dma_start3A_1003 = tpu.memref_slice %arg4[%dma_start3A_991, %arg1, %add3A_976, %dma_start3A_1002] : memref<2x16x80x125xi32, #tpu.memory_space<hbm>> -> memref<1x1x1x125xi32, #tpu.memory_space<hbm>>
          %dma_start3A_1004 = tpu.memref_squeeze %dma_start3A_1003 : memref<1x1x1x125xi32, #tpu.memory_space<hbm>> -> memref<125xi32, #tpu.memory_space<hbm>>
          tpu.enqueue_dma source(%dma_start3A_1004 : memref<125xi32, #tpu.memory_space<hbm>>) target(%dma_start3A_1001 : memref<125xi32, #tpu.memory_space<vmem>>) target_semaphore(%arg19 : memref<!tpu.dma_semaphore, #tpu.memory_space<semaphore_mem>>)
        } else {
        }
        %mul3A_858 = arith.constant 4 : i32
        %mul3A_859 = arith.muli %scan3A_740, %mul3A_858 : i32
        %add3A_860 = arith.constant 2 : i32
        %add3A_861 = arith.addi %mul3A_859, %add3A_860 : i32
        %dma_wait3A_862 = arith.constant 2 : i32
        %dma_wait3A_863 = arith.constant 0 : i32
        %dma_wait3A_864 = tpu.memref_slice %arg9[%dma_wait3A_862, %dma_wait3A_863] : memref<4x125xi32, #tpu.memory_space<vmem>> -> memref<1x125xi32, #tpu.memory_space<vmem>>
        %dma_wait3A_865 = tpu.memref_squeeze %dma_wait3A_864 : memref<1x125xi32, #tpu.memory_space<vmem>> -> memref<125xi32, #tpu.memory_space<vmem>>
        %dma_wait3A_866 = arith.constant 0 : i32
        %dma_wait3A_867 = arith.constant 0 : i32
        %dma_wait3A_868 = tpu.memref_slice %arg2[%dma_wait3A_866, %dma_wait3A_867] : memref<10000x128xf32, #tpu.memory_space<hbm>> -> memref<10000x128xf32, #tpu.memory_space<hbm>>
        tpu.wait_indirect_dma semaphore(%arg22 : memref<!tpu.dma_semaphore, #tpu.memory_space<semaphore_mem>>) src(%dma_wait3A_868 : memref<10000x128xf32, #tpu.memory_space<hbm>>) dst(%arg11 : memref<125x128xf32, #tpu.memory_space<vmem>>)
        %dma_start3A_869 = arith.constant 2 : i32
        %dma_start3A_870 = arith.constant 0 : i32
        %dma_start3A_871 = tpu.memref_slice %arg10[%dma_start3A_869, %dma_start3A_870] : memref<4x125xi32, #tpu.memory_space<vmem>> -> memref<1x125xi32, #tpu.memory_space<vmem>>
        %dma_start3A_872 = tpu.memref_squeeze %dma_start3A_871 : memref<1x125xi32, #tpu.memory_space<vmem>> -> memref<125xi32, #tpu.memory_space<vmem>>
        %dma_start3A_873 = arith.constant 0 : i32
        %dma_start3A_874 = arith.constant 0 : i32
        %dma_start3A_875 = tpu.memref_slice %arg16[%dma_start3A_873, %dma_start3A_874] : memref<10000x128xf32, #tpu.memory_space<vmem_shared>> -> memref<10000x128xf32, #tpu.memory_space<vmem_shared>>
        tpu.enqueue_indirect_dma source(%arg11 : memref<125x128xf32, #tpu.memory_space<vmem>>) target(%dma_start3A_875 : memref<10000x128xf32, #tpu.memory_space<vmem_shared>>) offsets(%dma_start3A_872 : memref<125xi32, #tpu.memory_space<vmem>>) semaphore(%arg24 : memref<!tpu.dma_semaphore, #tpu.memory_space<semaphore_mem>>) {add = true}
        %dma_start3A_876 = arith.constant 2 : i32
        %dma_start3A_877 = arith.constant 0 : i32
        %dma_start3A_878 = tpu.memref_slice %arg10[%dma_start3A_876, %dma_start3A_877] : memref<4x125xi32, #tpu.memory_space<vmem>> -> memref<1x125xi32, #tpu.memory_space<vmem>>
        %dma_start3A_879 = tpu.memref_squeeze %dma_start3A_878 : memref<1x125xi32, #tpu.memory_space<vmem>> -> memref<125xi32, #tpu.memory_space<vmem>>
        %dma_start3A_880 = arith.constant 0 : i32
        %dma_start3A_881 = tpu.memref_slice %arg17[%dma_start3A_880] : memref<10000xf32, #tpu.memory_space<vmem_shared>> -> memref<10000xf32, #tpu.memory_space<vmem_shared>>
        tpu.enqueue_indirect_dma source(%arg13 : memref<125xf32, #tpu.memory_space<vmem>>) target(%dma_start3A_881 : memref<10000xf32, #tpu.memory_space<vmem_shared>>) offsets(%dma_start3A_879 : memref<125xi32, #tpu.memory_space<vmem>>) semaphore(%arg26 : memref<!tpu.dma_semaphore, #tpu.memory_space<semaphore_mem>>) {add = true}
        %add3A_882 = arith.constant 2 : i32
        %add3A_883 = arith.addi %add3A_861, %add3A_882 : i32
        %lt3A_884 = arith.constant 80 : i32
        %lt3A_885 = arith.cmpi slt, %add3A_883, %lt3A_884 : i32
        %convert_element_type3A_886 = arith.extui %lt3A_885 : i1 to i32
        %cond3A_887 = arith.constant 0 : i32
        %cond3A_888 = arith.cmpi ne, %convert_element_type3A_886, %cond3A_887 : i32
        scf.if %cond3A_888 {
          %add3A_975 = arith.constant 2 : i32
          %add3A_976 = arith.addi %add3A_861, %add3A_975 : i32
          %dma_wait3A_977 = arith.constant 0 : i32
          %dma_wait3A_978 = arith.constant 0 : i32
          %dma_wait3A_979 = arith.constant 0 : i32
          %dma_wait3A_980 = tpu.memref_slice %arg9[%dma_wait3A_978, %dma_wait3A_979] : memref<4x125xi32, #tpu.memory_space<vmem>> -> memref<1x125xi32, #tpu.memory_space<vmem>>
          %dma_wait3A_981 = tpu.memref_squeeze %dma_wait3A_980 : memref<1x125xi32, #tpu.memory_space<vmem>> -> memref<125xi32, #tpu.memory_space<vmem>>
          %dma_wait3A_982 = arith.constant 0 : i32
          %dma_wait3A_983 = tpu.memref_slice %arg4[%dma_wait3A_977, %arg1, %add3A_976, %dma_wait3A_982] : memref<2x16x80x125xi32, #tpu.memory_space<hbm>> -> memref<1x1x1x125xi32, #tpu.memory_space<hbm>>
          %dma_wait3A_984 = tpu.memref_squeeze %dma_wait3A_983 : memref<1x1x1x125xi32, #tpu.memory_space<hbm>> -> memref<125xi32, #tpu.memory_space<hbm>>
          %dma_wait3A_985 = arith.constant 0 : i32
          %dma_wait3A_986 = tpu.memref_slice %arg9[%dma_wait3A_978, %dma_wait3A_985] : memref<4x125xi32, #tpu.memory_space<vmem>> -> memref<1x125xi32, #tpu.memory_space<vmem>>
          %dma_wait3A_987 = tpu.memref_squeeze %dma_wait3A_986 : memref<1x125xi32, #tpu.memory_space<vmem>> -> memref<125xi32, #tpu.memory_space<vmem>>
          %dma_wait3A_988 = arith.constant 0 : i32
          %dma_wait3A_989 = tpu.memref_slice %arg4[%dma_wait3A_977, %arg1, %add3A_976, %dma_wait3A_988] : memref<2x16x80x125xi32, #tpu.memory_space<hbm>> -> memref<1x1x1x125xi32, #tpu.memory_space<hbm>>
          %dma_wait3A_990 = tpu.memref_squeeze %dma_wait3A_989 : memref<1x1x1x125xi32, #tpu.memory_space<hbm>> -> memref<125xi32, #tpu.memory_space<hbm>>
          tpu.wait_dma2 semaphore(%arg18 : memref<!tpu.dma_semaphore, #tpu.memory_space<semaphore_mem>>) src(%dma_wait3A_990 : memref<125xi32, #tpu.memory_space<hbm>>) dst(%dma_wait3A_987 : memref<125xi32, #tpu.memory_space<vmem>>)
          %dma_wait3A_991 = arith.constant 1 : i32
          %dma_wait3A_992 = arith.constant 0 : i32
          %dma_wait3A_993 = arith.constant 0 : i32
          %dma_wait3A_994 = tpu.memref_slice %arg10[%dma_wait3A_992, %dma_wait3A_993] : memref<4x125xi32, #tpu.memory_space<vmem>> -> memref<1x125xi32, #tpu.memory_space<vmem>>
          %dma_wait3A_995 = tpu.memref_squeeze %dma_wait3A_994 : memref<1x125xi32, #tpu.memory_space<vmem>> -> memref<125xi32, #tpu.memory_space<vmem>>
          %dma_wait3A_996 = arith.constant 0 : i32
          %dma_wait3A_997 = tpu.memref_slice %arg4[%dma_wait3A_991, %arg1, %add3A_976, %dma_wait3A_996] : memref<2x16x80x125xi32, #tpu.memory_space<hbm>> -> memref<1x1x1x125xi32, #tpu.memory_space<hbm>>
          %dma_wait3A_998 = tpu.memref_squeeze %dma_wait3A_997 : memref<1x1x1x125xi32, #tpu.memory_space<hbm>> -> memref<125xi32, #tpu.memory_space<hbm>>
          %dma_wait3A_999 = arith.constant 0 : i32
          %dma_wait3A_1000 = tpu.memref_slice %arg10[%dma_wait3A_992, %dma_wait3A_999] : memref<4x125xi32, #tpu.memory_space<vmem>> -> memref<1x125xi32, #tpu.memory_space<vmem>>
          %dma_wait3A_1001 = tpu.memref_squeeze %dma_wait3A_1000 : memref<1x125xi32, #tpu.memory_space<vmem>> -> memref<125xi32, #tpu.memory_space<vmem>>
          %dma_wait3A_1002 = arith.constant 0 : i32
          %dma_wait3A_1003 = tpu.memref_slice %arg4[%dma_wait3A_991, %arg1, %add3A_976, %dma_wait3A_1002] : memref<2x16x80x125xi32, #tpu.memory_space<hbm>> -> memref<1x1x1x125xi32, #tpu.memory_space<hbm>>
          %dma_wait3A_1004 = tpu.memref_squeeze %dma_wait3A_1003 : memref<1x1x1x125xi32, #tpu.memory_space<hbm>> -> memref<125xi32, #tpu.memory_space<hbm>>
          tpu.wait_dma2 semaphore(%arg18 : memref<!tpu.dma_semaphore, #tpu.memory_space<semaphore_mem>>) src(%dma_wait3A_1004 : memref<125xi32, #tpu.memory_space<hbm>>) dst(%dma_wait3A_1001 : memref<125xi32, #tpu.memory_space<vmem>>)
        } else {
        }
        %dma_wait3A_889 = arith.constant 2 : i32
        %dma_wait3A_890 = arith.constant 0 : i32
        %dma_wait3A_891 = tpu.memref_slice %arg10[%dma_wait3A_889, %dma_wait3A_890] : memref<4x125xi32, #tpu.memory_space<vmem>> -> memref<1x125xi32, #tpu.memory_space<vmem>>
        %dma_wait3A_892 = tpu.memref_squeeze %dma_wait3A_891 : memref<1x125xi32, #tpu.memory_space<vmem>> -> memref<125xi32, #tpu.memory_space<vmem>>
        %dma_wait3A_893 = arith.constant 0 : i32
        %dma_wait3A_894 = arith.constant 0 : i32
        %dma_wait3A_895 = tpu.memref_slice %arg16[%dma_wait3A_893, %dma_wait3A_894] : memref<10000x128xf32, #tpu.memory_space<vmem_shared>> -> memref<10000x128xf32, #tpu.memory_space<vmem_shared>>
        tpu.wait_indirect_dma semaphore(%arg24 : memref<!tpu.dma_semaphore, #tpu.memory_space<semaphore_mem>>) src(%arg11 : memref<125x128xf32, #tpu.memory_space<vmem>>) dst(%dma_wait3A_895 : memref<10000x128xf32, #tpu.memory_space<vmem_shared>>)
        %add3A_896 = arith.constant 2 : i32
        %add3A_897 = arith.addi %add3A_861, %add3A_896 : i32
        %lt3A_898 = arith.constant 80 : i32
        %lt3A_899 = arith.cmpi slt, %add3A_897, %lt3A_898 : i32
        %convert_element_type3A_900 = arith.extui %lt3A_899 : i1 to i32
        %cond3A_901 = arith.constant 0 : i32
        %cond3A_902 = arith.cmpi ne, %convert_element_type3A_900, %cond3A_901 : i32
        scf.if %cond3A_902 {
          %dma_start3A_975 = arith.constant 0 : i32
          %dma_start3A_976 = arith.constant 0 : i32
          %dma_start3A_977 = tpu.memref_slice %arg9[%dma_start3A_975, %dma_start3A_976] : memref<4x125xi32, #tpu.memory_space<vmem>> -> memref<1x125xi32, #tpu.memory_space<vmem>>
          %dma_start3A_978 = tpu.memref_squeeze %dma_start3A_977 : memref<1x125xi32, #tpu.memory_space<vmem>> -> memref<125xi32, #tpu.memory_space<vmem>>
          %dma_start3A_979 = arith.constant 0 : i32
          %dma_start3A_980 = arith.constant 0 : i32
          %dma_start3A_981 = tpu.memref_slice %arg2[%dma_start3A_979, %dma_start3A_980] : memref<10000x128xf32, #tpu.memory_space<hbm>> -> memref<10000x128xf32, #tpu.memory_space<hbm>>
          tpu.enqueue_indirect_dma source(%dma_start3A_981 : memref<10000x128xf32, #tpu.memory_space<hbm>>) target(%arg11 : memref<125x128xf32, #tpu.memory_space<vmem>>) offsets(%dma_start3A_978 : memref<125xi32, #tpu.memory_space<vmem>>) semaphore(%arg22 : memref<!tpu.dma_semaphore, #tpu.memory_space<semaphore_mem>>)
        } else {
        }
        %dma_wait3A_903 = arith.constant 2 : i32
        %dma_wait3A_904 = arith.constant 0 : i32
        %dma_wait3A_905 = tpu.memref_slice %arg10[%dma_wait3A_903, %dma_wait3A_904] : memref<4x125xi32, #tpu.memory_space<vmem>> -> memref<1x125xi32, #tpu.memory_space<vmem>>
        %dma_wait3A_906 = tpu.memref_squeeze %dma_wait3A_905 : memref<1x125xi32, #tpu.memory_space<vmem>> -> memref<125xi32, #tpu.memory_space<vmem>>
        %dma_wait3A_907 = arith.constant 0 : i32
        %dma_wait3A_908 = tpu.memref_slice %arg17[%dma_wait3A_907] : memref<10000xf32, #tpu.memory_space<vmem_shared>> -> memref<10000xf32, #tpu.memory_space<vmem_shared>>
        tpu.wait_indirect_dma semaphore(%arg26 : memref<!tpu.dma_semaphore, #tpu.memory_space<semaphore_mem>>) src(%arg13 : memref<125xf32, #tpu.memory_space<vmem>>) dst(%dma_wait3A_908 : memref<10000xf32, #tpu.memory_space<vmem_shared>>)
        %add3A_909 = arith.constant 4 : i32
        %add3A_910 = arith.addi %add3A_861, %add3A_909 : i32
        %lt3A_911 = arith.constant 80 : i32
        %lt3A_912 = arith.cmpi slt, %add3A_910, %lt3A_911 : i32
        %convert_element_type3A_913 = arith.extui %lt3A_912 : i1 to i32
        %cond3A_914 = arith.constant 0 : i32
        %cond3A_915 = arith.cmpi ne, %convert_element_type3A_913, %cond3A_914 : i32
        scf.if %cond3A_915 {
          %add3A_975 = arith.constant 4 : i32
          %add3A_976 = arith.addi %add3A_861, %add3A_975 : i32
          %dma_start3A_977 = arith.constant 0 : i32
          %dma_start3A_978 = arith.constant 2 : i32
          %dma_start3A_979 = arith.constant 0 : i32
          %dma_start3A_980 = tpu.memref_slice %arg9[%dma_start3A_978, %dma_start3A_979] : memref<4x125xi32, #tpu.memory_space<vmem>> -> memref<1x125xi32, #tpu.memory_space<vmem>>
          %dma_start3A_981 = tpu.memref_squeeze %dma_start3A_980 : memref<1x125xi32, #tpu.memory_space<vmem>> -> memref<125xi32, #tpu.memory_space<vmem>>
          %dma_start3A_982 = arith.constant 0 : i32
          %dma_start3A_983 = tpu.memref_slice %arg4[%dma_start3A_977, %arg1, %add3A_976, %dma_start3A_982] : memref<2x16x80x125xi32, #tpu.memory_space<hbm>> -> memref<1x1x1x125xi32, #tpu.memory_space<hbm>>
          %dma_start3A_984 = tpu.memref_squeeze %dma_start3A_983 : memref<1x1x1x125xi32, #tpu.memory_space<hbm>> -> memref<125xi32, #tpu.memory_space<hbm>>
          %dma_start3A_985 = arith.constant 0 : i32
          %dma_start3A_986 = tpu.memref_slice %arg9[%dma_start3A_978, %dma_start3A_985] : memref<4x125xi32, #tpu.memory_space<vmem>> -> memref<1x125xi32, #tpu.memory_space<vmem>>
          %dma_start3A_987 = tpu.memref_squeeze %dma_start3A_986 : memref<1x125xi32, #tpu.memory_space<vmem>> -> memref<125xi32, #tpu.memory_space<vmem>>
          %dma_start3A_988 = arith.constant 0 : i32
          %dma_start3A_989 = tpu.memref_slice %arg4[%dma_start3A_977, %arg1, %add3A_976, %dma_start3A_988] : memref<2x16x80x125xi32, #tpu.memory_space<hbm>> -> memref<1x1x1x125xi32, #tpu.memory_space<hbm>>
          %dma_start3A_990 = tpu.memref_squeeze %dma_start3A_989 : memref<1x1x1x125xi32, #tpu.memory_space<hbm>> -> memref<125xi32, #tpu.memory_space<hbm>>
          tpu.enqueue_dma source(%dma_start3A_990 : memref<125xi32, #tpu.memory_space<hbm>>) target(%dma_start3A_987 : memref<125xi32, #tpu.memory_space<vmem>>) target_semaphore(%arg20 : memref<!tpu.dma_semaphore, #tpu.memory_space<semaphore_mem>>)
          %dma_start3A_991 = arith.constant 1 : i32
          %dma_start3A_992 = arith.constant 2 : i32
          %dma_start3A_993 = arith.constant 0 : i32
          %dma_start3A_994 = tpu.memref_slice %arg10[%dma_start3A_992, %dma_start3A_993] : memref<4x125xi32, #tpu.memory_space<vmem>> -> memref<1x125xi32, #tpu.memory_space<vmem>>
          %dma_start3A_995 = tpu.memref_squeeze %dma_start3A_994 : memref<1x125xi32, #tpu.memory_space<vmem>> -> memref<125xi32, #tpu.memory_space<vmem>>
          %dma_start3A_996 = arith.constant 0 : i32
          %dma_start3A_997 = tpu.memref_slice %arg4[%dma_start3A_991, %arg1, %add3A_976, %dma_start3A_996] : memref<2x16x80x125xi32, #tpu.memory_space<hbm>> -> memref<1x1x1x125xi32, #tpu.memory_space<hbm>>
          %dma_start3A_998 = tpu.memref_squeeze %dma_start3A_997 : memref<1x1x1x125xi32, #tpu.memory_space<hbm>> -> memref<125xi32, #tpu.memory_space<hbm>>
          %dma_start3A_999 = arith.constant 0 : i32
          %dma_start3A_1000 = tpu.memref_slice %arg10[%dma_start3A_992, %dma_start3A_999] : memref<4x125xi32, #tpu.memory_space<vmem>> -> memref<1x125xi32, #tpu.memory_space<vmem>>
          %dma_start3A_1001 = tpu.memref_squeeze %dma_start3A_1000 : memref<1x125xi32, #tpu.memory_space<vmem>> -> memref<125xi32, #tpu.memory_space<vmem>>
          %dma_start3A_1002 = arith.constant 0 : i32
          %dma_start3A_1003 = tpu.memref_slice %arg4[%dma_start3A_991, %arg1, %add3A_976, %dma_start3A_1002] : memref<2x16x80x125xi32, #tpu.memory_space<hbm>> -> memref<1x1x1x125xi32, #tpu.memory_space<hbm>>
          %dma_start3A_1004 = tpu.memref_squeeze %dma_start3A_1003 : memref<1x1x1x125xi32, #tpu.memory_space<hbm>> -> memref<125xi32, #tpu.memory_space<hbm>>
          tpu.enqueue_dma source(%dma_start3A_1004 : memref<125xi32, #tpu.memory_space<hbm>>) target(%dma_start3A_1001 : memref<125xi32, #tpu.memory_space<vmem>>) target_semaphore(%arg20 : memref<!tpu.dma_semaphore, #tpu.memory_space<semaphore_mem>>)
        } else {
        }
        %mul3A_916 = arith.constant 4 : i32
        %mul3A_917 = arith.muli %scan3A_740, %mul3A_916 : i32
        %add3A_918 = arith.constant 3 : i32
        %add3A_919 = arith.addi %mul3A_917, %add3A_918 : i32
        %dma_wait3A_920 = arith.constant 3 : i32
        %dma_wait3A_921 = arith.constant 0 : i32
        %dma_wait3A_922 = tpu.memref_slice %arg9[%dma_wait3A_920, %dma_wait3A_921] : memref<4x125xi32, #tpu.memory_space<vmem>> -> memref<1x125xi32, #tpu.memory_space<vmem>>
        %dma_wait3A_923 = tpu.memref_squeeze %dma_wait3A_922 : memref<1x125xi32, #tpu.memory_space<vmem>> -> memref<125xi32, #tpu.memory_space<vmem>>
        %dma_wait3A_924 = arith.constant 0 : i32
        %dma_wait3A_925 = arith.constant 0 : i32
        %dma_wait3A_926 = tpu.memref_slice %arg2[%dma_wait3A_924, %dma_wait3A_925] : memref<10000x128xf32, #tpu.memory_space<hbm>> -> memref<10000x128xf32, #tpu.memory_space<hbm>>
        tpu.wait_indirect_dma semaphore(%arg23 : memref<!tpu.dma_semaphore, #tpu.memory_space<semaphore_mem>>) src(%dma_wait3A_926 : memref<10000x128xf32, #tpu.memory_space<hbm>>) dst(%arg12 : memref<125x128xf32, #tpu.memory_space<vmem>>)
        %dma_start3A_927 = arith.constant 3 : i32
        %dma_start3A_928 = arith.constant 0 : i32
        %dma_start3A_929 = tpu.memref_slice %arg10[%dma_start3A_927, %dma_start3A_928] : memref<4x125xi32, #tpu.memory_space<vmem>> -> memref<1x125xi32, #tpu.memory_space<vmem>>
        %dma_start3A_930 = tpu.memref_squeeze %dma_start3A_929 : memref<1x125xi32, #tpu.memory_space<vmem>> -> memref<125xi32, #tpu.memory_space<vmem>>
        %dma_start3A_931 = arith.constant 0 : i32
        %dma_start3A_932 = arith.constant 0 : i32
        %dma_start3A_933 = tpu.memref_slice %arg16[%dma_start3A_931, %dma_start3A_932] : memref<10000x128xf32, #tpu.memory_space<vmem_shared>> -> memref<10000x128xf32, #tpu.memory_space<vmem_shared>>
        tpu.enqueue_indirect_dma source(%arg12 : memref<125x128xf32, #tpu.memory_space<vmem>>) target(%dma_start3A_933 : memref<10000x128xf32, #tpu.memory_space<vmem_shared>>) offsets(%dma_start3A_930 : memref<125xi32, #tpu.memory_space<vmem>>) semaphore(%arg25 : memref<!tpu.dma_semaphore, #tpu.memory_space<semaphore_mem>>) {add = true}
        %dma_start3A_934 = arith.constant 3 : i32
        %dma_start3A_935 = arith.constant 0 : i32
        %dma_start3A_936 = tpu.memref_slice %arg10[%dma_start3A_934, %dma_start3A_935] : memref<4x125xi32, #tpu.memory_space<vmem>> -> memref<1x125xi32, #tpu.memory_space<vmem>>
        %dma_start3A_937 = tpu.memref_squeeze %dma_start3A_936 : memref<1x125xi32, #tpu.memory_space<vmem>> -> memref<125xi32, #tpu.memory_space<vmem>>
        %dma_start3A_938 = arith.constant 0 : i32
        %dma_start3A_939 = tpu.memref_slice %arg17[%dma_start3A_938] : memref<10000xf32, #tpu.memory_space<vmem_shared>> -> memref<10000xf32, #tpu.memory_space<vmem_shared>>
        tpu.enqueue_indirect_dma source(%arg13 : memref<125xf32, #tpu.memory_space<vmem>>) target(%dma_start3A_939 : memref<10000xf32, #tpu.memory_space<vmem_shared>>) offsets(%dma_start3A_937 : memref<125xi32, #tpu.memory_space<vmem>>) semaphore(%arg27 : memref<!tpu.dma_semaphore, #tpu.memory_space<semaphore_mem>>) {add = true}
        %add3A_940 = arith.constant 2 : i32
        %add3A_941 = arith.addi %add3A_919, %add3A_940 : i32
        %lt3A_942 = arith.constant 80 : i32
        %lt3A_943 = arith.cmpi slt, %add3A_941, %lt3A_942 : i32
        %convert_element_type3A_944 = arith.extui %lt3A_943 : i1 to i32
        %cond3A_945 = arith.constant 0 : i32
        %cond3A_946 = arith.cmpi ne, %convert_element_type3A_944, %cond3A_945 : i32
        scf.if %cond3A_946 {
          %add3A_975 = arith.constant 2 : i32
          %add3A_976 = arith.addi %add3A_919, %add3A_975 : i32
          %dma_wait3A_977 = arith.constant 0 : i32
          %dma_wait3A_978 = arith.constant 1 : i32
          %dma_wait3A_979 = arith.constant 0 : i32
          %dma_wait3A_980 = tpu.memref_slice %arg9[%dma_wait3A_978, %dma_wait3A_979] : memref<4x125xi32, #tpu.memory_space<vmem>> -> memref<1x125xi32, #tpu.memory_space<vmem>>
          %dma_wait3A_981 = tpu.memref_squeeze %dma_wait3A_980 : memref<1x125xi32, #tpu.memory_space<vmem>> -> memref<125xi32, #tpu.memory_space<vmem>>
          %dma_wait3A_982 = arith.constant 0 : i32
          %dma_wait3A_983 = tpu.memref_slice %arg4[%dma_wait3A_977, %arg1, %add3A_976, %dma_wait3A_982] : memref<2x16x80x125xi32, #tpu.memory_space<hbm>> -> memref<1x1x1x125xi32, #tpu.memory_space<hbm>>
          %dma_wait3A_984 = tpu.memref_squeeze %dma_wait3A_983 : memref<1x1x1x125xi32, #tpu.memory_space<hbm>> -> memref<125xi32, #tpu.memory_space<hbm>>
          %dma_wait3A_985 = arith.constant 0 : i32
          %dma_wait3A_986 = tpu.memref_slice %arg9[%dma_wait3A_978, %dma_wait3A_985] : memref<4x125xi32, #tpu.memory_space<vmem>> -> memref<1x125xi32, #tpu.memory_space<vmem>>
          %dma_wait3A_987 = tpu.memref_squeeze %dma_wait3A_986 : memref<1x125xi32, #tpu.memory_space<vmem>> -> memref<125xi32, #tpu.memory_space<vmem>>
          %dma_wait3A_988 = arith.constant 0 : i32
          %dma_wait3A_989 = tpu.memref_slice %arg4[%dma_wait3A_977, %arg1, %add3A_976, %dma_wait3A_988] : memref<2x16x80x125xi32, #tpu.memory_space<hbm>> -> memref<1x1x1x125xi32, #tpu.memory_space<hbm>>
          %dma_wait3A_990 = tpu.memref_squeeze %dma_wait3A_989 : memref<1x1x1x125xi32, #tpu.memory_space<hbm>> -> memref<125xi32, #tpu.memory_space<hbm>>
          tpu.wait_dma2 semaphore(%arg19 : memref<!tpu.dma_semaphore, #tpu.memory_space<semaphore_mem>>) src(%dma_wait3A_990 : memref<125xi32, #tpu.memory_space<hbm>>) dst(%dma_wait3A_987 : memref<125xi32, #tpu.memory_space<vmem>>)
          %dma_wait3A_991 = arith.constant 1 : i32
          %dma_wait3A_992 = arith.constant 1 : i32
          %dma_wait3A_993 = arith.constant 0 : i32
          %dma_wait3A_994 = tpu.memref_slice %arg10[%dma_wait3A_992, %dma_wait3A_993] : memref<4x125xi32, #tpu.memory_space<vmem>> -> memref<1x125xi32, #tpu.memory_space<vmem>>
          %dma_wait3A_995 = tpu.memref_squeeze %dma_wait3A_994 : memref<1x125xi32, #tpu.memory_space<vmem>> -> memref<125xi32, #tpu.memory_space<vmem>>
          %dma_wait3A_996 = arith.constant 0 : i32
          %dma_wait3A_997 = tpu.memref_slice %arg4[%dma_wait3A_991, %arg1, %add3A_976, %dma_wait3A_996] : memref<2x16x80x125xi32, #tpu.memory_space<hbm>> -> memref<1x1x1x125xi32, #tpu.memory_space<hbm>>
          %dma_wait3A_998 = tpu.memref_squeeze %dma_wait3A_997 : memref<1x1x1x125xi32, #tpu.memory_space<hbm>> -> memref<125xi32, #tpu.memory_space<hbm>>
          %dma_wait3A_999 = arith.constant 0 : i32
          %dma_wait3A_1000 = tpu.memref_slice %arg10[%dma_wait3A_992, %dma_wait3A_999] : memref<4x125xi32, #tpu.memory_space<vmem>> -> memref<1x125xi32, #tpu.memory_space<vmem>>
          %dma_wait3A_1001 = tpu.memref_squeeze %dma_wait3A_1000 : memref<1x125xi32, #tpu.memory_space<vmem>> -> memref<125xi32, #tpu.memory_space<vmem>>
          %dma_wait3A_1002 = arith.constant 0 : i32
          %dma_wait3A_1003 = tpu.memref_slice %arg4[%dma_wait3A_991, %arg1, %add3A_976, %dma_wait3A_1002] : memref<2x16x80x125xi32, #tpu.memory_space<hbm>> -> memref<1x1x1x125xi32, #tpu.memory_space<hbm>>
          %dma_wait3A_1004 = tpu.memref_squeeze %dma_wait3A_1003 : memref<1x1x1x125xi32, #tpu.memory_space<hbm>> -> memref<125xi32, #tpu.memory_space<hbm>>
          tpu.wait_dma2 semaphore(%arg19 : memref<!tpu.dma_semaphore, #tpu.memory_space<semaphore_mem>>) src(%dma_wait3A_1004 : memref<125xi32, #tpu.memory_space<hbm>>) dst(%dma_wait3A_1001 : memref<125xi32, #tpu.memory_space<vmem>>)
        } else {
        }
        %dma_wait3A_947 = arith.constant 3 : i32
        %dma_wait3A_948 = arith.constant 0 : i32
        %dma_wait3A_949 = tpu.memref_slice %arg10[%dma_wait3A_947, %dma_wait3A_948] : memref<4x125xi32, #tpu.memory_space<vmem>> -> memref<1x125xi32, #tpu.memory_space<vmem>>
        %dma_wait3A_950 = tpu.memref_squeeze %dma_wait3A_949 : memref<1x125xi32, #tpu.memory_space<vmem>> -> memref<125xi32, #tpu.memory_space<vmem>>
        %dma_wait3A_951 = arith.constant 0 : i32
        %dma_wait3A_952 = arith.constant 0 : i32
        %dma_wait3A_953 = tpu.memref_slice %arg16[%dma_wait3A_951, %dma_wait3A_952] : memref<10000x128xf32, #tpu.memory_space<vmem_shared>> -> memref<10000x128xf32, #tpu.memory_space<vmem_shared>>
        tpu.wait_indirect_dma semaphore(%arg25 : memref<!tpu.dma_semaphore, #tpu.memory_space<semaphore_mem>>) src(%arg12 : memref<125x128xf32, #tpu.memory_space<vmem>>) dst(%dma_wait3A_953 : memref<10000x128xf32, #tpu.memory_space<vmem_shared>>)
        %add3A_954 = arith.constant 2 : i32
        %add3A_955 = arith.addi %add3A_919, %add3A_954 : i32
        %lt3A_956 = arith.constant 80 : i32
        %lt3A_957 = arith.cmpi slt, %add3A_955, %lt3A_956 : i32
        %convert_element_type3A_958 = arith.extui %lt3A_957 : i1 to i32
        %cond3A_959 = arith.constant 0 : i32
        %cond3A_960 = arith.cmpi ne, %convert_element_type3A_958, %cond3A_959 : i32
        scf.if %cond3A_960 {
          %dma_start3A_975 = arith.constant 1 : i32
          %dma_start3A_976 = arith.constant 0 : i32
          %dma_start3A_977 = tpu.memref_slice %arg9[%dma_start3A_975, %dma_start3A_976] : memref<4x125xi32, #tpu.memory_space<vmem>> -> memref<1x125xi32, #tpu.memory_space<vmem>>
          %dma_start3A_978 = tpu.memref_squeeze %dma_start3A_977 : memref<1x125xi32, #tpu.memory_space<vmem>> -> memref<125xi32, #tpu.memory_space<vmem>>
          %dma_start3A_979 = arith.constant 0 : i32
          %dma_start3A_980 = arith.constant 0 : i32
          %dma_start3A_981 = tpu.memref_slice %arg2[%dma_start3A_979, %dma_start3A_980] : memref<10000x128xf32, #tpu.memory_space<hbm>> -> memref<10000x128xf32, #tpu.memory_space<hbm>>
          tpu.enqueue_indirect_dma source(%dma_start3A_981 : memref<10000x128xf32, #tpu.memory_space<hbm>>) target(%arg12 : memref<125x128xf32, #tpu.memory_space<vmem>>) offsets(%dma_start3A_978 : memref<125xi32, #tpu.memory_space<vmem>>) semaphore(%arg23 : memref<!tpu.dma_semaphore, #tpu.memory_space<semaphore_mem>>)
        } else {
        }
        %dma_wait3A_961 = arith.constant 3 : i32
        %dma_wait3A_962 = arith.constant 0 : i32
        %dma_wait3A_963 = tpu.memref_slice %arg10[%dma_wait3A_961, %dma_wait3A_962] : memref<4x125xi32, #tpu.memory_space<vmem>> -> memref<1x125xi32, #tpu.memory_space<vmem>>
        %dma_wait3A_964 = tpu.memref_squeeze %dma_wait3A_963 : memref<1x125xi32, #tpu.memory_space<vmem>> -> memref<125xi32, #tpu.memory_space<vmem>>
        %dma_wait3A_965 = arith.constant 0 : i32
        %dma_wait3A_966 = tpu.memref_slice %arg17[%dma_wait3A_965] : memref<10000xf32, #tpu.memory_space<vmem_shared>> -> memref<10000xf32, #tpu.memory_space<vmem_shared>>
        tpu.wait_indirect_dma semaphore(%arg27 : memref<!tpu.dma_semaphore, #tpu.memory_space<semaphore_mem>>) src(%arg13 : memref<125xf32, #tpu.memory_space<vmem>>) dst(%dma_wait3A_966 : memref<10000xf32, #tpu.memory_space<vmem_shared>>)
        %add3A_967 = arith.constant 4 : i32
        %add3A_968 = arith.addi %add3A_919, %add3A_967 : i32
        %lt3A_969 = arith.constant 80 : i32
        %lt3A_970 = arith.cmpi slt, %add3A_968, %lt3A_969 : i32
        %convert_element_type3A_971 = arith.extui %lt3A_970 : i1 to i32
        %cond3A_972 = arith.constant 0 : i32
        %cond3A_973 = arith.cmpi ne, %convert_element_type3A_971, %cond3A_972 : i32
        scf.if %cond3A_973 {
          %add3A_975 = arith.constant 4 : i32
          %add3A_976 = arith.addi %add3A_919, %add3A_975 : i32
          %dma_start3A_977 = arith.constant 0 : i32
          %dma_start3A_978 = arith.constant 3 : i32
          %dma_start3A_979 = arith.constant 0 : i32
          %dma_start3A_980 = tpu.memref_slice %arg9[%dma_start3A_978, %dma_start3A_979] : memref<4x125xi32, #tpu.memory_space<vmem>> -> memref<1x125xi32, #tpu.memory_space<vmem>>
          %dma_start3A_981 = tpu.memref_squeeze %dma_start3A_980 : memref<1x125xi32, #tpu.memory_space<vmem>> -> memref<125xi32, #tpu.memory_space<vmem>>
          %dma_start3A_982 = arith.constant 0 : i32
          %dma_start3A_983 = tpu.memref_slice %arg4[%dma_start3A_977, %arg1, %add3A_976, %dma_start3A_982] : memref<2x16x80x125xi32, #tpu.memory_space<hbm>> -> memref<1x1x1x125xi32, #tpu.memory_space<hbm>>
          %dma_start3A_984 = tpu.memref_squeeze %dma_start3A_983 : memref<1x1x1x125xi32, #tpu.memory_space<hbm>> -> memref<125xi32, #tpu.memory_space<hbm>>
          %dma_start3A_985 = arith.constant 0 : i32
          %dma_start3A_986 = tpu.memref_slice %arg9[%dma_start3A_978, %dma_start3A_985] : memref<4x125xi32, #tpu.memory_space<vmem>> -> memref<1x125xi32, #tpu.memory_space<vmem>>
          %dma_start3A_987 = tpu.memref_squeeze %dma_start3A_986 : memref<1x125xi32, #tpu.memory_space<vmem>> -> memref<125xi32, #tpu.memory_space<vmem>>
          %dma_start3A_988 = arith.constant 0 : i32
          %dma_start3A_989 = tpu.memref_slice %arg4[%dma_start3A_977, %arg1, %add3A_976, %dma_start3A_988] : memref<2x16x80x125xi32, #tpu.memory_space<hbm>> -> memref<1x1x1x125xi32, #tpu.memory_space<hbm>>
          %dma_start3A_990 = tpu.memref_squeeze %dma_start3A_989 : memref<1x1x1x125xi32, #tpu.memory_space<hbm>> -> memref<125xi32, #tpu.memory_space<hbm>>
          tpu.enqueue_dma source(%dma_start3A_990 : memref<125xi32, #tpu.memory_space<hbm>>) target(%dma_start3A_987 : memref<125xi32, #tpu.memory_space<vmem>>) target_semaphore(%arg21 : memref<!tpu.dma_semaphore, #tpu.memory_space<semaphore_mem>>)
          %dma_start3A_991 = arith.constant 1 : i32
          %dma_start3A_992 = arith.constant 3 : i32
          %dma_start3A_993 = arith.constant 0 : i32
          %dma_start3A_994 = tpu.memref_slice %arg10[%dma_start3A_992, %dma_start3A_993] : memref<4x125xi32, #tpu.memory_space<vmem>> -> memref<1x125xi32, #tpu.memory_space<vmem>>
          %dma_start3A_995 = tpu.memref_squeeze %dma_start3A_994 : memref<1x125xi32, #tpu.memory_space<vmem>> -> memref<125xi32, #tpu.memory_space<vmem>>
          %dma_start3A_996 = arith.constant 0 : i32
          %dma_start3A_997 = tpu.memref_slice %arg4[%dma_start3A_991, %arg1, %add3A_976, %dma_start3A_996] : memref<2x16x80x125xi32, #tpu.memory_space<hbm>> -> memref<1x1x1x125xi32, #tpu.memory_space<hbm>>
          %dma_start3A_998 = tpu.memref_squeeze %dma_start3A_997 : memref<1x1x1x125xi32, #tpu.memory_space<hbm>> -> memref<125xi32, #tpu.memory_space<hbm>>
          %dma_start3A_999 = arith.constant 0 : i32
          %dma_start3A_1000 = tpu.memref_slice %arg10[%dma_start3A_992, %dma_start3A_999] : memref<4x125xi32, #tpu.memory_space<vmem>> -> memref<1x125xi32, #tpu.memory_space<vmem>>
          %dma_start3A_1001 = tpu.memref_squeeze %dma_start3A_1000 : memref<1x125xi32, #tpu.memory_space<vmem>> -> memref<125xi32, #tpu.memory_space<vmem>>
          %dma_start3A_1002 = arith.constant 0 : i32
          %dma_start3A_1003 = tpu.memref_slice %arg4[%dma_start3A_991, %arg1, %add3A_976, %dma_start3A_1002] : memref<2x16x80x125xi32, #tpu.memory_space<hbm>> -> memref<1x1x1x125xi32, #tpu.memory_space<hbm>>
          %dma_start3A_1004 = tpu.memref_squeeze %dma_start3A_1003 : memref<1x1x1x125xi32, #tpu.memory_space<hbm>> -> memref<125xi32, #tpu.memory_space<hbm>>
          tpu.enqueue_dma source(%dma_start3A_1004 : memref<125xi32, #tpu.memory_space<hbm>>) target(%dma_start3A_1001 : memref<125xi32, #tpu.memory_space<vmem>>) target_semaphore(%arg21 : memref<!tpu.dma_semaphore, #tpu.memory_space<semaphore_mem>>)
        } else {
        }
        %scan3A_974 = arith.constant 0 : i32
        scf.yield %scan3A_974 : i32
      }
      %scan3A_486 = arith.constant 20 : i32
      %barrier3A_487 = arith.constant 0 : index
      tpu.barrier barrier_id(%barrier3A_487)
      %add3A_488 = arith.constant 0 : i32
      %add3A_489 = arith.addi %add3A_488, %arg1 : i32
      %mul3A_490 = arith.constant 80 : i32
      %mul3A_491 = arith.muli %add3A_489, %mul3A_490 : i32
      %multiple_of3A_492 = tpu.assume_multiple %mul3A_491, 80 : i32
      "tpu.region"() ({
        %run_scoped3A = tpu.sem_alloc : memref<!tpu.dma_semaphore, #tpu.memory_space<semaphore_mem>>
        %dma_start3A_740 = arith.constant 0 : i32
        %dma_start3A_741 = arith.constant 0 : i32
        %dma_start3A_742 = tpu.memref_slice %arg11[%dma_start3A_740, %dma_start3A_741] : memref<125x128xf32, #tpu.memory_space<vmem>> -> memref<80x128xf32, #tpu.memory_space<vmem>>
        %dma_start3A_743 = arith.constant 0 : i32
        %dma_start3A_744 = tpu.memref_slice %arg16[%multiple_of3A_492, %dma_start3A_743] : memref<10000x128xf32, #tpu.memory_space<vmem_shared>> -> memref<80x128xf32, #tpu.memory_space<vmem_shared>>
        %dma_start3A_745 = arith.constant 0 : i32
        %dma_start3A_746 = arith.constant 0 : i32
        %dma_start3A_747 = tpu.memref_slice %arg11[%dma_start3A_745, %dma_start3A_746] : memref<125x128xf32, #tpu.memory_space<vmem>> -> memref<80x128xf32, #tpu.memory_space<vmem>>
        %dma_start3A_748 = arith.constant 0 : i32
        %dma_start3A_749 = tpu.memref_slice %arg16[%multiple_of3A_492, %dma_start3A_748] : memref<10000x128xf32, #tpu.memory_space<vmem_shared>> -> memref<80x128xf32, #tpu.memory_space<vmem_shared>>
        tpu.enqueue_dma source(%dma_start3A_749 : memref<80x128xf32, #tpu.memory_space<vmem_shared>>) target(%dma_start3A_747 : memref<80x128xf32, #tpu.memory_space<vmem>>) target_semaphore(%run_scoped3A : memref<!tpu.dma_semaphore, #tpu.memory_space<semaphore_mem>>)
        %dma_wait3A_750 = arith.constant 0 : i32
        %dma_wait3A_751 = arith.constant 0 : i32
        %dma_wait3A_752 = tpu.memref_slice %arg11[%dma_wait3A_750, %dma_wait3A_751] : memref<125x128xf32, #tpu.memory_space<vmem>> -> memref<80x128xf32, #tpu.memory_space<vmem>>
        %dma_wait3A_753 = arith.constant 0 : i32
        %dma_wait3A_754 = tpu.memref_slice %arg16[%multiple_of3A_492, %dma_wait3A_753] : memref<10000x128xf32, #tpu.memory_space<vmem_shared>> -> memref<80x128xf32, #tpu.memory_space<vmem_shared>>
        %dma_wait3A_755 = arith.constant 0 : i32
        %dma_wait3A_756 = arith.constant 0 : i32
        %dma_wait3A_757 = tpu.memref_slice %arg11[%dma_wait3A_755, %dma_wait3A_756] : memref<125x128xf32, #tpu.memory_space<vmem>> -> memref<80x128xf32, #tpu.memory_space<vmem>>
        %dma_wait3A_758 = arith.constant 0 : i32
        %dma_wait3A_759 = tpu.memref_slice %arg16[%multiple_of3A_492, %dma_wait3A_758] : memref<10000x128xf32, #tpu.memory_space<vmem_shared>> -> memref<80x128xf32, #tpu.memory_space<vmem_shared>>
        tpu.wait_dma2 semaphore(%run_scoped3A : memref<!tpu.dma_semaphore, #tpu.memory_space<semaphore_mem>>) src(%dma_wait3A_759 : memref<80x128xf32, #tpu.memory_space<vmem_shared>>) dst(%dma_wait3A_757 : memref<80x128xf32, #tpu.memory_space<vmem>>)
        tpu.yield
      }) : () -> ()
      %dma_start3A_493 = arith.constant 0 : i32
      %dma_start3A_494 = arith.constant 0 : i32
      %dma_start3A_495 = tpu.memref_slice %arg11[%dma_start3A_493, %dma_start3A_494] : memref<125x128xf32, #tpu.memory_space<vmem>> -> memref<80x128xf32, #tpu.memory_space<vmem>>
      %dma_start3A_496 = arith.constant 0 : i32
      %dma_start3A_497 = tpu.memref_slice %arg7[%multiple_of3A_492, %dma_start3A_496] : memref<10000x128xf32, #tpu.memory_space<hbm>> -> memref<80x128xf32, #tpu.memory_space<hbm>>
      %dma_start3A_498 = arith.constant 0 : i32
      %dma_start3A_499 = tpu.memref_slice %arg7[%multiple_of3A_492, %dma_start3A_498] : memref<10000x128xf32, #tpu.memory_space<hbm>> -> memref<80x128xf32, #tpu.memory_space<hbm>>
      %dma_start3A_500 = arith.constant 0 : i32
      %dma_start3A_501 = arith.constant 0 : i32
      %dma_start3A_502 = tpu.memref_slice %arg11[%dma_start3A_500, %dma_start3A_501] : memref<125x128xf32, #tpu.memory_space<vmem>> -> memref<80x128xf32, #tpu.memory_space<vmem>>
      tpu.enqueue_dma source(%dma_start3A_502 : memref<80x128xf32, #tpu.memory_space<vmem>>) target(%dma_start3A_499 : memref<80x128xf32, #tpu.memory_space<hbm>>) target_semaphore(%arg22 : memref<!tpu.dma_semaphore, #tpu.memory_space<semaphore_mem>>)
      "tpu.region"() ({
        %run_scoped3A = tpu.sem_alloc : memref<!tpu.dma_semaphore, #tpu.memory_space<semaphore_mem>>
        %dma_start3A_740 = tpu.memref_slice %arg17[%multiple_of3A_492] : memref<10000xf32, #tpu.memory_space<vmem_shared>> -> memref<80xf32, #tpu.memory_space<vmem_shared>>
        %dma_start3A_741 = tpu.memref_slice %arg17[%multiple_of3A_492] : memref<10000xf32, #tpu.memory_space<vmem_shared>> -> memref<80xf32, #tpu.memory_space<vmem_shared>>
        tpu.enqueue_dma source(%dma_start3A_741 : memref<80xf32, #tpu.memory_space<vmem_shared>>) target(%arg14 : memref<80xf32, #tpu.memory_space<vmem>>) target_semaphore(%run_scoped3A : memref<!tpu.dma_semaphore, #tpu.memory_space<semaphore_mem>>)
        %dma_wait3A_742 = tpu.memref_slice %arg17[%multiple_of3A_492] : memref<10000xf32, #tpu.memory_space<vmem_shared>> -> memref<80xf32, #tpu.memory_space<vmem_shared>>
        %dma_wait3A_743 = tpu.memref_slice %arg17[%multiple_of3A_492] : memref<10000xf32, #tpu.memory_space<vmem_shared>> -> memref<80xf32, #tpu.memory_space<vmem_shared>>
        tpu.wait_dma2 semaphore(%run_scoped3A : memref<!tpu.dma_semaphore, #tpu.memory_space<semaphore_mem>>) src(%dma_wait3A_743 : memref<80xf32, #tpu.memory_space<vmem_shared>>) dst(%arg14 : memref<80xf32, #tpu.memory_space<vmem>>)
        tpu.yield
      }) : () -> ()
      %dma_start3A_503 = tpu.memref_slice %arg8[%multiple_of3A_492] : memref<10000xf32, #tpu.memory_space<hbm>> -> memref<80xf32, #tpu.memory_space<hbm>>
      %dma_start3A_504 = tpu.memref_slice %arg8[%multiple_of3A_492] : memref<10000xf32, #tpu.memory_space<hbm>> -> memref<80xf32, #tpu.memory_space<hbm>>
      tpu.enqueue_dma source(%arg14 : memref<80xf32, #tpu.memory_space<vmem>>) target(%dma_start3A_504 : memref<80xf32, #tpu.memory_space<hbm>>) target_semaphore(%arg18 : memref<!tpu.dma_semaphore, #tpu.memory_space<semaphore_mem>>)
      %add3A_505 = arith.constant 16 : i32
      %add3A_506 = arith.addi %add3A_505, %arg1 : i32
      %mul3A_507 = arith.constant 80 : i32
      %mul3A_508 = arith.muli %add3A_506, %mul3A_507 : i32
      %multiple_of3A_509 = tpu.assume_multiple %mul3A_508, 80 : i32
      "tpu.region"() ({
        %run_scoped3A = tpu.sem_alloc : memref<!tpu.dma_semaphore, #tpu.memory_space<semaphore_mem>>
        %dma_start3A_740 = arith.constant 0 : i32
        %dma_start3A_741 = arith.constant 0 : i32
        %dma_start3A_742 = tpu.memref_slice %arg12[%dma_start3A_740, %dma_start3A_741] : memref<125x128xf32, #tpu.memory_space<vmem>> -> memref<80x128xf32, #tpu.memory_space<vmem>>
        %dma_start3A_743 = arith.constant 0 : i32
        %dma_start3A_744 = tpu.memref_slice %arg16[%multiple_of3A_509, %dma_start3A_743] : memref<10000x128xf32, #tpu.memory_space<vmem_shared>> -> memref<80x128xf32, #tpu.memory_space<vmem_shared>>
        %dma_start3A_745 = arith.constant 0 : i32
        %dma_start3A_746 = arith.constant 0 : i32
        %dma_start3A_747 = tpu.memref_slice %arg12[%dma_start3A_745, %dma_start3A_746] : memref<125x128xf32, #tpu.memory_space<vmem>> -> memref<80x128xf32, #tpu.memory_space<vmem>>
        %dma_start3A_748 = arith.constant 0 : i32
        %dma_start3A_749 = tpu.memref_slice %arg16[%multiple_of3A_509, %dma_start3A_748] : memref<10000x128xf32, #tpu.memory_space<vmem_shared>> -> memref<80x128xf32, #tpu.memory_space<vmem_shared>>
        tpu.enqueue_dma source(%dma_start3A_749 : memref<80x128xf32, #tpu.memory_space<vmem_shared>>) target(%dma_start3A_747 : memref<80x128xf32, #tpu.memory_space<vmem>>) target_semaphore(%run_scoped3A : memref<!tpu.dma_semaphore, #tpu.memory_space<semaphore_mem>>)
        %dma_wait3A_750 = arith.constant 0 : i32
        %dma_wait3A_751 = arith.constant 0 : i32
        %dma_wait3A_752 = tpu.memref_slice %arg12[%dma_wait3A_750, %dma_wait3A_751] : memref<125x128xf32, #tpu.memory_space<vmem>> -> memref<80x128xf32, #tpu.memory_space<vmem>>
        %dma_wait3A_753 = arith.constant 0 : i32
        %dma_wait3A_754 = tpu.memref_slice %arg16[%multiple_of3A_509, %dma_wait3A_753] : memref<10000x128xf32, #tpu.memory_space<vmem_shared>> -> memref<80x128xf32, #tpu.memory_space<vmem_shared>>
        %dma_wait3A_755 = arith.constant 0 : i32
        %dma_wait3A_756 = arith.constant 0 : i32
        %dma_wait3A_757 = tpu.memref_slice %arg12[%dma_wait3A_755, %dma_wait3A_756] : memref<125x128xf32, #tpu.memory_space<vmem>> -> memref<80x128xf32, #tpu.memory_space<vmem>>
        %dma_wait3A_758 = arith.constant 0 : i32
        %dma_wait3A_759 = tpu.memref_slice %arg16[%multiple_of3A_509, %dma_wait3A_758] : memref<10000x128xf32, #tpu.memory_space<vmem_shared>> -> memref<80x128xf32, #tpu.memory_space<vmem_shared>>
        tpu.wait_dma2 semaphore(%run_scoped3A : memref<!tpu.dma_semaphore, #tpu.memory_space<semaphore_mem>>) src(%dma_wait3A_759 : memref<80x128xf32, #tpu.memory_space<vmem_shared>>) dst(%dma_wait3A_757 : memref<80x128xf32, #tpu.memory_space<vmem>>)
        tpu.yield
      }) : () -> ()
      %dma_start3A_510 = arith.constant 0 : i32
      %dma_start3A_511 = arith.constant 0 : i32
      %dma_start3A_512 = tpu.memref_slice %arg12[%dma_start3A_510, %dma_start3A_511] : memref<125x128xf32, #tpu.memory_space<vmem>> -> memref<80x128xf32, #tpu.memory_space<vmem>>
      %dma_start3A_513 = arith.constant 0 : i32
      %dma_start3A_514 = tpu.memref_slice %arg7[%multiple_of3A_509, %dma_start3A_513] : memref<10000x128xf32, #tpu.memory_space<hbm>> -> memref<80x128xf32, #tpu.memory_space<hbm>>
      %dma_start3A_515 = arith.constant 0 : i32
      %dma_start3A_516 = tpu.memref_slice %arg7[%multiple_of3A_509, %dma_start3A_515] : memref<10000x128xf32, #tpu.memory_space<hbm>> -> memref<80x128xf32, #tpu.memory_space<hbm>>
      %dma_start3A_517 = arith.constant 0 : i32
      %dma_start3A_518 = arith.constant 0 : i32
      %dma_start3A_519 = tpu.memref_slice %arg12[%dma_start3A_517, %dma_start3A_518] : memref<125x128xf32, #tpu.memory_space<vmem>> -> memref<80x128xf32, #tpu.memory_space<vmem>>
      tpu.enqueue_dma source(%dma_start3A_519 : memref<80x128xf32, #tpu.memory_space<vmem>>) target(%dma_start3A_516 : memref<80x128xf32, #tpu.memory_space<hbm>>) target_semaphore(%arg23 : memref<!tpu.dma_semaphore, #tpu.memory_space<semaphore_mem>>)
      "tpu.region"() ({
        %run_scoped3A = tpu.sem_alloc : memref<!tpu.dma_semaphore, #tpu.memory_space<semaphore_mem>>
        %dma_start3A_740 = tpu.memref_slice %arg17[%multiple_of3A_509] : memref<10000xf32, #tpu.memory_space<vmem_shared>> -> memref<80xf32, #tpu.memory_space<vmem_shared>>
        %dma_start3A_741 = tpu.memref_slice %arg17[%multiple_of3A_509] : memref<10000xf32, #tpu.memory_space<vmem_shared>> -> memref<80xf32, #tpu.memory_space<vmem_shared>>
        tpu.enqueue_dma source(%dma_start3A_741 : memref<80xf32, #tpu.memory_space<vmem_shared>>) target(%arg15 : memref<80xf32, #tpu.memory_space<vmem>>) target_semaphore(%run_scoped3A : memref<!tpu.dma_semaphore, #tpu.memory_space<semaphore_mem>>)
        %dma_wait3A_742 = tpu.memref_slice %arg17[%multiple_of3A_509] : memref<10000xf32, #tpu.memory_space<vmem_shared>> -> memref<80xf32, #tpu.memory_space<vmem_shared>>
        %dma_wait3A_743 = tpu.memref_slice %arg17[%multiple_of3A_509] : memref<10000xf32, #tpu.memory_space<vmem_shared>> -> memref<80xf32, #tpu.memory_space<vmem_shared>>
        tpu.wait_dma2 semaphore(%run_scoped3A : memref<!tpu.dma_semaphore, #tpu.memory_space<semaphore_mem>>) src(%dma_wait3A_743 : memref<80xf32, #tpu.memory_space<vmem_shared>>) dst(%arg15 : memref<80xf32, #tpu.memory_space<vmem>>)
        tpu.yield
      }) : () -> ()
      %dma_start3A_520 = tpu.memref_slice %arg8[%multiple_of3A_509] : memref<10000xf32, #tpu.memory_space<hbm>> -> memref<80xf32, #tpu.memory_space<hbm>>
      %dma_start3A_521 = tpu.memref_slice %arg8[%multiple_of3A_509] : memref<10000xf32, #tpu.memory_space<hbm>> -> memref<80xf32, #tpu.memory_space<hbm>>
      tpu.enqueue_dma source(%arg15 : memref<80xf32, #tpu.memory_space<vmem>>) target(%dma_start3A_521 : memref<80xf32, #tpu.memory_space<hbm>>) target_semaphore(%arg19 : memref<!tpu.dma_semaphore, #tpu.memory_space<semaphore_mem>>)
      %add3A_522 = arith.constant 0 : i32
      %add3A_523 = arith.addi %add3A_522, %arg1 : i32
      %mul3A_524 = arith.constant 80 : i32
      %mul3A_525 = arith.muli %add3A_523, %mul3A_524 : i32
      %multiple_of3A_526 = tpu.assume_multiple %mul3A_525, 80 : i32
      %dma_wait3A_527 = arith.constant 0 : i32
      %dma_wait3A_528 = arith.constant 0 : i32
      %dma_wait3A_529 = tpu.memref_slice %arg11[%dma_wait3A_527, %dma_wait3A_528] : memref<125x128xf32, #tpu.memory_space<vmem>> -> memref<80x128xf32, #tpu.memory_space<vmem>>
      %dma_wait3A_530 = arith.constant 0 : i32
      %dma_wait3A_531 = tpu.memref_slice %arg7[%multiple_of3A_526, %dma_wait3A_530] : memref<10000x128xf32, #tpu.memory_space<hbm>> -> memref<80x128xf32, #tpu.memory_space<hbm>>
      %dma_wait3A_532 = arith.constant 0 : i32
      %dma_wait3A_533 = tpu.memref_slice %arg7[%multiple_of3A_526, %dma_wait3A_532] : memref<10000x128xf32, #tpu.memory_space<hbm>> -> memref<80x128xf32, #tpu.memory_space<hbm>>
      %dma_wait3A_534 = arith.constant 0 : i32
      %dma_wait3A_535 = arith.constant 0 : i32
      %dma_wait3A_536 = tpu.memref_slice %arg11[%dma_wait3A_534, %dma_wait3A_535] : memref<125x128xf32, #tpu.memory_space<vmem>> -> memref<80x128xf32, #tpu.memory_space<vmem>>
      tpu.wait_dma2 semaphore(%arg22 : memref<!tpu.dma_semaphore, #tpu.memory_space<semaphore_mem>>) src(%dma_wait3A_536 : memref<80x128xf32, #tpu.memory_space<vmem>>) dst(%dma_wait3A_533 : memref<80x128xf32, #tpu.memory_space<hbm>>)
      %dma_wait3A_537 = tpu.memref_slice %arg8[%multiple_of3A_526] : memref<10000xf32, #tpu.memory_space<hbm>> -> memref<80xf32, #tpu.memory_space<hbm>>
      %dma_wait3A_538 = tpu.memref_slice %arg8[%multiple_of3A_526] : memref<10000xf32, #tpu.memory_space<hbm>> -> memref<80xf32, #tpu.memory_space<hbm>>
      tpu.wait_dma2 semaphore(%arg18 : memref<!tpu.dma_semaphore, #tpu.memory_space<semaphore_mem>>) src(%arg14 : memref<80xf32, #tpu.memory_space<vmem>>) dst(%dma_wait3A_538 : memref<80xf32, #tpu.memory_space<hbm>>)
      %add3A_539 = arith.constant 32 : i32
      %add3A_540 = arith.addi %add3A_539, %arg1 : i32
      %mul3A_541 = arith.constant 80 : i32
      %mul3A_542 = arith.muli %add3A_540, %mul3A_541 : i32
      %multiple_of3A_543 = tpu.assume_multiple %mul3A_542, 80 : i32
      "tpu.region"() ({
        %run_scoped3A = tpu.sem_alloc : memref<!tpu.dma_semaphore, #tpu.memory_space<semaphore_mem>>
        %dma_start3A_740 = arith.constant 0 : i32
        %dma_start3A_741 = arith.constant 0 : i32
        %dma_start3A_742 = tpu.memref_slice %arg11[%dma_start3A_740, %dma_start3A_741] : memref<125x128xf32, #tpu.memory_space<vmem>> -> memref<80x128xf32, #tpu.memory_space<vmem>>
        %dma_start3A_743 = arith.constant 0 : i32
        %dma_start3A_744 = tpu.memref_slice %arg16[%multiple_of3A_543, %dma_start3A_743] : memref<10000x128xf32, #tpu.memory_space<vmem_shared>> -> memref<80x128xf32, #tpu.memory_space<vmem_shared>>
        %dma_start3A_745 = arith.constant 0 : i32
        %dma_start3A_746 = arith.constant 0 : i32
        %dma_start3A_747 = tpu.memref_slice %arg11[%dma_start3A_745, %dma_start3A_746] : memref<125x128xf32, #tpu.memory_space<vmem>> -> memref<80x128xf32, #tpu.memory_space<vmem>>
        %dma_start3A_748 = arith.constant 0 : i32
        %dma_start3A_749 = tpu.memref_slice %arg16[%multiple_of3A_543, %dma_start3A_748] : memref<10000x128xf32, #tpu.memory_space<vmem_shared>> -> memref<80x128xf32, #tpu.memory_space<vmem_shared>>
        tpu.enqueue_dma source(%dma_start3A_749 : memref<80x128xf32, #tpu.memory_space<vmem_shared>>) target(%dma_start3A_747 : memref<80x128xf32, #tpu.memory_space<vmem>>) target_semaphore(%run_scoped3A : memref<!tpu.dma_semaphore, #tpu.memory_space<semaphore_mem>>)
        %dma_wait3A_750 = arith.constant 0 : i32
        %dma_wait3A_751 = arith.constant 0 : i32
        %dma_wait3A_752 = tpu.memref_slice %arg11[%dma_wait3A_750, %dma_wait3A_751] : memref<125x128xf32, #tpu.memory_space<vmem>> -> memref<80x128xf32, #tpu.memory_space<vmem>>
        %dma_wait3A_753 = arith.constant 0 : i32
        %dma_wait3A_754 = tpu.memref_slice %arg16[%multiple_of3A_543, %dma_wait3A_753] : memref<10000x128xf32, #tpu.memory_space<vmem_shared>> -> memref<80x128xf32, #tpu.memory_space<vmem_shared>>
        %dma_wait3A_755 = arith.constant 0 : i32
        %dma_wait3A_756 = arith.constant 0 : i32
        %dma_wait3A_757 = tpu.memref_slice %arg11[%dma_wait3A_755, %dma_wait3A_756] : memref<125x128xf32, #tpu.memory_space<vmem>> -> memref<80x128xf32, #tpu.memory_space<vmem>>
        %dma_wait3A_758 = arith.constant 0 : i32
        %dma_wait3A_759 = tpu.memref_slice %arg16[%multiple_of3A_543, %dma_wait3A_758] : memref<10000x128xf32, #tpu.memory_space<vmem_shared>> -> memref<80x128xf32, #tpu.memory_space<vmem_shared>>
        tpu.wait_dma2 semaphore(%run_scoped3A : memref<!tpu.dma_semaphore, #tpu.memory_space<semaphore_mem>>) src(%dma_wait3A_759 : memref<80x128xf32, #tpu.memory_space<vmem_shared>>) dst(%dma_wait3A_757 : memref<80x128xf32, #tpu.memory_space<vmem>>)
        tpu.yield
      }) : () -> ()
      %dma_start3A_544 = arith.constant 0 : i32
      %dma_start3A_545 = arith.constant 0 : i32
      %dma_start3A_546 = tpu.memref_slice %arg11[%dma_start3A_544, %dma_start3A_545] : memref<125x128xf32, #tpu.memory_space<vmem>> -> memref<80x128xf32, #tpu.memory_space<vmem>>
      %dma_start3A_547 = arith.constant 0 : i32
      %dma_start3A_548 = tpu.memref_slice %arg7[%multiple_of3A_543, %dma_start3A_547] : memref<10000x128xf32, #tpu.memory_space<hbm>> -> memref<80x128xf32, #tpu.memory_space<hbm>>
      %dma_start3A_549 = arith.constant 0 : i32
      %dma_start3A_550 = tpu.memref_slice %arg7[%multiple_of3A_543, %dma_start3A_549] : memref<10000x128xf32, #tpu.memory_space<hbm>> -> memref<80x128xf32, #tpu.memory_space<hbm>>
      %dma_start3A_551 = arith.constant 0 : i32
      %dma_start3A_552 = arith.constant 0 : i32
      %dma_start3A_553 = tpu.memref_slice %arg11[%dma_start3A_551, %dma_start3A_552] : memref<125x128xf32, #tpu.memory_space<vmem>> -> memref<80x128xf32, #tpu.memory_space<vmem>>
      tpu.enqueue_dma source(%dma_start3A_553 : memref<80x128xf32, #tpu.memory_space<vmem>>) target(%dma_start3A_550 : memref<80x128xf32, #tpu.memory_space<hbm>>) target_semaphore(%arg22 : memref<!tpu.dma_semaphore, #tpu.memory_space<semaphore_mem>>)
      "tpu.region"() ({
        %run_scoped3A = tpu.sem_alloc : memref<!tpu.dma_semaphore, #tpu.memory_space<semaphore_mem>>
        %dma_start3A_740 = tpu.memref_slice %arg17[%multiple_of3A_543] : memref<10000xf32, #tpu.memory_space<vmem_shared>> -> memref<80xf32, #tpu.memory_space<vmem_shared>>
        %dma_start3A_741 = tpu.memref_slice %arg17[%multiple_of3A_543] : memref<10000xf32, #tpu.memory_space<vmem_shared>> -> memref<80xf32, #tpu.memory_space<vmem_shared>>
        tpu.enqueue_dma source(%dma_start3A_741 : memref<80xf32, #tpu.memory_space<vmem_shared>>) target(%arg14 : memref<80xf32, #tpu.memory_space<vmem>>) target_semaphore(%run_scoped3A : memref<!tpu.dma_semaphore, #tpu.memory_space<semaphore_mem>>)
        %dma_wait3A_742 = tpu.memref_slice %arg17[%multiple_of3A_543] : memref<10000xf32, #tpu.memory_space<vmem_shared>> -> memref<80xf32, #tpu.memory_space<vmem_shared>>
        %dma_wait3A_743 = tpu.memref_slice %arg17[%multiple_of3A_543] : memref<10000xf32, #tpu.memory_space<vmem_shared>> -> memref<80xf32, #tpu.memory_space<vmem_shared>>
        tpu.wait_dma2 semaphore(%run_scoped3A : memref<!tpu.dma_semaphore, #tpu.memory_space<semaphore_mem>>) src(%dma_wait3A_743 : memref<80xf32, #tpu.memory_space<vmem_shared>>) dst(%arg14 : memref<80xf32, #tpu.memory_space<vmem>>)
        tpu.yield
      }) : () -> ()
      %dma_start3A_554 = tpu.memref_slice %arg8[%multiple_of3A_543] : memref<10000xf32, #tpu.memory_space<hbm>> -> memref<80xf32, #tpu.memory_space<hbm>>
      %dma_start3A_555 = tpu.memref_slice %arg8[%multiple_of3A_543] : memref<10000xf32, #tpu.memory_space<hbm>> -> memref<80xf32, #tpu.memory_space<hbm>>
      tpu.enqueue_dma source(%arg14 : memref<80xf32, #tpu.memory_space<vmem>>) target(%dma_start3A_555 : memref<80xf32, #tpu.memory_space<hbm>>) target_semaphore(%arg18 : memref<!tpu.dma_semaphore, #tpu.memory_space<semaphore_mem>>)
      %add3A_556 = arith.constant 16 : i32
      %add3A_557 = arith.addi %add3A_556, %arg1 : i32
      %mul3A_558 = arith.constant 80 : i32
      %mul3A_559 = arith.muli %add3A_557, %mul3A_558 : i32
      %multiple_of3A_560 = tpu.assume_multiple %mul3A_559, 80 : i32
      %dma_wait3A_561 = arith.constant 0 : i32
      %dma_wait3A_562 = arith.constant 0 : i32
      %dma_wait3A_563 = tpu.memref_slice %arg12[%dma_wait3A_561, %dma_wait3A_562] : memref<125x128xf32, #tpu.memory_space<vmem>> -> memref<80x128xf32, #tpu.memory_space<vmem>>
      %dma_wait3A_564 = arith.constant 0 : i32
      %dma_wait3A_565 = tpu.memref_slice %arg7[%multiple_of3A_560, %dma_wait3A_564] : memref<10000x128xf32, #tpu.memory_space<hbm>> -> memref<80x128xf32, #tpu.memory_space<hbm>>
      %dma_wait3A_566 = arith.constant 0 : i32
      %dma_wait3A_567 = tpu.memref_slice %arg7[%multiple_of3A_560, %dma_wait3A_566] : memref<10000x128xf32, #tpu.memory_space<hbm>> -> memref<80x128xf32, #tpu.memory_space<hbm>>
      %dma_wait3A_568 = arith.constant 0 : i32
      %dma_wait3A_569 = arith.constant 0 : i32
      %dma_wait3A_570 = tpu.memref_slice %arg12[%dma_wait3A_568, %dma_wait3A_569] : memref<125x128xf32, #tpu.memory_space<vmem>> -> memref<80x128xf32, #tpu.memory_space<vmem>>
      tpu.wait_dma2 semaphore(%arg23 : memref<!tpu.dma_semaphore, #tpu.memory_space<semaphore_mem>>) src(%dma_wait3A_570 : memref<80x128xf32, #tpu.memory_space<vmem>>) dst(%dma_wait3A_567 : memref<80x128xf32, #tpu.memory_space<hbm>>)
      %dma_wait3A_571 = tpu.memref_slice %arg8[%multiple_of3A_560] : memref<10000xf32, #tpu.memory_space<hbm>> -> memref<80xf32, #tpu.memory_space<hbm>>
      %dma_wait3A_572 = tpu.memref_slice %arg8[%multiple_of3A_560] : memref<10000xf32, #tpu.memory_space<hbm>> -> memref<80xf32, #tpu.memory_space<hbm>>
      tpu.wait_dma2 semaphore(%arg19 : memref<!tpu.dma_semaphore, #tpu.memory_space<semaphore_mem>>) src(%arg15 : memref<80xf32, #tpu.memory_space<vmem>>) dst(%dma_wait3A_572 : memref<80xf32, #tpu.memory_space<hbm>>)
      %add3A_573 = arith.constant 48 : i32
      %add3A_574 = arith.addi %add3A_573, %arg1 : i32
      %mul3A_575 = arith.constant 80 : i32
      %mul3A_576 = arith.muli %add3A_574, %mul3A_575 : i32
      %multiple_of3A_577 = tpu.assume_multiple %mul3A_576, 80 : i32
      "tpu.region"() ({
        %run_scoped3A = tpu.sem_alloc : memref<!tpu.dma_semaphore, #tpu.memory_space<semaphore_mem>>
        %dma_start3A_740 = arith.constant 0 : i32
        %dma_start3A_741 = arith.constant 0 : i32
        %dma_start3A_742 = tpu.memref_slice %arg12[%dma_start3A_740, %dma_start3A_741] : memref<125x128xf32, #tpu.memory_space<vmem>> -> memref<80x128xf32, #tpu.memory_space<vmem>>
        %dma_start3A_743 = arith.constant 0 : i32
        %dma_start3A_744 = tpu.memref_slice %arg16[%multiple_of3A_577, %dma_start3A_743] : memref<10000x128xf32, #tpu.memory_space<vmem_shared>> -> memref<80x128xf32, #tpu.memory_space<vmem_shared>>
        %dma_start3A_745 = arith.constant 0 : i32
        %dma_start3A_746 = arith.constant 0 : i32
        %dma_start3A_747 = tpu.memref_slice %arg12[%dma_start3A_745, %dma_start3A_746] : memref<125x128xf32, #tpu.memory_space<vmem>> -> memref<80x128xf32, #tpu.memory_space<vmem>>
        %dma_start3A_748 = arith.constant 0 : i32
        %dma_start3A_749 = tpu.memref_slice %arg16[%multiple_of3A_577, %dma_start3A_748] : memref<10000x128xf32, #tpu.memory_space<vmem_shared>> -> memref<80x128xf32, #tpu.memory_space<vmem_shared>>
        tpu.enqueue_dma source(%dma_start3A_749 : memref<80x128xf32, #tpu.memory_space<vmem_shared>>) target(%dma_start3A_747 : memref<80x128xf32, #tpu.memory_space<vmem>>) target_semaphore(%run_scoped3A : memref<!tpu.dma_semaphore, #tpu.memory_space<semaphore_mem>>)
        %dma_wait3A_750 = arith.constant 0 : i32
        %dma_wait3A_751 = arith.constant 0 : i32
        %dma_wait3A_752 = tpu.memref_slice %arg12[%dma_wait3A_750, %dma_wait3A_751] : memref<125x128xf32, #tpu.memory_space<vmem>> -> memref<80x128xf32, #tpu.memory_space<vmem>>
        %dma_wait3A_753 = arith.constant 0 : i32
        %dma_wait3A_754 = tpu.memref_slice %arg16[%multiple_of3A_577, %dma_wait3A_753] : memref<10000x128xf32, #tpu.memory_space<vmem_shared>> -> memref<80x128xf32, #tpu.memory_space<vmem_shared>>
        %dma_wait3A_755 = arith.constant 0 : i32
        %dma_wait3A_756 = arith.constant 0 : i32
        %dma_wait3A_757 = tpu.memref_slice %arg12[%dma_wait3A_755, %dma_wait3A_756] : memref<125x128xf32, #tpu.memory_space<vmem>> -> memref<80x128xf32, #tpu.memory_space<vmem>>
        %dma_wait3A_758 = arith.constant 0 : i32
        %dma_wait3A_759 = tpu.memref_slice %arg16[%multiple_of3A_577, %dma_wait3A_758] : memref<10000x128xf32, #tpu.memory_space<vmem_shared>> -> memref<80x128xf32, #tpu.memory_space<vmem_shared>>
        tpu.wait_dma2 semaphore(%run_scoped3A : memref<!tpu.dma_semaphore, #tpu.memory_space<semaphore_mem>>) src(%dma_wait3A_759 : memref<80x128xf32, #tpu.memory_space<vmem_shared>>) dst(%dma_wait3A_757 : memref<80x128xf32, #tpu.memory_space<vmem>>)
        tpu.yield
      }) : () -> ()
      %dma_start3A_578 = arith.constant 0 : i32
      %dma_start3A_579 = arith.constant 0 : i32
      %dma_start3A_580 = tpu.memref_slice %arg12[%dma_start3A_578, %dma_start3A_579] : memref<125x128xf32, #tpu.memory_space<vmem>> -> memref<80x128xf32, #tpu.memory_space<vmem>>
      %dma_start3A_581 = arith.constant 0 : i32
      %dma_start3A_582 = tpu.memref_slice %arg7[%multiple_of3A_577, %dma_start3A_581] : memref<10000x128xf32, #tpu.memory_space<hbm>> -> memref<80x128xf32, #tpu.memory_space<hbm>>
      %dma_start3A_583 = arith.constant 0 : i32
      %dma_start3A_584 = tpu.memref_slice %arg7[%multiple_of3A_577, %dma_start3A_583] : memref<10000x128xf32, #tpu.memory_space<hbm>> -> memref<80x128xf32, #tpu.memory_space<hbm>>
      %dma_start3A_585 = arith.constant 0 : i32
      %dma_start3A_586 = arith.constant 0 : i32
      %dma_start3A_587 = tpu.memref_slice %arg12[%dma_start3A_585, %dma_start3A_586] : memref<125x128xf32, #tpu.memory_space<vmem>> -> memref<80x128xf32, #tpu.memory_space<vmem>>
      tpu.enqueue_dma source(%dma_start3A_587 : memref<80x128xf32, #tpu.memory_space<vmem>>) target(%dma_start3A_584 : memref<80x128xf32, #tpu.memory_space<hbm>>) target_semaphore(%arg23 : memref<!tpu.dma_semaphore, #tpu.memory_space<semaphore_mem>>)
      "tpu.region"() ({
        %run_scoped3A = tpu.sem_alloc : memref<!tpu.dma_semaphore, #tpu.memory_space<semaphore_mem>>
        %dma_start3A_740 = tpu.memref_slice %arg17[%multiple_of3A_577] : memref<10000xf32, #tpu.memory_space<vmem_shared>> -> memref<80xf32, #tpu.memory_space<vmem_shared>>
        %dma_start3A_741 = tpu.memref_slice %arg17[%multiple_of3A_577] : memref<10000xf32, #tpu.memory_space<vmem_shared>> -> memref<80xf32, #tpu.memory_space<vmem_shared>>
        tpu.enqueue_dma source(%dma_start3A_741 : memref<80xf32, #tpu.memory_space<vmem_shared>>) target(%arg15 : memref<80xf32, #tpu.memory_space<vmem>>) target_semaphore(%run_scoped3A : memref<!tpu.dma_semaphore, #tpu.memory_space<semaphore_mem>>)
        %dma_wait3A_742 = tpu.memref_slice %arg17[%multiple_of3A_577] : memref<10000xf32, #tpu.memory_space<vmem_shared>> -> memref<80xf32, #tpu.memory_space<vmem_shared>>
        %dma_wait3A_743 = tpu.memref_slice %arg17[%multiple_of3A_577] : memref<10000xf32, #tpu.memory_space<vmem_shared>> -> memref<80xf32, #tpu.memory_space<vmem_shared>>
        tpu.wait_dma2 semaphore(%run_scoped3A : memref<!tpu.dma_semaphore, #tpu.memory_space<semaphore_mem>>) src(%dma_wait3A_743 : memref<80xf32, #tpu.memory_space<vmem_shared>>) dst(%arg15 : memref<80xf32, #tpu.memory_space<vmem>>)
        tpu.yield
      }) : () -> ()
      %dma_start3A_588 = tpu.memref_slice %arg8[%multiple_of3A_577] : memref<10000xf32, #tpu.memory_space<hbm>> -> memref<80xf32, #tpu.memory_space<hbm>>
      %dma_start3A_589 = tpu.memref_slice %arg8[%multiple_of3A_577] : memref<10000xf32, #tpu.memory_space<hbm>> -> memref<80xf32, #tpu.memory_space<hbm>>
      tpu.enqueue_dma source(%arg15 : memref<80xf32, #tpu.memory_space<vmem>>) target(%dma_start3A_589 : memref<80xf32, #tpu.memory_space<hbm>>) target_semaphore(%arg19 : memref<!tpu.dma_semaphore, #tpu.memory_space<semaphore_mem>>)
      %add3A_590 = arith.constant 32 : i32
      %add3A_591 = arith.addi %add3A_590, %arg1 : i32
      %mul3A_592 = arith.constant 80 : i32
      %mul3A_593 = arith.muli %add3A_591, %mul3A_592 : i32
      %multiple_of3A_594 = tpu.assume_multiple %mul3A_593, 80 : i32
      %dma_wait3A_595 = arith.constant 0 : i32
      %dma_wait3A_596 = arith.constant 0 : i32
      %dma_wait3A_597 = tpu.memref_slice %arg11[%dma_wait3A_595, %dma_wait3A_596] : memref<125x128xf32, #tpu.memory_space<vmem>> -> memref<80x128xf32, #tpu.memory_space<vmem>>
      %dma_wait3A_598 = arith.constant 0 : i32
      %dma_wait3A_599 = tpu.memref_slice %arg7[%multiple_of3A_594, %dma_wait3A_598] : memref<10000x128xf32, #tpu.memory_space<hbm>> -> memref<80x128xf32, #tpu.memory_space<hbm>>
      %dma_wait3A_600 = arith.constant 0 : i32
      %dma_wait3A_601 = tpu.memref_slice %arg7[%multiple_of3A_594, %dma_wait3A_600] : memref<10000x128xf32, #tpu.memory_space<hbm>> -> memref<80x128xf32, #tpu.memory_space<hbm>>
      %dma_wait3A_602 = arith.constant 0 : i32
      %dma_wait3A_603 = arith.constant 0 : i32
      %dma_wait3A_604 = tpu.memref_slice %arg11[%dma_wait3A_602, %dma_wait3A_603] : memref<125x128xf32, #tpu.memory_space<vmem>> -> memref<80x128xf32, #tpu.memory_space<vmem>>
      tpu.wait_dma2 semaphore(%arg22 : memref<!tpu.dma_semaphore, #tpu.memory_space<semaphore_mem>>) src(%dma_wait3A_604 : memref<80x128xf32, #tpu.memory_space<vmem>>) dst(%dma_wait3A_601 : memref<80x128xf32, #tpu.memory_space<hbm>>)
      %dma_wait3A_605 = tpu.memref_slice %arg8[%multiple_of3A_594] : memref<10000xf32, #tpu.memory_space<hbm>> -> memref<80xf32, #tpu.memory_space<hbm>>
      %dma_wait3A_606 = tpu.memref_slice %arg8[%multiple_of3A_594] : memref<10000xf32, #tpu.memory_space<hbm>> -> memref<80xf32, #tpu.memory_space<hbm>>
      tpu.wait_dma2 semaphore(%arg18 : memref<!tpu.dma_semaphore, #tpu.memory_space<semaphore_mem>>) src(%arg14 : memref<80xf32, #tpu.memory_space<vmem>>) dst(%dma_wait3A_606 : memref<80xf32, #tpu.memory_space<hbm>>)
      %add3A_607 = arith.constant 64 : i32
      %add3A_608 = arith.addi %add3A_607, %arg1 : i32
      %mul3A_609 = arith.constant 80 : i32
      %mul3A_610 = arith.muli %add3A_608, %mul3A_609 : i32
      %multiple_of3A_611 = tpu.assume_multiple %mul3A_610, 80 : i32
      "tpu.region"() ({
        %run_scoped3A = tpu.sem_alloc : memref<!tpu.dma_semaphore, #tpu.memory_space<semaphore_mem>>
        %dma_start3A_740 = arith.constant 0 : i32
        %dma_start3A_741 = arith.constant 0 : i32
        %dma_start3A_742 = tpu.memref_slice %arg11[%dma_start3A_740, %dma_start3A_741] : memref<125x128xf32, #tpu.memory_space<vmem>> -> memref<80x128xf32, #tpu.memory_space<vmem>>
        %dma_start3A_743 = arith.constant 0 : i32
        %dma_start3A_744 = tpu.memref_slice %arg16[%multiple_of3A_611, %dma_start3A_743] : memref<10000x128xf32, #tpu.memory_space<vmem_shared>> -> memref<80x128xf32, #tpu.memory_space<vmem_shared>>
        %dma_start3A_745 = arith.constant 0 : i32
        %dma_start3A_746 = arith.constant 0 : i32
        %dma_start3A_747 = tpu.memref_slice %arg11[%dma_start3A_745, %dma_start3A_746] : memref<125x128xf32, #tpu.memory_space<vmem>> -> memref<80x128xf32, #tpu.memory_space<vmem>>
        %dma_start3A_748 = arith.constant 0 : i32
        %dma_start3A_749 = tpu.memref_slice %arg16[%multiple_of3A_611, %dma_start3A_748] : memref<10000x128xf32, #tpu.memory_space<vmem_shared>> -> memref<80x128xf32, #tpu.memory_space<vmem_shared>>
        tpu.enqueue_dma source(%dma_start3A_749 : memref<80x128xf32, #tpu.memory_space<vmem_shared>>) target(%dma_start3A_747 : memref<80x128xf32, #tpu.memory_space<vmem>>) target_semaphore(%run_scoped3A : memref<!tpu.dma_semaphore, #tpu.memory_space<semaphore_mem>>)
        %dma_wait3A_750 = arith.constant 0 : i32
        %dma_wait3A_751 = arith.constant 0 : i32
        %dma_wait3A_752 = tpu.memref_slice %arg11[%dma_wait3A_750, %dma_wait3A_751] : memref<125x128xf32, #tpu.memory_space<vmem>> -> memref<80x128xf32, #tpu.memory_space<vmem>>
        %dma_wait3A_753 = arith.constant 0 : i32
        %dma_wait3A_754 = tpu.memref_slice %arg16[%multiple_of3A_611, %dma_wait3A_753] : memref<10000x128xf32, #tpu.memory_space<vmem_shared>> -> memref<80x128xf32, #tpu.memory_space<vmem_shared>>
        %dma_wait3A_755 = arith.constant 0 : i32
        %dma_wait3A_756 = arith.constant 0 : i32
        %dma_wait3A_757 = tpu.memref_slice %arg11[%dma_wait3A_755, %dma_wait3A_756] : memref<125x128xf32, #tpu.memory_space<vmem>> -> memref<80x128xf32, #tpu.memory_space<vmem>>
        %dma_wait3A_758 = arith.constant 0 : i32
        %dma_wait3A_759 = tpu.memref_slice %arg16[%multiple_of3A_611, %dma_wait3A_758] : memref<10000x128xf32, #tpu.memory_space<vmem_shared>> -> memref<80x128xf32, #tpu.memory_space<vmem_shared>>
        tpu.wait_dma2 semaphore(%run_scoped3A : memref<!tpu.dma_semaphore, #tpu.memory_space<semaphore_mem>>) src(%dma_wait3A_759 : memref<80x128xf32, #tpu.memory_space<vmem_shared>>) dst(%dma_wait3A_757 : memref<80x128xf32, #tpu.memory_space<vmem>>)
        tpu.yield
      }) : () -> ()
      %dma_start3A_612 = arith.constant 0 : i32
      %dma_start3A_613 = arith.constant 0 : i32
      %dma_start3A_614 = tpu.memref_slice %arg11[%dma_start3A_612, %dma_start3A_613] : memref<125x128xf32, #tpu.memory_space<vmem>> -> memref<80x128xf32, #tpu.memory_space<vmem>>
      %dma_start3A_615 = arith.constant 0 : i32
      %dma_start3A_616 = tpu.memref_slice %arg7[%multiple_of3A_611, %dma_start3A_615] : memref<10000x128xf32, #tpu.memory_space<hbm>> -> memref<80x128xf32, #tpu.memory_space<hbm>>
      %dma_start3A_617 = arith.constant 0 : i32
      %dma_start3A_618 = tpu.memref_slice %arg7[%multiple_of3A_611, %dma_start3A_617] : memref<10000x128xf32, #tpu.memory_space<hbm>> -> memref<80x128xf32, #tpu.memory_space<hbm>>
      %dma_start3A_619 = arith.constant 0 : i32
      %dma_start3A_620 = arith.constant 0 : i32
      %dma_start3A_621 = tpu.memref_slice %arg11[%dma_start3A_619, %dma_start3A_620] : memref<125x128xf32, #tpu.memory_space<vmem>> -> memref<80x128xf32, #tpu.memory_space<vmem>>
      tpu.enqueue_dma source(%dma_start3A_621 : memref<80x128xf32, #tpu.memory_space<vmem>>) target(%dma_start3A_618 : memref<80x128xf32, #tpu.memory_space<hbm>>) target_semaphore(%arg22 : memref<!tpu.dma_semaphore, #tpu.memory_space<semaphore_mem>>)
      "tpu.region"() ({
        %run_scoped3A = tpu.sem_alloc : memref<!tpu.dma_semaphore, #tpu.memory_space<semaphore_mem>>
        %dma_start3A_740 = tpu.memref_slice %arg17[%multiple_of3A_611] : memref<10000xf32, #tpu.memory_space<vmem_shared>> -> memref<80xf32, #tpu.memory_space<vmem_shared>>
        %dma_start3A_741 = tpu.memref_slice %arg17[%multiple_of3A_611] : memref<10000xf32, #tpu.memory_space<vmem_shared>> -> memref<80xf32, #tpu.memory_space<vmem_shared>>
        tpu.enqueue_dma source(%dma_start3A_741 : memref<80xf32, #tpu.memory_space<vmem_shared>>) target(%arg14 : memref<80xf32, #tpu.memory_space<vmem>>) target_semaphore(%run_scoped3A : memref<!tpu.dma_semaphore, #tpu.memory_space<semaphore_mem>>)
        %dma_wait3A_742 = tpu.memref_slice %arg17[%multiple_of3A_611] : memref<10000xf32, #tpu.memory_space<vmem_shared>> -> memref<80xf32, #tpu.memory_space<vmem_shared>>
        %dma_wait3A_743 = tpu.memref_slice %arg17[%multiple_of3A_611] : memref<10000xf32, #tpu.memory_space<vmem_shared>> -> memref<80xf32, #tpu.memory_space<vmem_shared>>
        tpu.wait_dma2 semaphore(%run_scoped3A : memref<!tpu.dma_semaphore, #tpu.memory_space<semaphore_mem>>) src(%dma_wait3A_743 : memref<80xf32, #tpu.memory_space<vmem_shared>>) dst(%arg14 : memref<80xf32, #tpu.memory_space<vmem>>)
        tpu.yield
      }) : () -> ()
      %dma_start3A_622 = tpu.memref_slice %arg8[%multiple_of3A_611] : memref<10000xf32, #tpu.memory_space<hbm>> -> memref<80xf32, #tpu.memory_space<hbm>>
      %dma_start3A_623 = tpu.memref_slice %arg8[%multiple_of3A_611] : memref<10000xf32, #tpu.memory_space<hbm>> -> memref<80xf32, #tpu.memory_space<hbm>>
      tpu.enqueue_dma source(%arg14 : memref<80xf32, #tpu.memory_space<vmem>>) target(%dma_start3A_623 : memref<80xf32, #tpu.memory_space<hbm>>) target_semaphore(%arg18 : memref<!tpu.dma_semaphore, #tpu.memory_space<semaphore_mem>>)
      %add3A_624 = arith.constant 48 : i32
      %add3A_625 = arith.addi %add3A_624, %arg1 : i32
      %mul3A_626 = arith.constant 80 : i32
      %mul3A_627 = arith.muli %add3A_625, %mul3A_626 : i32
      %multiple_of3A_628 = tpu.assume_multiple %mul3A_627, 80 : i32
      %dma_wait3A_629 = arith.constant 0 : i32
      %dma_wait3A_630 = arith.constant 0 : i32
      %dma_wait3A_631 = tpu.memref_slice %arg12[%dma_wait3A_629, %dma_wait3A_630] : memref<125x128xf32, #tpu.memory_space<vmem>> -> memref<80x128xf32, #tpu.memory_space<vmem>>
      %dma_wait3A_632 = arith.constant 0 : i32
      %dma_wait3A_633 = tpu.memref_slice %arg7[%multiple_of3A_628, %dma_wait3A_632] : memref<10000x128xf32, #tpu.memory_space<hbm>> -> memref<80x128xf32, #tpu.memory_space<hbm>>
      %dma_wait3A_634 = arith.constant 0 : i32
      %dma_wait3A_635 = tpu.memref_slice %arg7[%multiple_of3A_628, %dma_wait3A_634] : memref<10000x128xf32, #tpu.memory_space<hbm>> -> memref<80x128xf32, #tpu.memory_space<hbm>>
      %dma_wait3A_636 = arith.constant 0 : i32
      %dma_wait3A_637 = arith.constant 0 : i32
      %dma_wait3A_638 = tpu.memref_slice %arg12[%dma_wait3A_636, %dma_wait3A_637] : memref<125x128xf32, #tpu.memory_space<vmem>> -> memref<80x128xf32, #tpu.memory_space<vmem>>
      tpu.wait_dma2 semaphore(%arg23 : memref<!tpu.dma_semaphore, #tpu.memory_space<semaphore_mem>>) src(%dma_wait3A_638 : memref<80x128xf32, #tpu.memory_space<vmem>>) dst(%dma_wait3A_635 : memref<80x128xf32, #tpu.memory_space<hbm>>)
      %dma_wait3A_639 = tpu.memref_slice %arg8[%multiple_of3A_628] : memref<10000xf32, #tpu.memory_space<hbm>> -> memref<80xf32, #tpu.memory_space<hbm>>
      %dma_wait3A_640 = tpu.memref_slice %arg8[%multiple_of3A_628] : memref<10000xf32, #tpu.memory_space<hbm>> -> memref<80xf32, #tpu.memory_space<hbm>>
      tpu.wait_dma2 semaphore(%arg19 : memref<!tpu.dma_semaphore, #tpu.memory_space<semaphore_mem>>) src(%arg15 : memref<80xf32, #tpu.memory_space<vmem>>) dst(%dma_wait3A_640 : memref<80xf32, #tpu.memory_space<hbm>>)
      %add3A_641 = arith.constant 80 : i32
      %add3A_642 = arith.addi %add3A_641, %arg1 : i32
      %mul3A_643 = arith.constant 80 : i32
      %mul3A_644 = arith.muli %add3A_642, %mul3A_643 : i32
      %multiple_of3A_645 = tpu.assume_multiple %mul3A_644, 80 : i32
      "tpu.region"() ({
        %run_scoped3A = tpu.sem_alloc : memref<!tpu.dma_semaphore, #tpu.memory_space<semaphore_mem>>
        %dma_start3A_740 = arith.constant 0 : i32
        %dma_start3A_741 = arith.constant 0 : i32
        %dma_start3A_742 = tpu.memref_slice %arg12[%dma_start3A_740, %dma_start3A_741] : memref<125x128xf32, #tpu.memory_space<vmem>> -> memref<80x128xf32, #tpu.memory_space<vmem>>
        %dma_start3A_743 = arith.constant 0 : i32
        %dma_start3A_744 = tpu.memref_slice %arg16[%multiple_of3A_645, %dma_start3A_743] : memref<10000x128xf32, #tpu.memory_space<vmem_shared>> -> memref<80x128xf32, #tpu.memory_space<vmem_shared>>
        %dma_start3A_745 = arith.constant 0 : i32
        %dma_start3A_746 = arith.constant 0 : i32
        %dma_start3A_747 = tpu.memref_slice %arg12[%dma_start3A_745, %dma_start3A_746] : memref<125x128xf32, #tpu.memory_space<vmem>> -> memref<80x128xf32, #tpu.memory_space<vmem>>
        %dma_start3A_748 = arith.constant 0 : i32
        %dma_start3A_749 = tpu.memref_slice %arg16[%multiple_of3A_645, %dma_start3A_748] : memref<10000x128xf32, #tpu.memory_space<vmem_shared>> -> memref<80x128xf32, #tpu.memory_space<vmem_shared>>
        tpu.enqueue_dma source(%dma_start3A_749 : memref<80x128xf32, #tpu.memory_space<vmem_shared>>) target(%dma_start3A_747 : memref<80x128xf32, #tpu.memory_space<vmem>>) target_semaphore(%run_scoped3A : memref<!tpu.dma_semaphore, #tpu.memory_space<semaphore_mem>>)
        %dma_wait3A_750 = arith.constant 0 : i32
        %dma_wait3A_751 = arith.constant 0 : i32
        %dma_wait3A_752 = tpu.memref_slice %arg12[%dma_wait3A_750, %dma_wait3A_751] : memref<125x128xf32, #tpu.memory_space<vmem>> -> memref<80x128xf32, #tpu.memory_space<vmem>>
        %dma_wait3A_753 = arith.constant 0 : i32
        %dma_wait3A_754 = tpu.memref_slice %arg16[%multiple_of3A_645, %dma_wait3A_753] : memref<10000x128xf32, #tpu.memory_space<vmem_shared>> -> memref<80x128xf32, #tpu.memory_space<vmem_shared>>
        %dma_wait3A_755 = arith.constant 0 : i32
        %dma_wait3A_756 = arith.constant 0 : i32
        %dma_wait3A_757 = tpu.memref_slice %arg12[%dma_wait3A_755, %dma_wait3A_756] : memref<125x128xf32, #tpu.memory_space<vmem>> -> memref<80x128xf32, #tpu.memory_space<vmem>>
        %dma_wait3A_758 = arith.constant 0 : i32
        %dma_wait3A_759 = tpu.memref_slice %arg16[%multiple_of3A_645, %dma_wait3A_758] : memref<10000x128xf32, #tpu.memory_space<vmem_shared>> -> memref<80x128xf32, #tpu.memory_space<vmem_shared>>
        tpu.wait_dma2 semaphore(%run_scoped3A : memref<!tpu.dma_semaphore, #tpu.memory_space<semaphore_mem>>) src(%dma_wait3A_759 : memref<80x128xf32, #tpu.memory_space<vmem_shared>>) dst(%dma_wait3A_757 : memref<80x128xf32, #tpu.memory_space<vmem>>)
        tpu.yield
      }) : () -> ()
      %dma_start3A_646 = arith.constant 0 : i32
      %dma_start3A_647 = arith.constant 0 : i32
      %dma_start3A_648 = tpu.memref_slice %arg12[%dma_start3A_646, %dma_start3A_647] : memref<125x128xf32, #tpu.memory_space<vmem>> -> memref<80x128xf32, #tpu.memory_space<vmem>>
      %dma_start3A_649 = arith.constant 0 : i32
      %dma_start3A_650 = tpu.memref_slice %arg7[%multiple_of3A_645, %dma_start3A_649] : memref<10000x128xf32, #tpu.memory_space<hbm>> -> memref<80x128xf32, #tpu.memory_space<hbm>>
      %dma_start3A_651 = arith.constant 0 : i32
      %dma_start3A_652 = tpu.memref_slice %arg7[%multiple_of3A_645, %dma_start3A_651] : memref<10000x128xf32, #tpu.memory_space<hbm>> -> memref<80x128xf32, #tpu.memory_space<hbm>>
      %dma_start3A_653 = arith.constant 0 : i32
      %dma_start3A_654 = arith.constant 0 : i32
      %dma_start3A_655 = tpu.memref_slice %arg12[%dma_start3A_653, %dma_start3A_654] : memref<125x128xf32, #tpu.memory_space<vmem>> -> memref<80x128xf32, #tpu.memory_space<vmem>>
      tpu.enqueue_dma source(%dma_start3A_655 : memref<80x128xf32, #tpu.memory_space<vmem>>) target(%dma_start3A_652 : memref<80x128xf32, #tpu.memory_space<hbm>>) target_semaphore(%arg23 : memref<!tpu.dma_semaphore, #tpu.memory_space<semaphore_mem>>)
      "tpu.region"() ({
        %run_scoped3A = tpu.sem_alloc : memref<!tpu.dma_semaphore, #tpu.memory_space<semaphore_mem>>
        %dma_start3A_740 = tpu.memref_slice %arg17[%multiple_of3A_645] : memref<10000xf32, #tpu.memory_space<vmem_shared>> -> memref<80xf32, #tpu.memory_space<vmem_shared>>
        %dma_start3A_741 = tpu.memref_slice %arg17[%multiple_of3A_645] : memref<10000xf32, #tpu.memory_space<vmem_shared>> -> memref<80xf32, #tpu.memory_space<vmem_shared>>
        tpu.enqueue_dma source(%dma_start3A_741 : memref<80xf32, #tpu.memory_space<vmem_shared>>) target(%arg15 : memref<80xf32, #tpu.memory_space<vmem>>) target_semaphore(%run_scoped3A : memref<!tpu.dma_semaphore, #tpu.memory_space<semaphore_mem>>)
        %dma_wait3A_742 = tpu.memref_slice %arg17[%multiple_of3A_645] : memref<10000xf32, #tpu.memory_space<vmem_shared>> -> memref<80xf32, #tpu.memory_space<vmem_shared>>
        %dma_wait3A_743 = tpu.memref_slice %arg17[%multiple_of3A_645] : memref<10000xf32, #tpu.memory_space<vmem_shared>> -> memref<80xf32, #tpu.memory_space<vmem_shared>>
        tpu.wait_dma2 semaphore(%run_scoped3A : memref<!tpu.dma_semaphore, #tpu.memory_space<semaphore_mem>>) src(%dma_wait3A_743 : memref<80xf32, #tpu.memory_space<vmem_shared>>) dst(%arg15 : memref<80xf32, #tpu.memory_space<vmem>>)
        tpu.yield
      }) : () -> ()
      %dma_start3A_656 = tpu.memref_slice %arg8[%multiple_of3A_645] : memref<10000xf32, #tpu.memory_space<hbm>> -> memref<80xf32, #tpu.memory_space<hbm>>
      %dma_start3A_657 = tpu.memref_slice %arg8[%multiple_of3A_645] : memref<10000xf32, #tpu.memory_space<hbm>> -> memref<80xf32, #tpu.memory_space<hbm>>
      tpu.enqueue_dma source(%arg15 : memref<80xf32, #tpu.memory_space<vmem>>) target(%dma_start3A_657 : memref<80xf32, #tpu.memory_space<hbm>>) target_semaphore(%arg19 : memref<!tpu.dma_semaphore, #tpu.memory_space<semaphore_mem>>)
      %add3A_658 = arith.constant 64 : i32
      %add3A_659 = arith.addi %add3A_658, %arg1 : i32
      %mul3A_660 = arith.constant 80 : i32
      %mul3A_661 = arith.muli %add3A_659, %mul3A_660 : i32
      %multiple_of3A_662 = tpu.assume_multiple %mul3A_661, 80 : i32
      %dma_wait3A_663 = arith.constant 0 : i32
      %dma_wait3A_664 = arith.constant 0 : i32
      %dma_wait3A_665 = tpu.memref_slice %arg11[%dma_wait3A_663, %dma_wait3A_664] : memref<125x128xf32, #tpu.memory_space<vmem>> -> memref<80x128xf32, #tpu.memory_space<vmem>>
      %dma_wait3A_666 = arith.constant 0 : i32
      %dma_wait3A_667 = tpu.memref_slice %arg7[%multiple_of3A_662, %dma_wait3A_666] : memref<10000x128xf32, #tpu.memory_space<hbm>> -> memref<80x128xf32, #tpu.memory_space<hbm>>
      %dma_wait3A_668 = arith.constant 0 : i32
      %dma_wait3A_669 = tpu.memref_slice %arg7[%multiple_of3A_662, %dma_wait3A_668] : memref<10000x128xf32, #tpu.memory_space<hbm>> -> memref<80x128xf32, #tpu.memory_space<hbm>>
      %dma_wait3A_670 = arith.constant 0 : i32
      %dma_wait3A_671 = arith.constant 0 : i32
      %dma_wait3A_672 = tpu.memref_slice %arg11[%dma_wait3A_670, %dma_wait3A_671] : memref<125x128xf32, #tpu.memory_space<vmem>> -> memref<80x128xf32, #tpu.memory_space<vmem>>
      tpu.wait_dma2 semaphore(%arg22 : memref<!tpu.dma_semaphore, #tpu.memory_space<semaphore_mem>>) src(%dma_wait3A_672 : memref<80x128xf32, #tpu.memory_space<vmem>>) dst(%dma_wait3A_669 : memref<80x128xf32, #tpu.memory_space<hbm>>)
      %dma_wait3A_673 = tpu.memref_slice %arg8[%multiple_of3A_662] : memref<10000xf32, #tpu.memory_space<hbm>> -> memref<80xf32, #tpu.memory_space<hbm>>
      %dma_wait3A_674 = tpu.memref_slice %arg8[%multiple_of3A_662] : memref<10000xf32, #tpu.memory_space<hbm>> -> memref<80xf32, #tpu.memory_space<hbm>>
      tpu.wait_dma2 semaphore(%arg18 : memref<!tpu.dma_semaphore, #tpu.memory_space<semaphore_mem>>) src(%arg14 : memref<80xf32, #tpu.memory_space<vmem>>) dst(%dma_wait3A_674 : memref<80xf32, #tpu.memory_space<hbm>>)
      %add3A_675 = arith.constant 96 : i32
      %add3A_676 = arith.addi %add3A_675, %arg1 : i32
      %mul3A_677 = arith.constant 80 : i32
      %mul3A_678 = arith.muli %add3A_676, %mul3A_677 : i32
      %multiple_of3A_679 = tpu.assume_multiple %mul3A_678, 80 : i32
      "tpu.region"() ({
        %run_scoped3A = tpu.sem_alloc : memref<!tpu.dma_semaphore, #tpu.memory_space<semaphore_mem>>
        %dma_start3A_740 = arith.constant 0 : i32
        %dma_start3A_741 = arith.constant 0 : i32
        %dma_start3A_742 = tpu.memref_slice %arg11[%dma_start3A_740, %dma_start3A_741] : memref<125x128xf32, #tpu.memory_space<vmem>> -> memref<80x128xf32, #tpu.memory_space<vmem>>
        %dma_start3A_743 = arith.constant 0 : i32
        %dma_start3A_744 = tpu.memref_slice %arg16[%multiple_of3A_679, %dma_start3A_743] : memref<10000x128xf32, #tpu.memory_space<vmem_shared>> -> memref<80x128xf32, #tpu.memory_space<vmem_shared>>
        %dma_start3A_745 = arith.constant 0 : i32
        %dma_start3A_746 = arith.constant 0 : i32
        %dma_start3A_747 = tpu.memref_slice %arg11[%dma_start3A_745, %dma_start3A_746] : memref<125x128xf32, #tpu.memory_space<vmem>> -> memref<80x128xf32, #tpu.memory_space<vmem>>
        %dma_start3A_748 = arith.constant 0 : i32
        %dma_start3A_749 = tpu.memref_slice %arg16[%multiple_of3A_679, %dma_start3A_748] : memref<10000x128xf32, #tpu.memory_space<vmem_shared>> -> memref<80x128xf32, #tpu.memory_space<vmem_shared>>
        tpu.enqueue_dma source(%dma_start3A_749 : memref<80x128xf32, #tpu.memory_space<vmem_shared>>) target(%dma_start3A_747 : memref<80x128xf32, #tpu.memory_space<vmem>>) target_semaphore(%run_scoped3A : memref<!tpu.dma_semaphore, #tpu.memory_space<semaphore_mem>>)
        %dma_wait3A_750 = arith.constant 0 : i32
        %dma_wait3A_751 = arith.constant 0 : i32
        %dma_wait3A_752 = tpu.memref_slice %arg11[%dma_wait3A_750, %dma_wait3A_751] : memref<125x128xf32, #tpu.memory_space<vmem>> -> memref<80x128xf32, #tpu.memory_space<vmem>>
        %dma_wait3A_753 = arith.constant 0 : i32
        %dma_wait3A_754 = tpu.memref_slice %arg16[%multiple_of3A_679, %dma_wait3A_753] : memref<10000x128xf32, #tpu.memory_space<vmem_shared>> -> memref<80x128xf32, #tpu.memory_space<vmem_shared>>
        %dma_wait3A_755 = arith.constant 0 : i32
        %dma_wait3A_756 = arith.constant 0 : i32
        %dma_wait3A_757 = tpu.memref_slice %arg11[%dma_wait3A_755, %dma_wait3A_756] : memref<125x128xf32, #tpu.memory_space<vmem>> -> memref<80x128xf32, #tpu.memory_space<vmem>>
        %dma_wait3A_758 = arith.constant 0 : i32
        %dma_wait3A_759 = tpu.memref_slice %arg16[%multiple_of3A_679, %dma_wait3A_758] : memref<10000x128xf32, #tpu.memory_space<vmem_shared>> -> memref<80x128xf32, #tpu.memory_space<vmem_shared>>
        tpu.wait_dma2 semaphore(%run_scoped3A : memref<!tpu.dma_semaphore, #tpu.memory_space<semaphore_mem>>) src(%dma_wait3A_759 : memref<80x128xf32, #tpu.memory_space<vmem_shared>>) dst(%dma_wait3A_757 : memref<80x128xf32, #tpu.memory_space<vmem>>)
        tpu.yield
      }) : () -> ()
      %dma_start3A_680 = arith.constant 0 : i32
      %dma_start3A_681 = arith.constant 0 : i32
      %dma_start3A_682 = tpu.memref_slice %arg11[%dma_start3A_680, %dma_start3A_681] : memref<125x128xf32, #tpu.memory_space<vmem>> -> memref<80x128xf32, #tpu.memory_space<vmem>>
      %dma_start3A_683 = arith.constant 0 : i32
      %dma_start3A_684 = tpu.memref_slice %arg7[%multiple_of3A_679, %dma_start3A_683] : memref<10000x128xf32, #tpu.memory_space<hbm>> -> memref<80x128xf32, #tpu.memory_space<hbm>>
      %dma_start3A_685 = arith.constant 0 : i32
      %dma_start3A_686 = tpu.memref_slice %arg7[%multiple_of3A_679, %dma_start3A_685] : memref<10000x128xf32, #tpu.memory_space<hbm>> -> memref<80x128xf32, #tpu.memory_space<hbm>>
      %dma_start3A_687 = arith.constant 0 : i32
      %dma_start3A_688 = arith.constant 0 : i32
      %dma_start3A_689 = tpu.memref_slice %arg11[%dma_start3A_687, %dma_start3A_688] : memref<125x128xf32, #tpu.memory_space<vmem>> -> memref<80x128xf32, #tpu.memory_space<vmem>>
      tpu.enqueue_dma source(%dma_start3A_689 : memref<80x128xf32, #tpu.memory_space<vmem>>) target(%dma_start3A_686 : memref<80x128xf32, #tpu.memory_space<hbm>>) target_semaphore(%arg22 : memref<!tpu.dma_semaphore, #tpu.memory_space<semaphore_mem>>)
      "tpu.region"() ({
        %run_scoped3A = tpu.sem_alloc : memref<!tpu.dma_semaphore, #tpu.memory_space<semaphore_mem>>
        %dma_start3A_740 = tpu.memref_slice %arg17[%multiple_of3A_679] : memref<10000xf32, #tpu.memory_space<vmem_shared>> -> memref<80xf32, #tpu.memory_space<vmem_shared>>
        %dma_start3A_741 = tpu.memref_slice %arg17[%multiple_of3A_679] : memref<10000xf32, #tpu.memory_space<vmem_shared>> -> memref<80xf32, #tpu.memory_space<vmem_shared>>
        tpu.enqueue_dma source(%dma_start3A_741 : memref<80xf32, #tpu.memory_space<vmem_shared>>) target(%arg14 : memref<80xf32, #tpu.memory_space<vmem>>) target_semaphore(%run_scoped3A : memref<!tpu.dma_semaphore, #tpu.memory_space<semaphore_mem>>)
        %dma_wait3A_742 = tpu.memref_slice %arg17[%multiple_of3A_679] : memref<10000xf32, #tpu.memory_space<vmem_shared>> -> memref<80xf32, #tpu.memory_space<vmem_shared>>
        %dma_wait3A_743 = tpu.memref_slice %arg17[%multiple_of3A_679] : memref<10000xf32, #tpu.memory_space<vmem_shared>> -> memref<80xf32, #tpu.memory_space<vmem_shared>>
        tpu.wait_dma2 semaphore(%run_scoped3A : memref<!tpu.dma_semaphore, #tpu.memory_space<semaphore_mem>>) src(%dma_wait3A_743 : memref<80xf32, #tpu.memory_space<vmem_shared>>) dst(%arg14 : memref<80xf32, #tpu.memory_space<vmem>>)
        tpu.yield
      }) : () -> ()
      %dma_start3A_690 = tpu.memref_slice %arg8[%multiple_of3A_679] : memref<10000xf32, #tpu.memory_space<hbm>> -> memref<80xf32, #tpu.memory_space<hbm>>
      %dma_start3A_691 = tpu.memref_slice %arg8[%multiple_of3A_679] : memref<10000xf32, #tpu.memory_space<hbm>> -> memref<80xf32, #tpu.memory_space<hbm>>
      tpu.enqueue_dma source(%arg14 : memref<80xf32, #tpu.memory_space<vmem>>) target(%dma_start3A_691 : memref<80xf32, #tpu.memory_space<hbm>>) target_semaphore(%arg18 : memref<!tpu.dma_semaphore, #tpu.memory_space<semaphore_mem>>)
      %add3A_692 = arith.constant 80 : i32
      %add3A_693 = arith.addi %add3A_692, %arg1 : i32
      %mul3A_694 = arith.constant 80 : i32
      %mul3A_695 = arith.muli %add3A_693, %mul3A_694 : i32
      %multiple_of3A_696 = tpu.assume_multiple %mul3A_695, 80 : i32
      %dma_wait3A_697 = arith.constant 0 : i32
      %dma_wait3A_698 = arith.constant 0 : i32
      %dma_wait3A_699 = tpu.memref_slice %arg12[%dma_wait3A_697, %dma_wait3A_698] : memref<125x128xf32, #tpu.memory_space<vmem>> -> memref<80x128xf32, #tpu.memory_space<vmem>>
      %dma_wait3A_700 = arith.constant 0 : i32
      %dma_wait3A_701 = tpu.memref_slice %arg7[%multiple_of3A_696, %dma_wait3A_700] : memref<10000x128xf32, #tpu.memory_space<hbm>> -> memref<80x128xf32, #tpu.memory_space<hbm>>
      %dma_wait3A_702 = arith.constant 0 : i32
      %dma_wait3A_703 = tpu.memref_slice %arg7[%multiple_of3A_696, %dma_wait3A_702] : memref<10000x128xf32, #tpu.memory_space<hbm>> -> memref<80x128xf32, #tpu.memory_space<hbm>>
      %dma_wait3A_704 = arith.constant 0 : i32
      %dma_wait3A_705 = arith.constant 0 : i32
      %dma_wait3A_706 = tpu.memref_slice %arg12[%dma_wait3A_704, %dma_wait3A_705] : memref<125x128xf32, #tpu.memory_space<vmem>> -> memref<80x128xf32, #tpu.memory_space<vmem>>
      tpu.wait_dma2 semaphore(%arg23 : memref<!tpu.dma_semaphore, #tpu.memory_space<semaphore_mem>>) src(%dma_wait3A_706 : memref<80x128xf32, #tpu.memory_space<vmem>>) dst(%dma_wait3A_703 : memref<80x128xf32, #tpu.memory_space<hbm>>)
      %dma_wait3A_707 = tpu.memref_slice %arg8[%multiple_of3A_696] : memref<10000xf32, #tpu.memory_space<hbm>> -> memref<80xf32, #tpu.memory_space<hbm>>
      %dma_wait3A_708 = tpu.memref_slice %arg8[%multiple_of3A_696] : memref<10000xf32, #tpu.memory_space<hbm>> -> memref<80xf32, #tpu.memory_space<hbm>>
      tpu.wait_dma2 semaphore(%arg19 : memref<!tpu.dma_semaphore, #tpu.memory_space<semaphore_mem>>) src(%arg15 : memref<80xf32, #tpu.memory_space<vmem>>) dst(%dma_wait3A_708 : memref<80xf32, #tpu.memory_space<hbm>>)
      %add3A_709 = arith.constant 112 : i32
      %add3A_710 = arith.addi %add3A_709, %arg1 : i32
      %lt3A_711 = arith.constant 125 : i32
      %lt3A_712 = arith.cmpi slt, %add3A_710, %lt3A_711 : i32
      %convert_element_type3A_713 = arith.extui %lt3A_712 : i1 to i32
      %cond3A_714 = arith.constant 0 : i32
      %cond3A_715 = arith.cmpi ne, %convert_element_type3A_713, %cond3A_714 : i32
      scf.if %cond3A_715 {
        %add3A_740 = arith.constant 112 : i32
        %add3A_741 = arith.addi %add3A_740, %arg1 : i32
        %mul3A_742 = arith.constant 80 : i32
        %mul3A_743 = arith.muli %add3A_741, %mul3A_742 : i32
        %multiple_of3A_744 = tpu.assume_multiple %mul3A_743, 80 : i32
        "tpu.region"() ({
          %run_scoped3A = tpu.sem_alloc : memref<!tpu.dma_semaphore, #tpu.memory_space<semaphore_mem>>
          %dma_start3A_757 = arith.constant 0 : i32
          %dma_start3A_758 = arith.constant 0 : i32
          %dma_start3A_759 = tpu.memref_slice %arg12[%dma_start3A_757, %dma_start3A_758] : memref<125x128xf32, #tpu.memory_space<vmem>> -> memref<80x128xf32, #tpu.memory_space<vmem>>
          %dma_start3A_760 = arith.constant 0 : i32
          %dma_start3A_761 = tpu.memref_slice %arg16[%multiple_of3A_744, %dma_start3A_760] : memref<10000x128xf32, #tpu.memory_space<vmem_shared>> -> memref<80x128xf32, #tpu.memory_space<vmem_shared>>
          %dma_start3A_762 = arith.constant 0 : i32
          %dma_start3A_763 = arith.constant 0 : i32
          %dma_start3A_764 = tpu.memref_slice %arg12[%dma_start3A_762, %dma_start3A_763] : memref<125x128xf32, #tpu.memory_space<vmem>> -> memref<80x128xf32, #tpu.memory_space<vmem>>
          %dma_start3A_765 = arith.constant 0 : i32
          %dma_start3A_766 = tpu.memref_slice %arg16[%multiple_of3A_744, %dma_start3A_765] : memref<10000x128xf32, #tpu.memory_space<vmem_shared>> -> memref<80x128xf32, #tpu.memory_space<vmem_shared>>
          tpu.enqueue_dma source(%dma_start3A_766 : memref<80x128xf32, #tpu.memory_space<vmem_shared>>) target(%dma_start3A_764 : memref<80x128xf32, #tpu.memory_space<vmem>>) target_semaphore(%run_scoped3A : memref<!tpu.dma_semaphore, #tpu.memory_space<semaphore_mem>>)
          %dma_wait3A_767 = arith.constant 0 : i32
          %dma_wait3A_768 = arith.constant 0 : i32
          %dma_wait3A_769 = tpu.memref_slice %arg12[%dma_wait3A_767, %dma_wait3A_768] : memref<125x128xf32, #tpu.memory_space<vmem>> -> memref<80x128xf32, #tpu.memory_space<vmem>>
          %dma_wait3A_770 = arith.constant 0 : i32
          %dma_wait3A_771 = tpu.memref_slice %arg16[%multiple_of3A_744, %dma_wait3A_770] : memref<10000x128xf32, #tpu.memory_space<vmem_shared>> -> memref<80x128xf32, #tpu.memory_space<vmem_shared>>
          %dma_wait3A_772 = arith.constant 0 : i32
          %dma_wait3A_773 = arith.constant 0 : i32
          %dma_wait3A_774 = tpu.memref_slice %arg12[%dma_wait3A_772, %dma_wait3A_773] : memref<125x128xf32, #tpu.memory_space<vmem>> -> memref<80x128xf32, #tpu.memory_space<vmem>>
          %dma_wait3A_775 = arith.constant 0 : i32
          %dma_wait3A_776 = tpu.memref_slice %arg16[%multiple_of3A_744, %dma_wait3A_775] : memref<10000x128xf32, #tpu.memory_space<vmem_shared>> -> memref<80x128xf32, #tpu.memory_space<vmem_shared>>
          tpu.wait_dma2 semaphore(%run_scoped3A : memref<!tpu.dma_semaphore, #tpu.memory_space<semaphore_mem>>) src(%dma_wait3A_776 : memref<80x128xf32, #tpu.memory_space<vmem_shared>>) dst(%dma_wait3A_774 : memref<80x128xf32, #tpu.memory_space<vmem>>)
          tpu.yield
        }) : () -> ()
        %dma_start3A_745 = arith.constant 0 : i32
        %dma_start3A_746 = arith.constant 0 : i32
        %dma_start3A_747 = tpu.memref_slice %arg12[%dma_start3A_745, %dma_start3A_746] : memref<125x128xf32, #tpu.memory_space<vmem>> -> memref<80x128xf32, #tpu.memory_space<vmem>>
        %dma_start3A_748 = arith.constant 0 : i32
        %dma_start3A_749 = tpu.memref_slice %arg7[%multiple_of3A_744, %dma_start3A_748] : memref<10000x128xf32, #tpu.memory_space<hbm>> -> memref<80x128xf32, #tpu.memory_space<hbm>>
        %dma_start3A_750 = arith.constant 0 : i32
        %dma_start3A_751 = tpu.memref_slice %arg7[%multiple_of3A_744, %dma_start3A_750] : memref<10000x128xf32, #tpu.memory_space<hbm>> -> memref<80x128xf32, #tpu.memory_space<hbm>>
        %dma_start3A_752 = arith.constant 0 : i32
        %dma_start3A_753 = arith.constant 0 : i32
        %dma_start3A_754 = tpu.memref_slice %arg12[%dma_start3A_752, %dma_start3A_753] : memref<125x128xf32, #tpu.memory_space<vmem>> -> memref<80x128xf32, #tpu.memory_space<vmem>>
        tpu.enqueue_dma source(%dma_start3A_754 : memref<80x128xf32, #tpu.memory_space<vmem>>) target(%dma_start3A_751 : memref<80x128xf32, #tpu.memory_space<hbm>>) target_semaphore(%arg23 : memref<!tpu.dma_semaphore, #tpu.memory_space<semaphore_mem>>)
        "tpu.region"() ({
          %run_scoped3A = tpu.sem_alloc : memref<!tpu.dma_semaphore, #tpu.memory_space<semaphore_mem>>
          %dma_start3A_757 = tpu.memref_slice %arg17[%multiple_of3A_744] : memref<10000xf32, #tpu.memory_space<vmem_shared>> -> memref<80xf32, #tpu.memory_space<vmem_shared>>
          %dma_start3A_758 = tpu.memref_slice %arg17[%multiple_of3A_744] : memref<10000xf32, #tpu.memory_space<vmem_shared>> -> memref<80xf32, #tpu.memory_space<vmem_shared>>
          tpu.enqueue_dma source(%dma_start3A_758 : memref<80xf32, #tpu.memory_space<vmem_shared>>) target(%arg15 : memref<80xf32, #tpu.memory_space<vmem>>) target_semaphore(%run_scoped3A : memref<!tpu.dma_semaphore, #tpu.memory_space<semaphore_mem>>)
          %dma_wait3A_759 = tpu.memref_slice %arg17[%multiple_of3A_744] : memref<10000xf32, #tpu.memory_space<vmem_shared>> -> memref<80xf32, #tpu.memory_space<vmem_shared>>
          %dma_wait3A_760 = tpu.memref_slice %arg17[%multiple_of3A_744] : memref<10000xf32, #tpu.memory_space<vmem_shared>> -> memref<80xf32, #tpu.memory_space<vmem_shared>>
          tpu.wait_dma2 semaphore(%run_scoped3A : memref<!tpu.dma_semaphore, #tpu.memory_space<semaphore_mem>>) src(%dma_wait3A_760 : memref<80xf32, #tpu.memory_space<vmem_shared>>) dst(%arg15 : memref<80xf32, #tpu.memory_space<vmem>>)
          tpu.yield
        }) : () -> ()
        %dma_start3A_755 = tpu.memref_slice %arg8[%multiple_of3A_744] : memref<10000xf32, #tpu.memory_space<hbm>> -> memref<80xf32, #tpu.memory_space<hbm>>
        %dma_start3A_756 = tpu.memref_slice %arg8[%multiple_of3A_744] : memref<10000xf32, #tpu.memory_space<hbm>> -> memref<80xf32, #tpu.memory_space<hbm>>
        tpu.enqueue_dma source(%arg15 : memref<80xf32, #tpu.memory_space<vmem>>) target(%dma_start3A_756 : memref<80xf32, #tpu.memory_space<hbm>>) target_semaphore(%arg19 : memref<!tpu.dma_semaphore, #tpu.memory_space<semaphore_mem>>)
      } else {
      }
      %add3A_716 = arith.constant 96 : i32
      %add3A_717 = arith.addi %add3A_716, %arg1 : i32
      %mul3A_718 = arith.constant 80 : i32
      %mul3A_719 = arith.muli %add3A_717, %mul3A_718 : i32
      %multiple_of3A_720 = tpu.assume_multiple %mul3A_719, 80 : i32
      %dma_wait3A_721 = arith.constant 0 : i32
      %dma_wait3A_722 = arith.constant 0 : i32
      %dma_wait3A_723 = tpu.memref_slice %arg11[%dma_wait3A_721, %dma_wait3A_722] : memref<125x128xf32, #tpu.memory_space<vmem>> -> memref<80x128xf32, #tpu.memory_space<vmem>>
      %dma_wait3A_724 = arith.constant 0 : i32
      %dma_wait3A_725 = tpu.memref_slice %arg7[%multiple_of3A_720, %dma_wait3A_724] : memref<10000x128xf32, #tpu.memory_space<hbm>> -> memref<80x128xf32, #tpu.memory_space<hbm>>
      %dma_wait3A_726 = arith.constant 0 : i32
      %dma_wait3A_727 = tpu.memref_slice %arg7[%multiple_of3A_720, %dma_wait3A_726] : memref<10000x128xf32, #tpu.memory_space<hbm>> -> memref<80x128xf32, #tpu.memory_space<hbm>>
      %dma_wait3A_728 = arith.constant 0 : i32
      %dma_wait3A_729 = arith.constant 0 : i32
      %dma_wait3A_730 = tpu.memref_slice %arg11[%dma_wait3A_728, %dma_wait3A_729] : memref<125x128xf32, #tpu.memory_space<vmem>> -> memref<80x128xf32, #tpu.memory_space<vmem>>
      tpu.wait_dma2 semaphore(%arg22 : memref<!tpu.dma_semaphore, #tpu.memory_space<semaphore_mem>>) src(%dma_wait3A_730 : memref<80x128xf32, #tpu.memory_space<vmem>>) dst(%dma_wait3A_727 : memref<80x128xf32, #tpu.memory_space<hbm>>)
      %dma_wait3A_731 = tpu.memref_slice %arg8[%multiple_of3A_720] : memref<10000xf32, #tpu.memory_space<hbm>> -> memref<80xf32, #tpu.memory_space<hbm>>
      %dma_wait3A_732 = tpu.memref_slice %arg8[%multiple_of3A_720] : memref<10000xf32, #tpu.memory_space<hbm>> -> memref<80xf32, #tpu.memory_space<hbm>>
      tpu.wait_dma2 semaphore(%arg18 : memref<!tpu.dma_semaphore, #tpu.memory_space<semaphore_mem>>) src(%arg14 : memref<80xf32, #tpu.memory_space<vmem>>) dst(%dma_wait3A_732 : memref<80xf32, #tpu.memory_space<hbm>>)
      %add3A_733 = arith.constant 112 : i32
      %add3A_734 = arith.addi %add3A_733, %arg1 : i32
      %lt3A_735 = arith.constant 125 : i32
      %lt3A_736 = arith.cmpi slt, %add3A_734, %lt3A_735 : i32
      %convert_element_type3A_737 = arith.extui %lt3A_736 : i1 to i32
      %cond3A_738 = arith.constant 0 : i32
      %cond3A_739 = arith.cmpi ne, %convert_element_type3A_737, %cond3A_738 : i32
      scf.if %cond3A_739 {
        %add3A_740 = arith.constant 112 : i32
        %add3A_741 = arith.addi %add3A_740, %arg1 : i32
        %mul3A_742 = arith.constant 80 : i32
        %mul3A_743 = arith.muli %add3A_741, %mul3A_742 : i32
        %multiple_of3A_744 = tpu.assume_multiple %mul3A_743, 80 : i32
        %dma_wait3A_745 = arith.constant 0 : i32
        %dma_wait3A_746 = arith.constant 0 : i32
        %dma_wait3A_747 = tpu.memref_slice %arg12[%dma_wait3A_745, %dma_wait3A_746] : memref<125x128xf32, #tpu.memory_space<vmem>> -> memref<80x128xf32, #tpu.memory_space<vmem>>
        %dma_wait3A_748 = arith.constant 0 : i32
        %dma_wait3A_749 = tpu.memref_slice %arg7[%multiple_of3A_744, %dma_wait3A_748] : memref<10000x128xf32, #tpu.memory_space<hbm>> -> memref<80x128xf32, #tpu.memory_space<hbm>>
        %dma_wait3A_750 = arith.constant 0 : i32
        %dma_wait3A_751 = tpu.memref_slice %arg7[%multiple_of3A_744, %dma_wait3A_750] : memref<10000x128xf32, #tpu.memory_space<hbm>> -> memref<80x128xf32, #tpu.memory_space<hbm>>
        %dma_wait3A_752 = arith.constant 0 : i32
        %dma_wait3A_753 = arith.constant 0 : i32
        %dma_wait3A_754 = tpu.memref_slice %arg12[%dma_wait3A_752, %dma_wait3A_753] : memref<125x128xf32, #tpu.memory_space<vmem>> -> memref<80x128xf32, #tpu.memory_space<vmem>>
        tpu.wait_dma2 semaphore(%arg23 : memref<!tpu.dma_semaphore, #tpu.memory_space<semaphore_mem>>) src(%dma_wait3A_754 : memref<80x128xf32, #tpu.memory_space<vmem>>) dst(%dma_wait3A_751 : memref<80x128xf32, #tpu.memory_space<hbm>>)
        %dma_wait3A_755 = tpu.memref_slice %arg8[%multiple_of3A_744] : memref<10000xf32, #tpu.memory_space<hbm>> -> memref<80xf32, #tpu.memory_space<hbm>>
        %dma_wait3A_756 = tpu.memref_slice %arg8[%multiple_of3A_744] : memref<10000xf32, #tpu.memory_space<hbm>> -> memref<80xf32, #tpu.memory_space<hbm>>
        tpu.wait_dma2 semaphore(%arg19 : memref<!tpu.dma_semaphore, #tpu.memory_space<semaphore_mem>>) src(%arg15 : memref<80xf32, #tpu.memory_space<vmem>>) dst(%dma_wait3A_756 : memref<80xf32, #tpu.memory_space<hbm>>)
      } else {
      }
    } else {
    }
    return
  }
}

module attributes {stable_mosaic.version = 14 : i64} {
  func.func @_tc_body(%arg0: i32, %arg1: memref<2048x128xf32, #tpu.memory_space<vmem>>, %arg2: memref<2048x128xf32, #tpu.memory_space<vmem>>, %arg3: memref<1x10240xf32, #tpu.memory_space<vmem>>, %arg4: memref<2048x128xf32, #tpu.memory_space<vmem>>, %arg5: memref<1x10240xf32, #tpu.memory_space<vmem>>, %arg6: memref<128x128xf32, #tpu.memory_space<vmem>>, %arg7: memref<128x128xf32, #tpu.memory_space<vmem>>, %arg8: memref<128x128xf32, #tpu.memory_space<vmem>>, %arg9: memref<1x128xf32, #tpu.memory_space<vmem>>, %arg10: memref<128x64xf32, #tpu.memory_space<vmem>>, %arg11: memref<1x64xf32, #tpu.memory_space<vmem>>, %arg12: memref<2048x64xf32, #tpu.memory_space<vmem>>) attributes {dimension_semantics = [#tpu.dimension_semantics<arbitrary>], iteration_bounds = array<i64: 5>, scalar_prefetch = 0 : i64, scratch_operands = 0 : i64, tpu.core_type = #tpu.core_type<tc>, window_params = [{transform_indices = @transform_0, window_bounds = array<i64: 2048, 128>}, {transform_indices = @transform_1, window_bounds = array<i64: 2048, 128>}, {pipeline_mode = #tpu.pipeline_mode<synchronous>, transform_indices = @transform_2, window_bounds = array<i64: 1, 10240>}, {transform_indices = @transform_3, window_bounds = array<i64: 2048, 128>}, {pipeline_mode = #tpu.pipeline_mode<synchronous>, transform_indices = @transform_4, window_bounds = array<i64: 1, 10240>}, {pipeline_mode = #tpu.pipeline_mode<synchronous>, transform_indices = @transform_5, window_bounds = array<i64: 128, 128>}, {pipeline_mode = #tpu.pipeline_mode<synchronous>, transform_indices = @transform_6, window_bounds = array<i64: 128, 128>}, {pipeline_mode = #tpu.pipeline_mode<synchronous>, transform_indices = @transform_7, window_bounds = array<i64: 128, 128>}, {pipeline_mode = #tpu.pipeline_mode<synchronous>, transform_indices = @transform_8, window_bounds = array<i64: 1, 128>}, {pipeline_mode = #tpu.pipeline_mode<synchronous>, transform_indices = @transform_9, window_bounds = array<i64: 128, 64>}, {pipeline_mode = #tpu.pipeline_mode<synchronous>, transform_indices = @transform_10, window_bounds = array<i64: 1, 64>}, {transform_indices = @transform_11, window_bounds = array<i64: 2048, 64>}]} {
    %get3A = arith.constant 0 : index
    %get3A_0 = arith.constant 0 : index
    %get3A_1 = vector.load %arg1[%get3A, %get3A_0] : memref<2048x128xf32, #tpu.memory_space<vmem>>, vector<2048x128xf32>
    %mul3A = arith.constant 2048 : i32
    %mul3A_2 = arith.muli %arg0, %mul3A : i32
    %get3A_3 = arith.constant 0 : index
    %get3A_4 = arith.index_cast %mul3A_2 : i32 to index
    %get3A_5 = vector.load %arg3[%get3A_3, %get3A_4] : memref<1x10240xf32, #tpu.memory_space<vmem>>, vector<1x2048xf32>
    %mul3A_6 = arith.constant 2048 : i32
    %mul3A_7 = arith.muli %arg0, %mul3A_6 : i32
    %get3A_8 = arith.constant 0 : index
    %get3A_9 = arith.index_cast %mul3A_7 : i32 to index
    %get3A_10 = vector.load %arg5[%get3A_8, %get3A_9] : memref<1x10240xf32, #tpu.memory_space<vmem>>, vector<1x2048xf32>
    %transpose3A = tpu.transpose %get3A_5, [1, 0] : vector<1x2048xf32> -> vector<2048x1xf32>
    %max3A = arith.constant 1.000000e+00 : f32
    %max3A_11 = vector.broadcast %max3A : f32 to vector<2048x1xf32>
    %max3A_12 = arith.maximumf %transpose3A, %max3A_11 : vector<2048x1xf32>
    %div3A = arith.constant 1.000000e+00 : f32
    %div3A_13 = vector.broadcast %div3A : f32 to vector<2048x1xf32>
    %div3A_14 = arith.divf %div3A_13, %max3A_12 : vector<2048x1xf32>
    %transpose3A_15 = tpu.transpose %get3A_10, [1, 0] : vector<1x2048xf32> -> vector<2048x1xf32>
    %max3A_16 = arith.constant 1.000000e+00 : f32
    %max3A_17 = vector.broadcast %max3A_16 : f32 to vector<2048x1xf32>
    %max3A_18 = arith.maximumf %transpose3A_15, %max3A_17 : vector<2048x1xf32>
    %div3A_19 = arith.constant 1.000000e+00 : f32
    %div3A_20 = vector.broadcast %div3A_19 : f32 to vector<2048x1xf32>
    %div3A_21 = arith.divf %div3A_20, %max3A_18 : vector<2048x1xf32>
    %get3A_22 = arith.constant 0 : index
    %get3A_23 = arith.constant 0 : index
    %get3A_24 = vector.load %arg6[%get3A_22, %get3A_23] : memref<128x128xf32, #tpu.memory_space<vmem>>, vector<128x128xf32>
    %dot_general3A = arith.constant dense<0.000000e+00> : vector<2048x128xf32>
    %dot_general3A_25 = tpu.matmul %get3A_1, %get3A_24, %dot_general3A {dimension_numbers = #tpu.dot_dimension_numbers<[1], [0], [0], [1], [0, 0, 1, 1], [], []>, transpose_lhs_hint = false} : vector<2048x128xf32>, vector<128x128xf32>, vector<2048x128xf32> -> vector<2048x128xf32>
    %get3A_26 = arith.constant 0 : index
    %get3A_27 = arith.constant 0 : index
    %get3A_28 = vector.load %arg2[%get3A_26, %get3A_27] : memref<2048x128xf32, #tpu.memory_space<vmem>>, vector<2048x128xf32>
    %mul3A_29 = vector.broadcast %div3A_14 : vector<2048x1xf32> to vector<2048x128xf32>
    %mul3A_30 = arith.mulf %get3A_28, %mul3A_29 : vector<2048x128xf32>
    %get3A_31 = arith.constant 0 : index
    %get3A_32 = arith.constant 0 : index
    %get3A_33 = vector.load %arg7[%get3A_31, %get3A_32] : memref<128x128xf32, #tpu.memory_space<vmem>>, vector<128x128xf32>
    %dot_general3A_34 = arith.constant dense<0.000000e+00> : vector<2048x128xf32>
    %dot_general3A_35 = tpu.matmul %mul3A_30, %get3A_33, %dot_general3A_34 {dimension_numbers = #tpu.dot_dimension_numbers<[1], [0], [0], [1], [0, 0, 1, 1], [], []>, transpose_lhs_hint = false} : vector<2048x128xf32>, vector<128x128xf32>, vector<2048x128xf32> -> vector<2048x128xf32>
    %add3A = arith.addf %dot_general3A_25, %dot_general3A_35 : vector<2048x128xf32>
    %get3A_36 = arith.constant 0 : index
    %get3A_37 = arith.constant 0 : index
    %get3A_38 = vector.load %arg4[%get3A_36, %get3A_37] : memref<2048x128xf32, #tpu.memory_space<vmem>>, vector<2048x128xf32>
    %mul3A_39 = vector.broadcast %div3A_21 : vector<2048x1xf32> to vector<2048x128xf32>
    %mul3A_40 = arith.mulf %get3A_38, %mul3A_39 : vector<2048x128xf32>
    %get3A_41 = arith.constant 0 : index
    %get3A_42 = arith.constant 0 : index
    %get3A_43 = vector.load %arg8[%get3A_41, %get3A_42] : memref<128x128xf32, #tpu.memory_space<vmem>>, vector<128x128xf32>
    %dot_general3A_44 = arith.constant dense<0.000000e+00> : vector<2048x128xf32>
    %dot_general3A_45 = tpu.matmul %mul3A_40, %get3A_43, %dot_general3A_44 {dimension_numbers = #tpu.dot_dimension_numbers<[1], [0], [0], [1], [0, 0, 1, 1], [], []>, transpose_lhs_hint = false} : vector<2048x128xf32>, vector<128x128xf32>, vector<2048x128xf32> -> vector<2048x128xf32>
    %add3A_46 = arith.addf %add3A, %dot_general3A_45 : vector<2048x128xf32>
    %get3A_47 = arith.constant 0 : index
    %get3A_48 = arith.constant 0 : index
    %get3A_49 = vector.load %arg9[%get3A_47, %get3A_48] : memref<1x128xf32, #tpu.memory_space<vmem>>, vector<1x128xf32>
    %add3A_50 = vector.broadcast %get3A_49 : vector<1x128xf32> to vector<2048x128xf32>
    %add3A_51 = arith.addf %add3A_46, %add3A_50 : vector<2048x128xf32>
    %max3A_52 = arith.constant 0.000000e+00 : f32
    %max3A_53 = vector.broadcast %max3A_52 : f32 to vector<2048x128xf32>
    %max3A_54 = arith.maximumf %add3A_51, %max3A_53 : vector<2048x128xf32>
    %get3A_55 = arith.constant 0 : index
    %get3A_56 = arith.constant 0 : index
    %get3A_57 = vector.load %arg10[%get3A_55, %get3A_56] : memref<128x64xf32, #tpu.memory_space<vmem>>, vector<128x64xf32>
    %dot_general3A_58 = arith.constant dense<0.000000e+00> : vector<2048x64xf32>
    %dot_general3A_59 = tpu.matmul %max3A_54, %get3A_57, %dot_general3A_58 {dimension_numbers = #tpu.dot_dimension_numbers<[1], [0], [0], [1], [0, 0, 1, 1], [], []>, transpose_lhs_hint = false} : vector<2048x128xf32>, vector<128x64xf32>, vector<2048x64xf32> -> vector<2048x64xf32>
    %get3A_60 = arith.constant 0 : index
    %get3A_61 = arith.constant 0 : index
    %get3A_62 = vector.load %arg11[%get3A_60, %get3A_61] : memref<1x64xf32, #tpu.memory_space<vmem>>, vector<1x64xf32>
    %add3A_63 = vector.broadcast %get3A_62 : vector<1x64xf32> to vector<2048x64xf32>
    %add3A_64 = arith.addf %dot_general3A_59, %add3A_63 : vector<2048x64xf32>
    %reduce_max3A = arith.constant dense<0xFF800000> : vector<2048xf32>
    %reduce_max3A_65 = vector.multi_reduction <maximumf>, %add3A_64, %reduce_max3A [1] : vector<2048x64xf32> to vector<2048xf32>
    %broadcast_in_dim3A = vector.shape_cast %reduce_max3A_65 : vector<2048xf32> to vector<2048x1xf32>
    %sub3A = vector.broadcast %broadcast_in_dim3A : vector<2048x1xf32> to vector<2048x64xf32>
    %sub3A_66 = arith.subf %add3A_64, %sub3A : vector<2048x64xf32>
    %exp3A = math.exp %sub3A_66 : vector<2048x64xf32>
    %reduce_sum3A = arith.constant dense<0.000000e+00> : vector<2048xf32>
    %reduce_sum3A_67 = vector.multi_reduction <add>, %exp3A, %reduce_sum3A [1] : vector<2048x64xf32> to vector<2048xf32>
    %broadcast_in_dim3A_68 = vector.shape_cast %reduce_sum3A_67 : vector<2048xf32> to vector<2048x1xf32>
    %div3A_69 = vector.broadcast %broadcast_in_dim3A_68 : vector<2048x1xf32> to vector<2048x64xf32>
    %div3A_70 = arith.divf %exp3A, %div3A_69 : vector<2048x64xf32>
    %swap3A = arith.constant 0 : index
    %swap3A_71 = arith.constant 0 : index
    %swap3A_72 = vector.load %arg12[%swap3A, %swap3A_71] : memref<2048x64xf32, #tpu.memory_space<vmem>>, vector<2048x64xf32>
    tpu.vector_store %arg12[%swap3A, %swap3A_71], %div3A_70 {strides = array<i32>} : memref<2048x64xf32, #tpu.memory_space<vmem>>, vector<2048x64xf32>,
    return
  }
  func.func @transform_0(%arg0: i32) -> (i32, i32) {
    %c0_i32 = arith.constant 0 : i32
    %c0_i32_0 = arith.constant 0 : i32
    return %arg0, %c0_i32 : i32, i32
  }
  func.func @transform_1(%arg0: i32) -> (i32, i32) {
    %c0_i32 = arith.constant 0 : i32
    %c0_i32_0 = arith.constant 0 : i32
    return %arg0, %c0_i32 : i32, i32
  }
  func.func @transform_2(%arg0: i32) -> (i32, i32) {
    %c0_i32 = arith.constant 0 : i32
    %c0_i32_0 = arith.constant 0 : i32
    %c0_i32_1 = arith.constant 0 : i32
    return %c0_i32, %c0_i32_0 : i32, i32
  }
  func.func @transform_3(%arg0: i32) -> (i32, i32) {
    %c0_i32 = arith.constant 0 : i32
    %c0_i32_0 = arith.constant 0 : i32
    return %arg0, %c0_i32 : i32, i32
  }
  func.func @transform_4(%arg0: i32) -> (i32, i32) {
    %c0_i32 = arith.constant 0 : i32
    %c0_i32_0 = arith.constant 0 : i32
    %c0_i32_1 = arith.constant 0 : i32
    return %c0_i32, %c0_i32_0 : i32, i32
  }
  func.func @transform_5(%arg0: i32) -> (i32, i32) {
    %c0_i32 = arith.constant 0 : i32
    %c0_i32_0 = arith.constant 0 : i32
    %c0_i32_1 = arith.constant 0 : i32
    return %c0_i32, %c0_i32_0 : i32, i32
  }
  func.func @transform_6(%arg0: i32) -> (i32, i32) {
    %c0_i32 = arith.constant 0 : i32
    %c0_i32_0 = arith.constant 0 : i32
    %c0_i32_1 = arith.constant 0 : i32
    return %c0_i32, %c0_i32_0 : i32, i32
  }
  func.func @transform_7(%arg0: i32) -> (i32, i32) {
    %c0_i32 = arith.constant 0 : i32
    %c0_i32_0 = arith.constant 0 : i32
    %c0_i32_1 = arith.constant 0 : i32
    return %c0_i32, %c0_i32_0 : i32, i32
  }
  func.func @transform_8(%arg0: i32) -> (i32, i32) {
    %c0_i32 = arith.constant 0 : i32
    %c0_i32_0 = arith.constant 0 : i32
    %c0_i32_1 = arith.constant 0 : i32
    return %c0_i32, %c0_i32_0 : i32, i32
  }
  func.func @transform_9(%arg0: i32) -> (i32, i32) {
    %c0_i32 = arith.constant 0 : i32
    %c0_i32_0 = arith.constant 0 : i32
    %c0_i32_1 = arith.constant 0 : i32
    return %c0_i32, %c0_i32_0 : i32, i32
  }
  func.func @transform_10(%arg0: i32) -> (i32, i32) {
    %c0_i32 = arith.constant 0 : i32
    %c0_i32_0 = arith.constant 0 : i32
    %c0_i32_1 = arith.constant 0 : i32
    return %c0_i32, %c0_i32_0 : i32, i32
  }
  func.func @transform_11(%arg0: i32) -> (i32, i32) {
    %c0_i32 = arith.constant 0 : i32
    %c0_i32_0 = arith.constant 0 : i32
    return %arg0, %c0_i32 : i32, i32
  }
}

</mosaic_0001>

<sc_bundles>
// kernel: kernel.4.cloned.1.call-start
scs
__scs_entry_jumppad:
0x0: {  	(pc) =	sbr.rel $0x88, $3  }
0x1: {  	(tag) =	ssettag $0x0;
	lr =	simm.s32 $0x1  }
0x2: {  	[smem:$0x3F98] =	sst lr;
	_ =	strace $0xD0000000  }
0x3: {  	_ = 	snop  }
0x4: {  	_ = 	snop  }
0x5: {  	_ = 	snop  }
0x6: {  	_ = 	snop  }
0x7: {  	_ = 	snop  }
__scs_overlays_trampoline_lowered:
0x8: {  	[smem:$0x3FA7] =	sst s0  }
0x9: {  	[smem:$0x3FA8] =	sst s1  }
0xa: {  	[smem:$0x3FA9] =	sst s2  }
0xb: {  	[smem:$0x3FAA] =	sst s3  }
0xc: {  	[smem:$0x3FAB] =	sst s4  }
0xd: {  	[smem:$0x3FAC] =	sst s5  }
0xe: {  	[smem:$0x3FAD] =	sst s6  }
0xf: {  	[smem:$0x3FAE] =	sst s7  }
0x10: {  	[smem:$0x3FAF] =	sst s8  }
0x11: {  	[smem:$0x3FB0] =	sst s9;
	s0 =	simm.s32 @!p0 $0x0  }
0x12: {  	s1 =	sld [smem:$0x3F96];
	s0 =	simm.s32 @p0 $0x1  }
0x13: {  	[smem:$0x3FB1] =	sst s0;
	s0 =	simm.s32 @!p1 $0x0  }
0x14: {  	s2 =	sld [smem:$0x3F95];
	s0 =	simm.s32 @p1 $0x1  }
0x15: {  	[smem:$0x3FB2] =	sst s0;
	s0 =	simm.s32 @!p2 $0x0  }
0x16: {  	s3 =	sld [smem:$0x3FDB];
	s0 =	simm.s32 @p2 $0x1  }
0x17: {  	s4 =	simm.s32 $0x1BF5;
	[smem:$0x3FB4] =	sst s0  }
0x18: {  	s0 =	sld [smem:$0x3F97];
	_ =	swait.ge [sflag:s4], $0x0  }
0x19: {  	s7 =	sld [smem:$0x3F98]  }
0x1a: {  	s8 =	sadd.s32 $0xFFFFE003, lr  }
0x1b: {  	s9 =	sadd.s32 $0xFFFFFEF7, lr;
	s5 =	simm.s32 $0xFFFFFFFF;
	p2 =	slt.u32 s8, $0xFFFFF086  }
0x1c: {  	p1 =	slt.u32 s9, $0xF7A;
	s5 =	simm.s32 @!p2 $0x0  }
0x1d: {  	s5 =	simm.s32 @p1 $0x1;
	p0 =	seq.s32 s7, s2  }
0x1e: {  	s7 =	smul.u32 @!p0 $0xF7A, s2;
	p2 =	seq.s32 @!p0 s5, $0x0  }
0x1f: {  	s9 =	smul.u32 $0xF7A, s1;
	s8 =	simm.s32 @!p0 $0x1BF5;
	p2 =	por !p2, p0  }
0x20: {  	[sflag:s8] =	ssyncset.s32 @!p0 $0xFFFFF086;
	s6 =	sadd.s32 @!p0 s3, s7;
	s7 =	simm.s32 @!p0 $0x108  }
0x21: {  	s3 =	sadd.s32 s3, s9;
	s6 =	sadd.s32 @!p0 $0x88, s6;
	s7 =	simm.s32 @p2 $0x1082  }
0x22: {  	[simem:s7], [sflag:s8] =	dma.local @!p0 [hbm:s6], $0xF7A  }
0x23: {  	s9 =	sor.u32 $0xD0000000, s2;
	s6 =	simm.s32 $0x108;
	_ =	swait.ge @!p0 [sflag:s8], $0x0  }
0x24: {  	s3 =	sadd.s32 $0x88, s3;
	s6 =	simm.s32 @!p1 $0x1082;
	[sflag:s4] =	ssyncset.s32 $0xFFFFF086  }
0x25: {  	[simem:s6], [sflag:s4] =	dma.local [hbm:s3], $0xF7A  }
0x26: {  	[smem:$0x3F98] =	sst s1;
	(tag) =	ssettag s2;
	_ =	strace s9  }
0x27: {  	s1 =	sld [smem:$0x3FA8]  }
0x28: {  	s2 =	sld [smem:$0x3FA9]  }
0x29: {  	s4 =	sld [smem:$0x3FAB]  }
0x2a: {  	p0 =	seq.s32 s5, $0x0;
	s5 =	sld [smem:$0x3FAC]  }
0x2b: {  	s6 =	sld [smem:$0x3FAD]  }
0x2c: {  	s7 =	sld [smem:$0x3FAE]  }
0x2d: {  	s3 =	simm.s32 $0x108;
	s8 =	sld [smem:$0x3FAF]  }
0x2e: {  	s3 =	simm.s32 @!p0 $0x1082;
	s9 =	sld [smem:$0x3FB0]  }
0x2f: {  	lr =	sadd.s32 s0, s3;
	s0 =	sld [smem:$0x3FA7]  }
0x30: {  	s3 =	sld [smem:$0x3FAA]  }
0x31: {  	[smem:$0x3FB3] =	sst s10  }
0x32: {  	s10 =	sld [smem:$0x3FB1];
	_ =	sdelay $0x3  }
0x33: {  	p0 =	seq.s32 s10, $0x1;
	s10 =	sld [smem:$0x3FB3];
	_ =	sdelay $0x3  }
0x34: {  	[smem:$0x3FB3] =	sst s10  }
0x35: {  	s10 =	sld [smem:$0x3FB2];
	_ =	sdelay $0x3  }
0x36: {  	p1 =	seq.s32 s10, $0x1;
	s10 =	sld [smem:$0x3FB3];
	_ =	sdelay $0x3  }
0x37: {  	[smem:$0x3FB3] =	sst s10  }
0x38: {  	s10 =	sld [smem:$0x3FB4]  }
0x39: {  	_ = 	snop;
	(pc) =	sbr.ind lr, $3  }
0x3a: {  	_ = 	snop  }
0x3b: {  	_ = 	snop  }
0x3c: {  	p2 =	seq.s32 s10, $0x1;
	s10 =	sld [smem:$0x3FB3]  }
0x3d: {  	_ =	shalt  }
0x3e: {  	_ =	shalt  }
0x3f: {  	_ =	shalt  }
0x40: {  	_ =	shalt  }
0x41: {  	_ =	shalt  }
0x42: {  	_ =	shalt  }
0x43: {  	_ =	shalt  }
0x44: {  	_ =	shalt  }
0x45: {  	_ =	shalt  }
0x46: {  	_ =	shalt  }
0x47: {  	_ =	shalt  }
0x48: {  	_ =	shalt  }
0x49: {  	_ =	shalt  }
0x4a: {  	_ =	shalt  }
0x4b: {  	_ =	shalt  }
0x4c: {  	_ =	shalt  }
0x4d: {  	_ =	shalt  }
0x4e: {  	_ =	shalt  }
0x4f: {  	_ =	shalt  }
0x50: {  	_ =	shalt  }
0x51: {  	_ =	shalt  }
0x52: {  	_ =	shalt  }
0x53: {  	_ =	shalt  }
0x54: {  	_ =	shalt  }
0x55: {  	_ =	shalt  }
0x56: {  	_ =	shalt  }
0x57: {  	_ =	shalt  }
0x58: {  	_ =	shalt  }
0x59: {  	_ =	shalt  }
0x5a: {  	_ =	shalt  }
0x5b: {  	_ =	shalt  }
0x5c: {  	_ =	shalt  }
0x5d: {  	_ =	shalt  }
0x5e: {  	_ =	shalt  }
0x5f: {  	_ =	shalt  }
0x60: {  	_ =	shalt  }
0x61: {  	_ =	shalt  }
0x62: {  	_ =	shalt  }
0x63: {  	_ =	shalt  }
0x64: {  	_ =	shalt  }
0x65: {  	_ =	shalt  }
0x66: {  	_ =	shalt  }
0x67: {  	_ =	shalt  }
0x68: {  	_ =	shalt  }
0x69: {  	_ =	shalt  }
0x6a: {  	_ =	shalt  }
0x6b: {  	_ =	shalt  }
0x6c: {  	_ =	shalt  }
0x6d: {  	_ =	shalt  }
0x6e: {  	_ =	shalt  }
0x6f: {  	_ =	shalt  }
0x70: {  	_ =	shalt  }
0x71: {  	_ =	shalt  }
0x72: {  	_ =	shalt  }
0x73: {  	_ =	shalt  }
0x74: {  	_ =	shalt  }
0x75: {  	_ =	shalt  }
0x76: {  	_ =	shalt  }
0x77: {  	_ =	shalt  }
0x78: {  	_ =	shalt  }
0x79: {  	_ =	shalt  }
0x7a: {  	_ =	shalt  }
0x7b: {  	_ =	shalt  }
0x7c: {  	_ =	shalt  }
0x7d: {  	_ =	shalt  }
0x7e: {  	_ =	shalt  }
0x7f: {  	_ =	shalt  }
0x80: {  	_ =	shalt  }
0x81: {  	_ =	shalt  }
0x82: {  	_ =	shalt  }
0x83: {  	_ =	shalt  }
0x84: {  	_ =	shalt  }
0x85: {  	_ =	shalt  }
0x86: {  	_ =	shalt  }
0x87: {  	_ =	shalt  }
.Lfunc_end0:
.L_simem_size_0:
called_computation_lowered:
.L_overlay_start_0:
0x88: {  	s2 =	sld [smem:$0x3FD9]  }
0x89: {  	s3 =	sld [smem:$0x3FFE];
	_ =	sdelay $0x1  }
0x8a: {  	s1 =	srdreg.scid  }
0x8b: {  	s0 =	sand.u32 $0x1, s1  }
0x8c: {  	s17 =	sshll.u32 s0, $0xA;
	s2 =	sadd.s32 s3, s2  }
0x8d: {  	s2 =	sadd.s32 s2, s17  }
0x8e: {  	[smem:$0x3FBF] =	sst s2  }
0x8f: {  	_ = 	snop  }
0x90: {  	s2 =	sld [smem:$0x3FC9]  }
0x91: {  	s18 =	sld [smem:$0x3FD0];
	(tm) =	ssettm $0x1  }
0x92: {  	s4 =	sld [smem:$0x3FFB];
	_ =	sdelay $0x3  }
0x93: {  	_ =	strace s4  }
0x94: {  	s4 =	sld [smem:$0x3FFC];
	_ =	sdelay $0x3  }
0x95: {  	_ =	strace s4  }
0x96: {  	s4 =	sld [smem:$0x3FFD];
	_ =	sdelay $0x3  }
0x97: {  	_ =	strace s4  }
0x98: {  	_ =	strace $0x8FFFFFFF  }
0x99: {  	s19 =	sld [smem:$0x3FDB];
	_ =	sdelay $0x1  }
0x9a: {  	s5 =	simm.s32 $_scs_section_size  }
0x9b: {  	s6 =	simm.s32 $_size__tile_overlayer_lowered;
	s7 =	simm.s32 $_tile_overlayer_lowered  }
0x9c: {  	s22 =	simm.s32 $0x1BFF;
	s21 =	sshll.u32 s7, $0x1;
	s4 =	sadd.s32 s5, s19  }
0x9d: {  	s8 =	simm.s32 $0x0;
	s20 =	sshll.u32 s6, $0x1;
	s6 =	sadd.s32 s21, s4  }
0x9e: {  	[timem:s8], [sflag:s22] =	dma.local [hbm:s6], s20  }
0x9f: {  	_ =	swait.ge [sflag:s22], s20  }
0xa0: {  	s5 =	ssub.s32 $0x0, s20;
	[sflag:s22] =	ssyncset.done $0x0  }
0xa1: {  	[sflag:s22] =	ssyncadd.s32 s5;
	_ =	sdelay $0x1  }
0xa2: {  	s23 =	simm.s32 $0x1B8B  }
0xa3: {  	_ =	swait.ge [sflag:s23], $0x1  }
0xa4: {  	[sflag:s23] =	ssyncset.done $0x0  }
0xa5: {  	s25 =	simm.s32 $0x1B8E;
	s24 =	sld [smem:$0x3FFE];
	[sflag:s23] =	ssyncadd.s32 $0xFFFFFFFF  }
0xa6: {  	s26 =	simm.s32 $execute0_lowered;
	[smem:$0x3FD2] =	sst s25  }
0xa7: {  	s6 =	sshll.u32 s26, $0x1;
	_ =	strace $0x80000046;
	[dreg:$0x1] =	wrdreg $0xFFFFFFFF  }
0xa8: {  	s28 =	simm.s32 $_size_execute0_lowered;
	s4 =	sadd.s32 s4, s6;
	[dreg:$0x0] =	wrdreg $0x0  }
0xa9: {  	s6 =	sshll.u32 s28, $0x1;
	[dreg:$0x2] =	wrdreg s4  }
0xaa: {  	[dreg:$0x3] =	wrdreg s6  }
0xab: {  	[dreg:$0x4] =	wrdreg $0xC0  }
0xac: {  	_ =	task [dreg:s8], $0x5FFFF  }
0xad: {  	[dreg:$0x1] =	wrdreg $0xFFFFFFFF  }
0xae: {  	[dreg:$0x0] =	wrdreg $0x60  }
0xaf: {  	[dreg:$0x2] =	wrdreg s2  }
0xb0: {  	[dreg:$0x3] =	wrdreg s18  }
0xb1: {  	[dreg:$0x4] =	wrdreg s24  }
0xb2: {  	[dreg:$0x5] =	wrdreg $0x85800  }
0xb3: {  	[dreg:$0x6] =	wrdreg $0x1BE000  }
0xb4: {  	[dreg:$0x7] =	wrdreg $0x9  }
0xb5: {  	_ =	task.clear_ibuf [dreg:s8], $0x8FFFF;
	_ =	strace $0x90000046  }
0xb6: {  	s29 =	simm.s32 $0x9;
	_ =	strace $0x80000048  }
0xb7: {  	_ =	swait.ge [sflag:s29], $0x1  }
0xb8: {  	[sflag:s29] =	ssyncadd.s32 $0xFFFFFFFF  }
0xb9: {  	_ =	strace $0x90000048  }
0xba: {  	_ =	sfence  }
0xbb: {  	s30 =	sld [smem:$0x0];
	_ =	sdelay $0x2  }
0xbc: {  	s31 =	sshll.u32 s1, $0xD;
	s1 =	sshrl.u32 s1, $0x2  }
0xbd: {  	s3 =	sand.u32 $0x4000, s31;
	s1 =	sadd.s32 s1, s30  }
0xbe: {  	s0 =	sor.u32 s3, s0;
	s1 =	sshll.u32 s1, $0x11  }
0xbf: {  	s0 =	sor.u32 s1, s0  }
0xc0: {  	s0 =	sadd.s32 $0x8F2B, s0  }
0xc1: {  	[sflag:s0] =	ssyncadd.remote.s32 $0x1  }
0xc2: {  	_ =	sfence.sel $0xFFFF  }
0xc3: {  	[dreg:$0x0] =	wrdreg $0xFFFFFFFF;
	(pc) =	sbr.abs _section_cstart, $3  }
0xc4: {  	[dreg:$0x1] =	wrdreg $0xFFFFFFFF  }
0xc5: {  	_ =	task.clear_ibuf [dreg:s8], $0x2FFFF;
	_ =	strace $0x9FFFFFFF  }
0xc6: {  	(tm) =	ssettm $0x7FFFFFFF  }
0xc7: {  	_ =	shalt  }
tec
execute0_lowered:
.L_overlay_start_1:
0x0: {  	(tag) =	ssettag $0x1  }
0x1: {  	s1 =	rddreg [dreg:$0x0]  }
0x2: {  	s2 =	rddreg [dreg:$0x1]  }
0x3: {  	s0 =	rddreg [dreg:$0x2]  }
0x4: {  	s3 =	rddreg [dreg:$0x3]  }
0x5: {  	s4 =	rddreg [dreg:$0x4];
	s5 =	simm.s32 $0x0;
	s6 =	srdreg.scid  }
0x6: {  	[smem:$0x7FF] =	sst s5;
	s7 =	sadd.s32 $0x2200, s0;
	s5 =	stileid.u32  }
0x7: {  	s6 =	sand.u32 $0x1, s6;
	s26 =	sadd.s32 $0xCE00, s0;
	s29 =	sadd.s32 $0xC200, s0  }
0x8: {  	s30 =	sadd.s32 $0x34000, s0;
	_ =	strace $0x80000047;
	[dreg:$0x6] =	wrdreg s26  }
0x9: {  	s0 =	sadd.s32 $0xC800, s0;
	s9 =	smul.u32 $0x50, s5;
	[dreg:$0x8] =	wrdreg s30  }
0xa: {  	s8 =	ssub.s32 $0x2, s6;
	s11 =	smul.u32 $0xA000, s5;
	[dreg:$0x7] =	wrdreg s29  }
0xb: {  	p0 =	seq.s32 s6, $0x1;
	[dreg:$0x9] =	wrdreg s0;
	s10 =	sshrl.u32 s8, $0x1  }
0xc: {  	s8 =	ssub.s32 s8, s10;
	s18 =	sshrl.u32 s11, $0x2;
	s19 =	sadd.s32 $0x500, s9  }
0xd: {  	s10 =	sadd.s32 $0xA00, s9;
	s11 =	sadd.s32 $0xF00, s9;
	s12 =	sadd.s32 $0x1400, s9  }
0xe: {  	s15 =	sadd.s32 $0x1E00, s9;
	[smem:$0x7F6] =	sst s8;
	s6 =	sadd.s32 s18, s3  }
0xf: {  	s20 =	sshll.u32 s19, $0x7;
	s18 =	sadd.s32 s19, s4;
	[dreg:$0xa] =	wrdreg s6  }
0x10: {  	s17 =	sshll.u32 s15, $0x7;
	s6 =	sadd.s32 s20, s3;
	[dreg:$0x13] =	wrdreg s18  }
0x11: {  	s14 =	sadd.s32 $0x1900, s9;
	s25 =	sadd.s32 s17, s3;
	[dreg:$0xb] =	wrdreg s6  }
0x12: {  	s21 =	sshll.u32 s10, $0x7;
	s17 =	sadd.s32 s9, s4;
	[dreg:$0x10] =	wrdreg s25  }
0x13: {  	s20 =	sshrl.u32 s9, $0x3;
	s18 =	sadd.s32 s12, s4;
	[dreg:$0x12] =	wrdreg s17  }
0x14: {  	s9 =	sshll.u32 s19, $0x4;
	s6 =	sadd.s32 s21, s3;
	[dreg:$0x16] =	wrdreg s18  }
0x15: {  	s25 =	sshrl.u32 s19, $0x3;
	s19 =	sadd.s32 s10, s4;
	[dreg:$0xc] =	wrdreg s6  }
0x16: {  	s22 =	sshll.u32 s11, $0x7;
	s21 =	sadd.s32 s11, s4;
	[dreg:$0x14] =	wrdreg s19  }
0x17: {  	s13 =	sor.u32 $0x70, s5;
	s6 =	sadd.s32 s22, s3;
	[dreg:$0x15] =	wrdreg s21  }
0x18: {  	s16 =	smul.u32 $0xA000, s13;
	s22 =	sshrl.u32 s12, $0x3;
	[dreg:$0xd] =	wrdreg s6  }
0x19: {  	s23 =	sshll.u32 s12, $0x7;
	s19 =	sadd.s32 s14, s4;
	[smem:$0x7EB] =	sst s22  }
0x1a: {  	s24 =	sshll.u32 s14, $0x7;
	s21 =	sadd.s32 s15, s4;
	[dreg:$0x17] =	wrdreg s19  }
0x1b: {  	s6 =	sadd.s32 s23, s3;
	s23 =	smul.u32 $0x50, s13;
	[dreg:$0x18] =	wrdreg s21  }
0x1c: {  	s13 =	smul.u32 $0x500, s13;
	[dreg:$0xe] =	wrdreg s6;
	s6 =	sadd.s32 s24, s3  }
0x1d: {  	s28 =	smul.u32 $0x2800, s5;
	s16 =	sshrl.u32 s16, $0x2;
	[dreg:$0xf] =	wrdreg s6  }
0x1e: {  	s6 =	sadd.s32 s16, s3;
	[dreg:$0x19] =	wrdreg s13  }
0x1f: {  	s31 =	sadd.s32 $0x28000, s28;
	s19 =	sshrl.u32 s23, $0x3;
	[dreg:$0x11] =	wrdreg s6  }
0x20: {  	s24 =	sadd.s32 s23, s4;
	[dreg:$0x1b] =	wrdreg s19;
	s19 =	sshrl.u32 s31, $0x3  }
0x21: {  	[dreg:$0x1a] =	wrdreg s24;
	s6 =	sshrl.u32 s28, $0x3;
	s13 =	sadd.s32 s2, s19  }
0x22: {  	s8 =	sadd.s32 s2, s6;
	s19 =	sadd.s32 s7, s19;
	[dreg:$0x1e] =	wrdreg s13  }
0x23: {  	s22 =	sadd.s32 $0x5010, s6;
	s23 =	sadd.s32 $0x5020, s6;
	[dreg:$0x1f] =	wrdreg s19  }
0x24: {  	s24 =	sadd.s32 $0x5030, s6;
	s6 =	sadd.s32 s7, s6;
	[dreg:$0x1c] =	wrdreg s8  }
0x25: {  	s19 =	sadd.s32 s2, s22;
	[dreg:$0x1d] =	wrdreg s6  }
0x26: {  	[smem:$0x7D3] =	sst s19;
	s19 =	sadd.s32 s7, s22  }
0x27: {  	s22 =	sadd.s32 s2, s23;
	[smem:$0x7D4] =	sst s19  }
0x28: {  	[smem:$0x7D5] =	sst s22;
	s22 =	sadd.s32 s7, s23  }
0x29: {  	s23 =	sadd.s32 s2, s24;
	[smem:$0x7D6] =	sst s22  }
0x2a: {  	s24 =	sadd.s32 s7, s24;
	[smem:$0x7D7] =	sst s23  }
0x2b: {  	s13 =	smul.u32 $0x500, s5;
	s19 =	sadd.s32 s26, s9;
	[smem:$0x7D8] =	sst s24  }
0x2c: {  	s9 =	sadd.s32 s30, s9;
	[smem:$0x7DD] =	sst s19  }
0x2d: {  	s22 =	sadd.s32 s26, s13;
	[smem:$0x7DE] =	sst s9  }
0x2e: {  	s13 =	sadd.s32 s30, s13;
	[smem:$0x7D9] =	sst s22  }
0x2f: {  	s23 =	sadd.s32 s29, s20;
	[smem:$0x7DA] =	sst s13  }
0x30: {  	s17 =	sshll.u32 s11, $0x4;
	s24 =	sadd.s32 s0, s20;
	[smem:$0x7DB] =	sst s23  }
0x31: {  	s11 =	sshrl.u32 s11, $0x3;
	s20 =	sadd.s32 s29, s25;
	[smem:$0x7DC] =	sst s24  }
0x32: {  	s19 =	sadd.s32 s29, s11;
	[smem:$0x7DF] =	sst s20  }
0x33: {  	s16 =	sshll.u32 s10, $0x4;
	s22 =	sadd.s32 s0, s25;
	[smem:$0x7E7] =	sst s19  }
0x34: {  	s23 =	sadd.s32 s26, s16;
	[smem:$0x7E0] =	sst s22  }
0x35: {  	s10 =	sshrl.u32 s10, $0x3;
	s24 =	sadd.s32 s30, s16;
	[smem:$0x7E1] =	sst s23  }
0x36: {  	s25 =	sadd.s32 s29, s10;
	[smem:$0x7E2] =	sst s24  }
0x37: {  	s13 =	sadd.s32 s0, s10;
	[smem:$0x7E3] =	sst s25  }
0x38: {  	s16 =	sadd.s32 s26, s17;
	[smem:$0x7E4] =	sst s13  }
0x39: {  	s17 =	sadd.s32 s30, s17;
	[smem:$0x7E5] =	sst s16  }
0x3a: {  	s20 =	sadd.s32 s0, s11;
	[smem:$0x7E6] =	sst s17  }
0x3b: {  	s18 =	sshll.u32 s12, $0x4;
	s12 =	sshll.u32 s14, $0x4;
	[smem:$0x7E8] =	sst s20  }
0x3c: {  	s21 =	sshll.u32 s15, $0x4;
	s11 =	sadd.s32 s26, s12;
	s24 =	sld [smem:$0x7EB]  }
0x3d: {  	s19 =	sadd.s32 s30, s21;
	[smem:$0x7EE] =	sst s11  }
0x3e: {  	p1 =	sgt.u32 s5, $0xC;
	s22 =	sadd.s32 s26, s18;
	[smem:$0x7F3] =	sst s19  }
0x3f: {  	s23 =	sadd.s32 s30, s18;
	s18 =	sadd.s32 s26, s21;
	s21 =	sld [smem:$0x7F6]  }
0x40: {  	p2 =	slt.u32 s5, $0xD;
	s14 =	sshrl.u32 s14, $0x3;
	[smem:$0x7E9] =	sst s22  }
0x41: {  	s15 =	sshrl.u32 s15, $0x3;
	s13 =	sadd.s32 s30, s12;
	[smem:$0x7EA] =	sst s23  }
0x42: {  	s5 =	simm.s32 $0x280;
	s16 =	sadd.s32 s29, s14;
	[smem:$0x7EF] =	sst s13  }
0x43: {  	s9 =	simm.s32 $0x9;
	s17 =	sadd.s32 s0, s14;
	[smem:$0x7F0] =	sst s16  }
0x44: {  	s20 =	sadd.s32 s29, s15;
	s26 =	sadd.s32 $0x20, s6;
	[smem:$0x7F1] =	sst s17  }
0x45: {  	s30 =	simm.s32 $0x180;
	s14 =	simm.s32 $0x2;
	[smem:$0x7F2] =	sst s18  }
0x46: {  	[smem:$0x7F4] =	sst s20;
	s22 =	sadd.s32 $0x10, s8;
	s23 =	sadd.s32 $0x20, s8  }
0x47: {  	[smem:$0x7FC] =	sst s26;
	s13 =	simm.s32 $0x7D;
	s16 =	simm.s32 $0x5  }
0x48: {  	s17 =	simm.s32 $0x8400;
	s18 =	simm.s32 $0x3;
	[smem:$0x7F8] =	sst s22  }
0x49: {  	s20 =	simm.s32 $0x6;
	[smem:$0x7F9] =	sst s23;
	s22 =	simm.s32 $0x8  }
0x4a: {  	s23 =	simm.s32 $0xA;
	s25 =	sadd.s32 s29, s24;
	s10 =	sadd.s32 s0, s24  }
0x4b: {  	s0 =	sadd.s32 s0, s15;
	s24 =	sadd.s32 $0x30, s8;
	[smem:$0x7EC] =	sst s25  }
0x4c: {  	s29 =	sadd.s32 $0x30, s6;
	s8 =	simm.s32 $0x7;
	[smem:$0x7ED] =	sst s10  }
.Ltmp0:
0x4d: {  	s15 =	simm.s32 $0x4400;
	[smem:$0x7F5] =	sst s0;
	(pc) =	sbr.rel .LBB2_1-.Ltmp0, $4  }
0x4e: {  	s0 =	smax.u32 s21, $0x1;
	[smem:$0x7FA] =	sst s24;
	s25 =	sadd.s32 $0x10, s6  }
0x4f: {  	[smem:$0x7FD] =	sst s29;
	s6 =	simm.s32 $0x400;
	s21 =	simm.s32 $0x4  }
0x50: {  	s24 =	simm.s32 $0x380;
	s10 =	simm.s32 $0x0;
	[smem:$0x7F7] =	sst s0  }
0x51: {  	v0 =	vimm.f32 $1.000000000e+00;
	v1 =	vimm.f32 $0.0e+00;
	[smem:$0x7FB] =	sst s25;
	s25 =	simm.s32 $0x8480;
	s0 =	simm.s32 $0x200  }
.LBB2_14:
0x52: {  	s12 =	rddreg [dreg:$0x11];
	s19 =	simm.s32 $0xB  }
0x53: {  	[tilespmem:s15], [sflag:$0xB] =	stream.linear.gather [spmem:s12], $0x2800, $0x38;
	[tilespmem:$0x1C078] =	vst v63  }
0x54: {  	_ =	swait.ge [sflag:s19], $0x2800  }
0x55: {  	[sflag:s19] =	ssyncset.done $0x0;
	s26 =	rddreg [dreg:$0x19]  }
0x56: {  	s11 =	sadd.s32 s11, s26;
	[sflag:s19] =	ssyncadd.s32 $0xFFFFD800;
	s26 =	simm.s32 $0x0  }
0x57: {  	[hbm4b:s11+s26] =	stream.linear.scatter [tilespmem:s15], [sflag:$0x6], $0x2800, $0x38;
	[tilespmem:$0x1C078] =	vst v63  }
0x58: {  	s12 =	simm.s32 $0x8500;
	s11 =	rddreg [dreg:$0x1a]  }
0x59: {  	[tilespmem:s12], [sflag:$0xB] =	stream.linear.gather [spmem:s11], $0x50, $0x38;
	[tilespmem:$0x1C078] =	vst v63  }
0x5a: {  	_ =	swait.ge [sflag:s19], $0x50  }
0x5b: {  	[sflag:s19] =	ssyncset.done $0x0;
	s11 =	rddreg [dreg:$0x1b]  }
0x5c: {  	s11 =	sadd.s32 s29, s11;
	[sflag:s19] =	ssyncadd.s32 $0xFFFFFFB0  }
0x5d: {  	[hbm4b:s11+s26] =	stream.linear.scatter [tilespmem:s12], [sflag:$0x2], $0x50, $0x38;
	[tilespmem:$0x1C078] =	vst v63  }
0x5e: {  	_ =	swait.ge [sflag:s16], $0x2800  }
0x5f: {  	[sflag:s16] =	ssyncset.done $0x0  }
0x60: {  	s29 =	simm.s32 $0x1;
	[sflag:s16] =	ssyncadd.s32 $0xFFFFD800  }
0x61: {  	_ =	swait.ge [sflag:s29], $0x50  }
0x62: {  	[sflag:s29] =	ssyncset.done $0x0  }
0x63: {  	s26 =	simm.s32 $0x2;
	s12 =	simm.s32 $0x6;
	[sflag:s29] =	ssyncadd.s32 $0xFFFFFFB0  }
.LBB2_15:
0x64: {  	_ =	swait.ge [sflag:s12], $0x2800  }
0x65: {  	[sflag:s12] =	ssyncset.done $0x0  }
0x66: {  	[sflag:s12] =	ssyncadd.s32 $0xFFFFD800  }
0x67: {  	_ =	swait.ge [sflag:s26], $0x50  }
0x68: {  	s11 =	sld [smem:$0x7F7];
	_ =	sdelay $0x1  }
0x69: {  	s10 =	sadd.s32 $0x1, s10  }
0x6a: {  	p3 =	sne.s32 s10, s11  }
.Ltmp1:
0x6b: {  	_ = 	snop;
	(pc) =	sbr.rel @!p3 .LBB2_16-.Ltmp1, $3  }
0x6c: {  	_ =	sdelay $0x1  }
0x6d: {  	[sflag:s26] =	ssyncset.done $0x0  }
0x6e: {  	[sflag:s26] =	ssyncadd.s32 $0xFFFFFFB0  }
.LBB2_1:
0x6f: {  	[tilespmem:$0x8400] =	vst v0  }
0x70: {  	[tilespmem:$0x8410] =	vst v0  }
0x71: {  	[tilespmem:$0x8420] =	vst v0  }
0x72: {  	[tilespmem:$0x8430] =	vst v0  }
.Ltmp2:
0x73: {  	[tilespmem:$0x8440] =	vst v0;
	(pc) =	sbr.rel @!p0 .LBB2_2-.Ltmp2, $4  }
0x74: {  	[tilespmem:$0x8450] =	vst v0  }
0x75: {  	[tilespmem:$0x8460] =	vst v0  }
0x76: {  	[tilespmem:$0x8480] =	vst v1  }
0x77: {  	[smem:$0x7D2] =	sst s10;
	[tilespmem:$0x846D] =	vst v0  }
0x78: {  	[tilespmem:$0x8490] =	vst v1;
	s12 =	simm.s32 $0x0  }
0x79: {  	[tilespmem:$0x84A0] =	vst v1;
	s11 =	sand.u32 $0xFE00, s12  }
0x7a: {  	[tilespmem:$0x84B0] =	vst v1;
	s19 =	sand.u32 $0x70, s12;
	s11 =	sshrl.u32 s11, $0x2  }
0x7b: {  	[tilespmem:$0x84C0] =	vst v1;
	s26 =	simm.s32 $0x40;
	s11 =	sor.u32 s19, s11  }
.LBB2_9:
0x7c: {  	p3 =	sne.s32 s26, $0x9FC0  }
0x7d: {  	[tilespmem:s11+$0x400] =	vst v1;
	s12 =	sadd.s32 $0x10, s12;
	s11 =	smov.u32 s26;
	s26 =	sadd.s32 $0x40, s26  }
.Ltmp3:
0x7e: {  	(pc) =	sbr.rel @p3 .LBB2_9-.Ltmp3, $4  }
0x7f: {  	_ = 	snop  }
0x80: {  	s11 =	sand.u32 $0xFE00, s11  }
0x81: {  	s19 =	sand.u32 $0x70, s12;
	s11 =	sshrl.u32 s11, $0x2  }
0x82: {  	s11 =	sor.u32 s19, s11  }
0x83: {  	[tilespmem:s11+$0x400] =	vst v1;
	s29 =	rddreg [dreg:$0xa]  }
0x84: {  	[spmem:s29] =	stream.linear.scatter [tilespmem:s6], [sflag:$0x7], $0x2800, $0x38;
	[tilespmem:$0x1C078] =	vst v63  }
0x85: {  	s10 =	rddreg [dreg:$0x12]  }
0x86: {  	[spmem:s10] =	stream.linear.scatter [tilespmem:s25], [sflag:$0x9], $0x50, $0x38;
	[tilespmem:$0x1C078] =	vst v63  }
0x87: {  	s12 =	rddreg [dreg:$0xb]  }
0x88: {  	[spmem:s12] =	stream.linear.scatter [tilespmem:s6], [sflag:$0x7], $0x2800, $0x38;
	[tilespmem:$0x1C078] =	vst v63  }
0x89: {  	s19 =	rddreg [dreg:$0x13]  }
0x8a: {  	[spmem:s19] =	stream.linear.scatter [tilespmem:s25], [sflag:$0x9], $0x50, $0x38;
	[tilespmem:$0x1C078] =	vst v63  }
0x8b: {  	s26 =	rddreg [dreg:$0xc]  }
0x8c: {  	[spmem:s26] =	stream.linear.scatter [tilespmem:s6], [sflag:$0x7], $0x2800, $0x38;
	[tilespmem:$0x1C078] =	vst v63  }
0x8d: {  	s29 =	rddreg [dreg:$0x14]  }
0x8e: {  	[spmem:s29] =	stream.linear.scatter [tilespmem:s25], [sflag:$0x9], $0x50, $0x38;
	[tilespmem:$0x1C078] =	vst v63  }
0x8f: {  	s10 =	rddreg [dreg:$0xd]  }
0x90: {  	[spmem:s10] =	stream.linear.scatter [tilespmem:s6], [sflag:$0x7], $0x2800, $0x38;
	[tilespmem:$0x1C078] =	vst v63  }
0x91: {  	s12 =	rddreg [dreg:$0x15]  }
0x92: {  	[spmem:s12] =	stream.linear.scatter [tilespmem:s25], [sflag:$0x9], $0x50, $0x38;
	[tilespmem:$0x1C078] =	vst v63  }
0x93: {  	s19 =	rddreg [dreg:$0xe]  }
0x94: {  	[spmem:s19] =	stream.linear.scatter [tilespmem:s6], [sflag:$0x7], $0x2800, $0x38;
	[tilespmem:$0x1C078] =	vst v63  }
0x95: {  	s26 =	rddreg [dreg:$0x16]  }
0x96: {  	[spmem:s26] =	stream.linear.scatter [tilespmem:s25], [sflag:$0x9], $0x50, $0x38;
	[tilespmem:$0x1C078] =	vst v63  }
0x97: {  	s29 =	rddreg [dreg:$0xf]  }
0x98: {  	[spmem:s29] =	stream.linear.scatter [tilespmem:s6], [sflag:$0x7], $0x2800, $0x38;
	[tilespmem:$0x1C078] =	vst v63  }
0x99: {  	s10 =	rddreg [dreg:$0x17]  }
0x9a: {  	[spmem:s10] =	stream.linear.scatter [tilespmem:s25], [sflag:$0x9], $0x50, $0x38;
	[tilespmem:$0x1C078] =	vst v63  }
0x9b: {  	s12 =	rddreg [dreg:$0x10]  }
0x9c: {  	[spmem:s12] =	stream.linear.scatter [tilespmem:s6], [sflag:$0x7], $0x2800, $0x38;
	[tilespmem:$0x1C078] =	vst v63  }
0x9d: {  	s19 =	rddreg [dreg:$0x18]  }
0x9e: {  	[spmem:s19] =	stream.linear.scatter [tilespmem:s25], [sflag:$0x9], $0x50, $0x38;
	[tilespmem:$0x1C078] =	vst v63  }
0x9f: {  	s11 =	simm.s32 @!p1 $0x400;
	s12 =	rddreg [dreg:$0x11]  }
0xa0: {  	[spmem:s12] =	stream.linear.scatter @!p1 [tilespmem:s11], [sflag:$0x7], $0x2800, $0x38;
	[tilespmem:$0x1C078] =	vst v63  }
0xa1: {  	s11 =	simm.s32 @!p1 $0x8480;
	s12 =	rddreg [dreg:$0x1a]  }
0xa2: {  	[spmem:s12] =	stream.linear.scatter @!p1 [tilespmem:s11], [sflag:$0x9], $0x50, $0x38;
	[tilespmem:$0x1C078] =	vst v63  }
0xa3: {  	_ =	swait.ge [sflag:s8], $0x2800  }
0xa4: {  	[sflag:s8] =	ssyncset.done $0x0  }
0xa5: {  	[sflag:s8] =	ssyncadd.s32 $0xFFFFD800  }
0xa6: {  	_ =	swait.ge [sflag:s9], $0x50  }
0xa7: {  	[sflag:s9] =	ssyncset.done $0x0  }
0xa8: {  	[sflag:s9] =	ssyncadd.s32 $0xFFFFFFB0  }
0xa9: {  	_ =	swait.ge [sflag:s8], $0x2800  }
0xaa: {  	[sflag:s8] =	ssyncset.done $0x0  }
0xab: {  	[sflag:s8] =	ssyncadd.s32 $0xFFFFD800  }
0xac: {  	_ =	swait.ge [sflag:s9], $0x50  }
0xad: {  	[sflag:s9] =	ssyncset.done $0x0  }
0xae: {  	[sflag:s9] =	ssyncadd.s32 $0xFFFFFFB0  }
0xaf: {  	_ =	swait.ge [sflag:s8], $0x2800  }
0xb0: {  	[sflag:s8] =	ssyncset.done $0x0  }
0xb1: {  	[sflag:s8] =	ssyncadd.s32 $0xFFFFD800  }
0xb2: {  	_ =	swait.ge [sflag:s9], $0x50  }
0xb3: {  	[sflag:s9] =	ssyncset.done $0x0  }
0xb4: {  	[sflag:s9] =	ssyncadd.s32 $0xFFFFFFB0  }
0xb5: {  	_ =	swait.ge [sflag:s8], $0x2800  }
0xb6: {  	[sflag:s8] =	ssyncset.done $0x0  }
0xb7: {  	[sflag:s8] =	ssyncadd.s32 $0xFFFFD800  }
0xb8: {  	_ =	swait.ge [sflag:s9], $0x50  }
0xb9: {  	[sflag:s9] =	ssyncset.done $0x0  }
0xba: {  	[sflag:s9] =	ssyncadd.s32 $0xFFFFFFB0  }
0xbb: {  	_ =	swait.ge [sflag:s8], $0x2800  }
0xbc: {  	[sflag:s8] =	ssyncset.done $0x0  }
0xbd: {  	[sflag:s8] =	ssyncadd.s32 $0xFFFFD800  }
0xbe: {  	_ =	swait.ge [sflag:s9], $0x50  }
0xbf: {  	[sflag:s9] =	ssyncset.done $0x0  }
0xc0: {  	[sflag:s9] =	ssyncadd.s32 $0xFFFFFFB0  }
0xc1: {  	_ =	swait.ge [sflag:s8], $0x2800  }
0xc2: {  	[sflag:s8] =	ssyncset.done $0x0  }
0xc3: {  	[sflag:s8] =	ssyncadd.s32 $0xFFFFD800  }
0xc4: {  	_ =	swait.ge [sflag:s9], $0x50  }
0xc5: {  	[sflag:s9] =	ssyncset.done $0x0  }
0xc6: {  	[sflag:s9] =	ssyncadd.s32 $0xFFFFFFB0  }
0xc7: {  	_ =	swait.ge [sflag:s8], $0x2800  }
0xc8: {  	[sflag:s8] =	ssyncset.done $0x0  }
0xc9: {  	[sflag:s8] =	ssyncadd.s32 $0xFFFFD800  }
0xca: {  	_ =	swait.ge [sflag:s9], $0x50  }
0xcb: {  	[sflag:s9] =	ssyncset.done $0x0  }
0xcc: {  	s11 =	simm.s32 @!p1 $0x7;
	[sflag:s9] =	ssyncadd.s32 $0xFFFFFFB0  }
0xcd: {  	_ =	swait.ge @!p1 [sflag:s11], $0x2800  }
0xce: {  	[sflag:s11] =	ssyncset.done @!p1 $0x0  }
0xcf: {  	[sflag:s11] =	ssyncadd.s32 @!p1 $0xFFFFD800;
	s11 =	simm.s32 @!p1 $0x9  }
0xd0: {  	_ =	swait.ge @!p1 [sflag:s11], $0x50  }
0xd1: {  	[sflag:s11] =	ssyncset.done @!p1 $0x0  }
0xd2: {  	[sflag:s11] =	ssyncadd.s32 @!p1 $0xFFFFFFB0  }
0xd3: {  	[bflag:$0x0] =	sbarrier.arrive $0xFFFF  }
0xd4: {  	s26 =	rddreg [dreg:$0x1d]  }
0xd5: {  	s10 =	simm.s32 $0x0;
	s29 =	rddreg [dreg:$0x1f]  }
0xd6: {  	[tilespmem:s10], [sflag:$0x1] =	stream.linear.gather [hbm4b:s26+s10], $0x80, $0x38;
	[tilespmem:$0x1C078] =	vst v63  }
0xd7: {  	s12 =	sld [smem:$0x7FB]  }
0xd8: {  	[tilespmem:s0], [sflag:$0x1] =	stream.linear.gather [hbm4b:s29+s10], $0x80, $0x38;
	[tilespmem:$0x1C078] =	vst v63  }
0xd9: {  	s19 =	simm.s32 $0x80;
	s25 =	sld [smem:$0x7D4]  }
0xda: {  	[tilespmem:s19], [sflag:$0x2] =	stream.linear.gather [hbm4b:s12+s10], $0x80, $0x38;
	[tilespmem:$0x1C078] =	vst v63  }
0xdb: {  	s26 =	sld [smem:$0x7FC]  }
0xdc: {  	[tilespmem:s5], [sflag:$0x2] =	stream.linear.gather [hbm4b:s25+s10], $0x80, $0x38;
	[tilespmem:$0x1C078] =	vst v63  }
0xdd: {  	s29 =	simm.s32 $0x100;
	s5 =	sld [smem:$0x7D6]  }
0xde: {  	[tilespmem:s29], [sflag:$0x3] =	stream.linear.gather [hbm4b:s26+s10], $0x80, $0x38;
	[tilespmem:$0x1C078] =	vst v63  }
0xdf: {  	s12 =	simm.s32 $0x300;
	s25 =	sld [smem:$0x7FD]  }
0xe0: {  	[tilespmem:s12], [sflag:$0x3] =	stream.linear.gather [hbm4b:s5+s10], $0x80, $0x38;
	[tilespmem:$0x1C078] =	vst v63  }
0xe1: {  	s26 =	sld [smem:$0x7D8]  }
0xe2: {  	[tilespmem:s30], [sflag:$0x4] =	stream.linear.gather [hbm4b:s25+s10], $0x80, $0x38;
	[tilespmem:$0x1C078] =	vst v63  }
0xe3: {  	s29 =	simm.s32 $0x1;
	s12 =	simm.s32 $0x380  }
0xe4: {  	[tilespmem:s12], [sflag:$0x4] =	stream.linear.gather [hbm4b:s26+s10], $0x80, $0x38;
	[tilespmem:$0x1C078] =	vst v63  }
0xe5: {  	_ =	swait.ge [sflag:s29], $0x80  }
0xe6: {  	[sflag:s29] =	ssyncset.done $0x0  }
0xe7: {  	[sflag:s29] =	ssyncadd.s32 $0xFFFFFF80  }
0xe8: {  	_ =	swait.ge [sflag:s29], $0x80  }
0xe9: {  	[sflag:s29] =	ssyncset.done $0x0  }
0xea: {  	[sflag:s29] =	ssyncadd.s32 $0xFFFFFF80  }
0xeb: {  	[tilespmem:s6], [sflag:$0x5] =	stream.indirect.gather [hbm4b:s1+s13], $0x80, s10, s13, $0xb8;
	[tilespmem:$0x1C078] =	vst v63  }
0xec: {  	_ =	swait.ge [sflag:s14], $0x80  }
0xed: {  	[sflag:s14] =	ssyncset.done $0x0  }
0xee: {  	[sflag:s14] =	ssyncadd.s32 $0xFFFFFF80  }
0xef: {  	_ =	swait.ge [sflag:s14], $0x80  }
0xf0: {  	[sflag:s14] =	ssyncset.done $0x0  }
0xf1: {  	[sflag:s14] =	ssyncadd.s32 $0xFFFFFF80  }
0xf2: {  	[tilespmem:s15], [sflag:$0x6] =	stream.indirect.gather [hbm4b:s1+s13], $0x80, s19, s13, $0xb8;
	[tilespmem:$0x1C078] =	vst v63  }
.LBB2_11:
0xf3: {  	_ =	swait.ge [sflag:s16], $0x3E80  }
0xf4: {  	[sflag:s16] =	ssyncset.done $0x0  }
0xf5: {  	s11 =	simm.s32 $0x200;
	[sflag:s16] =	ssyncadd.s32 $0xFFFFC180  }
0xf6: {  	[spmem:s3] =	stream.indirect.scatter.add.f32 [tilespmem:s6], [sflag:$0x7], $0x80, s11, s13, $0xb8;
	[tilespmem:$0x1C078] =	vst v63  }
0xf7: {  	_ = 	snop  }
0xf8: {  	[spmem:s4] =	stream.indirect.scatter.add.f32 [tilespmem:s17], [sflag:$0x9], $0x1, s11, s13, $0xb8;
	[tilespmem:$0x1C078] =	vst v63  }
0xf9: {  	_ =	swait.ge [sflag:s18], $0x80  }
0xfa: {  	[sflag:s18] =	ssyncset.done $0x0  }
0xfb: {  	[sflag:s18] =	ssyncadd.s32 $0xFFFFFF80  }
0xfc: {  	_ =	swait.ge [sflag:s18], $0x80  }
0xfd: {  	[sflag:s18] =	ssyncset.done $0x0  }
0xfe: {  	p3 =	seq.s32 s12, $0x2980;
	[sflag:s18] =	ssyncadd.s32 $0xFFFFFF80  }
0xff: {  	s5 =	simm.s32 $0x100;
	s11 =	sadd.s32 @!p3 $0xFFFFFE80, s12;
	_ =	swait.ge [sflag:s8], $0x3E80  }
0x100: {  	s26 =	simm.s32 @!p3 $0x0;
	s19 =	sand.u32 @!p3 $0x7C00, s11;
	[sflag:s8] =	ssyncset.done $0x0  }
0x101: {  	s11 =	sand.u32 @!p3 $0x200, s11;
	s25 =	sadd.s32 @!p3 s28, s19;
	[sflag:s8] =	ssyncadd.s32 $0xFFFFC180  }
0x102: {  	[tilespmem:s6], [sflag:$0x5] =	stream.indirect.gather [hbm4b:s1+s13], $0x80, s5, s13, $0xb8;
	[tilespmem:$0x1C078] =	vst v63  }
0x103: {  	s19 =	sadd.s32 @!p3 s31, s19;
	s25 =	sor.u32 @!p3 s11, s25;
	_ =	swait.ge [sflag:s9], $0x7D  }
0x104: {  	s11 =	sor.u32 @!p3 s11, s19;
	s25 =	sshrl.u32 @!p3 s25, $0x3;
	[sflag:s9] =	ssyncset.done $0x0  }
0x105: {  	s11 =	sshrl.u32 @!p3 s11, $0x3;
	s25 =	sadd.s32 @!p3 s7, s25;
	[sflag:s9] =	ssyncadd.s32 $0xFFFFFF83  }
0x106: {  	[tilespmem:s26], [sflag:$0x1] =	stream.linear.gather @!p3 [hbm4b:s25+s26], $0x80, $0x38;
	[tilespmem:$0x1C078] =	vst v63  }
0x107: {  	s19 =	simm.s32 @!p3 $0x200;
	s11 =	sadd.s32 @!p3 s7, s11  }
0x108: {  	[tilespmem:s19], [sflag:$0x1] =	stream.linear.gather @!p3 [hbm4b:s11+s26], $0x80, $0x38;
	[tilespmem:$0x1C078] =	vst v63  }
0x109: {  	_ =	swait.ge [sflag:s20], $0x3E80  }
0x10a: {  	[sflag:s20] =	ssyncset.done $0x0  }
0x10b: {  	s29 =	simm.s32 $0x280;
	[sflag:s20] =	ssyncadd.s32 $0xFFFFC180  }
0x10c: {  	[spmem:s3] =	stream.indirect.scatter.add.f32 [tilespmem:s15], [sflag:$0x8], $0x80, s29, s13, $0xb8;
	[tilespmem:$0x1C078] =	vst v63  }
0x10d: {  	_ = 	snop  }
0x10e: {  	[spmem:s4] =	stream.indirect.scatter.add.f32 [tilespmem:s17], [sflag:$0xA], $0x1, s29, s13, $0xb8;
	[tilespmem:$0x1C078] =	vst v63  }
0x10f: {  	_ =	swait.ge [sflag:s21], $0x80  }
0x110: {  	[sflag:s21] =	ssyncset.done $0x0  }
0x111: {  	[sflag:s21] =	ssyncadd.s32 $0xFFFFFF80  }
0x112: {  	_ =	swait.ge [sflag:s21], $0x80  }
0x113: {  	[sflag:s21] =	ssyncset.done $0x0  }
0x114: {  	[sflag:s21] =	ssyncadd.s32 $0xFFFFFF80  }
0x115: {  	_ =	swait.ge [sflag:s22], $0x3E80  }
0x116: {  	[sflag:s22] =	ssyncset.done $0x0  }
0x117: {  	[sflag:s22] =	ssyncadd.s32 $0xFFFFC180  }
0x118: {  	[tilespmem:s15], [sflag:$0x6] =	stream.indirect.gather [hbm4b:s1+s13], $0x80, s30, s13, $0xb8;
	[tilespmem:$0x1C078] =	vst v63  }
0x119: {  	_ =	swait.ge [sflag:s23], $0x7D  }
0x11a: {  	[sflag:s23] =	ssyncset.done $0x0  }
0x11b: {  	s11 =	simm.s32 @p3 $0x5;
	[sflag:s23] =	ssyncadd.s32 $0xFFFFFF83  }
0x11c: {  	_ =	swait.ge @p3 [sflag:s11], $0x3E80  }
0x11d: {  	s25 =	simm.s32 @p3 $0x400;
	[sflag:s11] =	ssyncset.done @p3 $0x0  }
0x11e: {  	s19 =	simm.s32 @p3 $0x300;
	[sflag:s11] =	ssyncadd.s32 @p3 $0xFFFFC180;
	s11 =	simm.s32 @p3 $0x7D  }
0x11f: {  	[spmem:s3] =	stream.indirect.scatter.add.f32 @p3 [tilespmem:s25], [sflag:$0x7], $0x80, s19, s11, $0xb8;
	[tilespmem:$0x1C078] =	vst v63  }
0x120: {  	s25 =	simm.s32 @p3 $0x8400  }
0x121: {  	[spmem:s4] =	stream.indirect.scatter.add.f32 @p3 [tilespmem:s25], [sflag:$0x9], $0x1, s19, s11, $0xb8;
	[tilespmem:$0x1C078] =	vst v63  }
0x122: {  	s11 =	simm.s32 @p3 $0x7  }
0x123: {  	_ =	swait.ge @p3 [sflag:s11], $0x3E80  }
0x124: {  	s19 =	sadd.s32 @!p3 $0xFFFFFF00, s12;
	[sflag:s11] =	ssyncset.done @p3 $0x0  }
0x125: {  	s25 =	simm.s32 @p3 $0x9;
	[sflag:s11] =	ssyncadd.s32 @p3 $0xFFFFC180;
	s11 =	sand.u32 @!p3 $0x7C00, s19  }
0x126: {  	s19 =	sand.u32 @!p3 $0x280, s19;
	s29 =	sadd.s32 @!p3 s28, s11;
	_ =	swait.ge @p3 [sflag:s25], $0x7D  }
0x127: {  	s11 =	sadd.s32 @!p3 s31, s11;
	s29 =	sor.u32 @!p3 s19, s29;
	[sflag:s25] =	ssyncset.done @p3 $0x0  }
0x128: {  	s11 =	sor.u32 @!p3 s19, s11;
	s29 =	sshrl.u32 @!p3 s29, $0x3;
	[sflag:s25] =	ssyncadd.s32 @p3 $0xFFFFFF83  }
0x129: {  	s11 =	sshrl.u32 @!p3 s11, $0x3;
	s25 =	sadd.s32 @!p3 s7, s29;
	s29 =	simm.s32 @!p3 $0x80  }
0x12a: {  	[tilespmem:s29], [sflag:$0x2] =	stream.linear.gather @!p3 [hbm4b:s25+s26], $0x80, $0x38;
	[tilespmem:$0x1C078] =	vst v63  }
0x12b: {  	s19 =	simm.s32 @!p3 $0x280;
	s11 =	sadd.s32 @!p3 s7, s11  }
0x12c: {  	[tilespmem:s19], [sflag:$0x2] =	stream.linear.gather @!p3 [hbm4b:s11+s26], $0x80, $0x38;
	[tilespmem:$0x1C078] =	vst v63  }
0x12d: {  	s11 =	simm.s32 @!p3 $0x5  }
0x12e: {  	_ =	swait.ge @!p3 [sflag:s11], $0x3E80  }
0x12f: {  	s25 =	simm.s32 @!p3 $0x400;
	[sflag:s11] =	ssyncset.done @!p3 $0x0  }
0x130: {  	s19 =	simm.s32 @!p3 $0x300;
	[sflag:s11] =	ssyncadd.s32 @!p3 $0xFFFFC180;
	s11 =	simm.s32 @!p3 $0x7D  }
0x131: {  	[spmem:s3] =	stream.indirect.scatter.add.f32 @!p3 [tilespmem:s25], [sflag:$0x7], $0x80, s19, s11, $0xb8;
	[tilespmem:$0x1C078] =	vst v63  }
0x132: {  	s29 =	simm.s32 @!p3 $0x8400  }
0x133: {  	[spmem:s4] =	stream.indirect.scatter.add.f32 @!p3 [tilespmem:s29], [sflag:$0x9], $0x1, s19, s11, $0xb8;
	[tilespmem:$0x1C078] =	vst v63  }
0x134: {  	s29 =	simm.s32 @!p3 $0x1  }
0x135: {  	_ =	swait.ge @!p3 [sflag:s29], $0x80  }
0x136: {  	[sflag:s29] =	ssyncset.done @!p3 $0x0  }
0x137: {  	[sflag:s29] =	ssyncadd.s32 @!p3 $0xFFFFFF80  }
0x138: {  	_ =	swait.ge @!p3 [sflag:s29], $0x80  }
0x139: {  	[sflag:s29] =	ssyncset.done @!p3 $0x0  }
0x13a: {  	[sflag:s29] =	ssyncadd.s32 @!p3 $0xFFFFFF80;
	s29 =	simm.s32 @!p3 $0x7  }
0x13b: {  	_ =	swait.ge @!p3 [sflag:s29], $0x3E80  }
0x13c: {  	[sflag:s29] =	ssyncset.done @!p3 $0x0  }
0x13d: {  	[sflag:s29] =	ssyncadd.s32 @!p3 $0xFFFFC180  }
0x13e: {  	[tilespmem:s25], [sflag:$0x5] =	stream.indirect.gather @!p3 [hbm4b:s1+s11], $0x80, s26, s11, $0xb8;
	[tilespmem:$0x1C078] =	vst v63  }
0x13f: {  	s11 =	sadd.s32 @!p3 $0xFFFFFF80, s12  }
0x140: {  	s29 =	simm.s32 @!p3 $0x9;
	s25 =	sand.u32 @!p3 $0x7C00, s11  }
0x141: {  	s11 =	sand.u32 @!p3 $0x300, s11;
	_ =	swait.ge @!p3 [sflag:s29], $0x7D;
	s30 =	sadd.s32 @!p3 s28, s25  }
0x142: {  	[sflag:s29] =	ssyncset.done @!p3 $0x0;
	s25 =	sadd.s32 @!p3 s31, s25;
	s30 =	sor.u32 @!p3 s11, s30  }
0x143: {  	[sflag:s29] =	ssyncadd.s32 @!p3 $0xFFFFFF83;
	s11 =	sor.u32 @!p3 s11, s25;
	s30 =	sshrl.u32 @!p3 s30, $0x3  }
0x144: {  	s11 =	sshrl.u32 @!p3 s11, $0x3;
	s29 =	sadd.s32 @!p3 s7, s30;
	s30 =	simm.s32 @!p3 $0x100  }
0x145: {  	[tilespmem:s30], [sflag:$0x3] =	stream.linear.gather @!p3 [hbm4b:s29+s26], $0x80, $0x38;
	[tilespmem:$0x1C078] =	vst v63  }
0x146: {  	s11 =	sadd.s32 @!p3 s7, s11  }
0x147: {  	[tilespmem:s19], [sflag:$0x3] =	stream.linear.gather @!p3 [hbm4b:s11+s26], $0x80, $0x38;
	[tilespmem:$0x1C078] =	vst v63  }
0x148: {  	_ =	swait.ge [sflag:s20], $0x3E80  }
.Ltmp4:
0x149: {  	[sflag:s20] =	ssyncset.done $0x0;
	(pc) =	sbr.rel @p3 .LBB2_13-.Ltmp4, $4  }
0x14a: {  	[sflag:s20] =	ssyncadd.s32 $0xFFFFC180  }
0x14b: {  	[spmem:s3] =	stream.indirect.scatter.add.f32 [tilespmem:s15], [sflag:$0x8], $0x80, s24, s13, $0xb8;
	[tilespmem:$0x1C078] =	vst v63  }
0x14c: {  	s0 =	simm.s32 $0x200;
	s10 =	simm.s32 $0x180;
	s5 =	simm.s32 $0x280  }
0x14d: {  	[spmem:s4] =	stream.indirect.scatter.add.f32 [tilespmem:s17], [sflag:$0xA], $0x1, s24, s13, $0xb8;
	[tilespmem:$0x1C078] =	vst v63  }
0x14e: {  	_ =	swait.ge [sflag:s14], $0x80  }
0x14f: {  	[sflag:s14] =	ssyncset.done $0x0  }
0x150: {  	[sflag:s14] =	ssyncadd.s32 $0xFFFFFF80  }
0x151: {  	_ =	swait.ge [sflag:s14], $0x80  }
0x152: {  	[sflag:s14] =	ssyncset.done $0x0  }
0x153: {  	[sflag:s14] =	ssyncadd.s32 $0xFFFFFF80  }
0x154: {  	s0 =	simm.s32 $0x80;
	s11 =	sand.u32 $0x7C00, s12;
	_ =	swait.ge [sflag:s22], $0x3E80  }
0x155: {  	s25 =	sand.u32 $0x380, s12;
	s29 =	simm.s32 $0x0;
	[sflag:s22] =	ssyncset.done $0x0  }
0x156: {  	s19 =	sadd.s32 s28, s11;
	s11 =	sadd.s32 s31, s11;
	[sflag:s22] =	ssyncadd.s32 $0xFFFFC180  }
0x157: {  	[tilespmem:s15], [sflag:$0x6] =	stream.indirect.gather [hbm4b:s1+s13], $0x80, s0, s13, $0xb8;
	[tilespmem:$0x1C078] =	vst v63  }
0x158: {  	s19 =	sor.u32 s25, s19;
	s11 =	sor.u32 s25, s11;
	_ =	swait.ge [sflag:s23], $0x7D  }
.Ltmp5:
0x159: {  	s19 =	sshrl.u32 s19, $0x3;
	[sflag:s23] =	ssyncset.done $0x0;
	(pc) =	sbr.rel .LBB2_11-.Ltmp5, $4  }
0x15a: {  	s11 =	sshrl.u32 s11, $0x3;
	s19 =	sadd.s32 s7, s19;
	[sflag:s23] =	ssyncadd.s32 $0xFFFFFF83  }
0x15b: {  	[tilespmem:s10], [sflag:$0x4] =	stream.linear.gather [hbm4b:s19+s29], $0x80, $0x38;
	[tilespmem:$0x1C078] =	vst v63  }
0x15c: {  	s12 =	sadd.s32 $0x200, s12;
	s30 =	simm.s32 $0x180;
	s11 =	sadd.s32 s7, s11  }
0x15d: {  	[tilespmem:s24], [sflag:$0x4] =	stream.linear.gather [hbm4b:s11+s29], $0x80, $0x38;
	[tilespmem:$0x1C078] =	vst v63  }
.LBB2_2:
0x15e: {  	[tilespmem:$0x8490] =	vst v1;
	s12 =	simm.s32 $0x0  }
0x15f: {  	[tilespmem:$0x84A0] =	vst v1;
	s11 =	sand.u32 $0xFE00, s12  }
0x160: {  	[tilespmem:$0x84B0] =	vst v1;
	s29 =	sand.u32 $0x70, s12;
	s11 =	sshrl.u32 s11, $0x2  }
0x161: {  	[tilespmem:$0x84C0] =	vst v1;
	s26 =	simm.s32 $0x40;
	s11 =	sor.u32 s29, s11  }
.LBB2_3:
0x162: {  	p3 =	sne.s32 s26, $0x9FC0  }
0x163: {  	[tilespmem:s11+$0x400] =	vst v1;
	s12 =	sadd.s32 $0x10, s12;
	s11 =	smov.u32 s26;
	s26 =	sadd.s32 $0x40, s26  }
.Ltmp6:
0x164: {  	(pc) =	sbr.rel @p3 .LBB2_3-.Ltmp6, $4  }
0x165: {  	_ = 	snop  }
0x166: {  	s11 =	sand.u32 $0xFE00, s11  }
0x167: {  	s29 =	sand.u32 $0x70, s12;
	s11 =	sshrl.u32 s11, $0x2  }
0x168: {  	s11 =	sor.u32 s29, s11  }
0x169: {  	[tilespmem:s11+$0x400] =	vst v1;
	s29 =	rddreg [dreg:$0xa]  }
0x16a: {  	[spmem:s29] =	stream.linear.scatter [tilespmem:s6], [sflag:$0x7], $0x2800, $0x38;
	[tilespmem:$0x1C078] =	vst v63  }
0x16b: {  	s10 =	rddreg [dreg:$0x12]  }
0x16c: {  	[spmem:s10] =	stream.linear.scatter [tilespmem:s25], [sflag:$0x9], $0x50, $0x38;
	[tilespmem:$0x1C078] =	vst v63  }
0x16d: {  	s12 =	rddreg [dreg:$0xb]  }
0x16e: {  	[spmem:s12] =	stream.linear.scatter [tilespmem:s6], [sflag:$0x7], $0x2800, $0x38;
	[tilespmem:$0x1C078] =	vst v63  }
0x16f: {  	s19 =	rddreg [dreg:$0x13]  }
0x170: {  	[spmem:s19] =	stream.linear.scatter [tilespmem:s25], [sflag:$0x9], $0x50, $0x38;
	[tilespmem:$0x1C078] =	vst v63  }
0x171: {  	s26 =	rddreg [dreg:$0xc]  }
0x172: {  	[spmem:s26] =	stream.linear.scatter [tilespmem:s6], [sflag:$0x7], $0x2800, $0x38;
	[tilespmem:$0x1C078] =	vst v63  }
0x173: {  	s29 =	rddreg [dreg:$0x14]  }
0x174: {  	[spmem:s29] =	stream.linear.scatter [tilespmem:s25], [sflag:$0x9], $0x50, $0x38;
	[tilespmem:$0x1C078] =	vst v63  }
0x175: {  	s10 =	rddreg [dreg:$0xd]  }
0x176: {  	[spmem:s10] =	stream.linear.scatter [tilespmem:s6], [sflag:$0x7], $0x2800, $0x38;
	[tilespmem:$0x1C078] =	vst v63  }
0x177: {  	s12 =	rddreg [dreg:$0x15]  }
0x178: {  	[spmem:s12] =	stream.linear.scatter [tilespmem:s25], [sflag:$0x9], $0x50, $0x38;
	[tilespmem:$0x1C078] =	vst v63  }
0x179: {  	s19 =	rddreg [dreg:$0xe]  }
0x17a: {  	[spmem:s19] =	stream.linear.scatter [tilespmem:s6], [sflag:$0x7], $0x2800, $0x38;
	[tilespmem:$0x1C078] =	vst v63  }
0x17b: {  	s26 =	rddreg [dreg:$0x16]  }
0x17c: {  	[spmem:s26] =	stream.linear.scatter [tilespmem:s25], [sflag:$0x9], $0x50, $0x38;
	[tilespmem:$0x1C078] =	vst v63  }
0x17d: {  	s29 =	rddreg [dreg:$0xf]  }
0x17e: {  	[spmem:s29] =	stream.linear.scatter [tilespmem:s6], [sflag:$0x7], $0x2800, $0x38;
	[tilespmem:$0x1C078] =	vst v63  }
0x17f: {  	s10 =	rddreg [dreg:$0x17]  }
0x180: {  	[spmem:s10] =	stream.linear.scatter [tilespmem:s25], [sflag:$0x9], $0x50, $0x38;
	[tilespmem:$0x1C078] =	vst v63  }
0x181: {  	s12 =	rddreg [dreg:$0x10]  }
0x182: {  	[spmem:s12] =	stream.linear.scatter [tilespmem:s6], [sflag:$0x7], $0x2800, $0x38;
	[tilespmem:$0x1C078] =	vst v63  }
0x183: {  	s19 =	rddreg [dreg:$0x18]  }
0x184: {  	[spmem:s19] =	stream.linear.scatter [tilespmem:s25], [sflag:$0x9], $0x50, $0x38;
	[tilespmem:$0x1C078] =	vst v63  }
0x185: {  	s11 =	simm.s32 @!p1 $0x400;
	s12 =	rddreg [dreg:$0x11]  }
0x186: {  	[spmem:s12] =	stream.linear.scatter @!p1 [tilespmem:s11], [sflag:$0x7], $0x2800, $0x38;
	[tilespmem:$0x1C078] =	vst v63  }
0x187: {  	s11 =	simm.s32 @!p1 $0x8480;
	s12 =	rddreg [dreg:$0x1a]  }
0x188: {  	[spmem:s12] =	stream.linear.scatter @!p1 [tilespmem:s11], [sflag:$0x9], $0x50, $0x38;
	[tilespmem:$0x1C078] =	vst v63  }
0x189: {  	_ =	swait.ge [sflag:s8], $0x2800  }
0x18a: {  	[sflag:s8] =	ssyncset.done $0x0  }
0x18b: {  	[sflag:s8] =	ssyncadd.s32 $0xFFFFD800  }
0x18c: {  	_ =	swait.ge [sflag:s9], $0x50  }
0x18d: {  	[sflag:s9] =	ssyncset.done $0x0  }
0x18e: {  	[sflag:s9] =	ssyncadd.s32 $0xFFFFFFB0  }
0x18f: {  	_ =	swait.ge [sflag:s8], $0x2800  }
0x190: {  	[sflag:s8] =	ssyncset.done $0x0  }
0x191: {  	[sflag:s8] =	ssyncadd.s32 $0xFFFFD800  }
0x192: {  	_ =	swait.ge [sflag:s9], $0x50  }
0x193: {  	[sflag:s9] =	ssyncset.done $0x0  }
0x194: {  	[sflag:s9] =	ssyncadd.s32 $0xFFFFFFB0  }
0x195: {  	_ =	swait.ge [sflag:s8], $0x2800  }
0x196: {  	[sflag:s8] =	ssyncset.done $0x0  }
0x197: {  	[sflag:s8] =	ssyncadd.s32 $0xFFFFD800  }
0x198: {  	_ =	swait.ge [sflag:s9], $0x50  }
0x199: {  	[sflag:s9] =	ssyncset.done $0x0  }
0x19a: {  	[sflag:s9] =	ssyncadd.s32 $0xFFFFFFB0  }
0x19b: {  	_ =	swait.ge [sflag:s8], $0x2800  }
0x19c: {  	[sflag:s8] =	ssyncset.done $0x0  }
0x19d: {  	[sflag:s8] =	ssyncadd.s32 $0xFFFFD800  }
0x19e: {  	_ =	swait.ge [sflag:s9], $0x50  }
0x19f: {  	[sflag:s9] =	ssyncset.done $0x0  }
0x1a0: {  	[sflag:s9] =	ssyncadd.s32 $0xFFFFFFB0  }
0x1a1: {  	_ =	swait.ge [sflag:s8], $0x2800  }
0x1a2: {  	[sflag:s8] =	ssyncset.done $0x0  }
0x1a3: {  	[sflag:s8] =	ssyncadd.s32 $0xFFFFD800  }
0x1a4: {  	_ =	swait.ge [sflag:s9], $0x50  }
0x1a5: {  	[sflag:s9] =	ssyncset.done $0x0  }
0x1a6: {  	[sflag:s9] =	ssyncadd.s32 $0xFFFFFFB0  }
0x1a7: {  	_ =	swait.ge [sflag:s8], $0x2800  }
0x1a8: {  	[sflag:s8] =	ssyncset.done $0x0  }
0x1a9: {  	[sflag:s8] =	ssyncadd.s32 $0xFFFFD800  }
0x1aa: {  	_ =	swait.ge [sflag:s9], $0x50  }
0x1ab: {  	[sflag:s9] =	ssyncset.done $0x0  }
0x1ac: {  	[sflag:s9] =	ssyncadd.s32 $0xFFFFFFB0  }
0x1ad: {  	_ =	swait.ge [sflag:s8], $0x2800  }
0x1ae: {  	[sflag:s8] =	ssyncset.done $0x0  }
0x1af: {  	[sflag:s8] =	ssyncadd.s32 $0xFFFFD800  }
0x1b0: {  	_ =	swait.ge [sflag:s9], $0x50  }
0x1b1: {  	[sflag:s9] =	ssyncset.done $0x0  }
0x1b2: {  	s11 =	simm.s32 @!p1 $0x7;
	[sflag:s9] =	ssyncadd.s32 $0xFFFFFFB0  }
0x1b3: {  	_ =	swait.ge @!p1 [sflag:s11], $0x2800  }
0x1b4: {  	[sflag:s11] =	ssyncset.done @!p1 $0x0  }
0x1b5: {  	[sflag:s11] =	ssyncadd.s32 @!p1 $0xFFFFD800;
	s11 =	simm.s32 @!p1 $0x9  }
0x1b6: {  	_ =	swait.ge @!p1 [sflag:s11], $0x50  }
0x1b7: {  	[sflag:s11] =	ssyncset.done @!p1 $0x0  }
0x1b8: {  	[sflag:s11] =	ssyncadd.s32 @!p1 $0xFFFFFFB0  }
0x1b9: {  	[bflag:$0x0] =	sbarrier.arrive $0xFFFF  }
0x1ba: {  	s26 =	rddreg [dreg:$0x1c]  }
0x1bb: {  	s10 =	simm.s32 $0x0;
	s29 =	rddreg [dreg:$0x1e]  }
0x1bc: {  	[tilespmem:s10], [sflag:$0x1] =	stream.linear.gather [hbm4b:s26+s10], $0x80, $0x38;
	[tilespmem:$0x1C078] =	vst v63  }
0x1bd: {  	s12 =	sld [smem:$0x7F8]  }
0x1be: {  	[tilespmem:s0], [sflag:$0x1] =	stream.linear.gather [hbm4b:s29+s10], $0x80, $0x38;
	[tilespmem:$0x1C078] =	vst v63  }
0x1bf: {  	s19 =	simm.s32 $0x80;
	s25 =	sld [smem:$0x7D3]  }
0x1c0: {  	[tilespmem:s19], [sflag:$0x2] =	stream.linear.gather [hbm4b:s12+s10], $0x80, $0x38;
	[tilespmem:$0x1C078] =	vst v63  }
0x1c1: {  	s26 =	sld [smem:$0x7F9]  }
0x1c2: {  	[tilespmem:s5], [sflag:$0x2] =	stream.linear.gather [hbm4b:s25+s10], $0x80, $0x38;
	[tilespmem:$0x1C078] =	vst v63  }
0x1c3: {  	s29 =	simm.s32 $0x100;
	s5 =	sld [smem:$0x7D5]  }
0x1c4: {  	[tilespmem:s29], [sflag:$0x3] =	stream.linear.gather [hbm4b:s26+s10], $0x80, $0x38;
	[tilespmem:$0x1C078] =	vst v63  }
0x1c5: {  	s12 =	simm.s32 $0x300;
	s25 =	sld [smem:$0x7FA]  }
0x1c6: {  	[tilespmem:s12], [sflag:$0x3] =	stream.linear.gather [hbm4b:s5+s10], $0x80, $0x38;
	[tilespmem:$0x1C078] =	vst v63  }
0x1c7: {  	s26 =	sld [smem:$0x7D7]  }
0x1c8: {  	[tilespmem:s30], [sflag:$0x4] =	stream.linear.gather [hbm4b:s25+s10], $0x80, $0x38;
	[tilespmem:$0x1C078] =	vst v63  }
0x1c9: {  	s29 =	simm.s32 $0x1;
	s12 =	simm.s32 $0x380  }
0x1ca: {  	[tilespmem:s12], [sflag:$0x4] =	stream.linear.gather [hbm4b:s26+s10], $0x80, $0x38;
	[tilespmem:$0x1C078] =	vst v63  }
0x1cb: {  	_ =	swait.ge [sflag:s29], $0x80  }
0x1cc: {  	[sflag:s29] =	ssyncset.done $0x0  }
0x1cd: {  	[sflag:s29] =	ssyncadd.s32 $0xFFFFFF80  }
0x1ce: {  	_ =	swait.ge [sflag:s29], $0x80  }
0x1cf: {  	[sflag:s29] =	ssyncset.done $0x0  }
0x1d0: {  	[sflag:s29] =	ssyncadd.s32 $0xFFFFFF80  }
0x1d1: {  	[tilespmem:s6], [sflag:$0x5] =	stream.indirect.gather [hbm4b:s1+s13], $0x80, s10, s13, $0xb8;
	[tilespmem:$0x1C078] =	vst v63  }
0x1d2: {  	_ =	swait.ge [sflag:s14], $0x80  }
0x1d3: {  	[sflag:s14] =	ssyncset.done $0x0  }
0x1d4: {  	[sflag:s14] =	ssyncadd.s32 $0xFFFFFF80  }
0x1d5: {  	_ =	swait.ge [sflag:s14], $0x80  }
0x1d6: {  	[sflag:s14] =	ssyncset.done $0x0  }
0x1d7: {  	[sflag:s14] =	ssyncadd.s32 $0xFFFFFF80  }
0x1d8: {  	[tilespmem:s15], [sflag:$0x6] =	stream.indirect.gather [hbm4b:s1+s13], $0x80, s19, s13, $0xb8;
	[tilespmem:$0x1C078] =	vst v63  }
.LBB2_5:
0x1d9: {  	_ =	swait.ge [sflag:s16], $0x3E80  }
0x1da: {  	[sflag:s16] =	ssyncset.done $0x0  }
0x1db: {  	s11 =	simm.s32 $0x200;
	[sflag:s16] =	ssyncadd.s32 $0xFFFFC180  }
0x1dc: {  	[spmem:s3] =	stream.indirect.scatter.add.f32 [tilespmem:s6], [sflag:$0x7], $0x80, s11, s13, $0xb8;
	[tilespmem:$0x1C078] =	vst v63  }
0x1dd: {  	_ = 	snop  }
0x1de: {  	[spmem:s4] =	stream.indirect.scatter.add.f32 [tilespmem:s17], [sflag:$0x9], $0x1, s11, s13, $0xb8;
	[tilespmem:$0x1C078] =	vst v63  }
0x1df: {  	_ =	swait.ge [sflag:s18], $0x80  }
0x1e0: {  	[sflag:s18] =	ssyncset.done $0x0  }
0x1e1: {  	[sflag:s18] =	ssyncadd.s32 $0xFFFFFF80  }
0x1e2: {  	_ =	swait.ge [sflag:s18], $0x80  }
0x1e3: {  	[sflag:s18] =	ssyncset.done $0x0  }
0x1e4: {  	p3 =	seq.s32 s12, $0x2980;
	[sflag:s18] =	ssyncadd.s32 $0xFFFFFF80  }
0x1e5: {  	s11 =	sadd.s32 @!p3 $0xFFFFFE80, s12;
	_ =	swait.ge [sflag:s8], $0x3E80  }
0x1e6: {  	s5 =	simm.s32 $0x100;
	s29 =	sand.u32 @!p3 $0x7C00, s11;
	[sflag:s8] =	ssyncset.done $0x0  }
0x1e7: {  	s11 =	sand.u32 @!p3 $0x200, s11;
	s26 =	sadd.s32 @!p3 s28, s29;
	[sflag:s8] =	ssyncadd.s32 $0xFFFFC180  }
0x1e8: {  	[tilespmem:s6], [sflag:$0x5] =	stream.indirect.gather [hbm4b:s1+s13], $0x80, s5, s13, $0xb8;
	[tilespmem:$0x1C078] =	vst v63  }
0x1e9: {  	s26 =	sor.u32 @!p3 s11, s26;
	_ =	swait.ge [sflag:s9], $0x7D  }
0x1ea: {  	s26 =	sshrl.u32 @!p3 s26, $0x3;
	[sflag:s9] =	ssyncset.done $0x0  }
0x1eb: {  	s19 =	sadd.s32 @!p3 s2, s26;
	s26 =	simm.s32 @!p3 $0x0;
	[sflag:s9] =	ssyncadd.s32 $0xFFFFFF83  }
0x1ec: {  	[tilespmem:s26], [sflag:$0x1] =	stream.linear.gather @!p3 [hbm4b:s19+s26], $0x80, $0x38;
	[tilespmem:$0x1C078] =	vst v63  }
0x1ed: {  	s19 =	sadd.s32 @!p3 s31, s29  }
0x1ee: {  	s11 =	sor.u32 @!p3 s11, s19  }
0x1ef: {  	s11 =	sshrl.u32 @!p3 s11, $0x3  }
0x1f0: {  	s19 =	simm.s32 @!p3 $0x200;
	s11 =	sadd.s32 @!p3 s2, s11  }
0x1f1: {  	[tilespmem:s19], [sflag:$0x1] =	stream.linear.gather @!p3 [hbm4b:s11+s26], $0x80, $0x38;
	[tilespmem:$0x1C078] =	vst v63  }
0x1f2: {  	_ =	swait.ge [sflag:s20], $0x3E80  }
0x1f3: {  	[sflag:s20] =	ssyncset.done $0x0  }
0x1f4: {  	s29 =	simm.s32 $0x280;
	[sflag:s20] =	ssyncadd.s32 $0xFFFFC180  }
0x1f5: {  	[spmem:s3] =	stream.indirect.scatter.add.f32 [tilespmem:s15], [sflag:$0x8], $0x80, s29, s13, $0xb8;
	[tilespmem:$0x1C078] =	vst v63  }
0x1f6: {  	_ = 	snop  }
0x1f7: {  	[spmem:s4] =	stream.indirect.scatter.add.f32 [tilespmem:s17], [sflag:$0xA], $0x1, s29, s13, $0xb8;
	[tilespmem:$0x1C078] =	vst v63  }
0x1f8: {  	_ =	swait.ge [sflag:s21], $0x80  }
0x1f9: {  	[sflag:s21] =	ssyncset.done $0x0  }
0x1fa: {  	[sflag:s21] =	ssyncadd.s32 $0xFFFFFF80  }
0x1fb: {  	_ =	swait.ge [sflag:s21], $0x80  }
0x1fc: {  	[sflag:s21] =	ssyncset.done $0x0  }
0x1fd: {  	[sflag:s21] =	ssyncadd.s32 $0xFFFFFF80  }
0x1fe: {  	_ =	swait.ge [sflag:s22], $0x3E80  }
0x1ff: {  	[sflag:s22] =	ssyncset.done $0x0  }
0x200: {  	[sflag:s22] =	ssyncadd.s32 $0xFFFFC180  }
0x201: {  	[tilespmem:s15], [sflag:$0x6] =	stream.indirect.gather [hbm4b:s1+s13], $0x80, s30, s13, $0xb8;
	[tilespmem:$0x1C078] =	vst v63  }
0x202: {  	_ =	swait.ge [sflag:s23], $0x7D  }
0x203: {  	[sflag:s23] =	ssyncset.done $0x0  }
0x204: {  	s11 =	simm.s32 @p3 $0x5;
	[sflag:s23] =	ssyncadd.s32 $0xFFFFFF83  }
0x205: {  	_ =	swait.ge @p3 [sflag:s11], $0x3E80  }
0x206: {  	s19 =	simm.s32 @p3 $0x300;
	[sflag:s11] =	ssyncset.done @p3 $0x0  }
0x207: {  	s29 =	simm.s32 @p3 $0x400;
	[sflag:s11] =	ssyncadd.s32 @p3 $0xFFFFC180;
	s11 =	simm.s32 @p3 $0x7D  }
0x208: {  	[spmem:s3] =	stream.indirect.scatter.add.f32 @p3 [tilespmem:s29], [sflag:$0x7], $0x80, s19, s11, $0xb8;
	[tilespmem:$0x1C078] =	vst v63  }
0x209: {  	s29 =	simm.s32 @p3 $0x8400  }
0x20a: {  	[spmem:s4] =	stream.indirect.scatter.add.f32 @p3 [tilespmem:s29], [sflag:$0x9], $0x1, s19, s11, $0xb8;
	[tilespmem:$0x1C078] =	vst v63  }
0x20b: {  	s11 =	simm.s32 @p3 $0x7  }
0x20c: {  	_ =	swait.ge @p3 [sflag:s11], $0x3E80  }
0x20d: {  	s19 =	sadd.s32 @!p3 $0xFFFFFF00, s12;
	[sflag:s11] =	ssyncset.done @p3 $0x0  }
0x20e: {  	s29 =	simm.s32 @p3 $0x9;
	[sflag:s11] =	ssyncadd.s32 @p3 $0xFFFFC180;
	s11 =	sand.u32 @!p3 $0x7C00, s19  }
0x20f: {  	s19 =	sand.u32 @!p3 $0x280, s19;
	s25 =	sadd.s32 @!p3 s28, s11;
	_ =	swait.ge @p3 [sflag:s29], $0x7D  }
0x210: {  	s11 =	sadd.s32 @!p3 s31, s11;
	s25 =	sor.u32 @!p3 s19, s25;
	[sflag:s29] =	ssyncset.done @p3 $0x0  }
0x211: {  	s11 =	sor.u32 @!p3 s19, s11;
	s25 =	sshrl.u32 @!p3 s25, $0x3;
	[sflag:s29] =	ssyncadd.s32 @p3 $0xFFFFFF83  }
0x212: {  	s29 =	simm.s32 @!p3 $0x80;
	s11 =	sshrl.u32 @!p3 s11, $0x3;
	s25 =	sadd.s32 @!p3 s2, s25  }
0x213: {  	[tilespmem:s29], [sflag:$0x2] =	stream.linear.gather @!p3 [hbm4b:s25+s26], $0x80, $0x38;
	[tilespmem:$0x1C078] =	vst v63  }
0x214: {  	s19 =	simm.s32 @!p3 $0x280;
	s11 =	sadd.s32 @!p3 s2, s11  }
0x215: {  	[tilespmem:s19], [sflag:$0x2] =	stream.linear.gather @!p3 [hbm4b:s11+s26], $0x80, $0x38;
	[tilespmem:$0x1C078] =	vst v63  }
0x216: {  	s11 =	simm.s32 @!p3 $0x5  }
0x217: {  	_ =	swait.ge @!p3 [sflag:s11], $0x3E80  }
0x218: {  	s25 =	simm.s32 @!p3 $0x400;
	[sflag:s11] =	ssyncset.done @!p3 $0x0  }
0x219: {  	s19 =	simm.s32 @!p3 $0x300;
	[sflag:s11] =	ssyncadd.s32 @!p3 $0xFFFFC180;
	s11 =	simm.s32 @!p3 $0x7D  }
0x21a: {  	[spmem:s3] =	stream.indirect.scatter.add.f32 @!p3 [tilespmem:s25], [sflag:$0x7], $0x80, s19, s11, $0xb8;
	[tilespmem:$0x1C078] =	vst v63  }
0x21b: {  	s29 =	simm.s32 @!p3 $0x8400  }
0x21c: {  	[spmem:s4] =	stream.indirect.scatter.add.f32 @!p3 [tilespmem:s29], [sflag:$0x9], $0x1, s19, s11, $0xb8;
	[tilespmem:$0x1C078] =	vst v63  }
0x21d: {  	s29 =	simm.s32 @!p3 $0x1  }
0x21e: {  	_ =	swait.ge @!p3 [sflag:s29], $0x80  }
0x21f: {  	[sflag:s29] =	ssyncset.done @!p3 $0x0  }
0x220: {  	[sflag:s29] =	ssyncadd.s32 @!p3 $0xFFFFFF80  }
0x221: {  	_ =	swait.ge @!p3 [sflag:s29], $0x80  }
0x222: {  	[sflag:s29] =	ssyncset.done @!p3 $0x0  }
0x223: {  	[sflag:s29] =	ssyncadd.s32 @!p3 $0xFFFFFF80;
	s29 =	simm.s32 @!p3 $0x7  }
0x224: {  	_ =	swait.ge @!p3 [sflag:s29], $0x3E80  }
0x225: {  	[sflag:s29] =	ssyncset.done @!p3 $0x0  }
0x226: {  	[sflag:s29] =	ssyncadd.s32 @!p3 $0xFFFFC180  }
0x227: {  	[tilespmem:s25], [sflag:$0x5] =	stream.indirect.gather @!p3 [hbm4b:s1+s11], $0x80, s26, s11, $0xb8;
	[tilespmem:$0x1C078] =	vst v63  }
0x228: {  	s11 =	sadd.s32 @!p3 $0xFFFFFF80, s12  }
0x229: {  	s29 =	simm.s32 @!p3 $0x9;
	s25 =	sand.u32 @!p3 $0x7C00, s11  }
0x22a: {  	s11 =	sand.u32 @!p3 $0x300, s11;
	_ =	swait.ge @!p3 [sflag:s29], $0x7D;
	s30 =	sadd.s32 @!p3 s28, s25  }
0x22b: {  	[sflag:s29] =	ssyncset.done @!p3 $0x0;
	s25 =	sadd.s32 @!p3 s31, s25;
	s30 =	sor.u32 @!p3 s11, s30  }
0x22c: {  	[sflag:s29] =	ssyncadd.s32 @!p3 $0xFFFFFF83;
	s11 =	sor.u32 @!p3 s11, s25;
	s30 =	sshrl.u32 @!p3 s30, $0x3  }
0x22d: {  	s11 =	sshrl.u32 @!p3 s11, $0x3;
	s29 =	sadd.s32 @!p3 s2, s30;
	s30 =	simm.s32 @!p3 $0x100  }
0x22e: {  	[tilespmem:s30], [sflag:$0x3] =	stream.linear.gather @!p3 [hbm4b:s29+s26], $0x80, $0x38;
	[tilespmem:$0x1C078] =	vst v63  }
0x22f: {  	s11 =	sadd.s32 @!p3 s2, s11  }
0x230: {  	[tilespmem:s19], [sflag:$0x3] =	stream.linear.gather @!p3 [hbm4b:s11+s26], $0x80, $0x38;
	[tilespmem:$0x1C078] =	vst v63  }
0x231: {  	_ =	swait.ge [sflag:s20], $0x3E80  }
.Ltmp7:
0x232: {  	[sflag:s20] =	ssyncset.done $0x0;
	(pc) =	sbr.rel @p3 .LBB2_7-.Ltmp7, $4  }
0x233: {  	[sflag:s20] =	ssyncadd.s32 $0xFFFFC180  }
0x234: {  	[spmem:s3] =	stream.indirect.scatter.add.f32 [tilespmem:s15], [sflag:$0x8], $0x80, s24, s13, $0xb8;
	[tilespmem:$0x1C078] =	vst v63  }
0x235: {  	s0 =	simm.s32 $0x200;
	s10 =	simm.s32 $0x180;
	s5 =	simm.s32 $0x280  }
0x236: {  	[spmem:s4] =	stream.indirect.scatter.add.f32 [tilespmem:s17], [sflag:$0xA], $0x1, s24, s13, $0xb8;
	[tilespmem:$0x1C078] =	vst v63  }
0x237: {  	_ =	swait.ge [sflag:s14], $0x80  }
0x238: {  	[sflag:s14] =	ssyncset.done $0x0  }
0x239: {  	[sflag:s14] =	ssyncadd.s32 $0xFFFFFF80  }
0x23a: {  	_ =	swait.ge [sflag:s14], $0x80  }
0x23b: {  	[sflag:s14] =	ssyncset.done $0x0  }
0x23c: {  	[sflag:s14] =	ssyncadd.s32 $0xFFFFFF80  }
0x23d: {  	s0 =	simm.s32 $0x80;
	s11 =	sand.u32 $0x7C00, s12;
	_ =	swait.ge [sflag:s22], $0x3E80  }
0x23e: {  	s25 =	sand.u32 $0x380, s12;
	s29 =	simm.s32 $0x0;
	[sflag:s22] =	ssyncset.done $0x0  }
0x23f: {  	s19 =	sadd.s32 s28, s11;
	s11 =	sadd.s32 s31, s11;
	[sflag:s22] =	ssyncadd.s32 $0xFFFFC180  }
0x240: {  	[tilespmem:s15], [sflag:$0x6] =	stream.indirect.gather [hbm4b:s1+s13], $0x80, s0, s13, $0xb8;
	[tilespmem:$0x1C078] =	vst v63  }
0x241: {  	s19 =	sor.u32 s25, s19;
	s11 =	sor.u32 s25, s11;
	_ =	swait.ge [sflag:s23], $0x7D  }
.Ltmp8:
0x242: {  	s19 =	sshrl.u32 s19, $0x3;
	[sflag:s23] =	ssyncset.done $0x0;
	(pc) =	sbr.rel .LBB2_5-.Ltmp8, $4  }
0x243: {  	s11 =	sshrl.u32 s11, $0x3;
	s19 =	sadd.s32 s2, s19;
	[sflag:s23] =	ssyncadd.s32 $0xFFFFFF83  }
0x244: {  	[tilespmem:s10], [sflag:$0x4] =	stream.linear.gather [hbm4b:s19+s29], $0x80, $0x38;
	[tilespmem:$0x1C078] =	vst v63  }
0x245: {  	s12 =	sadd.s32 $0x200, s12;
	s30 =	simm.s32 $0x180;
	s11 =	sadd.s32 s2, s11  }
0x246: {  	[tilespmem:s24], [sflag:$0x4] =	stream.linear.gather [hbm4b:s11+s29], $0x80, $0x38;
	[tilespmem:$0x1C078] =	vst v63  }
.LBB2_13:
0x247: {  	_ =	swait.ge [sflag:s22], $0x3E80  }
0x248: {  	[sflag:s22] =	ssyncset.done $0x0  }
0x249: {  	[sflag:s22] =	ssyncadd.s32 $0xFFFFC180  }
0x24a: {  	_ =	swait.ge [sflag:s23], $0x7D  }
0x24b: {  	[sflag:s23] =	ssyncset.done $0x0  }
0x24c: {  	[sflag:s23] =	ssyncadd.s32 $0xFFFFFF83  }
0x24d: {  	[bflag:$0x0] =	sbarrier.arrive $0xFFFF  }
0x24e: {  	s19 =	simm.s32 $0xB;
	s11 =	rddreg [dreg:$0xa]  }
0x24f: {  	[tilespmem:s6], [sflag:$0xB] =	stream.linear.gather [spmem:s11], $0x2800, $0x38;
	[tilespmem:$0x1C078] =	vst v63  }
0x250: {  	_ =	swait.ge [sflag:s19], $0x2800  }
0x251: {  	s25 =	sld [smem:$0x7DA]  }
0x252: {  	[sflag:s19] =	ssyncset.done $0x0  }
0x253: {  	s10 =	simm.s32 $0x0;
	[sflag:s19] =	ssyncadd.s32 $0xFFFFD800  }
0x254: {  	[hbm4b:s25+s10] =	stream.linear.scatter [tilespmem:s6], [sflag:$0x5], $0x2800, $0x38;
	[tilespmem:$0x1C078] =	vst v63  }
0x255: {  	s26 =	rddreg [dreg:$0x12];
	s25 =	simm.s32 $0x8480  }
0x256: {  	[tilespmem:s25], [sflag:$0xB] =	stream.linear.gather [spmem:s26], $0x50, $0x38;
	[tilespmem:$0x1C078] =	vst v63  }
0x257: {  	_ =	swait.ge [sflag:s19], $0x50  }
0x258: {  	s12 =	sld [smem:$0x7DC]  }
0x259: {  	[sflag:s19] =	ssyncset.done $0x0  }
0x25a: {  	[sflag:s19] =	ssyncadd.s32 $0xFFFFFFB0  }
0x25b: {  	[hbm4b:s12+s10] =	stream.linear.scatter [tilespmem:s25], [sflag:$0x1], $0x50, $0x38;
	[tilespmem:$0x1C078] =	vst v63  }
0x25c: {  	s26 =	rddreg [dreg:$0xb]  }
0x25d: {  	[tilespmem:s15], [sflag:$0xB] =	stream.linear.gather [spmem:s26], $0x2800, $0x38;
	[tilespmem:$0x1C078] =	vst v63  }
0x25e: {  	_ =	swait.ge [sflag:s19], $0x2800  }
0x25f: {  	s12 =	sld [smem:$0x7DE]  }
0x260: {  	[sflag:s19] =	ssyncset.done $0x0  }
0x261: {  	[sflag:s19] =	ssyncadd.s32 $0xFFFFD800  }
0x262: {  	[hbm4b:s12+s10] =	stream.linear.scatter [tilespmem:s15], [sflag:$0x6], $0x2800, $0x38;
	[tilespmem:$0x1C078] =	vst v63  }
0x263: {  	s29 =	simm.s32 $0x8500;
	s26 =	rddreg [dreg:$0x13]  }
0x264: {  	[tilespmem:s29], [sflag:$0xB] =	stream.linear.gather [spmem:s26], $0x50, $0x38;
	[tilespmem:$0x1C078] =	vst v63  }
0x265: {  	_ =	swait.ge [sflag:s19], $0x50  }
0x266: {  	s12 =	sld [smem:$0x7E0]  }
0x267: {  	[sflag:s19] =	ssyncset.done $0x0  }
0x268: {  	[sflag:s19] =	ssyncadd.s32 $0xFFFFFFB0  }
0x269: {  	[hbm4b:s12+s10] =	stream.linear.scatter [tilespmem:s29], [sflag:$0x2], $0x50, $0x38;
	[tilespmem:$0x1C078] =	vst v63  }
0x26a: {  	s12 =	simm.s32 $0x5  }
0x26b: {  	_ =	swait.ge [sflag:s12], $0x2800  }
0x26c: {  	[sflag:s12] =	ssyncset.done $0x0  }
0x26d: {  	s26 =	simm.s32 $0x1;
	[sflag:s12] =	ssyncadd.s32 $0xFFFFD800  }
0x26e: {  	_ =	swait.ge [sflag:s26], $0x50  }
0x26f: {  	[sflag:s26] =	ssyncset.done $0x0  }
0x270: {  	s11 =	rddreg [dreg:$0xc];
	[sflag:s26] =	ssyncadd.s32 $0xFFFFFFB0  }
0x271: {  	[tilespmem:s6], [sflag:$0xB] =	stream.linear.gather [spmem:s11], $0x2800, $0x38;
	[tilespmem:$0x1C078] =	vst v63  }
0x272: {  	_ =	swait.ge [sflag:s19], $0x2800  }
0x273: {  	s11 =	sld [smem:$0x7E2]  }
0x274: {  	[sflag:s19] =	ssyncset.done $0x0  }
0x275: {  	[sflag:s19] =	ssyncadd.s32 $0xFFFFD800  }
0x276: {  	[hbm4b:s11+s10] =	stream.linear.scatter [tilespmem:s6], [sflag:$0x5], $0x2800, $0x38;
	[tilespmem:$0x1C078] =	vst v63  }
0x277: {  	s11 =	rddreg [dreg:$0x14]  }
0x278: {  	[tilespmem:s25], [sflag:$0xB] =	stream.linear.gather [spmem:s11], $0x50, $0x38;
	[tilespmem:$0x1C078] =	vst v63  }
0x279: {  	_ =	swait.ge [sflag:s19], $0x50  }
0x27a: {  	s11 =	sld [smem:$0x7E4]  }
0x27b: {  	[sflag:s19] =	ssyncset.done $0x0  }
0x27c: {  	[sflag:s19] =	ssyncadd.s32 $0xFFFFFFB0  }
0x27d: {  	[hbm4b:s11+s10] =	stream.linear.scatter [tilespmem:s25], [sflag:$0x1], $0x50, $0x38;
	[tilespmem:$0x1C078] =	vst v63  }
0x27e: {  	_ =	swait.ge [sflag:s20], $0x2800  }
0x27f: {  	[sflag:s20] =	ssyncset.done $0x0  }
0x280: {  	[sflag:s20] =	ssyncadd.s32 $0xFFFFD800  }
0x281: {  	_ =	swait.ge [sflag:s14], $0x50  }
0x282: {  	[sflag:s14] =	ssyncset.done $0x0  }
0x283: {  	s11 =	rddreg [dreg:$0xd];
	[sflag:s14] =	ssyncadd.s32 $0xFFFFFFB0  }
0x284: {  	[tilespmem:s15], [sflag:$0xB] =	stream.linear.gather [spmem:s11], $0x2800, $0x38;
	[tilespmem:$0x1C078] =	vst v63  }
0x285: {  	_ =	swait.ge [sflag:s19], $0x2800  }
0x286: {  	s11 =	sld [smem:$0x7E6]  }
0x287: {  	[sflag:s19] =	ssyncset.done $0x0  }
0x288: {  	[sflag:s19] =	ssyncadd.s32 $0xFFFFD800  }
0x289: {  	[hbm4b:s11+s10] =	stream.linear.scatter [tilespmem:s15], [sflag:$0x6], $0x2800, $0x38;
	[tilespmem:$0x1C078] =	vst v63  }
0x28a: {  	s11 =	rddreg [dreg:$0x15]  }
0x28b: {  	[tilespmem:s29], [sflag:$0xB] =	stream.linear.gather [spmem:s11], $0x50, $0x38;
	[tilespmem:$0x1C078] =	vst v63  }
0x28c: {  	_ =	swait.ge [sflag:s19], $0x50  }
0x28d: {  	s11 =	sld [smem:$0x7E8]  }
0x28e: {  	[sflag:s19] =	ssyncset.done $0x0  }
0x28f: {  	[sflag:s19] =	ssyncadd.s32 $0xFFFFFFB0  }
0x290: {  	[hbm4b:s11+s10] =	stream.linear.scatter [tilespmem:s29], [sflag:$0x2], $0x50, $0x38;
	[tilespmem:$0x1C078] =	vst v63  }
0x291: {  	_ =	swait.ge [sflag:s12], $0x2800  }
0x292: {  	[sflag:s12] =	ssyncset.done $0x0  }
0x293: {  	[sflag:s12] =	ssyncadd.s32 $0xFFFFD800  }
0x294: {  	_ =	swait.ge [sflag:s26], $0x50  }
0x295: {  	[sflag:s26] =	ssyncset.done $0x0  }
0x296: {  	s11 =	rddreg [dreg:$0xe];
	[sflag:s26] =	ssyncadd.s32 $0xFFFFFFB0  }
0x297: {  	[tilespmem:s6], [sflag:$0xB] =	stream.linear.gather [spmem:s11], $0x2800, $0x38;
	[tilespmem:$0x1C078] =	vst v63  }
0x298: {  	_ =	swait.ge [sflag:s19], $0x2800  }
0x299: {  	s11 =	sld [smem:$0x7EA]  }
0x29a: {  	[sflag:s19] =	ssyncset.done $0x0  }
0x29b: {  	[sflag:s19] =	ssyncadd.s32 $0xFFFFD800  }
0x29c: {  	[hbm4b:s11+s10] =	stream.linear.scatter [tilespmem:s6], [sflag:$0x5], $0x2800, $0x38;
	[tilespmem:$0x1C078] =	vst v63  }
0x29d: {  	s11 =	rddreg [dreg:$0x16]  }
0x29e: {  	[tilespmem:s25], [sflag:$0xB] =	stream.linear.gather [spmem:s11], $0x50, $0x38;
	[tilespmem:$0x1C078] =	vst v63  }
0x29f: {  	_ =	swait.ge [sflag:s19], $0x50  }
0x2a0: {  	s11 =	sld [smem:$0x7ED]  }
0x2a1: {  	[sflag:s19] =	ssyncset.done $0x0  }
0x2a2: {  	[sflag:s19] =	ssyncadd.s32 $0xFFFFFFB0  }
0x2a3: {  	[hbm4b:s11+s10] =	stream.linear.scatter [tilespmem:s25], [sflag:$0x1], $0x50, $0x38;
	[tilespmem:$0x1C078] =	vst v63  }
0x2a4: {  	_ =	swait.ge [sflag:s20], $0x2800  }
0x2a5: {  	[sflag:s20] =	ssyncset.done $0x0  }
0x2a6: {  	[sflag:s20] =	ssyncadd.s32 $0xFFFFD800  }
0x2a7: {  	_ =	swait.ge [sflag:s14], $0x50  }
0x2a8: {  	[sflag:s14] =	ssyncset.done $0x0  }
0x2a9: {  	s11 =	rddreg [dreg:$0xf];
	[sflag:s14] =	ssyncadd.s32 $0xFFFFFFB0  }
0x2aa: {  	[tilespmem:s15], [sflag:$0xB] =	stream.linear.gather [spmem:s11], $0x2800, $0x38;
	[tilespmem:$0x1C078] =	vst v63  }
0x2ab: {  	_ =	swait.ge [sflag:s19], $0x2800  }
0x2ac: {  	s11 =	sld [smem:$0x7EF]  }
0x2ad: {  	[sflag:s19] =	ssyncset.done $0x0  }
0x2ae: {  	[sflag:s19] =	ssyncadd.s32 $0xFFFFD800  }
0x2af: {  	[hbm4b:s11+s10] =	stream.linear.scatter [tilespmem:s15], [sflag:$0x6], $0x2800, $0x38;
	[tilespmem:$0x1C078] =	vst v63  }
0x2b0: {  	s11 =	rddreg [dreg:$0x17]  }
0x2b1: {  	[tilespmem:s29], [sflag:$0xB] =	stream.linear.gather [spmem:s11], $0x50, $0x38;
	[tilespmem:$0x1C078] =	vst v63  }
0x2b2: {  	_ =	swait.ge [sflag:s19], $0x50  }
0x2b3: {  	s11 =	sld [smem:$0x7F1]  }
0x2b4: {  	[sflag:s19] =	ssyncset.done $0x0  }
0x2b5: {  	[sflag:s19] =	ssyncadd.s32 $0xFFFFFFB0  }
0x2b6: {  	[hbm4b:s11+s10] =	stream.linear.scatter [tilespmem:s29], [sflag:$0x2], $0x50, $0x38;
	[tilespmem:$0x1C078] =	vst v63  }
0x2b7: {  	_ =	swait.ge [sflag:s12], $0x2800  }
0x2b8: {  	[sflag:s12] =	ssyncset.done $0x0  }
0x2b9: {  	[sflag:s12] =	ssyncadd.s32 $0xFFFFD800  }
0x2ba: {  	_ =	swait.ge [sflag:s26], $0x50  }
0x2bb: {  	[sflag:s26] =	ssyncset.done $0x0  }
0x2bc: {  	s11 =	rddreg [dreg:$0x10];
	[sflag:s26] =	ssyncadd.s32 $0xFFFFFFB0  }
0x2bd: {  	[tilespmem:s6], [sflag:$0xB] =	stream.linear.gather [spmem:s11], $0x2800, $0x38;
	[tilespmem:$0x1C078] =	vst v63  }
0x2be: {  	_ =	swait.ge [sflag:s19], $0x2800  }
0x2bf: {  	s11 =	sld [smem:$0x7F3]  }
0x2c0: {  	[sflag:s19] =	ssyncset.done $0x0  }
0x2c1: {  	[sflag:s19] =	ssyncadd.s32 $0xFFFFD800  }
0x2c2: {  	[hbm4b:s11+s10] =	stream.linear.scatter [tilespmem:s6], [sflag:$0x5], $0x2800, $0x38;
	[tilespmem:$0x1C078] =	vst v63  }
0x2c3: {  	s11 =	rddreg [dreg:$0x18]  }
0x2c4: {  	[tilespmem:s25], [sflag:$0xB] =	stream.linear.gather [spmem:s11], $0x50, $0x38;
	[tilespmem:$0x1C078] =	vst v63  }
0x2c5: {  	_ =	swait.ge [sflag:s19], $0x50  }
0x2c6: {  	[sflag:s19] =	ssyncset.done $0x0  }
0x2c7: {  	[sflag:s19] =	ssyncadd.s32 $0xFFFFFFB0;
	s19 =	sld [smem:$0x7F5];
	_ =	sdelay $0x2  }
0x2c8: {  	[hbm4b:s19+s10] =	stream.linear.scatter [tilespmem:s25], [sflag:$0x1], $0x50, $0x38;
	[tilespmem:$0x1C078] =	vst v63  }
0x2c9: {  	_ =	swait.ge [sflag:s20], $0x2800  }
0x2ca: {  	[sflag:s20] =	ssyncset.done $0x0  }
.Ltmp9:
0x2cb: {  	[sflag:s20] =	ssyncadd.s32 $0xFFFFD800;
	(pc) =	sbr.rel @p1 .LBB2_15-.Ltmp9, $4  }
.Ltmp10:
0x2cc: {  	_ =	swait.ge [sflag:s14], $0x50;
	(pc) =	sbr.rel @!p1 .LBB2_14-.Ltmp10, $4  }
0x2cd: {  	s11 =	rddreg [dreg:$0x8]  }
0x2ce: {  	[sflag:s14] =	ssyncset.done $0x0;
	s29 =	rddreg [dreg:$0x9]  }
0x2cf: {  	s30 =	simm.s32 $0x180;
	s10 =	sld [smem:$0x7D2];
	[sflag:s14] =	ssyncadd.s32 $0xFFFFFFB0  }
0x2d0: {  	_ = 	snop  }
.LBB2_7:
0x2d1: {  	_ =	swait.ge [sflag:s22], $0x3E80  }
0x2d2: {  	[sflag:s22] =	ssyncset.done $0x0  }
0x2d3: {  	[sflag:s22] =	ssyncadd.s32 $0xFFFFC180  }
0x2d4: {  	_ =	swait.ge [sflag:s23], $0x7D  }
0x2d5: {  	[sflag:s23] =	ssyncset.done $0x0  }
0x2d6: {  	[sflag:s23] =	ssyncadd.s32 $0xFFFFFF83  }
0x2d7: {  	[bflag:$0x0] =	sbarrier.arrive $0xFFFF  }
0x2d8: {  	s19 =	simm.s32 $0xB;
	s11 =	rddreg [dreg:$0xa]  }
0x2d9: {  	[tilespmem:s6], [sflag:$0xB] =	stream.linear.gather [spmem:s11], $0x2800, $0x38;
	[tilespmem:$0x1C078] =	vst v63  }
0x2da: {  	_ =	swait.ge [sflag:s19], $0x2800  }
0x2db: {  	s25 =	sld [smem:$0x7D9]  }
0x2dc: {  	[sflag:s19] =	ssyncset.done $0x0  }
0x2dd: {  	s10 =	simm.s32 $0x0;
	[sflag:s19] =	ssyncadd.s32 $0xFFFFD800  }
0x2de: {  	[hbm4b:s25+s10] =	stream.linear.scatter [tilespmem:s6], [sflag:$0x5], $0x2800, $0x38;
	[tilespmem:$0x1C078] =	vst v63  }
0x2df: {  	s26 =	rddreg [dreg:$0x12];
	s25 =	simm.s32 $0x8480  }
0x2e0: {  	[tilespmem:s25], [sflag:$0xB] =	stream.linear.gather [spmem:s26], $0x50, $0x38;
	[tilespmem:$0x1C078] =	vst v63  }
0x2e1: {  	_ =	swait.ge [sflag:s19], $0x50  }
0x2e2: {  	s12 =	sld [smem:$0x7DB]  }
0x2e3: {  	[sflag:s19] =	ssyncset.done $0x0  }
0x2e4: {  	[sflag:s19] =	ssyncadd.s32 $0xFFFFFFB0  }
0x2e5: {  	[hbm4b:s12+s10] =	stream.linear.scatter [tilespmem:s25], [sflag:$0x1], $0x50, $0x38;
	[tilespmem:$0x1C078] =	vst v63  }
0x2e6: {  	s26 =	rddreg [dreg:$0xb]  }
0x2e7: {  	[tilespmem:s15], [sflag:$0xB] =	stream.linear.gather [spmem:s26], $0x2800, $0x38;
	[tilespmem:$0x1C078] =	vst v63  }
0x2e8: {  	_ =	swait.ge [sflag:s19], $0x2800  }
0x2e9: {  	s12 =	sld [smem:$0x7DD]  }
0x2ea: {  	[sflag:s19] =	ssyncset.done $0x0  }
0x2eb: {  	[sflag:s19] =	ssyncadd.s32 $0xFFFFD800  }
0x2ec: {  	[hbm4b:s12+s10] =	stream.linear.scatter [tilespmem:s15], [sflag:$0x6], $0x2800, $0x38;
	[tilespmem:$0x1C078] =	vst v63  }
0x2ed: {  	s29 =	simm.s32 $0x8500;
	s26 =	rddreg [dreg:$0x13]  }
0x2ee: {  	[tilespmem:s29], [sflag:$0xB] =	stream.linear.gather [spmem:s26], $0x50, $0x38;
	[tilespmem:$0x1C078] =	vst v63  }
0x2ef: {  	_ =	swait.ge [sflag:s19], $0x50  }
0x2f0: {  	s12 =	sld [smem:$0x7DF]  }
0x2f1: {  	[sflag:s19] =	ssyncset.done $0x0  }
0x2f2: {  	[sflag:s19] =	ssyncadd.s32 $0xFFFFFFB0  }
0x2f3: {  	[hbm4b:s12+s10] =	stream.linear.scatter [tilespmem:s29], [sflag:$0x2], $0x50, $0x38;
	[tilespmem:$0x1C078] =	vst v63  }
0x2f4: {  	s12 =	simm.s32 $0x5  }
0x2f5: {  	_ =	swait.ge [sflag:s12], $0x2800  }
0x2f6: {  	[sflag:s12] =	ssyncset.done $0x0  }
0x2f7: {  	s26 =	simm.s32 $0x1;
	[sflag:s12] =	ssyncadd.s32 $0xFFFFD800  }
0x2f8: {  	_ =	swait.ge [sflag:s26], $0x50  }
0x2f9: {  	[sflag:s26] =	ssyncset.done $0x0  }
0x2fa: {  	s11 =	rddreg [dreg:$0xc];
	[sflag:s26] =	ssyncadd.s32 $0xFFFFFFB0  }
0x2fb: {  	[tilespmem:s6], [sflag:$0xB] =	stream.linear.gather [spmem:s11], $0x2800, $0x38;
	[tilespmem:$0x1C078] =	vst v63  }
0x2fc: {  	_ =	swait.ge [sflag:s19], $0x2800  }
0x2fd: {  	s11 =	sld [smem:$0x7E1]  }
0x2fe: {  	[sflag:s19] =	ssyncset.done $0x0  }
0x2ff: {  	[sflag:s19] =	ssyncadd.s32 $0xFFFFD800  }
0x300: {  	[hbm4b:s11+s10] =	stream.linear.scatter [tilespmem:s6], [sflag:$0x5], $0x2800, $0x38;
	[tilespmem:$0x1C078] =	vst v63  }
0x301: {  	s11 =	rddreg [dreg:$0x14]  }
0x302: {  	[tilespmem:s25], [sflag:$0xB] =	stream.linear.gather [spmem:s11], $0x50, $0x38;
	[tilespmem:$0x1C078] =	vst v63  }
0x303: {  	_ =	swait.ge [sflag:s19], $0x50  }
0x304: {  	s11 =	sld [smem:$0x7E3]  }
0x305: {  	[sflag:s19] =	ssyncset.done $0x0  }
0x306: {  	[sflag:s19] =	ssyncadd.s32 $0xFFFFFFB0  }
0x307: {  	[hbm4b:s11+s10] =	stream.linear.scatter [tilespmem:s25], [sflag:$0x1], $0x50, $0x38;
	[tilespmem:$0x1C078] =	vst v63  }
0x308: {  	_ =	swait.ge [sflag:s20], $0x2800  }
0x309: {  	[sflag:s20] =	ssyncset.done $0x0  }
0x30a: {  	[sflag:s20] =	ssyncadd.s32 $0xFFFFD800  }
0x30b: {  	_ =	swait.ge [sflag:s14], $0x50  }
0x30c: {  	[sflag:s14] =	ssyncset.done $0x0  }
0x30d: {  	s11 =	rddreg [dreg:$0xd];
	[sflag:s14] =	ssyncadd.s32 $0xFFFFFFB0  }
0x30e: {  	[tilespmem:s15], [sflag:$0xB] =	stream.linear.gather [spmem:s11], $0x2800, $0x38;
	[tilespmem:$0x1C078] =	vst v63  }
0x30f: {  	_ =	swait.ge [sflag:s19], $0x2800  }
0x310: {  	s11 =	sld [smem:$0x7E5]  }
0x311: {  	[sflag:s19] =	ssyncset.done $0x0  }
0x312: {  	[sflag:s19] =	ssyncadd.s32 $0xFFFFD800  }
0x313: {  	[hbm4b:s11+s10] =	stream.linear.scatter [tilespmem:s15], [sflag:$0x6], $0x2800, $0x38;
	[tilespmem:$0x1C078] =	vst v63  }
0x314: {  	s11 =	rddreg [dreg:$0x15]  }
0x315: {  	[tilespmem:s29], [sflag:$0xB] =	stream.linear.gather [spmem:s11], $0x50, $0x38;
	[tilespmem:$0x1C078] =	vst v63  }
0x316: {  	_ =	swait.ge [sflag:s19], $0x50  }
0x317: {  	s11 =	sld [smem:$0x7E7]  }
0x318: {  	[sflag:s19] =	ssyncset.done $0x0  }
0x319: {  	[sflag:s19] =	ssyncadd.s32 $0xFFFFFFB0  }
0x31a: {  	[hbm4b:s11+s10] =	stream.linear.scatter [tilespmem:s29], [sflag:$0x2], $0x50, $0x38;
	[tilespmem:$0x1C078] =	vst v63  }
0x31b: {  	_ =	swait.ge [sflag:s12], $0x2800  }
0x31c: {  	[sflag:s12] =	ssyncset.done $0x0  }
0x31d: {  	[sflag:s12] =	ssyncadd.s32 $0xFFFFD800  }
0x31e: {  	_ =	swait.ge [sflag:s26], $0x50  }
0x31f: {  	[sflag:s26] =	ssyncset.done $0x0  }
0x320: {  	s11 =	rddreg [dreg:$0xe];
	[sflag:s26] =	ssyncadd.s32 $0xFFFFFFB0  }
0x321: {  	[tilespmem:s6], [sflag:$0xB] =	stream.linear.gather [spmem:s11], $0x2800, $0x38;
	[tilespmem:$0x1C078] =	vst v63  }
0x322: {  	_ =	swait.ge [sflag:s19], $0x2800  }
0x323: {  	s11 =	sld [smem:$0x7E9]  }
0x324: {  	[sflag:s19] =	ssyncset.done $0x0  }
0x325: {  	[sflag:s19] =	ssyncadd.s32 $0xFFFFD800  }
0x326: {  	[hbm4b:s11+s10] =	stream.linear.scatter [tilespmem:s6], [sflag:$0x5], $0x2800, $0x38;
	[tilespmem:$0x1C078] =	vst v63  }
0x327: {  	s11 =	rddreg [dreg:$0x16]  }
0x328: {  	[tilespmem:s25], [sflag:$0xB] =	stream.linear.gather [spmem:s11], $0x50, $0x38;
	[tilespmem:$0x1C078] =	vst v63  }
0x329: {  	_ =	swait.ge [sflag:s19], $0x50  }
0x32a: {  	s11 =	sld [smem:$0x7EC]  }
0x32b: {  	[sflag:s19] =	ssyncset.done $0x0  }
0x32c: {  	[sflag:s19] =	ssyncadd.s32 $0xFFFFFFB0  }
0x32d: {  	[hbm4b:s11+s10] =	stream.linear.scatter [tilespmem:s25], [sflag:$0x1], $0x50, $0x38;
	[tilespmem:$0x1C078] =	vst v63  }
0x32e: {  	_ =	swait.ge [sflag:s20], $0x2800  }
0x32f: {  	[sflag:s20] =	ssyncset.done $0x0  }
0x330: {  	[sflag:s20] =	ssyncadd.s32 $0xFFFFD800  }
0x331: {  	_ =	swait.ge [sflag:s14], $0x50  }
0x332: {  	[sflag:s14] =	ssyncset.done $0x0  }
0x333: {  	s11 =	rddreg [dreg:$0xf];
	[sflag:s14] =	ssyncadd.s32 $0xFFFFFFB0  }
0x334: {  	[tilespmem:s15], [sflag:$0xB] =	stream.linear.gather [spmem:s11], $0x2800, $0x38;
	[tilespmem:$0x1C078] =	vst v63  }
0x335: {  	_ =	swait.ge [sflag:s19], $0x2800  }
0x336: {  	s11 =	sld [smem:$0x7EE]  }
0x337: {  	[sflag:s19] =	ssyncset.done $0x0  }
0x338: {  	[sflag:s19] =	ssyncadd.s32 $0xFFFFD800  }
0x339: {  	[hbm4b:s11+s10] =	stream.linear.scatter [tilespmem:s15], [sflag:$0x6], $0x2800, $0x38;
	[tilespmem:$0x1C078] =	vst v63  }
0x33a: {  	s11 =	rddreg [dreg:$0x17]  }
0x33b: {  	[tilespmem:s29], [sflag:$0xB] =	stream.linear.gather [spmem:s11], $0x50, $0x38;
	[tilespmem:$0x1C078] =	vst v63  }
0x33c: {  	_ =	swait.ge [sflag:s19], $0x50  }
0x33d: {  	s11 =	sld [smem:$0x7F0]  }
0x33e: {  	[sflag:s19] =	ssyncset.done $0x0  }
0x33f: {  	[sflag:s19] =	ssyncadd.s32 $0xFFFFFFB0  }
0x340: {  	[hbm4b:s11+s10] =	stream.linear.scatter [tilespmem:s29], [sflag:$0x2], $0x50, $0x38;
	[tilespmem:$0x1C078] =	vst v63  }
0x341: {  	_ =	swait.ge [sflag:s12], $0x2800  }
0x342: {  	[sflag:s12] =	ssyncset.done $0x0  }
0x343: {  	[sflag:s12] =	ssyncadd.s32 $0xFFFFD800  }
0x344: {  	_ =	swait.ge [sflag:s26], $0x50  }
0x345: {  	[sflag:s26] =	ssyncset.done $0x0  }
0x346: {  	s11 =	rddreg [dreg:$0x10];
	[sflag:s26] =	ssyncadd.s32 $0xFFFFFFB0  }
0x347: {  	[tilespmem:s6], [sflag:$0xB] =	stream.linear.gather [spmem:s11], $0x2800, $0x38;
	[tilespmem:$0x1C078] =	vst v63  }
0x348: {  	_ =	swait.ge [sflag:s19], $0x2800  }
0x349: {  	s11 =	sld [smem:$0x7F2]  }
0x34a: {  	[sflag:s19] =	ssyncset.done $0x0  }
0x34b: {  	[sflag:s19] =	ssyncadd.s32 $0xFFFFD800  }
0x34c: {  	[hbm4b:s11+s10] =	stream.linear.scatter [tilespmem:s6], [sflag:$0x5], $0x2800, $0x38;
	[tilespmem:$0x1C078] =	vst v63  }
0x34d: {  	s11 =	rddreg [dreg:$0x18]  }
0x34e: {  	[tilespmem:s25], [sflag:$0xB] =	stream.linear.gather [spmem:s11], $0x50, $0x38;
	[tilespmem:$0x1C078] =	vst v63  }
0x34f: {  	_ =	swait.ge [sflag:s19], $0x50  }
0x350: {  	[sflag:s19] =	ssyncset.done $0x0  }
0x351: {  	[sflag:s19] =	ssyncadd.s32 $0xFFFFFFB0;
	s19 =	sld [smem:$0x7F4];
	_ =	sdelay $0x2  }
0x352: {  	[hbm4b:s19+s10] =	stream.linear.scatter [tilespmem:s25], [sflag:$0x1], $0x50, $0x38;
	[tilespmem:$0x1C078] =	vst v63  }
0x353: {  	_ =	swait.ge [sflag:s20], $0x2800  }
0x354: {  	[sflag:s20] =	ssyncset.done $0x0  }
.Ltmp11:
0x355: {  	[sflag:s20] =	ssyncadd.s32 $0xFFFFD800;
	(pc) =	sbr.rel @p2 .LBB2_14-.Ltmp11, $4  }
.Ltmp12:
0x356: {  	_ =	swait.ge [sflag:s14], $0x50;
	(pc) =	sbr.rel @!p2 .LBB2_15-.Ltmp12, $4  }
0x357: {  	s11 =	rddreg [dreg:$0x6]  }
0x358: {  	[sflag:s14] =	ssyncset.done $0x0;
	s29 =	rddreg [dreg:$0x7]  }
0x359: {  	s30 =	simm.s32 $0x180;
	s10 =	sld [smem:$0x7D2];
	[sflag:s14] =	ssyncadd.s32 $0xFFFFFFB0  }
0x35a: {  	_ = 	snop  }
.LBB2_16:
0x35b: {  	_ =	sfence.sel $0x180000  }
0x35c: {  	[bflag:$0x0] =	sbarrier.arrive $0xFFFF  }
0x35d: {  	_ =	strace $0x90000047  }
0x35e: {  	s0 =	stileid.u32;
	[bflag:$0x2] =	sbarrier.arrive $0xFFFF  }
0x35f: {  	p0 =	sne.s32 s0, $0x0;
	s0 =	rddreg [dreg:$0x5]  }
0x360: {  	s0 =	sadd.s32 @!p0 $0x100000, s0  }
0x361: {  	[sflag:s0] =	ssyncadd.tile.s32 @!p0 $0x1;
	_ =	shalt  }
.Lfunc_end2:
_tile_overlayer_lowered:
.L_overlay_start_2:
0x362: {  	(tag) =	ssettag $0x2  }
0x363: {  	s0 =	rddreg [dreg:$0x0];
	s2 =	stileid.u32  }
0x364: {  	s1 =	rddreg [dreg:$0x1];
	p0 =	sne.s32 s2, $0x0  }
0x365: {  	s3 =	rddreg [dreg:$0x2];
	[bflag:$0x3] =	sbarrier.arrive $0xFFFF;
	s2 =	simm.s32 @!p0 $0x1C0B  }
0x366: {  	[timem:s3], [sflag:s2] =	dma.local @!p0 [hbm:s0], s1  }
0x367: {  	s0 =	simm.s32 @!p0 $0xB  }
0x368: {  	_ =	swait.ge @!p0 [sflag:s0], s1  }
0x369: {  	s1 =	ssub.s32 @!p0 $0x0, s1;
	[sflag:s0] =	ssyncset.done @!p0 $0x0  }
0x36a: {  	[sflag:s0] =	ssyncadd.s32 @!p0 s1  }
0x36b: {  	[bflag:$0x3] =	sbarrier.arrive $0xFFFF  }
0x36c: {  	_ =	shalt  }

</sc_bundles>
